<compile_context>
chip_gen: v7x
topology: tpu7x:2x2x1
jax: 0.10.2.dev20260603
libtpu: 0.0.44.dev20260713+nightly
codegen_flags: <defaults>
</compile_context>

<pallas_src>
import functools
import math

import jax
import jax.numpy as jnp
from jax import lax
from jax.experimental import pallas as pl
from jax.experimental.pallas import tpu as pltpu
from jax.experimental.pallas import tpu_sc as plsc

F32 = jnp.float32
INV_SQRT_3 = 1.0 / math.sqrt(3.0)
SILU_SCALE = 1.0 / 0.6

NC = 2
NS = 16
NW = NC * NS

@functools.cache
def _sc_mesh():
    return plsc.VectorSubcoreMesh(
        core_axis_name="c", subcore_axis_name="s",
        num_cores=NC, num_subcores=NS)


@functools.cache
def _sc_mesh1():
    return plsc.VectorSubcoreMesh(
        core_axis_name="c", subcore_axis_name="s",
        num_cores=1, num_subcores=NS)


def _ssilu(x):
    return jax.nn.silu(x) * SILU_SCALE


def _make_k1(e_pad, n_pad, blk, w):
    ew = e_pad // NS
    nblk = ew // blk
    rows_t = n_pad // NS

    def body(idx_hbm, ud4_hbm, z4_hbm, out_hbm, idxv, udv, sem, acc4):
        sub = lax.axis_index("s")
        r0 = sub * rows_t
        pltpu.sync_copy(z4_hbm.at[pl.ds(r0, rows_t)], acc4.at[pl.ds(r0, rows_t)])
        plsc.subcore_barrier()
        wbase = sub * ew

        @pl.loop(0, nblk)
        def _(b):
            base = pl.multiple_of(wbase + b * blk, 8)
            pltpu.sync_copy(idx_hbm.at[pl.ds(base, blk)], idxv)
            pltpu.async_copy(ud4_hbm.at[pl.ds(base, blk)], udv, sem).wait()
            pltpu.sync_copy(udv, acc4.at[idxv], add=True)

        plsc.subcore_barrier()
        pltpu.sync_copy(acc4.at[pl.ds(r0, rows_t)],
                        out_hbm.at[pl.ds(r0, rows_t)])

    return pl.kernel(
        body,
        out_type=jax.ShapeDtypeStruct((n_pad, w), F32),
        mesh=_sc_mesh1(),
        compiler_params=pltpu.CompilerParams(use_tc_tiling_on_sc=False),
        scratch_types=[
            pltpu.VMEM((blk,), jnp.int32),
            pltpu.VMEM((blk, w), F32),
            pltpu.SemaphoreType.DMA,
            pltpu.VMEM_SHARED((n_pad, w), F32),
        ],
    )


def _make_k3(e_pad, blk, w):
    nblk = e_pad // NW // blk
    ew = e_pad // NW

    def body(idx_hbm, rv4_hbm, out_hbm, idxv, rvv, sem):
        core = lax.axis_index("c")
        sub = lax.axis_index("s")
        wbase = core * (e_pad // NC) + sub * ew

        @pl.loop(0, nblk)
        def _(b):
            base = pl.multiple_of(wbase + b * blk, 8)
            pltpu.sync_copy(idx_hbm.at[pl.ds(base, blk)], idxv)
            pltpu.async_copy(rv4_hbm.at[idxv], rvv, sem).wait()
            pltpu.sync_copy(rvv, out_hbm.at[pl.ds(base, blk)])

    return pl.kernel(
        body,
        out_type=jax.ShapeDtypeStruct((e_pad, w), F32),
        mesh=_sc_mesh(),
        compiler_params=pltpu.CompilerParams(use_tc_tiling_on_sc=False),
        scratch_types=[
            pltpu.VMEM((blk,), jnp.int32),
            pltpu.VMEM((blk, w), F32),
            pltpu.SemaphoreType.DMA,
        ],
    )


def _make_k5(e_pad, n, n_pad, h, blk):
    hh = h // 2
    ew = e_pad // NS
    nblk = ew // blk
    rows_t = n_pad // NS
    hv = hh // 16

    def body(idx_hbm, t0, t1, t2, sp3, c3, cv0, cv1, cv2,
             z_hbm, outs_hbm, outv_hbm,
             ji0, ji1, is0, is1,
             gv0, gv1, cv0b, cv1b, av0, av1, dv0, dv1, ov0, ov1,
             sg0, sg1, ssc0, ssc1, acc):
        ji = (ji0, ji1)
        isc = (is0, is1)
        ssc = (ssc0, ssc1)
        gv, cvb = (gv0, gv1), (cv0b, cv1b)
        av, dvb, ov = (av0, av1), (dv0, dv1), (ov0, ov1)
        sems = ((sg0,) * 2, (sg1,) * 2)
        core = lax.axis_index("c")
        sub = lax.axis_index("s")
        r0 = sub * rows_t
        wbase = sub * ew
        last = n - (NS - 1) * rows_t
        joff = core * n
        eoff = core * e_pad

        chunks = ((sp3, c3), (t0, cv0), (t1, cv1), (t2, cv2))
        for q, (tab, coef) in enumerate(chunks):
            pltpu.sync_copy(z_hbm.at[pl.ds(r0, rows_t)],
                            acc.at[pl.ds(r0, rows_t)])
            plsc.subcore_barrier()

            def gsrcs(b, slot):
                cbase = pl.multiple_of(eoff + wbase + b * blk, 8)
                if q == 0:
                    return [(tab.at[ji[slot].at[0]], av[slot],
                             sems[slot][0]),
                            (coef.at[pl.ds(cbase, blk)], dvb[slot],
                             sems[slot][1])]
                return [(tab.at[ji[slot].at[0]], gv[slot], sems[slot][0]),
                        (coef.at[pl.ds(cbase, blk)], cvb[slot],
                         sems[slot][1])]

            def issue(b, slot):
                gb = sub * nblk + b
                pltpu.sync_copy(idx_hbm.at[pl.ds(2 * gb, 2)], ji[slot])

                @pl.loop(0, blk // 16)
                def _(k):
                    s = pl.ds(k * 16, 16)
                    ji[slot][0, s] = ji[slot][0, s] + joff

                for s_, d_, sm in gsrcs(b, slot):
                    pltpu.async_copy(s_, d_, sm)

            def process(b, slot):
                for s_, d_, sm in gsrcs(b, slot):
                    pltpu.make_async_copy(s_, d_, sm).wait()

                @pl.when(b >= 2)
                def _():
                    pltpu.make_async_copy(ov[slot], acc.at[isc[slot]],
                                          ssc[slot]).wait()

                o_ = ov[slot]
                if q == 0:
                    a_, d_ = av[slot], dvb[slot]

                    @pl.loop(0, blk)
                    def _(r):
                        for cc in range(hv):
                            s = pl.ds(cc * 16, 16)
                            o_[r, s] = a_[r, s] * d_[r, s]
                else:
                    g_, c_ = gv[slot], cvb[slot]

                    @pl.loop(0, blk)
                    def _(r):
                        for cc in range(hv):
                            s = pl.ds(cc * 16, 16)
                            s2 = pl.ds(hh + cc * 16, 16)
                            s3 = pl.ds(2 * hh + cc * 16, 16)
                            o_[r, s] = (g_[r, s] * c_[r, s] * g_[r, s3]
                                        + g_[r, s2] * c_[r, s2])

                @pl.loop(0, blk // 16)
                def _(k):
                    s = pl.ds(k * 16, 16)
                    isc[slot][s] = ji[slot][1, s]

                pltpu.async_copy(o_, acc.at[isc[slot]], ssc[slot],
                                 add=True)

            issue(0, 0)

            @pl.loop(0, nblk, step=2)
            def _(b):
                issue(b + 1, 1)
                process(b, 0)

                @pl.when(b + 2 < nblk)
                def _():
                    issue(b + 2, 0)

                process(b + 1, 1)

            pltpu.make_async_copy(ov[0], acc.at[isc[0]], ssc[0]).wait()
            pltpu.make_async_copy(ov[1], acc.at[isc[1]], ssc[1]).wait()
            plsc.subcore_barrier()

            def _flush(nrows):
                if q == 0:
                    pltpu.sync_copy(acc.at[pl.ds(r0, nrows)],
                                    outs_hbm.at[core, pl.ds(r0, nrows)])
                else:
                    pltpu.sync_copy(acc.at[pl.ds(r0, nrows)],
                                    outv_hbm.at[q - 1, core,
                                                pl.ds(r0, nrows)])

            @pl.when(sub < NS - 1)
            def _():
                _flush(rows_t)

            @pl.when(sub == NS - 1)
            def _():
                _flush(last)

            plsc.subcore_barrier()

    dma = pltpu.SemaphoreType.DMA
    return pl.kernel(
        body,
        out_type=[
            jax.ShapeDtypeStruct((2, n, hh), F32),
            jax.ShapeDtypeStruct((3, 2, n, hh), F32),
        ],
        mesh=_sc_mesh(),
        compiler_params=pltpu.CompilerParams(use_tc_tiling_on_sc=False),
        scratch_types=(
            [pltpu.VMEM((2, blk), jnp.int32)] * 2
            + [pltpu.VMEM((blk,), jnp.int32)] * 2
            + [pltpu.VMEM((blk, 3 * hh), F32)] * 2
            + [pltpu.VMEM((blk, 2 * hh), F32)] * 2
            + [pltpu.VMEM((blk, hh), F32)] * 6
            + [dma] * 4
            + [pltpu.VMEM_SHARED((n_pad, hh), F32)]
        ),
    )


def _k2a_body(ns_ref, w1_ref, b1_ref, w2_ref, b2_ref, out_ref):
    x = ns_ref[...]
    y = lax.dot_general(x, w1_ref[...], (((1,), (1,)), ((), ())),
                        preferred_element_type=F32)
    hmid = _ssilu(y + b1_ref[...])
    z = lax.dot_general(hmid, w2_ref[...], (((1,), (1,)), ((), ())),
                        preferred_element_type=F32)
    z = z + b2_ref[...]
    hh = out_ref.shape[3]
    for t in range(3):
        for half in range(2):
            lo = t * 2 * hh + half * hh
            out_ref[t, half] = z[:, lo:lo + hh]


def _k2b_body(p4_ref, out_ref):
    p = p4_ref[...]
    sums = p[:, 0:3]
    counts = p[:, 3:4]
    rv = sums / jnp.maximum(counts, 1.0)
    nrm = jnp.sqrt(jnp.sum(rv * rv, axis=-1, keepdims=True) + 1e-9)
    rv = rv / nrm
    col = lax.broadcasted_iota(jnp.int32, rv.shape, 1)
    default = jnp.where(col == 0, 1.0, 0.0).astype(rv.dtype)
    rv = jnp.where(nrm < 5e-5, default, rv)
    w = out_ref.shape[1]
    out_ref[...] = jnp.concatenate(
        [rv, jnp.zeros((rv.shape[0], w - 3), rv.dtype)], axis=1)


def _make_k4_body(e_tot, h, inv_sqrt_h):
    def body(rbf_ref, rvi_ref, ud_ref, we_ref, be_ref, wgt_ref, bg_ref,
             g_ref, bt_ref, cs_ref, cv_ref):
        eb = pl.program_id(0)
        be_blk = rbf_ref.shape[0]
        ud = ud_ref[...]
        t = jnp.sum(ud * rvi_ref[:, 0:3], axis=-1, keepdims=True)
        p2 = 1.5 * t * t - 0.5
        mu = (1.0 + t + p2) / 3.0
        d0 = 1.0 - mu
        d1 = t - mu
        d2 = p2 - mu
        var = (d0 * d0 + d1 * d1 + d2 * d2) / 3.0
        inv = lax.rsqrt(var + 1e-5)
        ln0 = d0 * inv * g_ref[0, 0] + bt_ref[0, 0]
        ln1 = d1 * inv * g_ref[0, 1] + bt_ref[0, 1]
        ln2 = d2 * inv * g_ref[0, 2] + bt_ref[0, 2]
        u = (t * wgt_ref[0:1, :] + ln0 * wgt_ref[1:2, :]
             + ln1 * wgt_ref[2:3, :] + ln2 * wgt_ref[3:4, :] + bg_ref[...])
        gate = jnp.tanh(_ssilu(u))
        rbf_h = lax.dot_general(rbf_ref[...], we_ref[...],
                                (((1,), (1,)), ((), ())),
                                preferred_element_type=F32)
        rbf_h = rbf_h + be_ref[...]
        c = rbf_h * (1.0 + gate) * INV_SQRT_3
        row = eb * be_blk + lax.broadcasted_iota(jnp.int32, (be_blk, 1), 0)
        c = jnp.where(row < e_tot, c, 0.0)
        hh = h // 2
        c3 = c[:, 2 * h:3 * h]
        c1 = c[:, 0:h] * inv_sqrt_h
        c2 = c[:, h:2 * h] * inv_sqrt_h
        for half in range(2):
            lo = half * hh
            cs_ref[half] = c3[:, lo:lo + hh]
            for d in range(3):
                cv_ref[d, half, :, 0:hh] = c1[:, lo:lo + hh]
                cv_ref[d, half, :, hh:2 * hh] = (c2[:, lo:lo + hh]
                                                 * ud[:, d:d + 1])
    return body


def kernel(node_scalar, node_vector, edge_index, edge_rbf, edge_udiff,
           W1, b1, W2, b2, We, be, gamma, beta, Wg, bg):
    n, h = node_scalar.shape
    e = edge_rbf.shape[0]
    blk = 128
    e_pad = ((e + NW * blk - 1) // (NW * blk)) * (NW * blk)
    n_pad = ((n + NS * 8 - 1) // (NS * 8)) * (NS * 8)

    w = 16
    jj = jnp.pad(edge_index[0], (0, e_pad - e)).astype(jnp.int32)
    ii = jnp.pad(edge_index[1], (0, e_pad - e)).astype(jnp.int32)
    ud4 = jnp.pad(
        jnp.concatenate([edge_udiff, jnp.ones((e, 1), F32)], axis=1),
        ((0, e_pad - e), (0, w - 4)))
    z4 = jnp.zeros((n_pad, w), F32)
    zh = jnp.zeros((n_pad, h // 2), F32)
    blk5 = 80

    part4 = _make_k1(e_pad, n_pad, blk, w)(ii, ud4, z4)

    rv4 = pl.pallas_call(
        _k2b_body,
        grid=(1,),
        in_specs=[pl.BlockSpec((n_pad, w), lambda b: (0, 0))],
        out_specs=pl.BlockSpec((n_pad, w), lambda b: (0, 0)),
        out_shape=jax.ShapeDtypeStruct((n_pad, w), F32),
    )(part4)

    bn = 1000
    sp = pl.pallas_call(
        _k2a_body,
        grid=(n // bn,),
        in_specs=[
            pl.BlockSpec((bn, h), lambda b: (b, 0)),
            pl.BlockSpec(W1.shape, lambda b: (0, 0)),
            pl.BlockSpec((1, b1.shape[0]), lambda b: (0, 0)),
            pl.BlockSpec(W2.shape, lambda b: (0, 0)),
            pl.BlockSpec((1, b2.shape[0]), lambda b: (0, 0)),
        ],
        out_specs=pl.BlockSpec((3, 2, bn, h // 2), lambda b: (0, 0, b, 0)),
        out_shape=jax.ShapeDtypeStruct((3, 2, n, h // 2), F32),
    )(node_scalar, W1, b1.reshape(1, -1), W2, b2.reshape(1, -1))
    sp = sp.reshape(3, 2 * n, h // 2)

    rvi = _make_k3(e_pad, blk, w)(ii, rv4)

    be_blk = 1024
    rbf_p = jnp.pad(edge_rbf, ((0, e_pad - e), (0, 0)))
    ud_p = jnp.pad(edge_udiff, ((0, e_pad - e), (0, 0)))
    r = edge_rbf.shape[1]
    cs = pl.pallas_call(
        _make_k4_body(e, h, 1.0 / math.sqrt(h)),
        grid=(e_pad // be_blk,),
        in_specs=[
            pl.BlockSpec((be_blk, r), lambda b: (b, 0)),
            pl.BlockSpec((be_blk, w), lambda b: (b, 0)),
            pl.BlockSpec((be_blk, 3), lambda b: (b, 0)),
            pl.BlockSpec(We.shape, lambda b: (0, 0)),
            pl.BlockSpec((1, be.shape[0]), lambda b: (0, 0)),
            pl.BlockSpec((4, Wg.shape[0]), lambda b: (0, 0)),
            pl.BlockSpec((1, bg.shape[0]), lambda b: (0, 0)),
            pl.BlockSpec((1, 3), lambda b: (0, 0)),
            pl.BlockSpec((1, 3), lambda b: (0, 0)),
        ],
        out_specs=[
            pl.BlockSpec((2, be_blk, h // 2), lambda b: (0, b, 0)),
            pl.BlockSpec((3, 2, be_blk, h), lambda b: (0, 0, b, 0)),
        ],
        out_shape=[
            jax.ShapeDtypeStruct((2, e_pad, h // 2), F32),
            jax.ShapeDtypeStruct((3, 2, e_pad, h), F32),
        ],
    )(rbf_p, rvi, ud_p, We, be.reshape(1, -1), Wg.T, bg.reshape(1, -1),
      gamma.reshape(1, -1), beta.reshape(1, -1))
    cs3 = cs[0].reshape(2 * e_pad, h // 2)
    cvt = cs[1].reshape(3, 2 * e_pad, h)

    nvc = jnp.transpose(node_vector, (1, 0, 2))
    nvt = jnp.concatenate([nvc[:, :, :h // 2], nvc[:, :, h // 2:]], axis=1)
    tcat = jnp.stack([
        jnp.concatenate([sp[0], sp[1], nvt[d]], axis=1) for d in range(3)])
    ji = jnp.stack([jj.reshape(e_pad // blk5, blk5),
                    ii.reshape(e_pad // blk5, blk5)],
                   axis=1).reshape(2 * e_pad // blk5, blk5)
    outs, outv = _make_k5(e_pad, n, n_pad, h, blk5)(
        ji, tcat[0], tcat[1], tcat[2], sp[2],
        cs3, cvt[0], cvt[1], cvt[2], zh)
    ds = jnp.concatenate([outs[0], outs[1]], axis=-1)
    dv = jnp.transpose(
        jnp.concatenate([outv[:, 0], outv[:, 1]], axis=-1), (1, 0, 2))
    return ds, dv

# --- scband reference (transcript-rebuilt; emitter-appended) ---
"""Pipeline reference for scband-message-passing-58007828300078 (READ-ONLY COPY).

The authoritative reference and input builder live on the scoring server;
editing this copy changes nothing except your own understanding.
"""

import math
import jax, jax.numpy as jnp
import numpy as np

H = 128
R = 16
N = 10000
E = 160000
INV_SQRT_3 = 1.0 / math.sqrt(3.0)
INV_SQRT_H = 1.0 / math.sqrt(H)
SILU_SCALE = 1.0 / 0.6


def _scaled_silu(x):
    return jax.nn.silu(x) * SILU_SCALE


def _sh(v):
    # e3nn SphericalHarmonics(lmax=2, normalize=True, normalization='component')
    v = v / jnp.linalg.norm(v, axis=-1, keepdims=True)
    x, y, z = v[:, 0], v[:, 1], v[:, 2]
    s3 = math.sqrt(3.0)
    s5 = math.sqrt(5.0)
    s15 = math.sqrt(15.0)
    sh = [jnp.ones_like(x),
          s3 * x, s3 * y, s3 * z,
          s15 * x * z,
          s15 * x * y,
          s5 * (y ** 2 - 0.5 * (x ** 2 + z ** 2)),
          s15 * y * z,
          (s15 / 2.0) * (z ** 2 - x ** 2)]
    return jnp.stack(sh, axis=-1)


def _pair_inv(sh1, sh2):
    # SH_BilinearInvariants: per-l mean of elementwise product; lmax=2 -> blocks [0:1],[1:4],[4:9]
    p = sh1 * sh2
    i0 = p[:, 0:1].mean(-1)
    i1 = p[:, 1:4].mean(-1)
    i2 = p[:, 4:9].mean(-1)
    return jnp.stack([i0, i1, i2], axis=-1)


def _layernorm(x, g, b, eps=1e-5):
    mu = x.mean(-1, keepdims=True)
    var = ((x - mu) ** 2).mean(-1, keepdims=True)
    return (x - mu) / jnp.sqrt(var + eps) * g + b


def setup_inputs(seed: int = 0) -> dict:
    key = jax.random.key(seed)
    ks = [jax.random.fold_in(key, t) for t in range(16)]
    node_scalar = jax.random.normal(ks[0], (N, H), jnp.float32)
    node_vector = jax.random.normal(ks[1], (N, 3, H), jnp.float32)
    edge_index = jax.random.randint(ks[2], (2, E), 0, N)
    edge_rbf = jax.random.uniform(ks[3], (E, R), jnp.float32)
    edge_udiff = jax.random.normal(ks[4], (E, 3), jnp.float32)
    edge_udiff = edge_udiff / jnp.linalg.norm(edge_udiff, axis=-1, keepdims=True)
    W1 = jax.random.normal(ks[5], (H // 2, H), jnp.float32) / math.sqrt(H)
    b1 = jnp.zeros((H // 2,), jnp.float32)
    W2 = jax.random.normal(ks[6], (3 * H, H // 2), jnp.float32) / math.sqrt(H // 2)
    b2 = jnp.zeros((3 * H,), jnp.float32)
    We = jax.random.normal(ks[7], (3 * H, R), jnp.float32) / math.sqrt(R)
    be = jnp.zeros((3 * H,), jnp.float32)
    gamma = jnp.ones((3,), jnp.float32)
    beta = jnp.zeros((3,), jnp.float32)
    Wg = jax.random.normal(ks[8], (3 * H, 4), jnp.float32) / math.sqrt(4.0)
    bg = jnp.zeros((3 * H,), jnp.float32)
    return {"node_scalar": node_scalar, "node_vector": node_vector, "edge_index": edge_index,
            "edge_rbf": edge_rbf, "edge_udiff": edge_udiff, "W1": W1, "b1": b1, "W2": W2,
            "b2": b2, "We": We, "be": be, "gamma": gamma, "beta": beta, "Wg": Wg, "bg": bg}


def reference(node_scalar, node_vector, edge_index, edge_rbf, edge_udiff,
              W1, b1, W2, b2, We, be, gamma, beta, Wg, bg):
    j = edge_index[0]
    i = edge_index[1]
    rbf_h = edge_rbf @ We.T + be
    # scatter mean of edge_udiff onto dst nodes
    sums = jnp.zeros((N, 3), edge_udiff.dtype).at[i].add(edge_udiff)
    counts = jnp.zeros((N,), edge_udiff.dtype).at[i].add(1.0)
    ref_vec_node = sums / jnp.maximum(counts, 1.0)[:, None]
    ref_vec_sq = jnp.sum(ref_vec_node ** 2, -1, keepdims=True)
    ref_vec_norm = jnp.sqrt(ref_vec_sq + 1e-9)
    ref_vec_node = ref_vec_node / ref_vec_norm
    zero_mask = ref_vec_norm[:, 0] < 5e-5
    default_vec = jnp.array([1.0, 0.0, 0.0], dtype=ref_vec_node.dtype)
    ref_vec_node = jnp.where(zero_mask[:, None], default_vec, ref_vec_node)
    edge_sh = _sh(edge_udiff)
    ref_sh_node = _sh(ref_vec_node)
    ref_sh = ref_sh_node[i]
    edge_ref_inv = _pair_inv(edge_sh, ref_sh)
    edge_ref_inv = _layernorm(edge_ref_inv, gamma, beta)
    ref_vec_e = ref_vec_node[i]
    cos_theta = jnp.sum(edge_udiff * ref_vec_e, -1, keepdims=True)
    geom_feat = jnp.concatenate([cos_theta, edge_ref_inv], axis=-1)
    gate = jnp.tanh(_scaled_silu(geom_feat @ Wg.T + bg))
    rbf_h = rbf_h * (1.0 + gate)
    scalar_proj = _scaled_silu(node_scalar @ W1.T + b1) @ W2.T + b2
    xj = scalar_proj[j] * rbf_h * INV_SQRT_3
    x_ji1, x_ji2, x_ji3 = xj[:, :H], xj[:, H:2 * H], xj[:, 2 * H:]
    vec_ji = (x_ji1[:, None, :] * node_vector[j] + x_ji2[:, None, :] * edge_udiff[:, :, None]) * INV_SQRT_H
    delta_vector = jnp.zeros((N, 3, H), vec_ji.dtype).at[i].add(vec_ji)
    delta_scalar = jnp.zeros((N, H), x_ji3.dtype).at[i].add(x_ji3)
    return (delta_scalar, delta_vector)

if __name__ == "__main__":
    import jax
    _d = setup_inputs()
    print(jax.jit(kernel)(*tuple(_d.values())))

</pallas_src>

<mosaic_0001>
#map = affine_map<(d0, d1) -> (0)>
#map1 = affine_map<(d0, d1) -> (0, 0)>
module attributes {stable_mosaic.version = 14 : i64} {
  func.func @body(%arg0: i32, %arg1: i32, %arg2: memref<163840xi32, #tpu.memory_space<hbm>>, %arg3: memref<163840x16xf32, #tpu.memory_space<hbm>>, %arg4: memref<10112x16xf32, #tpu.memory_space<hbm>>, %arg5: memref<10112x16xf32, #tpu.memory_space<hbm>>, %arg6: memref<128xi32, #tpu.memory_space<vmem>>, %arg7: memref<128x16xf32, #tpu.memory_space<vmem>>, %arg8: memref<!tpu.dma_semaphore, #tpu.memory_space<semaphore_mem>>, %arg9: memref<10112x16xf32, #tpu.memory_space<vmem_shared>>) attributes {dimension_semantics = [#tpu.dimension_semantics<core_parallel>, #tpu.dimension_semantics<subcore_parallel>], iteration_bounds = array<i64: 1, 16>, scalar_prefetch = 0 : i64, scratch_operands = 4 : i64, tpu.core_type = #tpu.core_type<sc_vector_subcore>, window_params = [{transform_indices = #map}, {transform_indices = #map1}, {transform_indices = #map1}, {transform_indices = #map1}]} {
    %mul3A = arith.constant 632 : i32
    %mul3A_0 = arith.muli %arg1, %mul3A : i32
    "tpu.region"() ({
      %run_scoped3A = tpu.sem_alloc : memref<!tpu.dma_semaphore, #tpu.memory_space<semaphore_mem>>
      %dma_start3A = arith.constant 0 : i32
      %dma_start3A_8 = tpu.memref_slice %arg9[%mul3A_0, %dma_start3A] : memref<10112x16xf32, #tpu.memory_space<vmem_shared>> -> memref<632x16xf32, #tpu.memory_space<vmem_shared>>
      %dma_start3A_9 = arith.constant 0 : i32
      %dma_start3A_10 = tpu.memref_slice %arg4[%mul3A_0, %dma_start3A_9] : memref<10112x16xf32, #tpu.memory_space<hbm>> -> memref<632x16xf32, #tpu.memory_space<hbm>>
      tpu.enqueue_dma source(%dma_start3A_10 : memref<632x16xf32, #tpu.memory_space<hbm>>) target(%dma_start3A_8 : memref<632x16xf32, #tpu.memory_space<vmem_shared>>) target_semaphore(%run_scoped3A : memref<!tpu.dma_semaphore, #tpu.memory_space<semaphore_mem>>)
      %dma_wait3A = arith.constant 0 : i32
      %dma_wait3A_11 = tpu.memref_slice %arg9[%mul3A_0, %dma_wait3A] : memref<10112x16xf32, #tpu.memory_space<vmem_shared>> -> memref<632x16xf32, #tpu.memory_space<vmem_shared>>
      %dma_wait3A_12 = arith.constant 0 : i32
      %dma_wait3A_13 = tpu.memref_slice %arg4[%mul3A_0, %dma_wait3A_12] : memref<10112x16xf32, #tpu.memory_space<hbm>> -> memref<632x16xf32, #tpu.memory_space<hbm>>
      tpu.wait_dma2 semaphore(%run_scoped3A : memref<!tpu.dma_semaphore, #tpu.memory_space<semaphore_mem>>) src(%dma_wait3A_13 : memref<632x16xf32, #tpu.memory_space<hbm>>) dst(%dma_wait3A_11 : memref<632x16xf32, #tpu.memory_space<vmem_shared>>)
      tpu.yield
    }) : () -> ()
    %barrier3A = arith.constant 0 : index
    tpu.barrier barrier_id(%barrier3A)
    %mul3A_1 = arith.constant 10240 : i32
    %mul3A_2 = arith.muli %arg1, %mul3A_1 : i32
    %scan3A = arith.constant 0 : i32
    %scan3A_3 = arith.constant 80 : i32
    %scan3A_4 = arith.addi %scan3A, %scan3A_3 : i32
    %scan3A_5 = arith.constant 1 : i32
    scf.for %scan3A_8 = %scan3A to %scan3A_4 step %scan3A_5  : i32 {
      %mul3A_9 = arith.constant 1 : i32
      %mul3A_10 = arith.muli %scan3A_8, %mul3A_9 : i32
      %add3A = arith.constant 0 : i32
      %add3A_11 = arith.addi %add3A, %mul3A_10 : i32
      %mul3A_12 = arith.constant 128 : i32
      %mul3A_13 = arith.muli %add3A_11, %mul3A_12 : i32
      %add3A_14 = arith.addi %mul3A_2, %mul3A_13 : i32
      %multiple_of3A = tpu.assume_multiple %add3A_14, 8 : i32
      "tpu.region"() ({
        %run_scoped3A = tpu.sem_alloc : memref<!tpu.dma_semaphore, #tpu.memory_space<semaphore_mem>>
        %dma_start3A_21 = tpu.memref_slice %arg2[%multiple_of3A] : memref<163840xi32, #tpu.memory_space<hbm>> -> memref<128xi32, #tpu.memory_space<hbm>>
        %dma_start3A_22 = tpu.memref_slice %arg2[%multiple_of3A] : memref<163840xi32, #tpu.memory_space<hbm>> -> memref<128xi32, #tpu.memory_space<hbm>>
        tpu.enqueue_dma source(%dma_start3A_22 : memref<128xi32, #tpu.memory_space<hbm>>) target(%arg6 : memref<128xi32, #tpu.memory_space<vmem>>) target_semaphore(%run_scoped3A : memref<!tpu.dma_semaphore, #tpu.memory_space<semaphore_mem>>)
        %dma_wait3A_23 = tpu.memref_slice %arg2[%multiple_of3A] : memref<163840xi32, #tpu.memory_space<hbm>> -> memref<128xi32, #tpu.memory_space<hbm>>
        %dma_wait3A_24 = tpu.memref_slice %arg2[%multiple_of3A] : memref<163840xi32, #tpu.memory_space<hbm>> -> memref<128xi32, #tpu.memory_space<hbm>>
        tpu.wait_dma2 semaphore(%run_scoped3A : memref<!tpu.dma_semaphore, #tpu.memory_space<semaphore_mem>>) src(%dma_wait3A_24 : memref<128xi32, #tpu.memory_space<hbm>>) dst(%arg6 : memref<128xi32, #tpu.memory_space<vmem>>)
        tpu.yield
      }) : () -> ()
      %dma_start3A = arith.constant 0 : i32
      %dma_start3A_15 = tpu.memref_slice %arg3[%multiple_of3A, %dma_start3A] : memref<163840x16xf32, #tpu.memory_space<hbm>> -> memref<128x16xf32, #tpu.memory_space<hbm>>
      %dma_start3A_16 = arith.constant 0 : i32
      %dma_start3A_17 = tpu.memref_slice %arg3[%multiple_of3A, %dma_start3A_16] : memref<163840x16xf32, #tpu.memory_space<hbm>> -> memref<128x16xf32, #tpu.memory_space<hbm>>
      tpu.enqueue_dma source(%dma_start3A_17 : memref<128x16xf32, #tpu.memory_space<hbm>>) target(%arg7 : memref<128x16xf32, #tpu.memory_space<vmem>>) target_semaphore(%arg8 : memref<!tpu.dma_semaphore, #tpu.memory_space<semaphore_mem>>)
      %dma_wait3A = arith.constant 0 : i32
      %dma_wait3A_18 = tpu.memref_slice %arg3[%multiple_of3A, %dma_wait3A] : memref<163840x16xf32, #tpu.memory_space<hbm>> -> memref<128x16xf32, #tpu.memory_space<hbm>>
      %dma_wait3A_19 = arith.constant 0 : i32
      %dma_wait3A_20 = tpu.memref_slice %arg3[%multiple_of3A, %dma_wait3A_19] : memref<163840x16xf32, #tpu.memory_space<hbm>> -> memref<128x16xf32, #tpu.memory_space<hbm>>
      tpu.wait_dma2 semaphore(%arg8 : memref<!tpu.dma_semaphore, #tpu.memory_space<semaphore_mem>>) src(%dma_wait3A_20 : memref<128x16xf32, #tpu.memory_space<hbm>>) dst(%arg7 : memref<128x16xf32, #tpu.memory_space<vmem>>)
      "tpu.region"() ({
        %run_scoped3A = tpu.sem_alloc : memref<!tpu.dma_semaphore, #tpu.memory_space<semaphore_mem>>
        %dma_start3A_21 = arith.constant 0 : i32
        %dma_start3A_22 = arith.constant 0 : i32
        %dma_start3A_23 = tpu.memref_slice %arg9[%dma_start3A_21, %dma_start3A_22] : memref<10112x16xf32, #tpu.memory_space<vmem_shared>> -> memref<10112x16xf32, #tpu.memory_space<vmem_shared>>
        tpu.enqueue_indirect_dma source(%arg7 : memref<128x16xf32, #tpu.memory_space<vmem>>) target(%dma_start3A_23 : memref<10112x16xf32, #tpu.memory_space<vmem_shared>>) offsets(%arg6 : memref<128xi32, #tpu.memory_space<vmem>>) semaphore(%run_scoped3A : memref<!tpu.dma_semaphore, #tpu.memory_space<semaphore_mem>>) {add = true}
        %dma_wait3A_24 = arith.constant 0 : i32
        %dma_wait3A_25 = arith.constant 0 : i32
        %dma_wait3A_26 = tpu.memref_slice %arg9[%dma_wait3A_24, %dma_wait3A_25] : memref<10112x16xf32, #tpu.memory_space<vmem_shared>> -> memref<10112x16xf32, #tpu.memory_space<vmem_shared>>
        tpu.wait_indirect_dma semaphore(%run_scoped3A : memref<!tpu.dma_semaphore, #tpu.memory_space<semaphore_mem>>) src(%arg7 : memref<128x16xf32, #tpu.memory_space<vmem>>) dst(%dma_wait3A_26 : memref<10112x16xf32, #tpu.memory_space<vmem_shared>>)
        tpu.yield
      }) : () -> ()
    }
    %scan3A_6 = arith.constant 80 : i32
    %barrier3A_7 = arith.constant 0 : index
    tpu.barrier barrier_id(%barrier3A_7)
    "tpu.region"() ({
      %run_scoped3A = tpu.sem_alloc : memref<!tpu.dma_semaphore, #tpu.memory_space<semaphore_mem>>
      %dma_start3A = arith.constant 0 : i32
      %dma_start3A_8 = tpu.memref_slice %arg5[%mul3A_0, %dma_start3A] : memref<10112x16xf32, #tpu.memory_space<hbm>> -> memref<632x16xf32, #tpu.memory_space<hbm>>
      %dma_start3A_9 = arith.constant 0 : i32
      %dma_start3A_10 = tpu.memref_slice %arg9[%mul3A_0, %dma_start3A_9] : memref<10112x16xf32, #tpu.memory_space<vmem_shared>> -> memref<632x16xf32, #tpu.memory_space<vmem_shared>>
      tpu.enqueue_dma source(%dma_start3A_10 : memref<632x16xf32, #tpu.memory_space<vmem_shared>>) target(%dma_start3A_8 : memref<632x16xf32, #tpu.memory_space<hbm>>) target_semaphore(%run_scoped3A : memref<!tpu.dma_semaphore, #tpu.memory_space<semaphore_mem>>)
      %dma_wait3A = arith.constant 0 : i32
      %dma_wait3A_11 = tpu.memref_slice %arg5[%mul3A_0, %dma_wait3A] : memref<10112x16xf32, #tpu.memory_space<hbm>> -> memref<632x16xf32, #tpu.memory_space<hbm>>
      %dma_wait3A_12 = arith.constant 0 : i32
      %dma_wait3A_13 = tpu.memref_slice %arg9[%mul3A_0, %dma_wait3A_12] : memref<10112x16xf32, #tpu.memory_space<vmem_shared>> -> memref<632x16xf32, #tpu.memory_space<vmem_shared>>
      tpu.wait_dma2 semaphore(%run_scoped3A : memref<!tpu.dma_semaphore, #tpu.memory_space<semaphore_mem>>) src(%dma_wait3A_13 : memref<632x16xf32, #tpu.memory_space<vmem_shared>>) dst(%dma_wait3A_11 : memref<632x16xf32, #tpu.memory_space<hbm>>)
      tpu.yield
    }) : () -> ()
    return
  }
}

#map = affine_map<(d0, d1) -> (0, 0)>
#map1 = affine_map<(d0, d1) -> (0, 0, 0)>
#map2 = affine_map<(d0, d1) -> (0, 0, 0, 0)>
module attributes {stable_mosaic.version = 14 : i64} {
  func.func @body(%arg0: i32, %arg1: i32, %arg2: memref<4096x80xi32, #tpu.memory_space<hbm>>, %arg3: memref<20000x192xf32, #tpu.memory_space<hbm>>, %arg4: memref<20000x192xf32, #tpu.memory_space<hbm>>, %arg5: memref<20000x192xf32, #tpu.memory_space<hbm>>, %arg6: memref<20000x64xf32, #tpu.memory_space<hbm>>, %arg7: memref<327680x64xf32, #tpu.memory_space<hbm>>, %arg8: memref<327680x128xf32, #tpu.memory_space<hbm>>, %arg9: memref<327680x128xf32, #tpu.memory_space<hbm>>, %arg10: memref<327680x128xf32, #tpu.memory_space<hbm>>, %arg11: memref<10112x64xf32, #tpu.memory_space<hbm>>, %arg12: memref<2x10000x64xf32, #tpu.memory_space<hbm>>, %arg13: memref<3x2x10000x64xf32, #tpu.memory_space<hbm>>, %arg14: memref<2x80xi32, #tpu.memory_space<vmem>>, %arg15: memref<2x80xi32, #tpu.memory_space<vmem>>, %arg16: memref<80xi32, #tpu.memory_space<vmem>>, %arg17: memref<80xi32, #tpu.memory_space<vmem>>, %arg18: memref<80x192xf32, #tpu.memory_space<vmem>>, %arg19: memref<80x192xf32, #tpu.memory_space<vmem>>, %arg20: memref<80x128xf32, #tpu.memory_space<vmem>>, %arg21: memref<80x128xf32, #tpu.memory_space<vmem>>, %arg22: memref<80x64xf32, #tpu.memory_space<vmem>>, %arg23: memref<80x64xf32, #tpu.memory_space<vmem>>, %arg24: memref<80x64xf32, #tpu.memory_space<vmem>>, %arg25: memref<80x64xf32, #tpu.memory_space<vmem>>, %arg26: memref<80x64xf32, #tpu.memory_space<vmem>>, %arg27: memref<80x64xf32, #tpu.memory_space<vmem>>, %arg28: memref<!tpu.dma_semaphore, #tpu.memory_space<semaphore_mem>>, %arg29: memref<!tpu.dma_semaphore, #tpu.memory_space<semaphore_mem>>, %arg30: memref<!tpu.dma_semaphore, #tpu.memory_space<semaphore_mem>>, %arg31: memref<!tpu.dma_semaphore, #tpu.memory_space<semaphore_mem>>, %arg32: memref<10112x64xf32, #tpu.memory_space<vmem_shared>>) attributes {dimension_semantics = [#tpu.dimension_semantics<core_parallel>, #tpu.dimension_semantics<subcore_parallel>], iteration_bounds = array<i64: 2, 16>, scalar_prefetch = 0 : i64, scratch_operands = 19 : i64, tpu.core_type = #tpu.core_type<sc_vector_subcore>, window_params = [{transform_indices = #map}, {transform_indices = #map}, {transform_indices = #map}, {transform_indices = #map}, {transform_indices = #map}, {transform_indices = #map}, {transform_indices = #map}, {transform_indices = #map}, {transform_indices = #map}, {transform_indices = #map}, {transform_indices = #map1}, {transform_indices = #map2}]} {
    %mul3A = arith.constant 632 : i32
    %mul3A_0 = arith.muli %arg1, %mul3A : i32
    %mul3A_1 = arith.constant 10240 : i32
    %mul3A_2 = arith.muli %arg1, %mul3A_1 : i32
    %mul3A_3 = arith.constant 10000 : i32
    %mul3A_4 = arith.muli %arg0, %mul3A_3 : i32
    %mul3A_5 = arith.constant 163840 : i32
    %mul3A_6 = arith.muli %arg0, %mul3A_5 : i32
    "tpu.region"() ({
      %run_scoped3A = tpu.sem_alloc : memref<!tpu.dma_semaphore, #tpu.memory_space<semaphore_mem>>
      %dma_start3A_197 = arith.constant 0 : i32
      %dma_start3A_198 = tpu.memref_slice %arg32[%mul3A_0, %dma_start3A_197] : memref<10112x64xf32, #tpu.memory_space<vmem_shared>> -> memref<632x64xf32, #tpu.memory_space<vmem_shared>>
      %dma_start3A_199 = arith.constant 0 : i32
      %dma_start3A_200 = tpu.memref_slice %arg11[%mul3A_0, %dma_start3A_199] : memref<10112x64xf32, #tpu.memory_space<hbm>> -> memref<632x64xf32, #tpu.memory_space<hbm>>
      tpu.enqueue_dma source(%dma_start3A_200 : memref<632x64xf32, #tpu.memory_space<hbm>>) target(%dma_start3A_198 : memref<632x64xf32, #tpu.memory_space<vmem_shared>>) target_semaphore(%run_scoped3A : memref<!tpu.dma_semaphore, #tpu.memory_space<semaphore_mem>>)
      %dma_wait3A_201 = arith.constant 0 : i32
      %dma_wait3A_202 = tpu.memref_slice %arg32[%mul3A_0, %dma_wait3A_201] : memref<10112x64xf32, #tpu.memory_space<vmem_shared>> -> memref<632x64xf32, #tpu.memory_space<vmem_shared>>
      %dma_wait3A_203 = arith.constant 0 : i32
      %dma_wait3A_204 = tpu.memref_slice %arg11[%mul3A_0, %dma_wait3A_203] : memref<10112x64xf32, #tpu.memory_space<hbm>> -> memref<632x64xf32, #tpu.memory_space<hbm>>
      tpu.wait_dma2 semaphore(%run_scoped3A : memref<!tpu.dma_semaphore, #tpu.memory_space<semaphore_mem>>) src(%dma_wait3A_204 : memref<632x64xf32, #tpu.memory_space<hbm>>) dst(%dma_wait3A_202 : memref<632x64xf32, #tpu.memory_space<vmem_shared>>)
      tpu.yield
    }) : () -> ()
    %barrier3A = arith.constant 0 : index
    tpu.barrier barrier_id(%barrier3A)
    %mul3A_7 = arith.constant 128 : i32
    %mul3A_8 = arith.muli %arg1, %mul3A_7 : i32
    %add3A = arith.constant 0 : i32
    %add3A_9 = arith.addi %mul3A_8, %add3A : i32
    %mul3A_10 = arith.constant 2 : i32
    %mul3A_11 = arith.muli %mul3A_10, %add3A_9 : i32
    "tpu.region"() ({
      %run_scoped3A = tpu.sem_alloc : memref<!tpu.dma_semaphore, #tpu.memory_space<semaphore_mem>>
      %dma_start3A_197 = arith.constant 0 : i32
      %dma_start3A_198 = tpu.memref_slice %arg2[%mul3A_11, %dma_start3A_197] : memref<4096x80xi32, #tpu.memory_space<hbm>> -> memref<2x80xi32, #tpu.memory_space<hbm>>
      %dma_start3A_199 = arith.constant 0 : i32
      %dma_start3A_200 = tpu.memref_slice %arg2[%mul3A_11, %dma_start3A_199] : memref<4096x80xi32, #tpu.memory_space<hbm>> -> memref<2x80xi32, #tpu.memory_space<hbm>>
      tpu.enqueue_dma source(%dma_start3A_200 : memref<2x80xi32, #tpu.memory_space<hbm>>) target(%arg14 : memref<2x80xi32, #tpu.memory_space<vmem>>) target_semaphore(%run_scoped3A : memref<!tpu.dma_semaphore, #tpu.memory_space<semaphore_mem>>)
      %dma_wait3A_201 = arith.constant 0 : i32
      %dma_wait3A_202 = tpu.memref_slice %arg2[%mul3A_11, %dma_wait3A_201] : memref<4096x80xi32, #tpu.memory_space<hbm>> -> memref<2x80xi32, #tpu.memory_space<hbm>>
      %dma_wait3A_203 = arith.constant 0 : i32
      %dma_wait3A_204 = tpu.memref_slice %arg2[%mul3A_11, %dma_wait3A_203] : memref<4096x80xi32, #tpu.memory_space<hbm>> -> memref<2x80xi32, #tpu.memory_space<hbm>>
      tpu.wait_dma2 semaphore(%run_scoped3A : memref<!tpu.dma_semaphore, #tpu.memory_space<semaphore_mem>>) src(%dma_wait3A_204 : memref<2x80xi32, #tpu.memory_space<hbm>>) dst(%arg14 : memref<2x80xi32, #tpu.memory_space<vmem>>)
      tpu.yield
    }) : () -> ()
    %scan3A = arith.constant 0 : i32
    %scan3A_12 = arith.constant 5 : i32
    %scan3A_13 = arith.addi %scan3A, %scan3A_12 : i32
    %scan3A_14 = arith.constant 1 : i32
    scf.for %scan3A_197 = %scan3A to %scan3A_13 step %scan3A_14  : i32 {
      %mul3A_198 = arith.constant 1 : i32
      %mul3A_199 = arith.muli %scan3A_197, %mul3A_198 : i32
      %add3A_200 = arith.constant 0 : i32
      %add3A_201 = arith.addi %add3A_200, %mul3A_199 : i32
      %mul3A_202 = arith.constant 16 : i32
      %mul3A_203 = arith.muli %add3A_201, %mul3A_202 : i32
      %get3A = arith.constant 0 : i32
      %get3A_204 = arith.index_cast %get3A : i32 to index
      %get3A_205 = arith.index_cast %mul3A_203 : i32 to index
      %get3A_206 = tpu.vector_load %arg14[%get3A_204, %get3A_205] {strides = array<i32>} : memref<2x80xi32, #tpu.memory_space<vmem>>, vector<1x16xi32>,
      %get3A_207 = vector.shape_cast %get3A_206 : vector<1x16xi32> to vector<16xi32>
      %add3A_208 = vector.broadcast %mul3A_4 : i32 to vector<16xi32>
      %add3A_209 = arith.addi %get3A_207, %add3A_208 : vector<16xi32>
      %swap3A = arith.constant 0 : i32
      %swap3A_210 = arith.index_cast %swap3A : i32 to index
      %swap3A_211 = arith.index_cast %mul3A_203 : i32 to index
      %swap3A_212 = tpu.vector_load %arg14[%swap3A_210, %swap3A_211] {strides = array<i32>} : memref<2x80xi32, #tpu.memory_space<vmem>>, vector<1x16xi32>,
      %swap3A_213 = vector.shape_cast %swap3A_212 : vector<1x16xi32> to vector<16xi32>
      %swap3A_214 = vector.shape_cast %add3A_209 : vector<16xi32> to vector<1x16xi32>
      tpu.vector_store %arg14[%swap3A_210, %swap3A_211], %swap3A_214 {strides = array<i32>} : memref<2x80xi32, #tpu.memory_space<vmem>>, vector<1x16xi32>,
    }
    %scan3A_15 = arith.constant 5 : i32
    %add3A_16 = arith.addi %mul3A_6, %mul3A_2 : i32
    %add3A_17 = arith.constant 0 : i32
    %add3A_18 = arith.addi %add3A_16, %add3A_17 : i32
    %multiple_of3A = tpu.assume_multiple %add3A_18, 8 : i32
    %dma_start3A = arith.constant 0 : i32
    %dma_start3A_19 = arith.constant 0 : i32
    %dma_start3A_20 = tpu.memref_slice %arg14[%dma_start3A, %dma_start3A_19] : memref<2x80xi32, #tpu.memory_space<vmem>> -> memref<1x80xi32, #tpu.memory_space<vmem>>
    %dma_start3A_21 = tpu.memref_squeeze %dma_start3A_20 : memref<1x80xi32, #tpu.memory_space<vmem>> -> memref<80xi32, #tpu.memory_space<vmem>>
    %dma_start3A_22 = arith.constant 0 : i32
    %dma_start3A_23 = arith.constant 0 : i32
    %dma_start3A_24 = tpu.memref_slice %arg6[%dma_start3A_22, %dma_start3A_23] : memref<20000x64xf32, #tpu.memory_space<hbm>> -> memref<20000x64xf32, #tpu.memory_space<hbm>>
    tpu.enqueue_indirect_dma source(%dma_start3A_24 : memref<20000x64xf32, #tpu.memory_space<hbm>>) target(%arg22 : memref<80x64xf32, #tpu.memory_space<vmem>>) offsets(%dma_start3A_21 : memref<80xi32, #tpu.memory_space<vmem>>) semaphore(%arg28 : memref<!tpu.dma_semaphore, #tpu.memory_space<semaphore_mem>>)
    %dma_start3A_25 = arith.constant 0 : i32
    %dma_start3A_26 = tpu.memref_slice %arg7[%multiple_of3A, %dma_start3A_25] : memref<327680x64xf32, #tpu.memory_space<hbm>> -> memref<80x64xf32, #tpu.memory_space<hbm>>
    %dma_start3A_27 = arith.constant 0 : i32
    %dma_start3A_28 = tpu.memref_slice %arg7[%multiple_of3A, %dma_start3A_27] : memref<327680x64xf32, #tpu.memory_space<hbm>> -> memref<80x64xf32, #tpu.memory_space<hbm>>
    tpu.enqueue_dma source(%dma_start3A_28 : memref<80x64xf32, #tpu.memory_space<hbm>>) target(%arg24 : memref<80x64xf32, #tpu.memory_space<vmem>>) target_semaphore(%arg28 : memref<!tpu.dma_semaphore, #tpu.memory_space<semaphore_mem>>)
    %scan3A_29 = arith.constant 0 : i32
    %scan3A_30 = arith.constant 64 : i32
    %scan3A_31 = arith.addi %scan3A_29, %scan3A_30 : i32
    %scan3A_32 = arith.constant 1 : i32
    scf.for %scan3A_197 = %scan3A_29 to %scan3A_31 step %scan3A_32  : i32 {
      %mul3A_198 = arith.constant 2 : i32
      %mul3A_199 = arith.muli %scan3A_197, %mul3A_198 : i32
      %add3A_200 = arith.constant 0 : i32
      %add3A_201 = arith.addi %add3A_200, %mul3A_199 : i32
      %add3A_202 = arith.constant 1 : i32
      %add3A_203 = arith.addi %add3A_201, %add3A_202 : i32
      %mul3A_204 = arith.constant 128 : i32
      %mul3A_205 = arith.muli %arg1, %mul3A_204 : i32
      %add3A_206 = arith.addi %mul3A_205, %add3A_203 : i32
      %mul3A_207 = arith.constant 2 : i32
      %mul3A_208 = arith.muli %mul3A_207, %add3A_206 : i32
      "tpu.region"() ({
        %run_scoped3A = tpu.sem_alloc : memref<!tpu.dma_semaphore, #tpu.memory_space<semaphore_mem>>
        %dma_start3A_306 = arith.constant 0 : i32
        %dma_start3A_307 = tpu.memref_slice %arg2[%mul3A_208, %dma_start3A_306] : memref<4096x80xi32, #tpu.memory_space<hbm>> -> memref<2x80xi32, #tpu.memory_space<hbm>>
        %dma_start3A_308 = arith.constant 0 : i32
        %dma_start3A_309 = tpu.memref_slice %arg2[%mul3A_208, %dma_start3A_308] : memref<4096x80xi32, #tpu.memory_space<hbm>> -> memref<2x80xi32, #tpu.memory_space<hbm>>
        tpu.enqueue_dma source(%dma_start3A_309 : memref<2x80xi32, #tpu.memory_space<hbm>>) target(%arg15 : memref<2x80xi32, #tpu.memory_space<vmem>>) target_semaphore(%run_scoped3A : memref<!tpu.dma_semaphore, #tpu.memory_space<semaphore_mem>>)
        %dma_wait3A_310 = arith.constant 0 : i32
        %dma_wait3A_311 = tpu.memref_slice %arg2[%mul3A_208, %dma_wait3A_310] : memref<4096x80xi32, #tpu.memory_space<hbm>> -> memref<2x80xi32, #tpu.memory_space<hbm>>
        %dma_wait3A_312 = arith.constant 0 : i32
        %dma_wait3A_313 = tpu.memref_slice %arg2[%mul3A_208, %dma_wait3A_312] : memref<4096x80xi32, #tpu.memory_space<hbm>> -> memref<2x80xi32, #tpu.memory_space<hbm>>
        tpu.wait_dma2 semaphore(%run_scoped3A : memref<!tpu.dma_semaphore, #tpu.memory_space<semaphore_mem>>) src(%dma_wait3A_313 : memref<2x80xi32, #tpu.memory_space<hbm>>) dst(%arg15 : memref<2x80xi32, #tpu.memory_space<vmem>>)
        tpu.yield
      }) : () -> ()
      %scan3A_209 = arith.constant 0 : i32
      %scan3A_210 = arith.constant 5 : i32
      %scan3A_211 = arith.addi %scan3A_209, %scan3A_210 : i32
      %scan3A_212 = arith.constant 1 : i32
      scf.for %scan3A_306 = %scan3A_209 to %scan3A_211 step %scan3A_212  : i32 {
        %mul3A_307 = arith.constant 1 : i32
        %mul3A_308 = arith.muli %scan3A_306, %mul3A_307 : i32
        %add3A_309 = arith.constant 0 : i32
        %add3A_310 = arith.addi %add3A_309, %mul3A_308 : i32
        %mul3A_311 = arith.constant 16 : i32
        %mul3A_312 = arith.muli %add3A_310, %mul3A_311 : i32
        %get3A = arith.constant 0 : i32
        %get3A_313 = arith.index_cast %get3A : i32 to index
        %get3A_314 = arith.index_cast %mul3A_312 : i32 to index
        %get3A_315 = tpu.vector_load %arg15[%get3A_313, %get3A_314] {strides = array<i32>} : memref<2x80xi32, #tpu.memory_space<vmem>>, vector<1x16xi32>,
        %get3A_316 = vector.shape_cast %get3A_315 : vector<1x16xi32> to vector<16xi32>
        %add3A_317 = vector.broadcast %mul3A_4 : i32 to vector<16xi32>
        %add3A_318 = arith.addi %get3A_316, %add3A_317 : vector<16xi32>
        %swap3A = arith.constant 0 : i32
        %swap3A_319 = arith.index_cast %swap3A : i32 to index
        %swap3A_320 = arith.index_cast %mul3A_312 : i32 to index
        %swap3A_321 = tpu.vector_load %arg15[%swap3A_319, %swap3A_320] {strides = array<i32>} : memref<2x80xi32, #tpu.memory_space<vmem>>, vector<1x16xi32>,
        %swap3A_322 = vector.shape_cast %swap3A_321 : vector<1x16xi32> to vector<16xi32>
        %swap3A_323 = vector.shape_cast %add3A_318 : vector<16xi32> to vector<1x16xi32>
        tpu.vector_store %arg15[%swap3A_319, %swap3A_320], %swap3A_323 {strides = array<i32>} : memref<2x80xi32, #tpu.memory_space<vmem>>, vector<1x16xi32>,
      }
      %scan3A_213 = arith.constant 5 : i32
      %add3A_214 = arith.addi %mul3A_6, %mul3A_2 : i32
      %mul3A_215 = arith.constant 80 : i32
      %mul3A_216 = arith.muli %add3A_203, %mul3A_215 : i32
      %add3A_217 = arith.addi %add3A_214, %mul3A_216 : i32
      %multiple_of3A_218 = tpu.assume_multiple %add3A_217, 8 : i32
      %dma_start3A_219 = arith.constant 0 : i32
      %dma_start3A_220 = arith.constant 0 : i32
      %dma_start3A_221 = tpu.memref_slice %arg15[%dma_start3A_219, %dma_start3A_220] : memref<2x80xi32, #tpu.memory_space<vmem>> -> memref<1x80xi32, #tpu.memory_space<vmem>>
      %dma_start3A_222 = tpu.memref_squeeze %dma_start3A_221 : memref<1x80xi32, #tpu.memory_space<vmem>> -> memref<80xi32, #tpu.memory_space<vmem>>
      %dma_start3A_223 = arith.constant 0 : i32
      %dma_start3A_224 = arith.constant 0 : i32
      %dma_start3A_225 = tpu.memref_slice %arg6[%dma_start3A_223, %dma_start3A_224] : memref<20000x64xf32, #tpu.memory_space<hbm>> -> memref<20000x64xf32, #tpu.memory_space<hbm>>
      tpu.enqueue_indirect_dma source(%dma_start3A_225 : memref<20000x64xf32, #tpu.memory_space<hbm>>) target(%arg23 : memref<80x64xf32, #tpu.memory_space<vmem>>) offsets(%dma_start3A_222 : memref<80xi32, #tpu.memory_space<vmem>>) semaphore(%arg29 : memref<!tpu.dma_semaphore, #tpu.memory_space<semaphore_mem>>)
      %dma_start3A_226 = arith.constant 0 : i32
      %dma_start3A_227 = tpu.memref_slice %arg7[%multiple_of3A_218, %dma_start3A_226] : memref<327680x64xf32, #tpu.memory_space<hbm>> -> memref<80x64xf32, #tpu.memory_space<hbm>>
      %dma_start3A_228 = arith.constant 0 : i32
      %dma_start3A_229 = tpu.memref_slice %arg7[%multiple_of3A_218, %dma_start3A_228] : memref<327680x64xf32, #tpu.memory_space<hbm>> -> memref<80x64xf32, #tpu.memory_space<hbm>>
      tpu.enqueue_dma source(%dma_start3A_229 : memref<80x64xf32, #tpu.memory_space<hbm>>) target(%arg25 : memref<80x64xf32, #tpu.memory_space<vmem>>) target_semaphore(%arg29 : memref<!tpu.dma_semaphore, #tpu.memory_space<semaphore_mem>>)
      %add3A_230 = arith.addi %mul3A_6, %mul3A_2 : i32
      %mul3A_231 = arith.constant 80 : i32
      %mul3A_232 = arith.muli %add3A_201, %mul3A_231 : i32
      %add3A_233 = arith.addi %add3A_230, %mul3A_232 : i32
      %multiple_of3A_234 = tpu.assume_multiple %add3A_233, 8 : i32
      %dma_wait3A_235 = arith.constant 0 : i32
      %dma_wait3A_236 = arith.constant 0 : i32
      %dma_wait3A_237 = tpu.memref_slice %arg14[%dma_wait3A_235, %dma_wait3A_236] : memref<2x80xi32, #tpu.memory_space<vmem>> -> memref<1x80xi32, #tpu.memory_space<vmem>>
      %dma_wait3A_238 = tpu.memref_squeeze %dma_wait3A_237 : memref<1x80xi32, #tpu.memory_space<vmem>> -> memref<80xi32, #tpu.memory_space<vmem>>
      %dma_wait3A_239 = arith.constant 0 : i32
      %dma_wait3A_240 = arith.constant 0 : i32
      %dma_wait3A_241 = tpu.memref_slice %arg6[%dma_wait3A_239, %dma_wait3A_240] : memref<20000x64xf32, #tpu.memory_space<hbm>> -> memref<20000x64xf32, #tpu.memory_space<hbm>>
      tpu.wait_indirect_dma semaphore(%arg28 : memref<!tpu.dma_semaphore, #tpu.memory_space<semaphore_mem>>) src(%dma_wait3A_241 : memref<20000x64xf32, #tpu.memory_space<hbm>>) dst(%arg22 : memref<80x64xf32, #tpu.memory_space<vmem>>)
      %dma_wait3A_242 = arith.constant 0 : i32
      %dma_wait3A_243 = tpu.memref_slice %arg7[%multiple_of3A_234, %dma_wait3A_242] : memref<327680x64xf32, #tpu.memory_space<hbm>> -> memref<80x64xf32, #tpu.memory_space<hbm>>
      %dma_wait3A_244 = arith.constant 0 : i32
      %dma_wait3A_245 = tpu.memref_slice %arg7[%multiple_of3A_234, %dma_wait3A_244] : memref<327680x64xf32, #tpu.memory_space<hbm>> -> memref<80x64xf32, #tpu.memory_space<hbm>>
      tpu.wait_dma2 semaphore(%arg28 : memref<!tpu.dma_semaphore, #tpu.memory_space<semaphore_mem>>) src(%dma_wait3A_245 : memref<80x64xf32, #tpu.memory_space<hbm>>) dst(%arg24 : memref<80x64xf32, #tpu.memory_space<vmem>>)
      %ge3A = arith.constant 2 : i32
      %ge3A_246 = arith.cmpi sge, %add3A_201, %ge3A : i32
      %convert_element_type3A_247 = arith.extui %ge3A_246 : i1 to i32
      %cond3A_248 = arith.constant 0 : i32
      %cond3A_249 = arith.cmpi ne, %convert_element_type3A_247, %cond3A_248 : i32
      scf.if %cond3A_249 {
        %dma_wait3A_306 = arith.constant 0 : i32
        %dma_wait3A_307 = arith.constant 0 : i32
        %dma_wait3A_308 = tpu.memref_slice %arg32[%dma_wait3A_306, %dma_wait3A_307] : memref<10112x64xf32, #tpu.memory_space<vmem_shared>> -> memref<10112x64xf32, #tpu.memory_space<vmem_shared>>
        tpu.wait_indirect_dma semaphore(%arg30 : memref<!tpu.dma_semaphore, #tpu.memory_space<semaphore_mem>>) src(%arg26 : memref<80x64xf32, #tpu.memory_space<vmem>>) dst(%dma_wait3A_308 : memref<10112x64xf32, #tpu.memory_space<vmem_shared>>)
      } else {
      }
      %scan3A_250 = arith.constant 0 : i32
      %scan3A_251 = arith.constant 80 : i32
      %scan3A_252 = arith.addi %scan3A_250, %scan3A_251 : i32
      %scan3A_253 = arith.constant 1 : i32
      scf.for %scan3A_306 = %scan3A_250 to %scan3A_252 step %scan3A_253  : i32 {
        %mul3A_307 = arith.constant 1 : i32
        %mul3A_308 = arith.muli %scan3A_306, %mul3A_307 : i32
        %add3A_309 = arith.constant 0 : i32
        %add3A_310 = arith.addi %add3A_309, %mul3A_308 : i32
        %get3A = arith.index_cast %add3A_310 : i32 to index
        %get3A_311 = arith.constant 0 : index
        %get3A_312 = tpu.vector_load %arg22[%get3A, %get3A_311] {strides = array<i32>} : memref<80x64xf32, #tpu.memory_space<vmem>>, vector<1x16xf32>,
        %get3A_313 = vector.shape_cast %get3A_312 : vector<1x16xf32> to vector<16xf32>
        %get3A_314 = arith.index_cast %add3A_310 : i32 to index
        %get3A_315 = arith.constant 0 : index
        %get3A_316 = tpu.vector_load %arg24[%get3A_314, %get3A_315] {strides = array<i32>} : memref<80x64xf32, #tpu.memory_space<vmem>>, vector<1x16xf32>,
        %get3A_317 = vector.shape_cast %get3A_316 : vector<1x16xf32> to vector<16xf32>
        %mul3A_318 = arith.mulf %get3A_313, %get3A_317 : vector<16xf32>
        %swap3A = arith.index_cast %add3A_310 : i32 to index
        %swap3A_319 = arith.constant 0 : index
        %swap3A_320 = tpu.vector_load %arg26[%swap3A, %swap3A_319] {strides = array<i32>} : memref<80x64xf32, #tpu.memory_space<vmem>>, vector<1x16xf32>,
        %swap3A_321 = vector.shape_cast %swap3A_320 : vector<1x16xf32> to vector<16xf32>
        %swap3A_322 = vector.shape_cast %mul3A_318 : vector<16xf32> to vector<1x16xf32>
        tpu.vector_store %arg26[%swap3A, %swap3A_319], %swap3A_322 {strides = array<i32>} : memref<80x64xf32, #tpu.memory_space<vmem>>, vector<1x16xf32>,
        %get3A_323 = arith.index_cast %add3A_310 : i32 to index
        %get3A_324 = arith.constant 16 : index
        %get3A_325 = tpu.vector_load %arg22[%get3A_323, %get3A_324] {strides = array<i32>} : memref<80x64xf32, #tpu.memory_space<vmem>>, vector<1x16xf32>,
        %get3A_326 = vector.shape_cast %get3A_325 : vector<1x16xf32> to vector<16xf32>
        %get3A_327 = arith.index_cast %add3A_310 : i32 to index
        %get3A_328 = arith.constant 16 : index
        %get3A_329 = tpu.vector_load %arg24[%get3A_327, %get3A_328] {strides = array<i32>} : memref<80x64xf32, #tpu.memory_space<vmem>>, vector<1x16xf32>,
        %get3A_330 = vector.shape_cast %get3A_329 : vector<1x16xf32> to vector<16xf32>
        %mul3A_331 = arith.mulf %get3A_326, %get3A_330 : vector<16xf32>
        %swap3A_332 = arith.index_cast %add3A_310 : i32 to index
        %swap3A_333 = arith.constant 16 : index
        %swap3A_334 = tpu.vector_load %arg26[%swap3A_332, %swap3A_333] {strides = array<i32>} : memref<80x64xf32, #tpu.memory_space<vmem>>, vector<1x16xf32>,
        %swap3A_335 = vector.shape_cast %swap3A_334 : vector<1x16xf32> to vector<16xf32>
        %swap3A_336 = vector.shape_cast %mul3A_331 : vector<16xf32> to vector<1x16xf32>
        tpu.vector_store %arg26[%swap3A_332, %swap3A_333], %swap3A_336 {strides = array<i32>} : memref<80x64xf32, #tpu.memory_space<vmem>>, vector<1x16xf32>,
        %get3A_337 = arith.index_cast %add3A_310 : i32 to index
        %get3A_338 = arith.constant 32 : index
        %get3A_339 = tpu.vector_load %arg22[%get3A_337, %get3A_338] {strides = array<i32>} : memref<80x64xf32, #tpu.memory_space<vmem>>, vector<1x16xf32>,
        %get3A_340 = vector.shape_cast %get3A_339 : vector<1x16xf32> to vector<16xf32>
        %get3A_341 = arith.index_cast %add3A_310 : i32 to index
        %get3A_342 = arith.constant 32 : index
        %get3A_343 = tpu.vector_load %arg24[%get3A_341, %get3A_342] {strides = array<i32>} : memref<80x64xf32, #tpu.memory_space<vmem>>, vector<1x16xf32>,
        %get3A_344 = vector.shape_cast %get3A_343 : vector<1x16xf32> to vector<16xf32>
        %mul3A_345 = arith.mulf %get3A_340, %get3A_344 : vector<16xf32>
        %swap3A_346 = arith.index_cast %add3A_310 : i32 to index
        %swap3A_347 = arith.constant 32 : index
        %swap3A_348 = tpu.vector_load %arg26[%swap3A_346, %swap3A_347] {strides = array<i32>} : memref<80x64xf32, #tpu.memory_space<vmem>>, vector<1x16xf32>,
        %swap3A_349 = vector.shape_cast %swap3A_348 : vector<1x16xf32> to vector<16xf32>
        %swap3A_350 = vector.shape_cast %mul3A_345 : vector<16xf32> to vector<1x16xf32>
        tpu.vector_store %arg26[%swap3A_346, %swap3A_347], %swap3A_350 {strides = array<i32>} : memref<80x64xf32, #tpu.memory_space<vmem>>, vector<1x16xf32>,
        %get3A_351 = arith.index_cast %add3A_310 : i32 to index
        %get3A_352 = arith.constant 48 : index
        %get3A_353 = tpu.vector_load %arg22[%get3A_351, %get3A_352] {strides = array<i32>} : memref<80x64xf32, #tpu.memory_space<vmem>>, vector<1x16xf32>,
        %get3A_354 = vector.shape_cast %get3A_353 : vector<1x16xf32> to vector<16xf32>
        %get3A_355 = arith.index_cast %add3A_310 : i32 to index
        %get3A_356 = arith.constant 48 : index
        %get3A_357 = tpu.vector_load %arg24[%get3A_355, %get3A_356] {strides = array<i32>} : memref<80x64xf32, #tpu.memory_space<vmem>>, vector<1x16xf32>,
        %get3A_358 = vector.shape_cast %get3A_357 : vector<1x16xf32> to vector<16xf32>
        %mul3A_359 = arith.mulf %get3A_354, %get3A_358 : vector<16xf32>
        %swap3A_360 = arith.index_cast %add3A_310 : i32 to index
        %swap3A_361 = arith.constant 48 : index
        %swap3A_362 = tpu.vector_load %arg26[%swap3A_360, %swap3A_361] {strides = array<i32>} : memref<80x64xf32, #tpu.memory_space<vmem>>, vector<1x16xf32>,
        %swap3A_363 = vector.shape_cast %swap3A_362 : vector<1x16xf32> to vector<16xf32>
        %swap3A_364 = vector.shape_cast %mul3A_359 : vector<16xf32> to vector<1x16xf32>
        tpu.vector_store %arg26[%swap3A_360, %swap3A_361], %swap3A_364 {strides = array<i32>} : memref<80x64xf32, #tpu.memory_space<vmem>>, vector<1x16xf32>,
      }
      %scan3A_254 = arith.constant 80 : i32
      %scan3A_255 = arith.constant 0 : i32
      %scan3A_256 = arith.constant 5 : i32
      %scan3A_257 = arith.addi %scan3A_255, %scan3A_256 : i32
      %scan3A_258 = arith.constant 1 : i32
      scf.for %scan3A_306 = %scan3A_255 to %scan3A_257 step %scan3A_258  : i32 {
        %mul3A_307 = arith.constant 1 : i32
        %mul3A_308 = arith.muli %scan3A_306, %mul3A_307 : i32
        %add3A_309 = arith.constant 0 : i32
        %add3A_310 = arith.addi %add3A_309, %mul3A_308 : i32
        %mul3A_311 = arith.constant 16 : i32
        %mul3A_312 = arith.muli %add3A_310, %mul3A_311 : i32
        %get3A = arith.constant 1 : i32
        %get3A_313 = arith.index_cast %get3A : i32 to index
        %get3A_314 = arith.index_cast %mul3A_312 : i32 to index
        %get3A_315 = tpu.vector_load %arg14[%get3A_313, %get3A_314] {strides = array<i32>} : memref<2x80xi32, #tpu.memory_space<vmem>>, vector<1x16xi32>,
        %get3A_316 = vector.shape_cast %get3A_315 : vector<1x16xi32> to vector<16xi32>
        %swap3A = arith.index_cast %mul3A_312 : i32 to index
        %swap3A_317 = tpu.vector_load %arg16[%swap3A] {strides = array<i32>} : memref<80xi32, #tpu.memory_space<vmem>>, vector<16xi32>,
        %swap3A_318 = vector.shape_cast %swap3A_317 : vector<16xi32> to vector<16xi32>
        %swap3A_319 = vector.shape_cast %get3A_316 : vector<16xi32> to vector<16xi32>
        tpu.vector_store %arg16[%swap3A], %swap3A_319 {strides = array<i32>} : memref<80xi32, #tpu.memory_space<vmem>>, vector<16xi32>,
      }
      %scan3A_259 = arith.constant 5 : i32
      %dma_start3A_260 = arith.constant 0 : i32
      %dma_start3A_261 = arith.constant 0 : i32
      %dma_start3A_262 = tpu.memref_slice %arg32[%dma_start3A_260, %dma_start3A_261] : memref<10112x64xf32, #tpu.memory_space<vmem_shared>> -> memref<10112x64xf32, #tpu.memory_space<vmem_shared>>
      tpu.enqueue_indirect_dma source(%arg26 : memref<80x64xf32, #tpu.memory_space<vmem>>) target(%dma_start3A_262 : memref<10112x64xf32, #tpu.memory_space<vmem_shared>>) offsets(%arg16 : memref<80xi32, #tpu.memory_space<vmem>>) semaphore(%arg30 : memref<!tpu.dma_semaphore, #tpu.memory_space<semaphore_mem>>) {add = true}
      %add3A_263 = arith.constant 2 : i32
      %add3A_264 = arith.addi %add3A_201, %add3A_263 : i32
      %lt3A_265 = arith.constant 128 : i32
      %lt3A_266 = arith.cmpi slt, %add3A_264, %lt3A_265 : i32
      %convert_element_type3A_267 = arith.extui %lt3A_266 : i1 to i32
      %cond3A_268 = arith.constant 0 : i32
      %cond3A_269 = arith.cmpi ne, %convert_element_type3A_267, %cond3A_268 : i32
      scf.if %cond3A_269 {
        %add3A_306 = arith.constant 2 : i32
        %add3A_307 = arith.addi %add3A_201, %add3A_306 : i32
        %mul3A_308 = arith.constant 128 : i32
        %mul3A_309 = arith.muli %arg1, %mul3A_308 : i32
        %add3A_310 = arith.addi %mul3A_309, %add3A_307 : i32
        %mul3A_311 = arith.constant 2 : i32
        %mul3A_312 = arith.muli %mul3A_311, %add3A_310 : i32
        "tpu.region"() ({
          %run_scoped3A = tpu.sem_alloc : memref<!tpu.dma_semaphore, #tpu.memory_space<semaphore_mem>>
          %dma_start3A_334 = arith.constant 0 : i32
          %dma_start3A_335 = tpu.memref_slice %arg2[%mul3A_312, %dma_start3A_334] : memref<4096x80xi32, #tpu.memory_space<hbm>> -> memref<2x80xi32, #tpu.memory_space<hbm>>
          %dma_start3A_336 = arith.constant 0 : i32
          %dma_start3A_337 = tpu.memref_slice %arg2[%mul3A_312, %dma_start3A_336] : memref<4096x80xi32, #tpu.memory_space<hbm>> -> memref<2x80xi32, #tpu.memory_space<hbm>>
          tpu.enqueue_dma source(%dma_start3A_337 : memref<2x80xi32, #tpu.memory_space<hbm>>) target(%arg14 : memref<2x80xi32, #tpu.memory_space<vmem>>) target_semaphore(%run_scoped3A : memref<!tpu.dma_semaphore, #tpu.memory_space<semaphore_mem>>)
          %dma_wait3A_338 = arith.constant 0 : i32
          %dma_wait3A_339 = tpu.memref_slice %arg2[%mul3A_312, %dma_wait3A_338] : memref<4096x80xi32, #tpu.memory_space<hbm>> -> memref<2x80xi32, #tpu.memory_space<hbm>>
          %dma_wait3A_340 = arith.constant 0 : i32
          %dma_wait3A_341 = tpu.memref_slice %arg2[%mul3A_312, %dma_wait3A_340] : memref<4096x80xi32, #tpu.memory_space<hbm>> -> memref<2x80xi32, #tpu.memory_space<hbm>>
          tpu.wait_dma2 semaphore(%run_scoped3A : memref<!tpu.dma_semaphore, #tpu.memory_space<semaphore_mem>>) src(%dma_wait3A_341 : memref<2x80xi32, #tpu.memory_space<hbm>>) dst(%arg14 : memref<2x80xi32, #tpu.memory_space<vmem>>)
          tpu.yield
        }) : () -> ()
        %scan3A_313 = arith.constant 0 : i32
        %scan3A_314 = arith.constant 5 : i32
        %scan3A_315 = arith.addi %scan3A_313, %scan3A_314 : i32
        %scan3A_316 = arith.constant 1 : i32
        scf.for %scan3A_334 = %scan3A_313 to %scan3A_315 step %scan3A_316  : i32 {
          %mul3A_335 = arith.constant 1 : i32
          %mul3A_336 = arith.muli %scan3A_334, %mul3A_335 : i32
          %add3A_337 = arith.constant 0 : i32
          %add3A_338 = arith.addi %add3A_337, %mul3A_336 : i32
          %mul3A_339 = arith.constant 16 : i32
          %mul3A_340 = arith.muli %add3A_338, %mul3A_339 : i32
          %get3A = arith.constant 0 : i32
          %get3A_341 = arith.index_cast %get3A : i32 to index
          %get3A_342 = arith.index_cast %mul3A_340 : i32 to index
          %get3A_343 = tpu.vector_load %arg14[%get3A_341, %get3A_342] {strides = array<i32>} : memref<2x80xi32, #tpu.memory_space<vmem>>, vector<1x16xi32>,
          %get3A_344 = vector.shape_cast %get3A_343 : vector<1x16xi32> to vector<16xi32>
          %add3A_345 = vector.broadcast %mul3A_4 : i32 to vector<16xi32>
          %add3A_346 = arith.addi %get3A_344, %add3A_345 : vector<16xi32>
          %swap3A = arith.constant 0 : i32
          %swap3A_347 = arith.index_cast %swap3A : i32 to index
          %swap3A_348 = arith.index_cast %mul3A_340 : i32 to index
          %swap3A_349 = tpu.vector_load %arg14[%swap3A_347, %swap3A_348] {strides = array<i32>} : memref<2x80xi32, #tpu.memory_space<vmem>>, vector<1x16xi32>,
          %swap3A_350 = vector.shape_cast %swap3A_349 : vector<1x16xi32> to vector<16xi32>
          %swap3A_351 = vector.shape_cast %add3A_346 : vector<16xi32> to vector<1x16xi32>
          tpu.vector_store %arg14[%swap3A_347, %swap3A_348], %swap3A_351 {strides = array<i32>} : memref<2x80xi32, #tpu.memory_space<vmem>>, vector<1x16xi32>,
        }
        %scan3A_317 = arith.constant 5 : i32
        %add3A_318 = arith.addi %mul3A_6, %mul3A_2 : i32
        %mul3A_319 = arith.constant 80 : i32
        %mul3A_320 = arith.muli %add3A_307, %mul3A_319 : i32
        %add3A_321 = arith.addi %add3A_318, %mul3A_320 : i32
        %multiple_of3A_322 = tpu.assume_multiple %add3A_321, 8 : i32
        %dma_start3A_323 = arith.constant 0 : i32
        %dma_start3A_324 = arith.constant 0 : i32
        %dma_start3A_325 = tpu.memref_slice %arg14[%dma_start3A_323, %dma_start3A_324] : memref<2x80xi32, #tpu.memory_space<vmem>> -> memref<1x80xi32, #tpu.memory_space<vmem>>
        %dma_start3A_326 = tpu.memref_squeeze %dma_start3A_325 : memref<1x80xi32, #tpu.memory_space<vmem>> -> memref<80xi32, #tpu.memory_space<vmem>>
        %dma_start3A_327 = arith.constant 0 : i32
        %dma_start3A_328 = arith.constant 0 : i32
        %dma_start3A_329 = tpu.memref_slice %arg6[%dma_start3A_327, %dma_start3A_328] : memref<20000x64xf32, #tpu.memory_space<hbm>> -> memref<20000x64xf32, #tpu.memory_space<hbm>>
        tpu.enqueue_indirect_dma source(%dma_start3A_329 : memref<20000x64xf32, #tpu.memory_space<hbm>>) target(%arg22 : memref<80x64xf32, #tpu.memory_space<vmem>>) offsets(%dma_start3A_326 : memref<80xi32, #tpu.memory_space<vmem>>) semaphore(%arg28 : memref<!tpu.dma_semaphore, #tpu.memory_space<semaphore_mem>>)
        %dma_start3A_330 = arith.constant 0 : i32
        %dma_start3A_331 = tpu.memref_slice %arg7[%multiple_of3A_322, %dma_start3A_330] : memref<327680x64xf32, #tpu.memory_space<hbm>> -> memref<80x64xf32, #tpu.memory_space<hbm>>
        %dma_start3A_332 = arith.constant 0 : i32
        %dma_start3A_333 = tpu.memref_slice %arg7[%multiple_of3A_322, %dma_start3A_332] : memref<327680x64xf32, #tpu.memory_space<hbm>> -> memref<80x64xf32, #tpu.memory_space<hbm>>
        tpu.enqueue_dma source(%dma_start3A_333 : memref<80x64xf32, #tpu.memory_space<hbm>>) target(%arg24 : memref<80x64xf32, #tpu.memory_space<vmem>>) target_semaphore(%arg28 : memref<!tpu.dma_semaphore, #tpu.memory_space<semaphore_mem>>)
      } else {
      }
      %add3A_270 = arith.constant 1 : i32
      %add3A_271 = arith.addi %add3A_201, %add3A_270 : i32
      %add3A_272 = arith.addi %mul3A_6, %mul3A_2 : i32
      %mul3A_273 = arith.constant 80 : i32
      %mul3A_274 = arith.muli %add3A_271, %mul3A_273 : i32
      %add3A_275 = arith.addi %add3A_272, %mul3A_274 : i32
      %multiple_of3A_276 = tpu.assume_multiple %add3A_275, 8 : i32
      %dma_wait3A_277 = arith.constant 0 : i32
      %dma_wait3A_278 = arith.constant 0 : i32
      %dma_wait3A_279 = tpu.memref_slice %arg15[%dma_wait3A_277, %dma_wait3A_278] : memref<2x80xi32, #tpu.memory_space<vmem>> -> memref<1x80xi32, #tpu.memory_space<vmem>>
      %dma_wait3A_280 = tpu.memref_squeeze %dma_wait3A_279 : memref<1x80xi32, #tpu.memory_space<vmem>> -> memref<80xi32, #tpu.memory_space<vmem>>
      %dma_wait3A_281 = arith.constant 0 : i32
      %dma_wait3A_282 = arith.constant 0 : i32
      %dma_wait3A_283 = tpu.memref_slice %arg6[%dma_wait3A_281, %dma_wait3A_282] : memref<20000x64xf32, #tpu.memory_space<hbm>> -> memref<20000x64xf32, #tpu.memory_space<hbm>>
      tpu.wait_indirect_dma semaphore(%arg29 : memref<!tpu.dma_semaphore, #tpu.memory_space<semaphore_mem>>) src(%dma_wait3A_283 : memref<20000x64xf32, #tpu.memory_space<hbm>>) dst(%arg23 : memref<80x64xf32, #tpu.memory_space<vmem>>)
      %dma_wait3A_284 = arith.constant 0 : i32
      %dma_wait3A_285 = tpu.memref_slice %arg7[%multiple_of3A_276, %dma_wait3A_284] : memref<327680x64xf32, #tpu.memory_space<hbm>> -> memref<80x64xf32, #tpu.memory_space<hbm>>
      %dma_wait3A_286 = arith.constant 0 : i32
      %dma_wait3A_287 = tpu.memref_slice %arg7[%multiple_of3A_276, %dma_wait3A_286] : memref<327680x64xf32, #tpu.memory_space<hbm>> -> memref<80x64xf32, #tpu.memory_space<hbm>>
      tpu.wait_dma2 semaphore(%arg29 : memref<!tpu.dma_semaphore, #tpu.memory_space<semaphore_mem>>) src(%dma_wait3A_287 : memref<80x64xf32, #tpu.memory_space<hbm>>) dst(%arg25 : memref<80x64xf32, #tpu.memory_space<vmem>>)
      %ge3A_288 = arith.constant 2 : i32
      %ge3A_289 = arith.cmpi sge, %add3A_271, %ge3A_288 : i32
      %convert_element_type3A_290 = arith.extui %ge3A_289 : i1 to i32
      %cond3A_291 = arith.constant 0 : i32
      %cond3A_292 = arith.cmpi ne, %convert_element_type3A_290, %cond3A_291 : i32
      scf.if %cond3A_292 {
        %dma_wait3A_306 = arith.constant 0 : i32
        %dma_wait3A_307 = arith.constant 0 : i32
        %dma_wait3A_308 = tpu.memref_slice %arg32[%dma_wait3A_306, %dma_wait3A_307] : memref<10112x64xf32, #tpu.memory_space<vmem_shared>> -> memref<10112x64xf32, #tpu.memory_space<vmem_shared>>
        tpu.wait_indirect_dma semaphore(%arg31 : memref<!tpu.dma_semaphore, #tpu.memory_space<semaphore_mem>>) src(%arg27 : memref<80x64xf32, #tpu.memory_space<vmem>>) dst(%dma_wait3A_308 : memref<10112x64xf32, #tpu.memory_space<vmem_shared>>)
      } else {
      }
      %scan3A_293 = arith.constant 0 : i32
      %scan3A_294 = arith.constant 80 : i32
      %scan3A_295 = arith.addi %scan3A_293, %scan3A_294 : i32
      %scan3A_296 = arith.constant 1 : i32
      scf.for %scan3A_306 = %scan3A_293 to %scan3A_295 step %scan3A_296  : i32 {
        %mul3A_307 = arith.constant 1 : i32
        %mul3A_308 = arith.muli %scan3A_306, %mul3A_307 : i32
        %add3A_309 = arith.constant 0 : i32
        %add3A_310 = arith.addi %add3A_309, %mul3A_308 : i32
        %get3A = arith.index_cast %add3A_310 : i32 to index
        %get3A_311 = arith.constant 0 : index
        %get3A_312 = tpu.vector_load %arg23[%get3A, %get3A_311] {strides = array<i32>} : memref<80x64xf32, #tpu.memory_space<vmem>>, vector<1x16xf32>,
        %get3A_313 = vector.shape_cast %get3A_312 : vector<1x16xf32> to vector<16xf32>
        %get3A_314 = arith.index_cast %add3A_310 : i32 to index
        %get3A_315 = arith.constant 0 : index
        %get3A_316 = tpu.vector_load %arg25[%get3A_314, %get3A_315] {strides = array<i32>} : memref<80x64xf32, #tpu.memory_space<vmem>>, vector<1x16xf32>,
        %get3A_317 = vector.shape_cast %get3A_316 : vector<1x16xf32> to vector<16xf32>
        %mul3A_318 = arith.mulf %get3A_313, %get3A_317 : vector<16xf32>
        %swap3A = arith.index_cast %add3A_310 : i32 to index
        %swap3A_319 = arith.constant 0 : index
        %swap3A_320 = tpu.vector_load %arg27[%swap3A, %swap3A_319] {strides = array<i32>} : memref<80x64xf32, #tpu.memory_space<vmem>>, vector<1x16xf32>,
        %swap3A_321 = vector.shape_cast %swap3A_320 : vector<1x16xf32> to vector<16xf32>
        %swap3A_322 = vector.shape_cast %mul3A_318 : vector<16xf32> to vector<1x16xf32>
        tpu.vector_store %arg27[%swap3A, %swap3A_319], %swap3A_322 {strides = array<i32>} : memref<80x64xf32, #tpu.memory_space<vmem>>, vector<1x16xf32>,
        %get3A_323 = arith.index_cast %add3A_310 : i32 to index
        %get3A_324 = arith.constant 16 : index
        %get3A_325 = tpu.vector_load %arg23[%get3A_323, %get3A_324] {strides = array<i32>} : memref<80x64xf32, #tpu.memory_space<vmem>>, vector<1x16xf32>,
        %get3A_326 = vector.shape_cast %get3A_325 : vector<1x16xf32> to vector<16xf32>
        %get3A_327 = arith.index_cast %add3A_310 : i32 to index
        %get3A_328 = arith.constant 16 : index
        %get3A_329 = tpu.vector_load %arg25[%get3A_327, %get3A_328] {strides = array<i32>} : memref<80x64xf32, #tpu.memory_space<vmem>>, vector<1x16xf32>,
        %get3A_330 = vector.shape_cast %get3A_329 : vector<1x16xf32> to vector<16xf32>
        %mul3A_331 = arith.mulf %get3A_326, %get3A_330 : vector<16xf32>
        %swap3A_332 = arith.index_cast %add3A_310 : i32 to index
        %swap3A_333 = arith.constant 16 : index
        %swap3A_334 = tpu.vector_load %arg27[%swap3A_332, %swap3A_333] {strides = array<i32>} : memref<80x64xf32, #tpu.memory_space<vmem>>, vector<1x16xf32>,
        %swap3A_335 = vector.shape_cast %swap3A_334 : vector<1x16xf32> to vector<16xf32>
        %swap3A_336 = vector.shape_cast %mul3A_331 : vector<16xf32> to vector<1x16xf32>
        tpu.vector_store %arg27[%swap3A_332, %swap3A_333], %swap3A_336 {strides = array<i32>} : memref<80x64xf32, #tpu.memory_space<vmem>>, vector<1x16xf32>,
        %get3A_337 = arith.index_cast %add3A_310 : i32 to index
        %get3A_338 = arith.constant 32 : index
        %get3A_339 = tpu.vector_load %arg23[%get3A_337, %get3A_338] {strides = array<i32>} : memref<80x64xf32, #tpu.memory_space<vmem>>, vector<1x16xf32>,
        %get3A_340 = vector.shape_cast %get3A_339 : vector<1x16xf32> to vector<16xf32>
        %get3A_341 = arith.index_cast %add3A_310 : i32 to index
        %get3A_342 = arith.constant 32 : index
        %get3A_343 = tpu.vector_load %arg25[%get3A_341, %get3A_342] {strides = array<i32>} : memref<80x64xf32, #tpu.memory_space<vmem>>, vector<1x16xf32>,
        %get3A_344 = vector.shape_cast %get3A_343 : vector<1x16xf32> to vector<16xf32>
        %mul3A_345 = arith.mulf %get3A_340, %get3A_344 : vector<16xf32>
        %swap3A_346 = arith.index_cast %add3A_310 : i32 to index
        %swap3A_347 = arith.constant 32 : index
        %swap3A_348 = tpu.vector_load %arg27[%swap3A_346, %swap3A_347] {strides = array<i32>} : memref<80x64xf32, #tpu.memory_space<vmem>>, vector<1x16xf32>,
        %swap3A_349 = vector.shape_cast %swap3A_348 : vector<1x16xf32> to vector<16xf32>
        %swap3A_350 = vector.shape_cast %mul3A_345 : vector<16xf32> to vector<1x16xf32>
        tpu.vector_store %arg27[%swap3A_346, %swap3A_347], %swap3A_350 {strides = array<i32>} : memref<80x64xf32, #tpu.memory_space<vmem>>, vector<1x16xf32>,
        %get3A_351 = arith.index_cast %add3A_310 : i32 to index
        %get3A_352 = arith.constant 48 : index
        %get3A_353 = tpu.vector_load %arg23[%get3A_351, %get3A_352] {strides = array<i32>} : memref<80x64xf32, #tpu.memory_space<vmem>>, vector<1x16xf32>,
        %get3A_354 = vector.shape_cast %get3A_353 : vector<1x16xf32> to vector<16xf32>
        %get3A_355 = arith.index_cast %add3A_310 : i32 to index
        %get3A_356 = arith.constant 48 : index
        %get3A_357 = tpu.vector_load %arg25[%get3A_355, %get3A_356] {strides = array<i32>} : memref<80x64xf32, #tpu.memory_space<vmem>>, vector<1x16xf32>,
        %get3A_358 = vector.shape_cast %get3A_357 : vector<1x16xf32> to vector<16xf32>
        %mul3A_359 = arith.mulf %get3A_354, %get3A_358 : vector<16xf32>
        %swap3A_360 = arith.index_cast %add3A_310 : i32 to index
        %swap3A_361 = arith.constant 48 : index
        %swap3A_362 = tpu.vector_load %arg27[%swap3A_360, %swap3A_361] {strides = array<i32>} : memref<80x64xf32, #tpu.memory_space<vmem>>, vector<1x16xf32>,
        %swap3A_363 = vector.shape_cast %swap3A_362 : vector<1x16xf32> to vector<16xf32>
        %swap3A_364 = vector.shape_cast %mul3A_359 : vector<16xf32> to vector<1x16xf32>
        tpu.vector_store %arg27[%swap3A_360, %swap3A_361], %swap3A_364 {strides = array<i32>} : memref<80x64xf32, #tpu.memory_space<vmem>>, vector<1x16xf32>,
      }
      %scan3A_297 = arith.constant 80 : i32
      %scan3A_298 = arith.constant 0 : i32
      %scan3A_299 = arith.constant 5 : i32
      %scan3A_300 = arith.addi %scan3A_298, %scan3A_299 : i32
      %scan3A_301 = arith.constant 1 : i32
      scf.for %scan3A_306 = %scan3A_298 to %scan3A_300 step %scan3A_301  : i32 {
        %mul3A_307 = arith.constant 1 : i32
        %mul3A_308 = arith.muli %scan3A_306, %mul3A_307 : i32
        %add3A_309 = arith.constant 0 : i32
        %add3A_310 = arith.addi %add3A_309, %mul3A_308 : i32
        %mul3A_311 = arith.constant 16 : i32
        %mul3A_312 = arith.muli %add3A_310, %mul3A_311 : i32
        %get3A = arith.constant 1 : i32
        %get3A_313 = arith.index_cast %get3A : i32 to index
        %get3A_314 = arith.index_cast %mul3A_312 : i32 to index
        %get3A_315 = tpu.vector_load %arg15[%get3A_313, %get3A_314] {strides = array<i32>} : memref<2x80xi32, #tpu.memory_space<vmem>>, vector<1x16xi32>,
        %get3A_316 = vector.shape_cast %get3A_315 : vector<1x16xi32> to vector<16xi32>
        %swap3A = arith.index_cast %mul3A_312 : i32 to index
        %swap3A_317 = tpu.vector_load %arg17[%swap3A] {strides = array<i32>} : memref<80xi32, #tpu.memory_space<vmem>>, vector<16xi32>,
        %swap3A_318 = vector.shape_cast %swap3A_317 : vector<16xi32> to vector<16xi32>
        %swap3A_319 = vector.shape_cast %get3A_316 : vector<16xi32> to vector<16xi32>
        tpu.vector_store %arg17[%swap3A], %swap3A_319 {strides = array<i32>} : memref<80xi32, #tpu.memory_space<vmem>>, vector<16xi32>,
      }
      %scan3A_302 = arith.constant 5 : i32
      %dma_start3A_303 = arith.constant 0 : i32
      %dma_start3A_304 = arith.constant 0 : i32
      %dma_start3A_305 = tpu.memref_slice %arg32[%dma_start3A_303, %dma_start3A_304] : memref<10112x64xf32, #tpu.memory_space<vmem_shared>> -> memref<10112x64xf32, #tpu.memory_space<vmem_shared>>
      tpu.enqueue_indirect_dma source(%arg27 : memref<80x64xf32, #tpu.memory_space<vmem>>) target(%dma_start3A_305 : memref<10112x64xf32, #tpu.memory_space<vmem_shared>>) offsets(%arg17 : memref<80xi32, #tpu.memory_space<vmem>>) semaphore(%arg31 : memref<!tpu.dma_semaphore, #tpu.memory_space<semaphore_mem>>) {add = true}
    }
    %scan3A_33 = arith.constant 64 : i32
    %dma_wait3A = arith.constant 0 : i32
    %dma_wait3A_34 = arith.constant 0 : i32
    %dma_wait3A_35 = tpu.memref_slice %arg32[%dma_wait3A, %dma_wait3A_34] : memref<10112x64xf32, #tpu.memory_space<vmem_shared>> -> memref<10112x64xf32, #tpu.memory_space<vmem_shared>>
    tpu.wait_indirect_dma semaphore(%arg30 : memref<!tpu.dma_semaphore, #tpu.memory_space<semaphore_mem>>) src(%arg26 : memref<80x64xf32, #tpu.memory_space<vmem>>) dst(%dma_wait3A_35 : memref<10112x64xf32, #tpu.memory_space<vmem_shared>>)
    %dma_wait3A_36 = arith.constant 0 : i32
    %dma_wait3A_37 = arith.constant 0 : i32
    %dma_wait3A_38 = tpu.memref_slice %arg32[%dma_wait3A_36, %dma_wait3A_37] : memref<10112x64xf32, #tpu.memory_space<vmem_shared>> -> memref<10112x64xf32, #tpu.memory_space<vmem_shared>>
    tpu.wait_indirect_dma semaphore(%arg31 : memref<!tpu.dma_semaphore, #tpu.memory_space<semaphore_mem>>) src(%arg27 : memref<80x64xf32, #tpu.memory_space<vmem>>) dst(%dma_wait3A_38 : memref<10112x64xf32, #tpu.memory_space<vmem_shared>>)
    %barrier3A_39 = arith.constant 0 : index
    tpu.barrier barrier_id(%barrier3A_39)
    %lt3A = arith.constant 15 : i32
    %lt3A_40 = arith.cmpi slt, %arg1, %lt3A : i32
    %convert_element_type3A = arith.extui %lt3A_40 : i1 to i32
    %cond3A = arith.constant 0 : i32
    %cond3A_41 = arith.cmpi ne, %convert_element_type3A, %cond3A : i32
    scf.if %cond3A_41 {
      "tpu.region"() ({
        %run_scoped3A = tpu.sem_alloc : memref<!tpu.dma_semaphore, #tpu.memory_space<semaphore_mem>>
        %dma_start3A_197 = arith.constant 0 : i32
        %dma_start3A_198 = tpu.memref_slice %arg12[%arg0, %mul3A_0, %dma_start3A_197] : memref<2x10000x64xf32, #tpu.memory_space<hbm>> -> memref<1x632x64xf32, #tpu.memory_space<hbm>>
        %dma_start3A_199 = tpu.memref_squeeze %dma_start3A_198 : memref<1x632x64xf32, #tpu.memory_space<hbm>> -> memref<632x64xf32, #tpu.memory_space<hbm>>
        %dma_start3A_200 = arith.constant 0 : i32
        %dma_start3A_201 = tpu.memref_slice %arg32[%mul3A_0, %dma_start3A_200] : memref<10112x64xf32, #tpu.memory_space<vmem_shared>> -> memref<632x64xf32, #tpu.memory_space<vmem_shared>>
        tpu.enqueue_dma source(%dma_start3A_201 : memref<632x64xf32, #tpu.memory_space<vmem_shared>>) target(%dma_start3A_199 : memref<632x64xf32, #tpu.memory_space<hbm>>) target_semaphore(%run_scoped3A : memref<!tpu.dma_semaphore, #tpu.memory_space<semaphore_mem>>)
        %dma_wait3A_202 = arith.constant 0 : i32
        %dma_wait3A_203 = tpu.memref_slice %arg12[%arg0, %mul3A_0, %dma_wait3A_202] : memref<2x10000x64xf32, #tpu.memory_space<hbm>> -> memref<1x632x64xf32, #tpu.memory_space<hbm>>
        %dma_wait3A_204 = tpu.memref_squeeze %dma_wait3A_203 : memref<1x632x64xf32, #tpu.memory_space<hbm>> -> memref<632x64xf32, #tpu.memory_space<hbm>>
        %dma_wait3A_205 = arith.constant 0 : i32
        %dma_wait3A_206 = tpu.memref_slice %arg32[%mul3A_0, %dma_wait3A_205] : memref<10112x64xf32, #tpu.memory_space<vmem_shared>> -> memref<632x64xf32, #tpu.memory_space<vmem_shared>>
        tpu.wait_dma2 semaphore(%run_scoped3A : memref<!tpu.dma_semaphore, #tpu.memory_space<semaphore_mem>>) src(%dma_wait3A_206 : memref<632x64xf32, #tpu.memory_space<vmem_shared>>) dst(%dma_wait3A_204 : memref<632x64xf32, #tpu.memory_space<hbm>>)
        tpu.yield
      }) : () -> ()
    } else {
    }
    %eq3A = arith.constant 15 : i32
    %eq3A_42 = arith.cmpi eq, %arg1, %eq3A : i32
    %convert_element_type3A_43 = arith.extui %eq3A_42 : i1 to i32
    %cond3A_44 = arith.constant 0 : i32
    %cond3A_45 = arith.cmpi ne, %convert_element_type3A_43, %cond3A_44 : i32
    scf.if %cond3A_45 {
      "tpu.region"() ({
        %run_scoped3A = tpu.sem_alloc : memref<!tpu.dma_semaphore, #tpu.memory_space<semaphore_mem>>
        %dma_start3A_197 = arith.constant 0 : i32
        %dma_start3A_198 = tpu.memref_slice %arg12[%arg0, %mul3A_0, %dma_start3A_197] : memref<2x10000x64xf32, #tpu.memory_space<hbm>> -> memref<1x520x64xf32, #tpu.memory_space<hbm>>
        %dma_start3A_199 = tpu.memref_squeeze %dma_start3A_198 : memref<1x520x64xf32, #tpu.memory_space<hbm>> -> memref<520x64xf32, #tpu.memory_space<hbm>>
        %dma_start3A_200 = arith.constant 0 : i32
        %dma_start3A_201 = tpu.memref_slice %arg32[%mul3A_0, %dma_start3A_200] : memref<10112x64xf32, #tpu.memory_space<vmem_shared>> -> memref<520x64xf32, #tpu.memory_space<vmem_shared>>
        tpu.enqueue_dma source(%dma_start3A_201 : memref<520x64xf32, #tpu.memory_space<vmem_shared>>) target(%dma_start3A_199 : memref<520x64xf32, #tpu.memory_space<hbm>>) target_semaphore(%run_scoped3A : memref<!tpu.dma_semaphore, #tpu.memory_space<semaphore_mem>>)
        %dma_wait3A_202 = arith.constant 0 : i32
        %dma_wait3A_203 = tpu.memref_slice %arg12[%arg0, %mul3A_0, %dma_wait3A_202] : memref<2x10000x64xf32, #tpu.memory_space<hbm>> -> memref<1x520x64xf32, #tpu.memory_space<hbm>>
        %dma_wait3A_204 = tpu.memref_squeeze %dma_wait3A_203 : memref<1x520x64xf32, #tpu.memory_space<hbm>> -> memref<520x64xf32, #tpu.memory_space<hbm>>
        %dma_wait3A_205 = arith.constant 0 : i32
        %dma_wait3A_206 = tpu.memref_slice %arg32[%mul3A_0, %dma_wait3A_205] : memref<10112x64xf32, #tpu.memory_space<vmem_shared>> -> memref<520x64xf32, #tpu.memory_space<vmem_shared>>
        tpu.wait_dma2 semaphore(%run_scoped3A : memref<!tpu.dma_semaphore, #tpu.memory_space<semaphore_mem>>) src(%dma_wait3A_206 : memref<520x64xf32, #tpu.memory_space<vmem_shared>>) dst(%dma_wait3A_204 : memref<520x64xf32, #tpu.memory_space<hbm>>)
        tpu.yield
      }) : () -> ()
    } else {
    }
    %barrier3A_46 = arith.constant 0 : index
    tpu.barrier barrier_id(%barrier3A_46)
    "tpu.region"() ({
      %run_scoped3A = tpu.sem_alloc : memref<!tpu.dma_semaphore, #tpu.memory_space<semaphore_mem>>
      %dma_start3A_197 = arith.constant 0 : i32
      %dma_start3A_198 = tpu.memref_slice %arg32[%mul3A_0, %dma_start3A_197] : memref<10112x64xf32, #tpu.memory_space<vmem_shared>> -> memref<632x64xf32, #tpu.memory_space<vmem_shared>>
      %dma_start3A_199 = arith.constant 0 : i32
      %dma_start3A_200 = tpu.memref_slice %arg11[%mul3A_0, %dma_start3A_199] : memref<10112x64xf32, #tpu.memory_space<hbm>> -> memref<632x64xf32, #tpu.memory_space<hbm>>
      tpu.enqueue_dma source(%dma_start3A_200 : memref<632x64xf32, #tpu.memory_space<hbm>>) target(%dma_start3A_198 : memref<632x64xf32, #tpu.memory_space<vmem_shared>>) target_semaphore(%run_scoped3A : memref<!tpu.dma_semaphore, #tpu.memory_space<semaphore_mem>>)
      %dma_wait3A_201 = arith.constant 0 : i32
      %dma_wait3A_202 = tpu.memref_slice %arg32[%mul3A_0, %dma_wait3A_201] : memref<10112x64xf32, #tpu.memory_space<vmem_shared>> -> memref<632x64xf32, #tpu.memory_space<vmem_shared>>
      %dma_wait3A_203 = arith.constant 0 : i32
      %dma_wait3A_204 = tpu.memref_slice %arg11[%mul3A_0, %dma_wait3A_203] : memref<10112x64xf32, #tpu.memory_space<hbm>> -> memref<632x64xf32, #tpu.memory_space<hbm>>
      tpu.wait_dma2 semaphore(%run_scoped3A : memref<!tpu.dma_semaphore, #tpu.memory_space<semaphore_mem>>) src(%dma_wait3A_204 : memref<632x64xf32, #tpu.memory_space<hbm>>) dst(%dma_wait3A_202 : memref<632x64xf32, #tpu.memory_space<vmem_shared>>)
      tpu.yield
    }) : () -> ()
    %barrier3A_47 = arith.constant 0 : index
    tpu.barrier barrier_id(%barrier3A_47)
    %mul3A_48 = arith.constant 128 : i32
    %mul3A_49 = arith.muli %arg1, %mul3A_48 : i32
    %add3A_50 = arith.constant 0 : i32
    %add3A_51 = arith.addi %mul3A_49, %add3A_50 : i32
    %mul3A_52 = arith.constant 2 : i32
    %mul3A_53 = arith.muli %mul3A_52, %add3A_51 : i32
    "tpu.region"() ({
      %run_scoped3A = tpu.sem_alloc : memref<!tpu.dma_semaphore, #tpu.memory_space<semaphore_mem>>
      %dma_start3A_197 = arith.constant 0 : i32
      %dma_start3A_198 = tpu.memref_slice %arg2[%mul3A_53, %dma_start3A_197] : memref<4096x80xi32, #tpu.memory_space<hbm>> -> memref<2x80xi32, #tpu.memory_space<hbm>>
      %dma_start3A_199 = arith.constant 0 : i32
      %dma_start3A_200 = tpu.memref_slice %arg2[%mul3A_53, %dma_start3A_199] : memref<4096x80xi32, #tpu.memory_space<hbm>> -> memref<2x80xi32, #tpu.memory_space<hbm>>
      tpu.enqueue_dma source(%dma_start3A_200 : memref<2x80xi32, #tpu.memory_space<hbm>>) target(%arg14 : memref<2x80xi32, #tpu.memory_space<vmem>>) target_semaphore(%run_scoped3A : memref<!tpu.dma_semaphore, #tpu.memory_space<semaphore_mem>>)
      %dma_wait3A_201 = arith.constant 0 : i32
      %dma_wait3A_202 = tpu.memref_slice %arg2[%mul3A_53, %dma_wait3A_201] : memref<4096x80xi32, #tpu.memory_space<hbm>> -> memref<2x80xi32, #tpu.memory_space<hbm>>
      %dma_wait3A_203 = arith.constant 0 : i32
      %dma_wait3A_204 = tpu.memref_slice %arg2[%mul3A_53, %dma_wait3A_203] : memref<4096x80xi32, #tpu.memory_space<hbm>> -> memref<2x80xi32, #tpu.memory_space<hbm>>
      tpu.wait_dma2 semaphore(%run_scoped3A : memref<!tpu.dma_semaphore, #tpu.memory_space<semaphore_mem>>) src(%dma_wait3A_204 : memref<2x80xi32, #tpu.memory_space<hbm>>) dst(%arg14 : memref<2x80xi32, #tpu.memory_space<vmem>>)
      tpu.yield
    }) : () -> ()
    %scan3A_54 = arith.constant 0 : i32
    %scan3A_55 = arith.constant 5 : i32
    %scan3A_56 = arith.addi %scan3A_54, %scan3A_55 : i32
    %scan3A_57 = arith.constant 1 : i32
    scf.for %scan3A_197 = %scan3A_54 to %scan3A_56 step %scan3A_57  : i32 {
      %mul3A_198 = arith.constant 1 : i32
      %mul3A_199 = arith.muli %scan3A_197, %mul3A_198 : i32
      %add3A_200 = arith.constant 0 : i32
      %add3A_201 = arith.addi %add3A_200, %mul3A_199 : i32
      %mul3A_202 = arith.constant 16 : i32
      %mul3A_203 = arith.muli %add3A_201, %mul3A_202 : i32
      %get3A = arith.constant 0 : i32
      %get3A_204 = arith.index_cast %get3A : i32 to index
      %get3A_205 = arith.index_cast %mul3A_203 : i32 to index
      %get3A_206 = tpu.vector_load %arg14[%get3A_204, %get3A_205] {strides = array<i32>} : memref<2x80xi32, #tpu.memory_space<vmem>>, vector<1x16xi32>,
      %get3A_207 = vector.shape_cast %get3A_206 : vector<1x16xi32> to vector<16xi32>
      %add3A_208 = vector.broadcast %mul3A_4 : i32 to vector<16xi32>
      %add3A_209 = arith.addi %get3A_207, %add3A_208 : vector<16xi32>
      %swap3A = arith.constant 0 : i32
      %swap3A_210 = arith.index_cast %swap3A : i32 to index
      %swap3A_211 = arith.index_cast %mul3A_203 : i32 to index
      %swap3A_212 = tpu.vector_load %arg14[%swap3A_210, %swap3A_211] {strides = array<i32>} : memref<2x80xi32, #tpu.memory_space<vmem>>, vector<1x16xi32>,
      %swap3A_213 = vector.shape_cast %swap3A_212 : vector<1x16xi32> to vector<16xi32>
      %swap3A_214 = vector.shape_cast %add3A_209 : vector<16xi32> to vector<1x16xi32>
      tpu.vector_store %arg14[%swap3A_210, %swap3A_211], %swap3A_214 {strides = array<i32>} : memref<2x80xi32, #tpu.memory_space<vmem>>, vector<1x16xi32>,
    }
    %scan3A_58 = arith.constant 5 : i32
    %add3A_59 = arith.addi %mul3A_6, %mul3A_2 : i32
    %add3A_60 = arith.constant 0 : i32
    %add3A_61 = arith.addi %add3A_59, %add3A_60 : i32
    %multiple_of3A_62 = tpu.assume_multiple %add3A_61, 8 : i32
    %dma_start3A_63 = arith.constant 0 : i32
    %dma_start3A_64 = arith.constant 0 : i32
    %dma_start3A_65 = tpu.memref_slice %arg14[%dma_start3A_63, %dma_start3A_64] : memref<2x80xi32, #tpu.memory_space<vmem>> -> memref<1x80xi32, #tpu.memory_space<vmem>>
    %dma_start3A_66 = tpu.memref_squeeze %dma_start3A_65 : memref<1x80xi32, #tpu.memory_space<vmem>> -> memref<80xi32, #tpu.memory_space<vmem>>
    %dma_start3A_67 = arith.constant 0 : i32
    %dma_start3A_68 = arith.constant 0 : i32
    %dma_start3A_69 = tpu.memref_slice %arg3[%dma_start3A_67, %dma_start3A_68] : memref<20000x192xf32, #tpu.memory_space<hbm>> -> memref<20000x192xf32, #tpu.memory_space<hbm>>
    tpu.enqueue_indirect_dma source(%dma_start3A_69 : memref<20000x192xf32, #tpu.memory_space<hbm>>) target(%arg18 : memref<80x192xf32, #tpu.memory_space<vmem>>) offsets(%dma_start3A_66 : memref<80xi32, #tpu.memory_space<vmem>>) semaphore(%arg28 : memref<!tpu.dma_semaphore, #tpu.memory_space<semaphore_mem>>)
    %dma_start3A_70 = arith.constant 0 : i32
    %dma_start3A_71 = tpu.memref_slice %arg8[%multiple_of3A_62, %dma_start3A_70] : memref<327680x128xf32, #tpu.memory_space<hbm>> -> memref<80x128xf32, #tpu.memory_space<hbm>>
    %dma_start3A_72 = arith.constant 0 : i32
    %dma_start3A_73 = tpu.memref_slice %arg8[%multiple_of3A_62, %dma_start3A_72] : memref<327680x128xf32, #tpu.memory_space<hbm>> -> memref<80x128xf32, #tpu.memory_space<hbm>>
    tpu.enqueue_dma source(%dma_start3A_73 : memref<80x128xf32, #tpu.memory_space<hbm>>) target(%arg20 : memref<80x128xf32, #tpu.memory_space<vmem>>) target_semaphore(%arg28 : memref<!tpu.dma_semaphore, #tpu.memory_space<semaphore_mem>>)
    %scan3A_74 = arith.constant 0 : i32
    %scan3A_75 = arith.constant 64 : i32
    %scan3A_76 = arith.addi %scan3A_74, %scan3A_75 : i32
    %scan3A_77 = arith.constant 1 : i32
    scf.for %scan3A_197 = %scan3A_74 to %scan3A_76 step %scan3A_77  : i32 {
      %mul3A_198 = arith.constant 2 : i32
      %mul3A_199 = arith.muli %scan3A_197, %mul3A_198 : i32
      %add3A_200 = arith.constant 0 : i32
      %add3A_201 = arith.addi %add3A_200, %mul3A_199 : i32
      %add3A_202 = arith.constant 1 : i32
      %add3A_203 = arith.addi %add3A_201, %add3A_202 : i32
      %mul3A_204 = arith.constant 128 : i32
      %mul3A_205 = arith.muli %arg1, %mul3A_204 : i32
      %add3A_206 = arith.addi %mul3A_205, %add3A_203 : i32
      %mul3A_207 = arith.constant 2 : i32
      %mul3A_208 = arith.muli %mul3A_207, %add3A_206 : i32
      "tpu.region"() ({
        %run_scoped3A = tpu.sem_alloc : memref<!tpu.dma_semaphore, #tpu.memory_space<semaphore_mem>>
        %dma_start3A_306 = arith.constant 0 : i32
        %dma_start3A_307 = tpu.memref_slice %arg2[%mul3A_208, %dma_start3A_306] : memref<4096x80xi32, #tpu.memory_space<hbm>> -> memref<2x80xi32, #tpu.memory_space<hbm>>
        %dma_start3A_308 = arith.constant 0 : i32
        %dma_start3A_309 = tpu.memref_slice %arg2[%mul3A_208, %dma_start3A_308] : memref<4096x80xi32, #tpu.memory_space<hbm>> -> memref<2x80xi32, #tpu.memory_space<hbm>>
        tpu.enqueue_dma source(%dma_start3A_309 : memref<2x80xi32, #tpu.memory_space<hbm>>) target(%arg15 : memref<2x80xi32, #tpu.memory_space<vmem>>) target_semaphore(%run_scoped3A : memref<!tpu.dma_semaphore, #tpu.memory_space<semaphore_mem>>)
        %dma_wait3A_310 = arith.constant 0 : i32
        %dma_wait3A_311 = tpu.memref_slice %arg2[%mul3A_208, %dma_wait3A_310] : memref<4096x80xi32, #tpu.memory_space<hbm>> -> memref<2x80xi32, #tpu.memory_space<hbm>>
        %dma_wait3A_312 = arith.constant 0 : i32
        %dma_wait3A_313 = tpu.memref_slice %arg2[%mul3A_208, %dma_wait3A_312] : memref<4096x80xi32, #tpu.memory_space<hbm>> -> memref<2x80xi32, #tpu.memory_space<hbm>>
        tpu.wait_dma2 semaphore(%run_scoped3A : memref<!tpu.dma_semaphore, #tpu.memory_space<semaphore_mem>>) src(%dma_wait3A_313 : memref<2x80xi32, #tpu.memory_space<hbm>>) dst(%arg15 : memref<2x80xi32, #tpu.memory_space<vmem>>)
        tpu.yield
      }) : () -> ()
      %scan3A_209 = arith.constant 0 : i32
      %scan3A_210 = arith.constant 5 : i32
      %scan3A_211 = arith.addi %scan3A_209, %scan3A_210 : i32
      %scan3A_212 = arith.constant 1 : i32
      scf.for %scan3A_306 = %scan3A_209 to %scan3A_211 step %scan3A_212  : i32 {
        %mul3A_307 = arith.constant 1 : i32
        %mul3A_308 = arith.muli %scan3A_306, %mul3A_307 : i32
        %add3A_309 = arith.constant 0 : i32
        %add3A_310 = arith.addi %add3A_309, %mul3A_308 : i32
        %mul3A_311 = arith.constant 16 : i32
        %mul3A_312 = arith.muli %add3A_310, %mul3A_311 : i32
        %get3A = arith.constant 0 : i32
        %get3A_313 = arith.index_cast %get3A : i32 to index
        %get3A_314 = arith.index_cast %mul3A_312 : i32 to index
        %get3A_315 = tpu.vector_load %arg15[%get3A_313, %get3A_314] {strides = array<i32>} : memref<2x80xi32, #tpu.memory_space<vmem>>, vector<1x16xi32>,
        %get3A_316 = vector.shape_cast %get3A_315 : vector<1x16xi32> to vector<16xi32>
        %add3A_317 = vector.broadcast %mul3A_4 : i32 to vector<16xi32>
        %add3A_318 = arith.addi %get3A_316, %add3A_317 : vector<16xi32>
        %swap3A = arith.constant 0 : i32
        %swap3A_319 = arith.index_cast %swap3A : i32 to index
        %swap3A_320 = arith.index_cast %mul3A_312 : i32 to index
        %swap3A_321 = tpu.vector_load %arg15[%swap3A_319, %swap3A_320] {strides = array<i32>} : memref<2x80xi32, #tpu.memory_space<vmem>>, vector<1x16xi32>,
        %swap3A_322 = vector.shape_cast %swap3A_321 : vector<1x16xi32> to vector<16xi32>
        %swap3A_323 = vector.shape_cast %add3A_318 : vector<16xi32> to vector<1x16xi32>
        tpu.vector_store %arg15[%swap3A_319, %swap3A_320], %swap3A_323 {strides = array<i32>} : memref<2x80xi32, #tpu.memory_space<vmem>>, vector<1x16xi32>,
      }
      %scan3A_213 = arith.constant 5 : i32
      %add3A_214 = arith.addi %mul3A_6, %mul3A_2 : i32
      %mul3A_215 = arith.constant 80 : i32
      %mul3A_216 = arith.muli %add3A_203, %mul3A_215 : i32
      %add3A_217 = arith.addi %add3A_214, %mul3A_216 : i32
      %multiple_of3A_218 = tpu.assume_multiple %add3A_217, 8 : i32
      %dma_start3A_219 = arith.constant 0 : i32
      %dma_start3A_220 = arith.constant 0 : i32
      %dma_start3A_221 = tpu.memref_slice %arg15[%dma_start3A_219, %dma_start3A_220] : memref<2x80xi32, #tpu.memory_space<vmem>> -> memref<1x80xi32, #tpu.memory_space<vmem>>
      %dma_start3A_222 = tpu.memref_squeeze %dma_start3A_221 : memref<1x80xi32, #tpu.memory_space<vmem>> -> memref<80xi32, #tpu.memory_space<vmem>>
      %dma_start3A_223 = arith.constant 0 : i32
      %dma_start3A_224 = arith.constant 0 : i32
      %dma_start3A_225 = tpu.memref_slice %arg3[%dma_start3A_223, %dma_start3A_224] : memref<20000x192xf32, #tpu.memory_space<hbm>> -> memref<20000x192xf32, #tpu.memory_space<hbm>>
      tpu.enqueue_indirect_dma source(%dma_start3A_225 : memref<20000x192xf32, #tpu.memory_space<hbm>>) target(%arg19 : memref<80x192xf32, #tpu.memory_space<vmem>>) offsets(%dma_start3A_222 : memref<80xi32, #tpu.memory_space<vmem>>) semaphore(%arg29 : memref<!tpu.dma_semaphore, #tpu.memory_space<semaphore_mem>>)
      %dma_start3A_226 = arith.constant 0 : i32
      %dma_start3A_227 = tpu.memref_slice %arg8[%multiple_of3A_218, %dma_start3A_226] : memref<327680x128xf32, #tpu.memory_space<hbm>> -> memref<80x128xf32, #tpu.memory_space<hbm>>
      %dma_start3A_228 = arith.constant 0 : i32
      %dma_start3A_229 = tpu.memref_slice %arg8[%multiple_of3A_218, %dma_start3A_228] : memref<327680x128xf32, #tpu.memory_space<hbm>> -> memref<80x128xf32, #tpu.memory_space<hbm>>
      tpu.enqueue_dma source(%dma_start3A_229 : memref<80x128xf32, #tpu.memory_space<hbm>>) target(%arg21 : memref<80x128xf32, #tpu.memory_space<vmem>>) target_semaphore(%arg29 : memref<!tpu.dma_semaphore, #tpu.memory_space<semaphore_mem>>)
      %add3A_230 = arith.addi %mul3A_6, %mul3A_2 : i32
      %mul3A_231 = arith.constant 80 : i32
      %mul3A_232 = arith.muli %add3A_201, %mul3A_231 : i32
      %add3A_233 = arith.addi %add3A_230, %mul3A_232 : i32
      %multiple_of3A_234 = tpu.assume_multiple %add3A_233, 8 : i32
      %dma_wait3A_235 = arith.constant 0 : i32
      %dma_wait3A_236 = arith.constant 0 : i32
      %dma_wait3A_237 = tpu.memref_slice %arg14[%dma_wait3A_235, %dma_wait3A_236] : memref<2x80xi32, #tpu.memory_space<vmem>> -> memref<1x80xi32, #tpu.memory_space<vmem>>
      %dma_wait3A_238 = tpu.memref_squeeze %dma_wait3A_237 : memref<1x80xi32, #tpu.memory_space<vmem>> -> memref<80xi32, #tpu.memory_space<vmem>>
      %dma_wait3A_239 = arith.constant 0 : i32
      %dma_wait3A_240 = arith.constant 0 : i32
      %dma_wait3A_241 = tpu.memref_slice %arg3[%dma_wait3A_239, %dma_wait3A_240] : memref<20000x192xf32, #tpu.memory_space<hbm>> -> memref<20000x192xf32, #tpu.memory_space<hbm>>
      tpu.wait_indirect_dma semaphore(%arg28 : memref<!tpu.dma_semaphore, #tpu.memory_space<semaphore_mem>>) src(%dma_wait3A_241 : memref<20000x192xf32, #tpu.memory_space<hbm>>) dst(%arg18 : memref<80x192xf32, #tpu.memory_space<vmem>>)
      %dma_wait3A_242 = arith.constant 0 : i32
      %dma_wait3A_243 = tpu.memref_slice %arg8[%multiple_of3A_234, %dma_wait3A_242] : memref<327680x128xf32, #tpu.memory_space<hbm>> -> memref<80x128xf32, #tpu.memory_space<hbm>>
      %dma_wait3A_244 = arith.constant 0 : i32
      %dma_wait3A_245 = tpu.memref_slice %arg8[%multiple_of3A_234, %dma_wait3A_244] : memref<327680x128xf32, #tpu.memory_space<hbm>> -> memref<80x128xf32, #tpu.memory_space<hbm>>
      tpu.wait_dma2 semaphore(%arg28 : memref<!tpu.dma_semaphore, #tpu.memory_space<semaphore_mem>>) src(%dma_wait3A_245 : memref<80x128xf32, #tpu.memory_space<hbm>>) dst(%arg20 : memref<80x128xf32, #tpu.memory_space<vmem>>)
      %ge3A = arith.constant 2 : i32
      %ge3A_246 = arith.cmpi sge, %add3A_201, %ge3A : i32
      %convert_element_type3A_247 = arith.extui %ge3A_246 : i1 to i32
      %cond3A_248 = arith.constant 0 : i32
      %cond3A_249 = arith.cmpi ne, %convert_element_type3A_247, %cond3A_248 : i32
      scf.if %cond3A_249 {
        %dma_wait3A_306 = arith.constant 0 : i32
        %dma_wait3A_307 = arith.constant 0 : i32
        %dma_wait3A_308 = tpu.memref_slice %arg32[%dma_wait3A_306, %dma_wait3A_307] : memref<10112x64xf32, #tpu.memory_space<vmem_shared>> -> memref<10112x64xf32, #tpu.memory_space<vmem_shared>>
        tpu.wait_indirect_dma semaphore(%arg30 : memref<!tpu.dma_semaphore, #tpu.memory_space<semaphore_mem>>) src(%arg26 : memref<80x64xf32, #tpu.memory_space<vmem>>) dst(%dma_wait3A_308 : memref<10112x64xf32, #tpu.memory_space<vmem_shared>>)
      } else {
      }
      %scan3A_250 = arith.constant 0 : i32
      %scan3A_251 = arith.constant 80 : i32
      %scan3A_252 = arith.addi %scan3A_250, %scan3A_251 : i32
      %scan3A_253 = arith.constant 1 : i32
      scf.for %scan3A_306 = %scan3A_250 to %scan3A_252 step %scan3A_253  : i32 {
        %mul3A_307 = arith.constant 1 : i32
        %mul3A_308 = arith.muli %scan3A_306, %mul3A_307 : i32
        %add3A_309 = arith.constant 0 : i32
        %add3A_310 = arith.addi %add3A_309, %mul3A_308 : i32
        %get3A = arith.index_cast %add3A_310 : i32 to index
        %get3A_311 = arith.constant 0 : index
        %get3A_312 = tpu.vector_load %arg18[%get3A, %get3A_311] {strides = array<i32>} : memref<80x192xf32, #tpu.memory_space<vmem>>, vector<1x16xf32>,
        %get3A_313 = vector.shape_cast %get3A_312 : vector<1x16xf32> to vector<16xf32>
        %get3A_314 = arith.index_cast %add3A_310 : i32 to index
        %get3A_315 = arith.constant 0 : index
        %get3A_316 = tpu.vector_load %arg20[%get3A_314, %get3A_315] {strides = array<i32>} : memref<80x128xf32, #tpu.memory_space<vmem>>, vector<1x16xf32>,
        %get3A_317 = vector.shape_cast %get3A_316 : vector<1x16xf32> to vector<16xf32>
        %mul3A_318 = arith.mulf %get3A_313, %get3A_317 : vector<16xf32>
        %get3A_319 = arith.index_cast %add3A_310 : i32 to index
        %get3A_320 = arith.constant 128 : index
        %get3A_321 = tpu.vector_load %arg18[%get3A_319, %get3A_320] {strides = array<i32>} : memref<80x192xf32, #tpu.memory_space<vmem>>, vector<1x16xf32>,
        %get3A_322 = vector.shape_cast %get3A_321 : vector<1x16xf32> to vector<16xf32>
        %mul3A_323 = arith.mulf %mul3A_318, %get3A_322 : vector<16xf32>
        %get3A_324 = arith.index_cast %add3A_310 : i32 to index
        %get3A_325 = arith.constant 64 : index
        %get3A_326 = tpu.vector_load %arg18[%get3A_324, %get3A_325] {strides = array<i32>} : memref<80x192xf32, #tpu.memory_space<vmem>>, vector<1x16xf32>,
        %get3A_327 = vector.shape_cast %get3A_326 : vector<1x16xf32> to vector<16xf32>
        %get3A_328 = arith.index_cast %add3A_310 : i32 to index
        %get3A_329 = arith.constant 64 : index
        %get3A_330 = tpu.vector_load %arg20[%get3A_328, %get3A_329] {strides = array<i32>} : memref<80x128xf32, #tpu.memory_space<vmem>>, vector<1x16xf32>,
        %get3A_331 = vector.shape_cast %get3A_330 : vector<1x16xf32> to vector<16xf32>
        %mul3A_332 = arith.mulf %get3A_327, %get3A_331 : vector<16xf32>
        %add3A_333 = arith.addf %mul3A_323, %mul3A_332 : vector<16xf32>
        %swap3A = arith.index_cast %add3A_310 : i32 to index
        %swap3A_334 = arith.constant 0 : index
        %swap3A_335 = tpu.vector_load %arg26[%swap3A, %swap3A_334] {strides = array<i32>} : memref<80x64xf32, #tpu.memory_space<vmem>>, vector<1x16xf32>,
        %swap3A_336 = vector.shape_cast %swap3A_335 : vector<1x16xf32> to vector<16xf32>
        %swap3A_337 = vector.shape_cast %add3A_333 : vector<16xf32> to vector<1x16xf32>
        tpu.vector_store %arg26[%swap3A, %swap3A_334], %swap3A_337 {strides = array<i32>} : memref<80x64xf32, #tpu.memory_space<vmem>>, vector<1x16xf32>,
        %get3A_338 = arith.index_cast %add3A_310 : i32 to index
        %get3A_339 = arith.constant 16 : index
        %get3A_340 = tpu.vector_load %arg18[%get3A_338, %get3A_339] {strides = array<i32>} : memref<80x192xf32, #tpu.memory_space<vmem>>, vector<1x16xf32>,
        %get3A_341 = vector.shape_cast %get3A_340 : vector<1x16xf32> to vector<16xf32>
        %get3A_342 = arith.index_cast %add3A_310 : i32 to index
        %get3A_343 = arith.constant 16 : index
        %get3A_344 = tpu.vector_load %arg20[%get3A_342, %get3A_343] {strides = array<i32>} : memref<80x128xf32, #tpu.memory_space<vmem>>, vector<1x16xf32>,
        %get3A_345 = vector.shape_cast %get3A_344 : vector<1x16xf32> to vector<16xf32>
        %mul3A_346 = arith.mulf %get3A_341, %get3A_345 : vector<16xf32>
        %get3A_347 = arith.index_cast %add3A_310 : i32 to index
        %get3A_348 = arith.constant 144 : index
        %get3A_349 = tpu.vector_load %arg18[%get3A_347, %get3A_348] {strides = array<i32>} : memref<80x192xf32, #tpu.memory_space<vmem>>, vector<1x16xf32>,
        %get3A_350 = vector.shape_cast %get3A_349 : vector<1x16xf32> to vector<16xf32>
        %mul3A_351 = arith.mulf %mul3A_346, %get3A_350 : vector<16xf32>
        %get3A_352 = arith.index_cast %add3A_310 : i32 to index
        %get3A_353 = arith.constant 80 : index
        %get3A_354 = tpu.vector_load %arg18[%get3A_352, %get3A_353] {strides = array<i32>} : memref<80x192xf32, #tpu.memory_space<vmem>>, vector<1x16xf32>,
        %get3A_355 = vector.shape_cast %get3A_354 : vector<1x16xf32> to vector<16xf32>
        %get3A_356 = arith.index_cast %add3A_310 : i32 to index
        %get3A_357 = arith.constant 80 : index
        %get3A_358 = tpu.vector_load %arg20[%get3A_356, %get3A_357] {strides = array<i32>} : memref<80x128xf32, #tpu.memory_space<vmem>>, vector<1x16xf32>,
        %get3A_359 = vector.shape_cast %get3A_358 : vector<1x16xf32> to vector<16xf32>
        %mul3A_360 = arith.mulf %get3A_355, %get3A_359 : vector<16xf32>
        %add3A_361 = arith.addf %mul3A_351, %mul3A_360 : vector<16xf32>
        %swap3A_362 = arith.index_cast %add3A_310 : i32 to index
        %swap3A_363 = arith.constant 16 : index
        %swap3A_364 = tpu.vector_load %arg26[%swap3A_362, %swap3A_363] {strides = array<i32>} : memref<80x64xf32, #tpu.memory_space<vmem>>, vector<1x16xf32>,
        %swap3A_365 = vector.shape_cast %swap3A_364 : vector<1x16xf32> to vector<16xf32>
        %swap3A_366 = vector.shape_cast %add3A_361 : vector<16xf32> to vector<1x16xf32>
        tpu.vector_store %arg26[%swap3A_362, %swap3A_363], %swap3A_366 {strides = array<i32>} : memref<80x64xf32, #tpu.memory_space<vmem>>, vector<1x16xf32>,
        %get3A_367 = arith.index_cast %add3A_310 : i32 to index
        %get3A_368 = arith.constant 32 : index
        %get3A_369 = tpu.vector_load %arg18[%get3A_367, %get3A_368] {strides = array<i32>} : memref<80x192xf32, #tpu.memory_space<vmem>>, vector<1x16xf32>,
        %get3A_370 = vector.shape_cast %get3A_369 : vector<1x16xf32> to vector<16xf32>
        %get3A_371 = arith.index_cast %add3A_310 : i32 to index
        %get3A_372 = arith.constant 32 : index
        %get3A_373 = tpu.vector_load %arg20[%get3A_371, %get3A_372] {strides = array<i32>} : memref<80x128xf32, #tpu.memory_space<vmem>>, vector<1x16xf32>,
        %get3A_374 = vector.shape_cast %get3A_373 : vector<1x16xf32> to vector<16xf32>
        %mul3A_375 = arith.mulf %get3A_370, %get3A_374 : vector<16xf32>
        %get3A_376 = arith.index_cast %add3A_310 : i32 to index
        %get3A_377 = arith.constant 160 : index
        %get3A_378 = tpu.vector_load %arg18[%get3A_376, %get3A_377] {strides = array<i32>} : memref<80x192xf32, #tpu.memory_space<vmem>>, vector<1x16xf32>,
        %get3A_379 = vector.shape_cast %get3A_378 : vector<1x16xf32> to vector<16xf32>
        %mul3A_380 = arith.mulf %mul3A_375, %get3A_379 : vector<16xf32>
        %get3A_381 = arith.index_cast %add3A_310 : i32 to index
        %get3A_382 = arith.constant 96 : index
        %get3A_383 = tpu.vector_load %arg18[%get3A_381, %get3A_382] {strides = array<i32>} : memref<80x192xf32, #tpu.memory_space<vmem>>, vector<1x16xf32>,
        %get3A_384 = vector.shape_cast %get3A_383 : vector<1x16xf32> to vector<16xf32>
        %get3A_385 = arith.index_cast %add3A_310 : i32 to index
        %get3A_386 = arith.constant 96 : index
        %get3A_387 = tpu.vector_load %arg20[%get3A_385, %get3A_386] {strides = array<i32>} : memref<80x128xf32, #tpu.memory_space<vmem>>, vector<1x16xf32>,
        %get3A_388 = vector.shape_cast %get3A_387 : vector<1x16xf32> to vector<16xf32>
        %mul3A_389 = arith.mulf %get3A_384, %get3A_388 : vector<16xf32>
        %add3A_390 = arith.addf %mul3A_380, %mul3A_389 : vector<16xf32>
        %swap3A_391 = arith.index_cast %add3A_310 : i32 to index
        %swap3A_392 = arith.constant 32 : index
        %swap3A_393 = tpu.vector_load %arg26[%swap3A_391, %swap3A_392] {strides = array<i32>} : memref<80x64xf32, #tpu.memory_space<vmem>>, vector<1x16xf32>,
        %swap3A_394 = vector.shape_cast %swap3A_393 : vector<1x16xf32> to vector<16xf32>
        %swap3A_395 = vector.shape_cast %add3A_390 : vector<16xf32> to vector<1x16xf32>
        tpu.vector_store %arg26[%swap3A_391, %swap3A_392], %swap3A_395 {strides = array<i32>} : memref<80x64xf32, #tpu.memory_space<vmem>>, vector<1x16xf32>,
        %get3A_396 = arith.index_cast %add3A_310 : i32 to index
        %get3A_397 = arith.constant 48 : index
        %get3A_398 = tpu.vector_load %arg18[%get3A_396, %get3A_397] {strides = array<i32>} : memref<80x192xf32, #tpu.memory_space<vmem>>, vector<1x16xf32>,
        %get3A_399 = vector.shape_cast %get3A_398 : vector<1x16xf32> to vector<16xf32>
        %get3A_400 = arith.index_cast %add3A_310 : i32 to index
        %get3A_401 = arith.constant 48 : index
        %get3A_402 = tpu.vector_load %arg20[%get3A_400, %get3A_401] {strides = array<i32>} : memref<80x128xf32, #tpu.memory_space<vmem>>, vector<1x16xf32>,
        %get3A_403 = vector.shape_cast %get3A_402 : vector<1x16xf32> to vector<16xf32>
        %mul3A_404 = arith.mulf %get3A_399, %get3A_403 : vector<16xf32>
        %get3A_405 = arith.index_cast %add3A_310 : i32 to index
        %get3A_406 = arith.constant 176 : index
        %get3A_407 = tpu.vector_load %arg18[%get3A_405, %get3A_406] {strides = array<i32>} : memref<80x192xf32, #tpu.memory_space<vmem>>, vector<1x16xf32>,
        %get3A_408 = vector.shape_cast %get3A_407 : vector<1x16xf32> to vector<16xf32>
        %mul3A_409 = arith.mulf %mul3A_404, %get3A_408 : vector<16xf32>
        %get3A_410 = arith.index_cast %add3A_310 : i32 to index
        %get3A_411 = arith.constant 112 : index
        %get3A_412 = tpu.vector_load %arg18[%get3A_410, %get3A_411] {strides = array<i32>} : memref<80x192xf32, #tpu.memory_space<vmem>>, vector<1x16xf32>,
        %get3A_413 = vector.shape_cast %get3A_412 : vector<1x16xf32> to vector<16xf32>
        %get3A_414 = arith.index_cast %add3A_310 : i32 to index
        %get3A_415 = arith.constant 112 : index
        %get3A_416 = tpu.vector_load %arg20[%get3A_414, %get3A_415] {strides = array<i32>} : memref<80x128xf32, #tpu.memory_space<vmem>>, vector<1x16xf32>,
        %get3A_417 = vector.shape_cast %get3A_416 : vector<1x16xf32> to vector<16xf32>
        %mul3A_418 = arith.mulf %get3A_413, %get3A_417 : vector<16xf32>
        %add3A_419 = arith.addf %mul3A_409, %mul3A_418 : vector<16xf32>
        %swap3A_420 = arith.index_cast %add3A_310 : i32 to index
        %swap3A_421 = arith.constant 48 : index
        %swap3A_422 = tpu.vector_load %arg26[%swap3A_420, %swap3A_421] {strides = array<i32>} : memref<80x64xf32, #tpu.memory_space<vmem>>, vector<1x16xf32>,
        %swap3A_423 = vector.shape_cast %swap3A_422 : vector<1x16xf32> to vector<16xf32>
        %swap3A_424 = vector.shape_cast %add3A_419 : vector<16xf32> to vector<1x16xf32>
        tpu.vector_store %arg26[%swap3A_420, %swap3A_421], %swap3A_424 {strides = array<i32>} : memref<80x64xf32, #tpu.memory_space<vmem>>, vector<1x16xf32>,
      }
      %scan3A_254 = arith.constant 80 : i32
      %scan3A_255 = arith.constant 0 : i32
      %scan3A_256 = arith.constant 5 : i32
      %scan3A_257 = arith.addi %scan3A_255, %scan3A_256 : i32
      %scan3A_258 = arith.constant 1 : i32
      scf.for %scan3A_306 = %scan3A_255 to %scan3A_257 step %scan3A_258  : i32 {
        %mul3A_307 = arith.constant 1 : i32
        %mul3A_308 = arith.muli %scan3A_306, %mul3A_307 : i32
        %add3A_309 = arith.constant 0 : i32
        %add3A_310 = arith.addi %add3A_309, %mul3A_308 : i32
        %mul3A_311 = arith.constant 16 : i32
        %mul3A_312 = arith.muli %add3A_310, %mul3A_311 : i32
        %get3A = arith.constant 1 : i32
        %get3A_313 = arith.index_cast %get3A : i32 to index
        %get3A_314 = arith.index_cast %mul3A_312 : i32 to index
        %get3A_315 = tpu.vector_load %arg14[%get3A_313, %get3A_314] {strides = array<i32>} : memref<2x80xi32, #tpu.memory_space<vmem>>, vector<1x16xi32>,
        %get3A_316 = vector.shape_cast %get3A_315 : vector<1x16xi32> to vector<16xi32>
        %swap3A = arith.index_cast %mul3A_312 : i32 to index
        %swap3A_317 = tpu.vector_load %arg16[%swap3A] {strides = array<i32>} : memref<80xi32, #tpu.memory_space<vmem>>, vector<16xi32>,
        %swap3A_318 = vector.shape_cast %swap3A_317 : vector<16xi32> to vector<16xi32>
        %swap3A_319 = vector.shape_cast %get3A_316 : vector<16xi32> to vector<16xi32>
        tpu.vector_store %arg16[%swap3A], %swap3A_319 {strides = array<i32>} : memref<80xi32, #tpu.memory_space<vmem>>, vector<16xi32>,
      }
      %scan3A_259 = arith.constant 5 : i32
      %dma_start3A_260 = arith.constant 0 : i32
      %dma_start3A_261 = arith.constant 0 : i32
      %dma_start3A_262 = tpu.memref_slice %arg32[%dma_start3A_260, %dma_start3A_261] : memref<10112x64xf32, #tpu.memory_space<vmem_shared>> -> memref<10112x64xf32, #tpu.memory_space<vmem_shared>>
      tpu.enqueue_indirect_dma source(%arg26 : memref<80x64xf32, #tpu.memory_space<vmem>>) target(%dma_start3A_262 : memref<10112x64xf32, #tpu.memory_space<vmem_shared>>) offsets(%arg16 : memref<80xi32, #tpu.memory_space<vmem>>) semaphore(%arg30 : memref<!tpu.dma_semaphore, #tpu.memory_space<semaphore_mem>>) {add = true}
      %add3A_263 = arith.constant 2 : i32
      %add3A_264 = arith.addi %add3A_201, %add3A_263 : i32
      %lt3A_265 = arith.constant 128 : i32
      %lt3A_266 = arith.cmpi slt, %add3A_264, %lt3A_265 : i32
      %convert_element_type3A_267 = arith.extui %lt3A_266 : i1 to i32
      %cond3A_268 = arith.constant 0 : i32
      %cond3A_269 = arith.cmpi ne, %convert_element_type3A_267, %cond3A_268 : i32
      scf.if %cond3A_269 {
        %add3A_306 = arith.constant 2 : i32
        %add3A_307 = arith.addi %add3A_201, %add3A_306 : i32
        %mul3A_308 = arith.constant 128 : i32
        %mul3A_309 = arith.muli %arg1, %mul3A_308 : i32
        %add3A_310 = arith.addi %mul3A_309, %add3A_307 : i32
        %mul3A_311 = arith.constant 2 : i32
        %mul3A_312 = arith.muli %mul3A_311, %add3A_310 : i32
        "tpu.region"() ({
          %run_scoped3A = tpu.sem_alloc : memref<!tpu.dma_semaphore, #tpu.memory_space<semaphore_mem>>
          %dma_start3A_334 = arith.constant 0 : i32
          %dma_start3A_335 = tpu.memref_slice %arg2[%mul3A_312, %dma_start3A_334] : memref<4096x80xi32, #tpu.memory_space<hbm>> -> memref<2x80xi32, #tpu.memory_space<hbm>>
          %dma_start3A_336 = arith.constant 0 : i32
          %dma_start3A_337 = tpu.memref_slice %arg2[%mul3A_312, %dma_start3A_336] : memref<4096x80xi32, #tpu.memory_space<hbm>> -> memref<2x80xi32, #tpu.memory_space<hbm>>
          tpu.enqueue_dma source(%dma_start3A_337 : memref<2x80xi32, #tpu.memory_space<hbm>>) target(%arg14 : memref<2x80xi32, #tpu.memory_space<vmem>>) target_semaphore(%run_scoped3A : memref<!tpu.dma_semaphore, #tpu.memory_space<semaphore_mem>>)
          %dma_wait3A_338 = arith.constant 0 : i32
          %dma_wait3A_339 = tpu.memref_slice %arg2[%mul3A_312, %dma_wait3A_338] : memref<4096x80xi32, #tpu.memory_space<hbm>> -> memref<2x80xi32, #tpu.memory_space<hbm>>
          %dma_wait3A_340 = arith.constant 0 : i32
          %dma_wait3A_341 = tpu.memref_slice %arg2[%mul3A_312, %dma_wait3A_340] : memref<4096x80xi32, #tpu.memory_space<hbm>> -> memref<2x80xi32, #tpu.memory_space<hbm>>
          tpu.wait_dma2 semaphore(%run_scoped3A : memref<!tpu.dma_semaphore, #tpu.memory_space<semaphore_mem>>) src(%dma_wait3A_341 : memref<2x80xi32, #tpu.memory_space<hbm>>) dst(%arg14 : memref<2x80xi32, #tpu.memory_space<vmem>>)
          tpu.yield
        }) : () -> ()
        %scan3A_313 = arith.constant 0 : i32
        %scan3A_314 = arith.constant 5 : i32
        %scan3A_315 = arith.addi %scan3A_313, %scan3A_314 : i32
        %scan3A_316 = arith.constant 1 : i32
        scf.for %scan3A_334 = %scan3A_313 to %scan3A_315 step %scan3A_316  : i32 {
          %mul3A_335 = arith.constant 1 : i32
          %mul3A_336 = arith.muli %scan3A_334, %mul3A_335 : i32
          %add3A_337 = arith.constant 0 : i32
          %add3A_338 = arith.addi %add3A_337, %mul3A_336 : i32
          %mul3A_339 = arith.constant 16 : i32
          %mul3A_340 = arith.muli %add3A_338, %mul3A_339 : i32
          %get3A = arith.constant 0 : i32
          %get3A_341 = arith.index_cast %get3A : i32 to index
          %get3A_342 = arith.index_cast %mul3A_340 : i32 to index
          %get3A_343 = tpu.vector_load %arg14[%get3A_341, %get3A_342] {strides = array<i32>} : memref<2x80xi32, #tpu.memory_space<vmem>>, vector<1x16xi32>,
          %get3A_344 = vector.shape_cast %get3A_343 : vector<1x16xi32> to vector<16xi32>
          %add3A_345 = vector.broadcast %mul3A_4 : i32 to vector<16xi32>
          %add3A_346 = arith.addi %get3A_344, %add3A_345 : vector<16xi32>
          %swap3A = arith.constant 0 : i32
          %swap3A_347 = arith.index_cast %swap3A : i32 to index
          %swap3A_348 = arith.index_cast %mul3A_340 : i32 to index
          %swap3A_349 = tpu.vector_load %arg14[%swap3A_347, %swap3A_348] {strides = array<i32>} : memref<2x80xi32, #tpu.memory_space<vmem>>, vector<1x16xi32>,
          %swap3A_350 = vector.shape_cast %swap3A_349 : vector<1x16xi32> to vector<16xi32>
          %swap3A_351 = vector.shape_cast %add3A_346 : vector<16xi32> to vector<1x16xi32>
          tpu.vector_store %arg14[%swap3A_347, %swap3A_348], %swap3A_351 {strides = array<i32>} : memref<2x80xi32, #tpu.memory_space<vmem>>, vector<1x16xi32>,
        }
        %scan3A_317 = arith.constant 5 : i32
        %add3A_318 = arith.addi %mul3A_6, %mul3A_2 : i32
        %mul3A_319 = arith.constant 80 : i32
        %mul3A_320 = arith.muli %add3A_307, %mul3A_319 : i32
        %add3A_321 = arith.addi %add3A_318, %mul3A_320 : i32
        %multiple_of3A_322 = tpu.assume_multiple %add3A_321, 8 : i32
        %dma_start3A_323 = arith.constant 0 : i32
        %dma_start3A_324 = arith.constant 0 : i32
        %dma_start3A_325 = tpu.memref_slice %arg14[%dma_start3A_323, %dma_start3A_324] : memref<2x80xi32, #tpu.memory_space<vmem>> -> memref<1x80xi32, #tpu.memory_space<vmem>>
        %dma_start3A_326 = tpu.memref_squeeze %dma_start3A_325 : memref<1x80xi32, #tpu.memory_space<vmem>> -> memref<80xi32, #tpu.memory_space<vmem>>
        %dma_start3A_327 = arith.constant 0 : i32
        %dma_start3A_328 = arith.constant 0 : i32
        %dma_start3A_329 = tpu.memref_slice %arg3[%dma_start3A_327, %dma_start3A_328] : memref<20000x192xf32, #tpu.memory_space<hbm>> -> memref<20000x192xf32, #tpu.memory_space<hbm>>
        tpu.enqueue_indirect_dma source(%dma_start3A_329 : memref<20000x192xf32, #tpu.memory_space<hbm>>) target(%arg18 : memref<80x192xf32, #tpu.memory_space<vmem>>) offsets(%dma_start3A_326 : memref<80xi32, #tpu.memory_space<vmem>>) semaphore(%arg28 : memref<!tpu.dma_semaphore, #tpu.memory_space<semaphore_mem>>)
        %dma_start3A_330 = arith.constant 0 : i32
        %dma_start3A_331 = tpu.memref_slice %arg8[%multiple_of3A_322, %dma_start3A_330] : memref<327680x128xf32, #tpu.memory_space<hbm>> -> memref<80x128xf32, #tpu.memory_space<hbm>>
        %dma_start3A_332 = arith.constant 0 : i32
        %dma_start3A_333 = tpu.memref_slice %arg8[%multiple_of3A_322, %dma_start3A_332] : memref<327680x128xf32, #tpu.memory_space<hbm>> -> memref<80x128xf32, #tpu.memory_space<hbm>>
        tpu.enqueue_dma source(%dma_start3A_333 : memref<80x128xf32, #tpu.memory_space<hbm>>) target(%arg20 : memref<80x128xf32, #tpu.memory_space<vmem>>) target_semaphore(%arg28 : memref<!tpu.dma_semaphore, #tpu.memory_space<semaphore_mem>>)
      } else {
      }
      %add3A_270 = arith.constant 1 : i32
      %add3A_271 = arith.addi %add3A_201, %add3A_270 : i32
      %add3A_272 = arith.addi %mul3A_6, %mul3A_2 : i32
      %mul3A_273 = arith.constant 80 : i32
      %mul3A_274 = arith.muli %add3A_271, %mul3A_273 : i32
      %add3A_275 = arith.addi %add3A_272, %mul3A_274 : i32
      %multiple_of3A_276 = tpu.assume_multiple %add3A_275, 8 : i32
      %dma_wait3A_277 = arith.constant 0 : i32
      %dma_wait3A_278 = arith.constant 0 : i32
      %dma_wait3A_279 = tpu.memref_slice %arg15[%dma_wait3A_277, %dma_wait3A_278] : memref<2x80xi32, #tpu.memory_space<vmem>> -> memref<1x80xi32, #tpu.memory_space<vmem>>
      %dma_wait3A_280 = tpu.memref_squeeze %dma_wait3A_279 : memref<1x80xi32, #tpu.memory_space<vmem>> -> memref<80xi32, #tpu.memory_space<vmem>>
      %dma_wait3A_281 = arith.constant 0 : i32
      %dma_wait3A_282 = arith.constant 0 : i32
      %dma_wait3A_283 = tpu.memref_slice %arg3[%dma_wait3A_281, %dma_wait3A_282] : memref<20000x192xf32, #tpu.memory_space<hbm>> -> memref<20000x192xf32, #tpu.memory_space<hbm>>
      tpu.wait_indirect_dma semaphore(%arg29 : memref<!tpu.dma_semaphore, #tpu.memory_space<semaphore_mem>>) src(%dma_wait3A_283 : memref<20000x192xf32, #tpu.memory_space<hbm>>) dst(%arg19 : memref<80x192xf32, #tpu.memory_space<vmem>>)
      %dma_wait3A_284 = arith.constant 0 : i32
      %dma_wait3A_285 = tpu.memref_slice %arg8[%multiple_of3A_276, %dma_wait3A_284] : memref<327680x128xf32, #tpu.memory_space<hbm>> -> memref<80x128xf32, #tpu.memory_space<hbm>>
      %dma_wait3A_286 = arith.constant 0 : i32
      %dma_wait3A_287 = tpu.memref_slice %arg8[%multiple_of3A_276, %dma_wait3A_286] : memref<327680x128xf32, #tpu.memory_space<hbm>> -> memref<80x128xf32, #tpu.memory_space<hbm>>
      tpu.wait_dma2 semaphore(%arg29 : memref<!tpu.dma_semaphore, #tpu.memory_space<semaphore_mem>>) src(%dma_wait3A_287 : memref<80x128xf32, #tpu.memory_space<hbm>>) dst(%arg21 : memref<80x128xf32, #tpu.memory_space<vmem>>)
      %ge3A_288 = arith.constant 2 : i32
      %ge3A_289 = arith.cmpi sge, %add3A_271, %ge3A_288 : i32
      %convert_element_type3A_290 = arith.extui %ge3A_289 : i1 to i32
      %cond3A_291 = arith.constant 0 : i32
      %cond3A_292 = arith.cmpi ne, %convert_element_type3A_290, %cond3A_291 : i32
      scf.if %cond3A_292 {
        %dma_wait3A_306 = arith.constant 0 : i32
        %dma_wait3A_307 = arith.constant 0 : i32
        %dma_wait3A_308 = tpu.memref_slice %arg32[%dma_wait3A_306, %dma_wait3A_307] : memref<10112x64xf32, #tpu.memory_space<vmem_shared>> -> memref<10112x64xf32, #tpu.memory_space<vmem_shared>>
        tpu.wait_indirect_dma semaphore(%arg31 : memref<!tpu.dma_semaphore, #tpu.memory_space<semaphore_mem>>) src(%arg27 : memref<80x64xf32, #tpu.memory_space<vmem>>) dst(%dma_wait3A_308 : memref<10112x64xf32, #tpu.memory_space<vmem_shared>>)
      } else {
      }
      %scan3A_293 = arith.constant 0 : i32
      %scan3A_294 = arith.constant 80 : i32
      %scan3A_295 = arith.addi %scan3A_293, %scan3A_294 : i32
      %scan3A_296 = arith.constant 1 : i32
      scf.for %scan3A_306 = %scan3A_293 to %scan3A_295 step %scan3A_296  : i32 {
        %mul3A_307 = arith.constant 1 : i32
        %mul3A_308 = arith.muli %scan3A_306, %mul3A_307 : i32
        %add3A_309 = arith.constant 0 : i32
        %add3A_310 = arith.addi %add3A_309, %mul3A_308 : i32
        %get3A = arith.index_cast %add3A_310 : i32 to index
        %get3A_311 = arith.constant 0 : index
        %get3A_312 = tpu.vector_load %arg19[%get3A, %get3A_311] {strides = array<i32>} : memref<80x192xf32, #tpu.memory_space<vmem>>, vector<1x16xf32>,
        %get3A_313 = vector.shape_cast %get3A_312 : vector<1x16xf32> to vector<16xf32>
        %get3A_314 = arith.index_cast %add3A_310 : i32 to index
        %get3A_315 = arith.constant 0 : index
        %get3A_316 = tpu.vector_load %arg21[%get3A_314, %get3A_315] {strides = array<i32>} : memref<80x128xf32, #tpu.memory_space<vmem>>, vector<1x16xf32>,
        %get3A_317 = vector.shape_cast %get3A_316 : vector<1x16xf32> to vector<16xf32>
        %mul3A_318 = arith.mulf %get3A_313, %get3A_317 : vector<16xf32>
        %get3A_319 = arith.index_cast %add3A_310 : i32 to index
        %get3A_320 = arith.constant 128 : index
        %get3A_321 = tpu.vector_load %arg19[%get3A_319, %get3A_320] {strides = array<i32>} : memref<80x192xf32, #tpu.memory_space<vmem>>, vector<1x16xf32>,
        %get3A_322 = vector.shape_cast %get3A_321 : vector<1x16xf32> to vector<16xf32>
        %mul3A_323 = arith.mulf %mul3A_318, %get3A_322 : vector<16xf32>
        %get3A_324 = arith.index_cast %add3A_310 : i32 to index
        %get3A_325 = arith.constant 64 : index
        %get3A_326 = tpu.vector_load %arg19[%get3A_324, %get3A_325] {strides = array<i32>} : memref<80x192xf32, #tpu.memory_space<vmem>>, vector<1x16xf32>,
        %get3A_327 = vector.shape_cast %get3A_326 : vector<1x16xf32> to vector<16xf32>
        %get3A_328 = arith.index_cast %add3A_310 : i32 to index
        %get3A_329 = arith.constant 64 : index
        %get3A_330 = tpu.vector_load %arg21[%get3A_328, %get3A_329] {strides = array<i32>} : memref<80x128xf32, #tpu.memory_space<vmem>>, vector<1x16xf32>,
        %get3A_331 = vector.shape_cast %get3A_330 : vector<1x16xf32> to vector<16xf32>
        %mul3A_332 = arith.mulf %get3A_327, %get3A_331 : vector<16xf32>
        %add3A_333 = arith.addf %mul3A_323, %mul3A_332 : vector<16xf32>
        %swap3A = arith.index_cast %add3A_310 : i32 to index
        %swap3A_334 = arith.constant 0 : index
        %swap3A_335 = tpu.vector_load %arg27[%swap3A, %swap3A_334] {strides = array<i32>} : memref<80x64xf32, #tpu.memory_space<vmem>>, vector<1x16xf32>,
        %swap3A_336 = vector.shape_cast %swap3A_335 : vector<1x16xf32> to vector<16xf32>
        %swap3A_337 = vector.shape_cast %add3A_333 : vector<16xf32> to vector<1x16xf32>
        tpu.vector_store %arg27[%swap3A, %swap3A_334], %swap3A_337 {strides = array<i32>} : memref<80x64xf32, #tpu.memory_space<vmem>>, vector<1x16xf32>,
        %get3A_338 = arith.index_cast %add3A_310 : i32 to index
        %get3A_339 = arith.constant 16 : index
        %get3A_340 = tpu.vector_load %arg19[%get3A_338, %get3A_339] {strides = array<i32>} : memref<80x192xf32, #tpu.memory_space<vmem>>, vector<1x16xf32>,
        %get3A_341 = vector.shape_cast %get3A_340 : vector<1x16xf32> to vector<16xf32>
        %get3A_342 = arith.index_cast %add3A_310 : i32 to index
        %get3A_343 = arith.constant 16 : index
        %get3A_344 = tpu.vector_load %arg21[%get3A_342, %get3A_343] {strides = array<i32>} : memref<80x128xf32, #tpu.memory_space<vmem>>, vector<1x16xf32>,
        %get3A_345 = vector.shape_cast %get3A_344 : vector<1x16xf32> to vector<16xf32>
        %mul3A_346 = arith.mulf %get3A_341, %get3A_345 : vector<16xf32>
        %get3A_347 = arith.index_cast %add3A_310 : i32 to index
        %get3A_348 = arith.constant 144 : index
        %get3A_349 = tpu.vector_load %arg19[%get3A_347, %get3A_348] {strides = array<i32>} : memref<80x192xf32, #tpu.memory_space<vmem>>, vector<1x16xf32>,
        %get3A_350 = vector.shape_cast %get3A_349 : vector<1x16xf32> to vector<16xf32>
        %mul3A_351 = arith.mulf %mul3A_346, %get3A_350 : vector<16xf32>
        %get3A_352 = arith.index_cast %add3A_310 : i32 to index
        %get3A_353 = arith.constant 80 : index
        %get3A_354 = tpu.vector_load %arg19[%get3A_352, %get3A_353] {strides = array<i32>} : memref<80x192xf32, #tpu.memory_space<vmem>>, vector<1x16xf32>,
        %get3A_355 = vector.shape_cast %get3A_354 : vector<1x16xf32> to vector<16xf32>
        %get3A_356 = arith.index_cast %add3A_310 : i32 to index
        %get3A_357 = arith.constant 80 : index
        %get3A_358 = tpu.vector_load %arg21[%get3A_356, %get3A_357] {strides = array<i32>} : memref<80x128xf32, #tpu.memory_space<vmem>>, vector<1x16xf32>,
        %get3A_359 = vector.shape_cast %get3A_358 : vector<1x16xf32> to vector<16xf32>
        %mul3A_360 = arith.mulf %get3A_355, %get3A_359 : vector<16xf32>
        %add3A_361 = arith.addf %mul3A_351, %mul3A_360 : vector<16xf32>
        %swap3A_362 = arith.index_cast %add3A_310 : i32 to index
        %swap3A_363 = arith.constant 16 : index
        %swap3A_364 = tpu.vector_load %arg27[%swap3A_362, %swap3A_363] {strides = array<i32>} : memref<80x64xf32, #tpu.memory_space<vmem>>, vector<1x16xf32>,
        %swap3A_365 = vector.shape_cast %swap3A_364 : vector<1x16xf32> to vector<16xf32>
        %swap3A_366 = vector.shape_cast %add3A_361 : vector<16xf32> to vector<1x16xf32>
        tpu.vector_store %arg27[%swap3A_362, %swap3A_363], %swap3A_366 {strides = array<i32>} : memref<80x64xf32, #tpu.memory_space<vmem>>, vector<1x16xf32>,
        %get3A_367 = arith.index_cast %add3A_310 : i32 to index
        %get3A_368 = arith.constant 32 : index
        %get3A_369 = tpu.vector_load %arg19[%get3A_367, %get3A_368] {strides = array<i32>} : memref<80x192xf32, #tpu.memory_space<vmem>>, vector<1x16xf32>,
        %get3A_370 = vector.shape_cast %get3A_369 : vector<1x16xf32> to vector<16xf32>
        %get3A_371 = arith.index_cast %add3A_310 : i32 to index
        %get3A_372 = arith.constant 32 : index
        %get3A_373 = tpu.vector_load %arg21[%get3A_371, %get3A_372] {strides = array<i32>} : memref<80x128xf32, #tpu.memory_space<vmem>>, vector<1x16xf32>,
        %get3A_374 = vector.shape_cast %get3A_373 : vector<1x16xf32> to vector<16xf32>
        %mul3A_375 = arith.mulf %get3A_370, %get3A_374 : vector<16xf32>
        %get3A_376 = arith.index_cast %add3A_310 : i32 to index
        %get3A_377 = arith.constant 160 : index
        %get3A_378 = tpu.vector_load %arg19[%get3A_376, %get3A_377] {strides = array<i32>} : memref<80x192xf32, #tpu.memory_space<vmem>>, vector<1x16xf32>,
        %get3A_379 = vector.shape_cast %get3A_378 : vector<1x16xf32> to vector<16xf32>
        %mul3A_380 = arith.mulf %mul3A_375, %get3A_379 : vector<16xf32>
        %get3A_381 = arith.index_cast %add3A_310 : i32 to index
        %get3A_382 = arith.constant 96 : index
        %get3A_383 = tpu.vector_load %arg19[%get3A_381, %get3A_382] {strides = array<i32>} : memref<80x192xf32, #tpu.memory_space<vmem>>, vector<1x16xf32>,
        %get3A_384 = vector.shape_cast %get3A_383 : vector<1x16xf32> to vector<16xf32>
        %get3A_385 = arith.index_cast %add3A_310 : i32 to index
        %get3A_386 = arith.constant 96 : index
        %get3A_387 = tpu.vector_load %arg21[%get3A_385, %get3A_386] {strides = array<i32>} : memref<80x128xf32, #tpu.memory_space<vmem>>, vector<1x16xf32>,
        %get3A_388 = vector.shape_cast %get3A_387 : vector<1x16xf32> to vector<16xf32>
        %mul3A_389 = arith.mulf %get3A_384, %get3A_388 : vector<16xf32>
        %add3A_390 = arith.addf %mul3A_380, %mul3A_389 : vector<16xf32>
        %swap3A_391 = arith.index_cast %add3A_310 : i32 to index
        %swap3A_392 = arith.constant 32 : index
        %swap3A_393 = tpu.vector_load %arg27[%swap3A_391, %swap3A_392] {strides = array<i32>} : memref<80x64xf32, #tpu.memory_space<vmem>>, vector<1x16xf32>,
        %swap3A_394 = vector.shape_cast %swap3A_393 : vector<1x16xf32> to vector<16xf32>
        %swap3A_395 = vector.shape_cast %add3A_390 : vector<16xf32> to vector<1x16xf32>
        tpu.vector_store %arg27[%swap3A_391, %swap3A_392], %swap3A_395 {strides = array<i32>} : memref<80x64xf32, #tpu.memory_space<vmem>>, vector<1x16xf32>,
        %get3A_396 = arith.index_cast %add3A_310 : i32 to index
        %get3A_397 = arith.constant 48 : index
        %get3A_398 = tpu.vector_load %arg19[%get3A_396, %get3A_397] {strides = array<i32>} : memref<80x192xf32, #tpu.memory_space<vmem>>, vector<1x16xf32>,
        %get3A_399 = vector.shape_cast %get3A_398 : vector<1x16xf32> to vector<16xf32>
        %get3A_400 = arith.index_cast %add3A_310 : i32 to index
        %get3A_401 = arith.constant 48 : index
        %get3A_402 = tpu.vector_load %arg21[%get3A_400, %get3A_401] {strides = array<i32>} : memref<80x128xf32, #tpu.memory_space<vmem>>, vector<1x16xf32>,
        %get3A_403 = vector.shape_cast %get3A_402 : vector<1x16xf32> to vector<16xf32>
        %mul3A_404 = arith.mulf %get3A_399, %get3A_403 : vector<16xf32>
        %get3A_405 = arith.index_cast %add3A_310 : i32 to index
        %get3A_406 = arith.constant 176 : index
        %get3A_407 = tpu.vector_load %arg19[%get3A_405, %get3A_406] {strides = array<i32>} : memref<80x192xf32, #tpu.memory_space<vmem>>, vector<1x16xf32>,
        %get3A_408 = vector.shape_cast %get3A_407 : vector<1x16xf32> to vector<16xf32>
        %mul3A_409 = arith.mulf %mul3A_404, %get3A_408 : vector<16xf32>
        %get3A_410 = arith.index_cast %add3A_310 : i32 to index
        %get3A_411 = arith.constant 112 : index
        %get3A_412 = tpu.vector_load %arg19[%get3A_410, %get3A_411] {strides = array<i32>} : memref<80x192xf32, #tpu.memory_space<vmem>>, vector<1x16xf32>,
        %get3A_413 = vector.shape_cast %get3A_412 : vector<1x16xf32> to vector<16xf32>
        %get3A_414 = arith.index_cast %add3A_310 : i32 to index
        %get3A_415 = arith.constant 112 : index
        %get3A_416 = tpu.vector_load %arg21[%get3A_414, %get3A_415] {strides = array<i32>} : memref<80x128xf32, #tpu.memory_space<vmem>>, vector<1x16xf32>,
        %get3A_417 = vector.shape_cast %get3A_416 : vector<1x16xf32> to vector<16xf32>
        %mul3A_418 = arith.mulf %get3A_413, %get3A_417 : vector<16xf32>
        %add3A_419 = arith.addf %mul3A_409, %mul3A_418 : vector<16xf32>
        %swap3A_420 = arith.index_cast %add3A_310 : i32 to index
        %swap3A_421 = arith.constant 48 : index
        %swap3A_422 = tpu.vector_load %arg27[%swap3A_420, %swap3A_421] {strides = array<i32>} : memref<80x64xf32, #tpu.memory_space<vmem>>, vector<1x16xf32>,
        %swap3A_423 = vector.shape_cast %swap3A_422 : vector<1x16xf32> to vector<16xf32>
        %swap3A_424 = vector.shape_cast %add3A_419 : vector<16xf32> to vector<1x16xf32>
        tpu.vector_store %arg27[%swap3A_420, %swap3A_421], %swap3A_424 {strides = array<i32>} : memref<80x64xf32, #tpu.memory_space<vmem>>, vector<1x16xf32>,
      }
      %scan3A_297 = arith.constant 80 : i32
      %scan3A_298 = arith.constant 0 : i32
      %scan3A_299 = arith.constant 5 : i32
      %scan3A_300 = arith.addi %scan3A_298, %scan3A_299 : i32
      %scan3A_301 = arith.constant 1 : i32
      scf.for %scan3A_306 = %scan3A_298 to %scan3A_300 step %scan3A_301  : i32 {
        %mul3A_307 = arith.constant 1 : i32
        %mul3A_308 = arith.muli %scan3A_306, %mul3A_307 : i32
        %add3A_309 = arith.constant 0 : i32
        %add3A_310 = arith.addi %add3A_309, %mul3A_308 : i32
        %mul3A_311 = arith.constant 16 : i32
        %mul3A_312 = arith.muli %add3A_310, %mul3A_311 : i32
        %get3A = arith.constant 1 : i32
        %get3A_313 = arith.index_cast %get3A : i32 to index
        %get3A_314 = arith.index_cast %mul3A_312 : i32 to index
        %get3A_315 = tpu.vector_load %arg15[%get3A_313, %get3A_314] {strides = array<i32>} : memref<2x80xi32, #tpu.memory_space<vmem>>, vector<1x16xi32>,
        %get3A_316 = vector.shape_cast %get3A_315 : vector<1x16xi32> to vector<16xi32>
        %swap3A = arith.index_cast %mul3A_312 : i32 to index
        %swap3A_317 = tpu.vector_load %arg17[%swap3A] {strides = array<i32>} : memref<80xi32, #tpu.memory_space<vmem>>, vector<16xi32>,
        %swap3A_318 = vector.shape_cast %swap3A_317 : vector<16xi32> to vector<16xi32>
        %swap3A_319 = vector.shape_cast %get3A_316 : vector<16xi32> to vector<16xi32>
        tpu.vector_store %arg17[%swap3A], %swap3A_319 {strides = array<i32>} : memref<80xi32, #tpu.memory_space<vmem>>, vector<16xi32>,
      }
      %scan3A_302 = arith.constant 5 : i32
      %dma_start3A_303 = arith.constant 0 : i32
      %dma_start3A_304 = arith.constant 0 : i32
      %dma_start3A_305 = tpu.memref_slice %arg32[%dma_start3A_303, %dma_start3A_304] : memref<10112x64xf32, #tpu.memory_space<vmem_shared>> -> memref<10112x64xf32, #tpu.memory_space<vmem_shared>>
      tpu.enqueue_indirect_dma source(%arg27 : memref<80x64xf32, #tpu.memory_space<vmem>>) target(%dma_start3A_305 : memref<10112x64xf32, #tpu.memory_space<vmem_shared>>) offsets(%arg17 : memref<80xi32, #tpu.memory_space<vmem>>) semaphore(%arg31 : memref<!tpu.dma_semaphore, #tpu.memory_space<semaphore_mem>>) {add = true}
    }
    %scan3A_78 = arith.constant 64 : i32
    %dma_wait3A_79 = arith.constant 0 : i32
    %dma_wait3A_80 = arith.constant 0 : i32
    %dma_wait3A_81 = tpu.memref_slice %arg32[%dma_wait3A_79, %dma_wait3A_80] : memref<10112x64xf32, #tpu.memory_space<vmem_shared>> -> memref<10112x64xf32, #tpu.memory_space<vmem_shared>>
    tpu.wait_indirect_dma semaphore(%arg30 : memref<!tpu.dma_semaphore, #tpu.memory_space<semaphore_mem>>) src(%arg26 : memref<80x64xf32, #tpu.memory_space<vmem>>) dst(%dma_wait3A_81 : memref<10112x64xf32, #tpu.memory_space<vmem_shared>>)
    %dma_wait3A_82 = arith.constant 0 : i32
    %dma_wait3A_83 = arith.constant 0 : i32
    %dma_wait3A_84 = tpu.memref_slice %arg32[%dma_wait3A_82, %dma_wait3A_83] : memref<10112x64xf32, #tpu.memory_space<vmem_shared>> -> memref<10112x64xf32, #tpu.memory_space<vmem_shared>>
    tpu.wait_indirect_dma semaphore(%arg31 : memref<!tpu.dma_semaphore, #tpu.memory_space<semaphore_mem>>) src(%arg27 : memref<80x64xf32, #tpu.memory_space<vmem>>) dst(%dma_wait3A_84 : memref<10112x64xf32, #tpu.memory_space<vmem_shared>>)
    %barrier3A_85 = arith.constant 0 : index
    tpu.barrier barrier_id(%barrier3A_85)
    %lt3A_86 = arith.constant 15 : i32
    %lt3A_87 = arith.cmpi slt, %arg1, %lt3A_86 : i32
    %convert_element_type3A_88 = arith.extui %lt3A_87 : i1 to i32
    %cond3A_89 = arith.constant 0 : i32
    %cond3A_90 = arith.cmpi ne, %convert_element_type3A_88, %cond3A_89 : i32
    scf.if %cond3A_90 {
      %run_scoped3A = arith.constant 0 : i32
      "tpu.region"() ({
        %run_scoped3A_197 = tpu.sem_alloc : memref<!tpu.dma_semaphore, #tpu.memory_space<semaphore_mem>>
        %dma_start3A_198 = arith.constant 0 : i32
        %dma_start3A_199 = tpu.memref_slice %arg13[%run_scoped3A, %arg0, %mul3A_0, %dma_start3A_198] : memref<3x2x10000x64xf32, #tpu.memory_space<hbm>> -> memref<1x1x632x64xf32, #tpu.memory_space<hbm>>
        %dma_start3A_200 = tpu.memref_squeeze %dma_start3A_199 : memref<1x1x632x64xf32, #tpu.memory_space<hbm>> -> memref<632x64xf32, #tpu.memory_space<hbm>>
        %dma_start3A_201 = arith.constant 0 : i32
        %dma_start3A_202 = tpu.memref_slice %arg32[%mul3A_0, %dma_start3A_201] : memref<10112x64xf32, #tpu.memory_space<vmem_shared>> -> memref<632x64xf32, #tpu.memory_space<vmem_shared>>
        tpu.enqueue_dma source(%dma_start3A_202 : memref<632x64xf32, #tpu.memory_space<vmem_shared>>) target(%dma_start3A_200 : memref<632x64xf32, #tpu.memory_space<hbm>>) target_semaphore(%run_scoped3A_197 : memref<!tpu.dma_semaphore, #tpu.memory_space<semaphore_mem>>)
        %dma_wait3A_203 = arith.constant 0 : i32
        %dma_wait3A_204 = tpu.memref_slice %arg13[%run_scoped3A, %arg0, %mul3A_0, %dma_wait3A_203] : memref<3x2x10000x64xf32, #tpu.memory_space<hbm>> -> memref<1x1x632x64xf32, #tpu.memory_space<hbm>>
        %dma_wait3A_205 = tpu.memref_squeeze %dma_wait3A_204 : memref<1x1x632x64xf32, #tpu.memory_space<hbm>> -> memref<632x64xf32, #tpu.memory_space<hbm>>
        %dma_wait3A_206 = arith.constant 0 : i32
        %dma_wait3A_207 = tpu.memref_slice %arg32[%mul3A_0, %dma_wait3A_206] : memref<10112x64xf32, #tpu.memory_space<vmem_shared>> -> memref<632x64xf32, #tpu.memory_space<vmem_shared>>
        tpu.wait_dma2 semaphore(%run_scoped3A_197 : memref<!tpu.dma_semaphore, #tpu.memory_space<semaphore_mem>>) src(%dma_wait3A_207 : memref<632x64xf32, #tpu.memory_space<vmem_shared>>) dst(%dma_wait3A_205 : memref<632x64xf32, #tpu.memory_space<hbm>>)
        tpu.yield
      }) : () -> ()
    } else {
    }
    %eq3A_91 = arith.constant 15 : i32
    %eq3A_92 = arith.cmpi eq, %arg1, %eq3A_91 : i32
    %convert_element_type3A_93 = arith.extui %eq3A_92 : i1 to i32
    %cond3A_94 = arith.constant 0 : i32
    %cond3A_95 = arith.cmpi ne, %convert_element_type3A_93, %cond3A_94 : i32
    scf.if %cond3A_95 {
      %run_scoped3A = arith.constant 0 : i32
      "tpu.region"() ({
        %run_scoped3A_197 = tpu.sem_alloc : memref<!tpu.dma_semaphore, #tpu.memory_space<semaphore_mem>>
        %dma_start3A_198 = arith.constant 0 : i32
        %dma_start3A_199 = tpu.memref_slice %arg13[%run_scoped3A, %arg0, %mul3A_0, %dma_start3A_198] : memref<3x2x10000x64xf32, #tpu.memory_space<hbm>> -> memref<1x1x520x64xf32, #tpu.memory_space<hbm>>
        %dma_start3A_200 = tpu.memref_squeeze %dma_start3A_199 : memref<1x1x520x64xf32, #tpu.memory_space<hbm>> -> memref<520x64xf32, #tpu.memory_space<hbm>>
        %dma_start3A_201 = arith.constant 0 : i32
        %dma_start3A_202 = tpu.memref_slice %arg32[%mul3A_0, %dma_start3A_201] : memref<10112x64xf32, #tpu.memory_space<vmem_shared>> -> memref<520x64xf32, #tpu.memory_space<vmem_shared>>
        tpu.enqueue_dma source(%dma_start3A_202 : memref<520x64xf32, #tpu.memory_space<vmem_shared>>) target(%dma_start3A_200 : memref<520x64xf32, #tpu.memory_space<hbm>>) target_semaphore(%run_scoped3A_197 : memref<!tpu.dma_semaphore, #tpu.memory_space<semaphore_mem>>)
        %dma_wait3A_203 = arith.constant 0 : i32
        %dma_wait3A_204 = tpu.memref_slice %arg13[%run_scoped3A, %arg0, %mul3A_0, %dma_wait3A_203] : memref<3x2x10000x64xf32, #tpu.memory_space<hbm>> -> memref<1x1x520x64xf32, #tpu.memory_space<hbm>>
        %dma_wait3A_205 = tpu.memref_squeeze %dma_wait3A_204 : memref<1x1x520x64xf32, #tpu.memory_space<hbm>> -> memref<520x64xf32, #tpu.memory_space<hbm>>
        %dma_wait3A_206 = arith.constant 0 : i32
        %dma_wait3A_207 = tpu.memref_slice %arg32[%mul3A_0, %dma_wait3A_206] : memref<10112x64xf32, #tpu.memory_space<vmem_shared>> -> memref<520x64xf32, #tpu.memory_space<vmem_shared>>
        tpu.wait_dma2 semaphore(%run_scoped3A_197 : memref<!tpu.dma_semaphore, #tpu.memory_space<semaphore_mem>>) src(%dma_wait3A_207 : memref<520x64xf32, #tpu.memory_space<vmem_shared>>) dst(%dma_wait3A_205 : memref<520x64xf32, #tpu.memory_space<hbm>>)
        tpu.yield
      }) : () -> ()
    } else {
    }
    %barrier3A_96 = arith.constant 0 : index
    tpu.barrier barrier_id(%barrier3A_96)
    "tpu.region"() ({
      %run_scoped3A = tpu.sem_alloc : memref<!tpu.dma_semaphore, #tpu.memory_space<semaphore_mem>>
      %dma_start3A_197 = arith.constant 0 : i32
      %dma_start3A_198 = tpu.memref_slice %arg32[%mul3A_0, %dma_start3A_197] : memref<10112x64xf32, #tpu.memory_space<vmem_shared>> -> memref<632x64xf32, #tpu.memory_space<vmem_shared>>
      %dma_start3A_199 = arith.constant 0 : i32
      %dma_start3A_200 = tpu.memref_slice %arg11[%mul3A_0, %dma_start3A_199] : memref<10112x64xf32, #tpu.memory_space<hbm>> -> memref<632x64xf32, #tpu.memory_space<hbm>>
      tpu.enqueue_dma source(%dma_start3A_200 : memref<632x64xf32, #tpu.memory_space<hbm>>) target(%dma_start3A_198 : memref<632x64xf32, #tpu.memory_space<vmem_shared>>) target_semaphore(%run_scoped3A : memref<!tpu.dma_semaphore, #tpu.memory_space<semaphore_mem>>)
      %dma_wait3A_201 = arith.constant 0 : i32
      %dma_wait3A_202 = tpu.memref_slice %arg32[%mul3A_0, %dma_wait3A_201] : memref<10112x64xf32, #tpu.memory_space<vmem_shared>> -> memref<632x64xf32, #tpu.memory_space<vmem_shared>>
      %dma_wait3A_203 = arith.constant 0 : i32
      %dma_wait3A_204 = tpu.memref_slice %arg11[%mul3A_0, %dma_wait3A_203] : memref<10112x64xf32, #tpu.memory_space<hbm>> -> memref<632x64xf32, #tpu.memory_space<hbm>>
      tpu.wait_dma2 semaphore(%run_scoped3A : memref<!tpu.dma_semaphore, #tpu.memory_space<semaphore_mem>>) src(%dma_wait3A_204 : memref<632x64xf32, #tpu.memory_space<hbm>>) dst(%dma_wait3A_202 : memref<632x64xf32, #tpu.memory_space<vmem_shared>>)
      tpu.yield
    }) : () -> ()
    %barrier3A_97 = arith.constant 0 : index
    tpu.barrier barrier_id(%barrier3A_97)
    %mul3A_98 = arith.constant 128 : i32
    %mul3A_99 = arith.muli %arg1, %mul3A_98 : i32
    %add3A_100 = arith.constant 0 : i32
    %add3A_101 = arith.addi %mul3A_99, %add3A_100 : i32
    %mul3A_102 = arith.constant 2 : i32
    %mul3A_103 = arith.muli %mul3A_102, %add3A_101 : i32
    "tpu.region"() ({
      %run_scoped3A = tpu.sem_alloc : memref<!tpu.dma_semaphore, #tpu.memory_space<semaphore_mem>>
      %dma_start3A_197 = arith.constant 0 : i32
      %dma_start3A_198 = tpu.memref_slice %arg2[%mul3A_103, %dma_start3A_197] : memref<4096x80xi32, #tpu.memory_space<hbm>> -> memref<2x80xi32, #tpu.memory_space<hbm>>
      %dma_start3A_199 = arith.constant 0 : i32
      %dma_start3A_200 = tpu.memref_slice %arg2[%mul3A_103, %dma_start3A_199] : memref<4096x80xi32, #tpu.memory_space<hbm>> -> memref<2x80xi32, #tpu.memory_space<hbm>>
      tpu.enqueue_dma source(%dma_start3A_200 : memref<2x80xi32, #tpu.memory_space<hbm>>) target(%arg14 : memref<2x80xi32, #tpu.memory_space<vmem>>) target_semaphore(%run_scoped3A : memref<!tpu.dma_semaphore, #tpu.memory_space<semaphore_mem>>)
      %dma_wait3A_201 = arith.constant 0 : i32
      %dma_wait3A_202 = tpu.memref_slice %arg2[%mul3A_103, %dma_wait3A_201] : memref<4096x80xi32, #tpu.memory_space<hbm>> -> memref<2x80xi32, #tpu.memory_space<hbm>>
      %dma_wait3A_203 = arith.constant 0 : i32
      %dma_wait3A_204 = tpu.memref_slice %arg2[%mul3A_103, %dma_wait3A_203] : memref<4096x80xi32, #tpu.memory_space<hbm>> -> memref<2x80xi32, #tpu.memory_space<hbm>>
      tpu.wait_dma2 semaphore(%run_scoped3A : memref<!tpu.dma_semaphore, #tpu.memory_space<semaphore_mem>>) src(%dma_wait3A_204 : memref<2x80xi32, #tpu.memory_space<hbm>>) dst(%arg14 : memref<2x80xi32, #tpu.memory_space<vmem>>)
      tpu.yield
    }) : () -> ()
    %scan3A_104 = arith.constant 0 : i32
    %scan3A_105 = arith.constant 5 : i32
    %scan3A_106 = arith.addi %scan3A_104, %scan3A_105 : i32
    %scan3A_107 = arith.constant 1 : i32
    scf.for %scan3A_197 = %scan3A_104 to %scan3A_106 step %scan3A_107  : i32 {
      %mul3A_198 = arith.constant 1 : i32
      %mul3A_199 = arith.muli %scan3A_197, %mul3A_198 : i32
      %add3A_200 = arith.constant 0 : i32
      %add3A_201 = arith.addi %add3A_200, %mul3A_199 : i32
      %mul3A_202 = arith.constant 16 : i32
      %mul3A_203 = arith.muli %add3A_201, %mul3A_202 : i32
      %get3A = arith.constant 0 : i32
      %get3A_204 = arith.index_cast %get3A : i32 to index
      %get3A_205 = arith.index_cast %mul3A_203 : i32 to index
      %get3A_206 = tpu.vector_load %arg14[%get3A_204, %get3A_205] {strides = array<i32>} : memref<2x80xi32, #tpu.memory_space<vmem>>, vector<1x16xi32>,
      %get3A_207 = vector.shape_cast %get3A_206 : vector<1x16xi32> to vector<16xi32>
      %add3A_208 = vector.broadcast %mul3A_4 : i32 to vector<16xi32>
      %add3A_209 = arith.addi %get3A_207, %add3A_208 : vector<16xi32>
      %swap3A = arith.constant 0 : i32
      %swap3A_210 = arith.index_cast %swap3A : i32 to index
      %swap3A_211 = arith.index_cast %mul3A_203 : i32 to index
      %swap3A_212 = tpu.vector_load %arg14[%swap3A_210, %swap3A_211] {strides = array<i32>} : memref<2x80xi32, #tpu.memory_space<vmem>>, vector<1x16xi32>,
      %swap3A_213 = vector.shape_cast %swap3A_212 : vector<1x16xi32> to vector<16xi32>
      %swap3A_214 = vector.shape_cast %add3A_209 : vector<16xi32> to vector<1x16xi32>
      tpu.vector_store %arg14[%swap3A_210, %swap3A_211], %swap3A_214 {strides = array<i32>} : memref<2x80xi32, #tpu.memory_space<vmem>>, vector<1x16xi32>,
    }
    %scan3A_108 = arith.constant 5 : i32
    %add3A_109 = arith.addi %mul3A_6, %mul3A_2 : i32
    %add3A_110 = arith.constant 0 : i32
    %add3A_111 = arith.addi %add3A_109, %add3A_110 : i32
    %multiple_of3A_112 = tpu.assume_multiple %add3A_111, 8 : i32
    %dma_start3A_113 = arith.constant 0 : i32
    %dma_start3A_114 = arith.constant 0 : i32
    %dma_start3A_115 = tpu.memref_slice %arg14[%dma_start3A_113, %dma_start3A_114] : memref<2x80xi32, #tpu.memory_space<vmem>> -> memref<1x80xi32, #tpu.memory_space<vmem>>
    %dma_start3A_116 = tpu.memref_squeeze %dma_start3A_115 : memref<1x80xi32, #tpu.memory_space<vmem>> -> memref<80xi32, #tpu.memory_space<vmem>>
    %dma_start3A_117 = arith.constant 0 : i32
    %dma_start3A_118 = arith.constant 0 : i32
    %dma_start3A_119 = tpu.memref_slice %arg4[%dma_start3A_117, %dma_start3A_118] : memref<20000x192xf32, #tpu.memory_space<hbm>> -> memref<20000x192xf32, #tpu.memory_space<hbm>>
    tpu.enqueue_indirect_dma source(%dma_start3A_119 : memref<20000x192xf32, #tpu.memory_space<hbm>>) target(%arg18 : memref<80x192xf32, #tpu.memory_space<vmem>>) offsets(%dma_start3A_116 : memref<80xi32, #tpu.memory_space<vmem>>) semaphore(%arg28 : memref<!tpu.dma_semaphore, #tpu.memory_space<semaphore_mem>>)
    %dma_start3A_120 = arith.constant 0 : i32
    %dma_start3A_121 = tpu.memref_slice %arg9[%multiple_of3A_112, %dma_start3A_120] : memref<327680x128xf32, #tpu.memory_space<hbm>> -> memref<80x128xf32, #tpu.memory_space<hbm>>
    %dma_start3A_122 = arith.constant 0 : i32
    %dma_start3A_123 = tpu.memref_slice %arg9[%multiple_of3A_112, %dma_start3A_122] : memref<327680x128xf32, #tpu.memory_space<hbm>> -> memref<80x128xf32, #tpu.memory_space<hbm>>
    tpu.enqueue_dma source(%dma_start3A_123 : memref<80x128xf32, #tpu.memory_space<hbm>>) target(%arg20 : memref<80x128xf32, #tpu.memory_space<vmem>>) target_semaphore(%arg28 : memref<!tpu.dma_semaphore, #tpu.memory_space<semaphore_mem>>)
    %scan3A_124 = arith.constant 0 : i32
    %scan3A_125 = arith.constant 64 : i32
    %scan3A_126 = arith.addi %scan3A_124, %scan3A_125 : i32
    %scan3A_127 = arith.constant 1 : i32
    scf.for %scan3A_197 = %scan3A_124 to %scan3A_126 step %scan3A_127  : i32 {
      %mul3A_198 = arith.constant 2 : i32
      %mul3A_199 = arith.muli %scan3A_197, %mul3A_198 : i32
      %add3A_200 = arith.constant 0 : i32
      %add3A_201 = arith.addi %add3A_200, %mul3A_199 : i32
      %add3A_202 = arith.constant 1 : i32
      %add3A_203 = arith.addi %add3A_201, %add3A_202 : i32
      %mul3A_204 = arith.constant 128 : i32
      %mul3A_205 = arith.muli %arg1, %mul3A_204 : i32
      %add3A_206 = arith.addi %mul3A_205, %add3A_203 : i32
      %mul3A_207 = arith.constant 2 : i32
      %mul3A_208 = arith.muli %mul3A_207, %add3A_206 : i32
      "tpu.region"() ({
        %run_scoped3A = tpu.sem_alloc : memref<!tpu.dma_semaphore, #tpu.memory_space<semaphore_mem>>
        %dma_start3A_306 = arith.constant 0 : i32
        %dma_start3A_307 = tpu.memref_slice %arg2[%mul3A_208, %dma_start3A_306] : memref<4096x80xi32, #tpu.memory_space<hbm>> -> memref<2x80xi32, #tpu.memory_space<hbm>>
        %dma_start3A_308 = arith.constant 0 : i32
        %dma_start3A_309 = tpu.memref_slice %arg2[%mul3A_208, %dma_start3A_308] : memref<4096x80xi32, #tpu.memory_space<hbm>> -> memref<2x80xi32, #tpu.memory_space<hbm>>
        tpu.enqueue_dma source(%dma_start3A_309 : memref<2x80xi32, #tpu.memory_space<hbm>>) target(%arg15 : memref<2x80xi32, #tpu.memory_space<vmem>>) target_semaphore(%run_scoped3A : memref<!tpu.dma_semaphore, #tpu.memory_space<semaphore_mem>>)
        %dma_wait3A_310 = arith.constant 0 : i32
        %dma_wait3A_311 = tpu.memref_slice %arg2[%mul3A_208, %dma_wait3A_310] : memref<4096x80xi32, #tpu.memory_space<hbm>> -> memref<2x80xi32, #tpu.memory_space<hbm>>
        %dma_wait3A_312 = arith.constant 0 : i32
        %dma_wait3A_313 = tpu.memref_slice %arg2[%mul3A_208, %dma_wait3A_312] : memref<4096x80xi32, #tpu.memory_space<hbm>> -> memref<2x80xi32, #tpu.memory_space<hbm>>
        tpu.wait_dma2 semaphore(%run_scoped3A : memref<!tpu.dma_semaphore, #tpu.memory_space<semaphore_mem>>) src(%dma_wait3A_313 : memref<2x80xi32, #tpu.memory_space<hbm>>) dst(%arg15 : memref<2x80xi32, #tpu.memory_space<vmem>>)
        tpu.yield
      }) : () -> ()
      %scan3A_209 = arith.constant 0 : i32
      %scan3A_210 = arith.constant 5 : i32
      %scan3A_211 = arith.addi %scan3A_209, %scan3A_210 : i32
      %scan3A_212 = arith.constant 1 : i32
      scf.for %scan3A_306 = %scan3A_209 to %scan3A_211 step %scan3A_212  : i32 {
        %mul3A_307 = arith.constant 1 : i32
        %mul3A_308 = arith.muli %scan3A_306, %mul3A_307 : i32
        %add3A_309 = arith.constant 0 : i32
        %add3A_310 = arith.addi %add3A_309, %mul3A_308 : i32
        %mul3A_311 = arith.constant 16 : i32
        %mul3A_312 = arith.muli %add3A_310, %mul3A_311 : i32
        %get3A = arith.constant 0 : i32
        %get3A_313 = arith.index_cast %get3A : i32 to index
        %get3A_314 = arith.index_cast %mul3A_312 : i32 to index
        %get3A_315 = tpu.vector_load %arg15[%get3A_313, %get3A_314] {strides = array<i32>} : memref<2x80xi32, #tpu.memory_space<vmem>>, vector<1x16xi32>,
        %get3A_316 = vector.shape_cast %get3A_315 : vector<1x16xi32> to vector<16xi32>
        %add3A_317 = vector.broadcast %mul3A_4 : i32 to vector<16xi32>
        %add3A_318 = arith.addi %get3A_316, %add3A_317 : vector<16xi32>
        %swap3A = arith.constant 0 : i32
        %swap3A_319 = arith.index_cast %swap3A : i32 to index
        %swap3A_320 = arith.index_cast %mul3A_312 : i32 to index
        %swap3A_321 = tpu.vector_load %arg15[%swap3A_319, %swap3A_320] {strides = array<i32>} : memref<2x80xi32, #tpu.memory_space<vmem>>, vector<1x16xi32>,
        %swap3A_322 = vector.shape_cast %swap3A_321 : vector<1x16xi32> to vector<16xi32>
        %swap3A_323 = vector.shape_cast %add3A_318 : vector<16xi32> to vector<1x16xi32>
        tpu.vector_store %arg15[%swap3A_319, %swap3A_320], %swap3A_323 {strides = array<i32>} : memref<2x80xi32, #tpu.memory_space<vmem>>, vector<1x16xi32>,
      }
      %scan3A_213 = arith.constant 5 : i32
      %add3A_214 = arith.addi %mul3A_6, %mul3A_2 : i32
      %mul3A_215 = arith.constant 80 : i32
      %mul3A_216 = arith.muli %add3A_203, %mul3A_215 : i32
      %add3A_217 = arith.addi %add3A_214, %mul3A_216 : i32
      %multiple_of3A_218 = tpu.assume_multiple %add3A_217, 8 : i32
      %dma_start3A_219 = arith.constant 0 : i32
      %dma_start3A_220 = arith.constant 0 : i32
      %dma_start3A_221 = tpu.memref_slice %arg15[%dma_start3A_219, %dma_start3A_220] : memref<2x80xi32, #tpu.memory_space<vmem>> -> memref<1x80xi32, #tpu.memory_space<vmem>>
      %dma_start3A_222 = tpu.memref_squeeze %dma_start3A_221 : memref<1x80xi32, #tpu.memory_space<vmem>> -> memref<80xi32, #tpu.memory_space<vmem>>
      %dma_start3A_223 = arith.constant 0 : i32
      %dma_start3A_224 = arith.constant 0 : i32
      %dma_start3A_225 = tpu.memref_slice %arg4[%dma_start3A_223, %dma_start3A_224] : memref<20000x192xf32, #tpu.memory_space<hbm>> -> memref<20000x192xf32, #tpu.memory_space<hbm>>
      tpu.enqueue_indirect_dma source(%dma_start3A_225 : memref<20000x192xf32, #tpu.memory_space<hbm>>) target(%arg19 : memref<80x192xf32, #tpu.memory_space<vmem>>) offsets(%dma_start3A_222 : memref<80xi32, #tpu.memory_space<vmem>>) semaphore(%arg29 : memref<!tpu.dma_semaphore, #tpu.memory_space<semaphore_mem>>)
      %dma_start3A_226 = arith.constant 0 : i32
      %dma_start3A_227 = tpu.memref_slice %arg9[%multiple_of3A_218, %dma_start3A_226] : memref<327680x128xf32, #tpu.memory_space<hbm>> -> memref<80x128xf32, #tpu.memory_space<hbm>>
      %dma_start3A_228 = arith.constant 0 : i32
      %dma_start3A_229 = tpu.memref_slice %arg9[%multiple_of3A_218, %dma_start3A_228] : memref<327680x128xf32, #tpu.memory_space<hbm>> -> memref<80x128xf32, #tpu.memory_space<hbm>>
      tpu.enqueue_dma source(%dma_start3A_229 : memref<80x128xf32, #tpu.memory_space<hbm>>) target(%arg21 : memref<80x128xf32, #tpu.memory_space<vmem>>) target_semaphore(%arg29 : memref<!tpu.dma_semaphore, #tpu.memory_space<semaphore_mem>>)
      %add3A_230 = arith.addi %mul3A_6, %mul3A_2 : i32
      %mul3A_231 = arith.constant 80 : i32
      %mul3A_232 = arith.muli %add3A_201, %mul3A_231 : i32
      %add3A_233 = arith.addi %add3A_230, %mul3A_232 : i32
      %multiple_of3A_234 = tpu.assume_multiple %add3A_233, 8 : i32
      %dma_wait3A_235 = arith.constant 0 : i32
      %dma_wait3A_236 = arith.constant 0 : i32
      %dma_wait3A_237 = tpu.memref_slice %arg14[%dma_wait3A_235, %dma_wait3A_236] : memref<2x80xi32, #tpu.memory_space<vmem>> -> memref<1x80xi32, #tpu.memory_space<vmem>>
      %dma_wait3A_238 = tpu.memref_squeeze %dma_wait3A_237 : memref<1x80xi32, #tpu.memory_space<vmem>> -> memref<80xi32, #tpu.memory_space<vmem>>
      %dma_wait3A_239 = arith.constant 0 : i32
      %dma_wait3A_240 = arith.constant 0 : i32
      %dma_wait3A_241 = tpu.memref_slice %arg4[%dma_wait3A_239, %dma_wait3A_240] : memref<20000x192xf32, #tpu.memory_space<hbm>> -> memref<20000x192xf32, #tpu.memory_space<hbm>>
      tpu.wait_indirect_dma semaphore(%arg28 : memref<!tpu.dma_semaphore, #tpu.memory_space<semaphore_mem>>) src(%dma_wait3A_241 : memref<20000x192xf32, #tpu.memory_space<hbm>>) dst(%arg18 : memref<80x192xf32, #tpu.memory_space<vmem>>)
      %dma_wait3A_242 = arith.constant 0 : i32
      %dma_wait3A_243 = tpu.memref_slice %arg9[%multiple_of3A_234, %dma_wait3A_242] : memref<327680x128xf32, #tpu.memory_space<hbm>> -> memref<80x128xf32, #tpu.memory_space<hbm>>
      %dma_wait3A_244 = arith.constant 0 : i32
      %dma_wait3A_245 = tpu.memref_slice %arg9[%multiple_of3A_234, %dma_wait3A_244] : memref<327680x128xf32, #tpu.memory_space<hbm>> -> memref<80x128xf32, #tpu.memory_space<hbm>>
      tpu.wait_dma2 semaphore(%arg28 : memref<!tpu.dma_semaphore, #tpu.memory_space<semaphore_mem>>) src(%dma_wait3A_245 : memref<80x128xf32, #tpu.memory_space<hbm>>) dst(%arg20 : memref<80x128xf32, #tpu.memory_space<vmem>>)
      %ge3A = arith.constant 2 : i32
      %ge3A_246 = arith.cmpi sge, %add3A_201, %ge3A : i32
      %convert_element_type3A_247 = arith.extui %ge3A_246 : i1 to i32
      %cond3A_248 = arith.constant 0 : i32
      %cond3A_249 = arith.cmpi ne, %convert_element_type3A_247, %cond3A_248 : i32
      scf.if %cond3A_249 {
        %dma_wait3A_306 = arith.constant 0 : i32
        %dma_wait3A_307 = arith.constant 0 : i32
        %dma_wait3A_308 = tpu.memref_slice %arg32[%dma_wait3A_306, %dma_wait3A_307] : memref<10112x64xf32, #tpu.memory_space<vmem_shared>> -> memref<10112x64xf32, #tpu.memory_space<vmem_shared>>
        tpu.wait_indirect_dma semaphore(%arg30 : memref<!tpu.dma_semaphore, #tpu.memory_space<semaphore_mem>>) src(%arg26 : memref<80x64xf32, #tpu.memory_space<vmem>>) dst(%dma_wait3A_308 : memref<10112x64xf32, #tpu.memory_space<vmem_shared>>)
      } else {
      }
      %scan3A_250 = arith.constant 0 : i32
      %scan3A_251 = arith.constant 80 : i32
      %scan3A_252 = arith.addi %scan3A_250, %scan3A_251 : i32
      %scan3A_253 = arith.constant 1 : i32
      scf.for %scan3A_306 = %scan3A_250 to %scan3A_252 step %scan3A_253  : i32 {
        %mul3A_307 = arith.constant 1 : i32
        %mul3A_308 = arith.muli %scan3A_306, %mul3A_307 : i32
        %add3A_309 = arith.constant 0 : i32
        %add3A_310 = arith.addi %add3A_309, %mul3A_308 : i32
        %get3A = arith.index_cast %add3A_310 : i32 to index
        %get3A_311 = arith.constant 0 : index
        %get3A_312 = tpu.vector_load %arg18[%get3A, %get3A_311] {strides = array<i32>} : memref<80x192xf32, #tpu.memory_space<vmem>>, vector<1x16xf32>,
        %get3A_313 = vector.shape_cast %get3A_312 : vector<1x16xf32> to vector<16xf32>
        %get3A_314 = arith.index_cast %add3A_310 : i32 to index
        %get3A_315 = arith.constant 0 : index
        %get3A_316 = tpu.vector_load %arg20[%get3A_314, %get3A_315] {strides = array<i32>} : memref<80x128xf32, #tpu.memory_space<vmem>>, vector<1x16xf32>,
        %get3A_317 = vector.shape_cast %get3A_316 : vector<1x16xf32> to vector<16xf32>
        %mul3A_318 = arith.mulf %get3A_313, %get3A_317 : vector<16xf32>
        %get3A_319 = arith.index_cast %add3A_310 : i32 to index
        %get3A_320 = arith.constant 128 : index
        %get3A_321 = tpu.vector_load %arg18[%get3A_319, %get3A_320] {strides = array<i32>} : memref<80x192xf32, #tpu.memory_space<vmem>>, vector<1x16xf32>,
        %get3A_322 = vector.shape_cast %get3A_321 : vector<1x16xf32> to vector<16xf32>
        %mul3A_323 = arith.mulf %mul3A_318, %get3A_322 : vector<16xf32>
        %get3A_324 = arith.index_cast %add3A_310 : i32 to index
        %get3A_325 = arith.constant 64 : index
        %get3A_326 = tpu.vector_load %arg18[%get3A_324, %get3A_325] {strides = array<i32>} : memref<80x192xf32, #tpu.memory_space<vmem>>, vector<1x16xf32>,
        %get3A_327 = vector.shape_cast %get3A_326 : vector<1x16xf32> to vector<16xf32>
        %get3A_328 = arith.index_cast %add3A_310 : i32 to index
        %get3A_329 = arith.constant 64 : index
        %get3A_330 = tpu.vector_load %arg20[%get3A_328, %get3A_329] {strides = array<i32>} : memref<80x128xf32, #tpu.memory_space<vmem>>, vector<1x16xf32>,
        %get3A_331 = vector.shape_cast %get3A_330 : vector<1x16xf32> to vector<16xf32>
        %mul3A_332 = arith.mulf %get3A_327, %get3A_331 : vector<16xf32>
        %add3A_333 = arith.addf %mul3A_323, %mul3A_332 : vector<16xf32>
        %swap3A = arith.index_cast %add3A_310 : i32 to index
        %swap3A_334 = arith.constant 0 : index
        %swap3A_335 = tpu.vector_load %arg26[%swap3A, %swap3A_334] {strides = array<i32>} : memref<80x64xf32, #tpu.memory_space<vmem>>, vector<1x16xf32>,
        %swap3A_336 = vector.shape_cast %swap3A_335 : vector<1x16xf32> to vector<16xf32>
        %swap3A_337 = vector.shape_cast %add3A_333 : vector<16xf32> to vector<1x16xf32>
        tpu.vector_store %arg26[%swap3A, %swap3A_334], %swap3A_337 {strides = array<i32>} : memref<80x64xf32, #tpu.memory_space<vmem>>, vector<1x16xf32>,
        %get3A_338 = arith.index_cast %add3A_310 : i32 to index
        %get3A_339 = arith.constant 16 : index
        %get3A_340 = tpu.vector_load %arg18[%get3A_338, %get3A_339] {strides = array<i32>} : memref<80x192xf32, #tpu.memory_space<vmem>>, vector<1x16xf32>,
        %get3A_341 = vector.shape_cast %get3A_340 : vector<1x16xf32> to vector<16xf32>
        %get3A_342 = arith.index_cast %add3A_310 : i32 to index
        %get3A_343 = arith.constant 16 : index
        %get3A_344 = tpu.vector_load %arg20[%get3A_342, %get3A_343] {strides = array<i32>} : memref<80x128xf32, #tpu.memory_space<vmem>>, vector<1x16xf32>,
        %get3A_345 = vector.shape_cast %get3A_344 : vector<1x16xf32> to vector<16xf32>
        %mul3A_346 = arith.mulf %get3A_341, %get3A_345 : vector<16xf32>
        %get3A_347 = arith.index_cast %add3A_310 : i32 to index
        %get3A_348 = arith.constant 144 : index
        %get3A_349 = tpu.vector_load %arg18[%get3A_347, %get3A_348] {strides = array<i32>} : memref<80x192xf32, #tpu.memory_space<vmem>>, vector<1x16xf32>,
        %get3A_350 = vector.shape_cast %get3A_349 : vector<1x16xf32> to vector<16xf32>
        %mul3A_351 = arith.mulf %mul3A_346, %get3A_350 : vector<16xf32>
        %get3A_352 = arith.index_cast %add3A_310 : i32 to index
        %get3A_353 = arith.constant 80 : index
        %get3A_354 = tpu.vector_load %arg18[%get3A_352, %get3A_353] {strides = array<i32>} : memref<80x192xf32, #tpu.memory_space<vmem>>, vector<1x16xf32>,
        %get3A_355 = vector.shape_cast %get3A_354 : vector<1x16xf32> to vector<16xf32>
        %get3A_356 = arith.index_cast %add3A_310 : i32 to index
        %get3A_357 = arith.constant 80 : index
        %get3A_358 = tpu.vector_load %arg20[%get3A_356, %get3A_357] {strides = array<i32>} : memref<80x128xf32, #tpu.memory_space<vmem>>, vector<1x16xf32>,
        %get3A_359 = vector.shape_cast %get3A_358 : vector<1x16xf32> to vector<16xf32>
        %mul3A_360 = arith.mulf %get3A_355, %get3A_359 : vector<16xf32>
        %add3A_361 = arith.addf %mul3A_351, %mul3A_360 : vector<16xf32>
        %swap3A_362 = arith.index_cast %add3A_310 : i32 to index
        %swap3A_363 = arith.constant 16 : index
        %swap3A_364 = tpu.vector_load %arg26[%swap3A_362, %swap3A_363] {strides = array<i32>} : memref<80x64xf32, #tpu.memory_space<vmem>>, vector<1x16xf32>,
        %swap3A_365 = vector.shape_cast %swap3A_364 : vector<1x16xf32> to vector<16xf32>
        %swap3A_366 = vector.shape_cast %add3A_361 : vector<16xf32> to vector<1x16xf32>
        tpu.vector_store %arg26[%swap3A_362, %swap3A_363], %swap3A_366 {strides = array<i32>} : memref<80x64xf32, #tpu.memory_space<vmem>>, vector<1x16xf32>,
        %get3A_367 = arith.index_cast %add3A_310 : i32 to index
        %get3A_368 = arith.constant 32 : index
        %get3A_369 = tpu.vector_load %arg18[%get3A_367, %get3A_368] {strides = array<i32>} : memref<80x192xf32, #tpu.memory_space<vmem>>, vector<1x16xf32>,
        %get3A_370 = vector.shape_cast %get3A_369 : vector<1x16xf32> to vector<16xf32>
        %get3A_371 = arith.index_cast %add3A_310 : i32 to index
        %get3A_372 = arith.constant 32 : index
        %get3A_373 = tpu.vector_load %arg20[%get3A_371, %get3A_372] {strides = array<i32>} : memref<80x128xf32, #tpu.memory_space<vmem>>, vector<1x16xf32>,
        %get3A_374 = vector.shape_cast %get3A_373 : vector<1x16xf32> to vector<16xf32>
        %mul3A_375 = arith.mulf %get3A_370, %get3A_374 : vector<16xf32>
        %get3A_376 = arith.index_cast %add3A_310 : i32 to index
        %get3A_377 = arith.constant 160 : index
        %get3A_378 = tpu.vector_load %arg18[%get3A_376, %get3A_377] {strides = array<i32>} : memref<80x192xf32, #tpu.memory_space<vmem>>, vector<1x16xf32>,
        %get3A_379 = vector.shape_cast %get3A_378 : vector<1x16xf32> to vector<16xf32>
        %mul3A_380 = arith.mulf %mul3A_375, %get3A_379 : vector<16xf32>
        %get3A_381 = arith.index_cast %add3A_310 : i32 to index
        %get3A_382 = arith.constant 96 : index
        %get3A_383 = tpu.vector_load %arg18[%get3A_381, %get3A_382] {strides = array<i32>} : memref<80x192xf32, #tpu.memory_space<vmem>>, vector<1x16xf32>,
        %get3A_384 = vector.shape_cast %get3A_383 : vector<1x16xf32> to vector<16xf32>
        %get3A_385 = arith.index_cast %add3A_310 : i32 to index
        %get3A_386 = arith.constant 96 : index
        %get3A_387 = tpu.vector_load %arg20[%get3A_385, %get3A_386] {strides = array<i32>} : memref<80x128xf32, #tpu.memory_space<vmem>>, vector<1x16xf32>,
        %get3A_388 = vector.shape_cast %get3A_387 : vector<1x16xf32> to vector<16xf32>
        %mul3A_389 = arith.mulf %get3A_384, %get3A_388 : vector<16xf32>
        %add3A_390 = arith.addf %mul3A_380, %mul3A_389 : vector<16xf32>
        %swap3A_391 = arith.index_cast %add3A_310 : i32 to index
        %swap3A_392 = arith.constant 32 : index
        %swap3A_393 = tpu.vector_load %arg26[%swap3A_391, %swap3A_392] {strides = array<i32>} : memref<80x64xf32, #tpu.memory_space<vmem>>, vector<1x16xf32>,
        %swap3A_394 = vector.shape_cast %swap3A_393 : vector<1x16xf32> to vector<16xf32>
        %swap3A_395 = vector.shape_cast %add3A_390 : vector<16xf32> to vector<1x16xf32>
        tpu.vector_store %arg26[%swap3A_391, %swap3A_392], %swap3A_395 {strides = array<i32>} : memref<80x64xf32, #tpu.memory_space<vmem>>, vector<1x16xf32>,
        %get3A_396 = arith.index_cast %add3A_310 : i32 to index
        %get3A_397 = arith.constant 48 : index
        %get3A_398 = tpu.vector_load %arg18[%get3A_396, %get3A_397] {strides = array<i32>} : memref<80x192xf32, #tpu.memory_space<vmem>>, vector<1x16xf32>,
        %get3A_399 = vector.shape_cast %get3A_398 : vector<1x16xf32> to vector<16xf32>
        %get3A_400 = arith.index_cast %add3A_310 : i32 to index
        %get3A_401 = arith.constant 48 : index
        %get3A_402 = tpu.vector_load %arg20[%get3A_400, %get3A_401] {strides = array<i32>} : memref<80x128xf32, #tpu.memory_space<vmem>>, vector<1x16xf32>,
        %get3A_403 = vector.shape_cast %get3A_402 : vector<1x16xf32> to vector<16xf32>
        %mul3A_404 = arith.mulf %get3A_399, %get3A_403 : vector<16xf32>
        %get3A_405 = arith.index_cast %add3A_310 : i32 to index
        %get3A_406 = arith.constant 176 : index
        %get3A_407 = tpu.vector_load %arg18[%get3A_405, %get3A_406] {strides = array<i32>} : memref<80x192xf32, #tpu.memory_space<vmem>>, vector<1x16xf32>,
        %get3A_408 = vector.shape_cast %get3A_407 : vector<1x16xf32> to vector<16xf32>
        %mul3A_409 = arith.mulf %mul3A_404, %get3A_408 : vector<16xf32>
        %get3A_410 = arith.index_cast %add3A_310 : i32 to index
        %get3A_411 = arith.constant 112 : index
        %get3A_412 = tpu.vector_load %arg18[%get3A_410, %get3A_411] {strides = array<i32>} : memref<80x192xf32, #tpu.memory_space<vmem>>, vector<1x16xf32>,
        %get3A_413 = vector.shape_cast %get3A_412 : vector<1x16xf32> to vector<16xf32>
        %get3A_414 = arith.index_cast %add3A_310 : i32 to index
        %get3A_415 = arith.constant 112 : index
        %get3A_416 = tpu.vector_load %arg20[%get3A_414, %get3A_415] {strides = array<i32>} : memref<80x128xf32, #tpu.memory_space<vmem>>, vector<1x16xf32>,
        %get3A_417 = vector.shape_cast %get3A_416 : vector<1x16xf32> to vector<16xf32>
        %mul3A_418 = arith.mulf %get3A_413, %get3A_417 : vector<16xf32>
        %add3A_419 = arith.addf %mul3A_409, %mul3A_418 : vector<16xf32>
        %swap3A_420 = arith.index_cast %add3A_310 : i32 to index
        %swap3A_421 = arith.constant 48 : index
        %swap3A_422 = tpu.vector_load %arg26[%swap3A_420, %swap3A_421] {strides = array<i32>} : memref<80x64xf32, #tpu.memory_space<vmem>>, vector<1x16xf32>,
        %swap3A_423 = vector.shape_cast %swap3A_422 : vector<1x16xf32> to vector<16xf32>
        %swap3A_424 = vector.shape_cast %add3A_419 : vector<16xf32> to vector<1x16xf32>
        tpu.vector_store %arg26[%swap3A_420, %swap3A_421], %swap3A_424 {strides = array<i32>} : memref<80x64xf32, #tpu.memory_space<vmem>>, vector<1x16xf32>,
      }
      %scan3A_254 = arith.constant 80 : i32
      %scan3A_255 = arith.constant 0 : i32
      %scan3A_256 = arith.constant 5 : i32
      %scan3A_257 = arith.addi %scan3A_255, %scan3A_256 : i32
      %scan3A_258 = arith.constant 1 : i32
      scf.for %scan3A_306 = %scan3A_255 to %scan3A_257 step %scan3A_258  : i32 {
        %mul3A_307 = arith.constant 1 : i32
        %mul3A_308 = arith.muli %scan3A_306, %mul3A_307 : i32
        %add3A_309 = arith.constant 0 : i32
        %add3A_310 = arith.addi %add3A_309, %mul3A_308 : i32
        %mul3A_311 = arith.constant 16 : i32
        %mul3A_312 = arith.muli %add3A_310, %mul3A_311 : i32
        %get3A = arith.constant 1 : i32
        %get3A_313 = arith.index_cast %get3A : i32 to index
        %get3A_314 = arith.index_cast %mul3A_312 : i32 to index
        %get3A_315 = tpu.vector_load %arg14[%get3A_313, %get3A_314] {strides = array<i32>} : memref<2x80xi32, #tpu.memory_space<vmem>>, vector<1x16xi32>,
        %get3A_316 = vector.shape_cast %get3A_315 : vector<1x16xi32> to vector<16xi32>
        %swap3A = arith.index_cast %mul3A_312 : i32 to index
        %swap3A_317 = tpu.vector_load %arg16[%swap3A] {strides = array<i32>} : memref<80xi32, #tpu.memory_space<vmem>>, vector<16xi32>,
        %swap3A_318 = vector.shape_cast %swap3A_317 : vector<16xi32> to vector<16xi32>
        %swap3A_319 = vector.shape_cast %get3A_316 : vector<16xi32> to vector<16xi32>
        tpu.vector_store %arg16[%swap3A], %swap3A_319 {strides = array<i32>} : memref<80xi32, #tpu.memory_space<vmem>>, vector<16xi32>,
      }
      %scan3A_259 = arith.constant 5 : i32
      %dma_start3A_260 = arith.constant 0 : i32
      %dma_start3A_261 = arith.constant 0 : i32
      %dma_start3A_262 = tpu.memref_slice %arg32[%dma_start3A_260, %dma_start3A_261] : memref<10112x64xf32, #tpu.memory_space<vmem_shared>> -> memref<10112x64xf32, #tpu.memory_space<vmem_shared>>
      tpu.enqueue_indirect_dma source(%arg26 : memref<80x64xf32, #tpu.memory_space<vmem>>) target(%dma_start3A_262 : memref<10112x64xf32, #tpu.memory_space<vmem_shared>>) offsets(%arg16 : memref<80xi32, #tpu.memory_space<vmem>>) semaphore(%arg30 : memref<!tpu.dma_semaphore, #tpu.memory_space<semaphore_mem>>) {add = true}
      %add3A_263 = arith.constant 2 : i32
      %add3A_264 = arith.addi %add3A_201, %add3A_263 : i32
      %lt3A_265 = arith.constant 128 : i32
      %lt3A_266 = arith.cmpi slt, %add3A_264, %lt3A_265 : i32
      %convert_element_type3A_267 = arith.extui %lt3A_266 : i1 to i32
      %cond3A_268 = arith.constant 0 : i32
      %cond3A_269 = arith.cmpi ne, %convert_element_type3A_267, %cond3A_268 : i32
      scf.if %cond3A_269 {
        %add3A_306 = arith.constant 2 : i32
        %add3A_307 = arith.addi %add3A_201, %add3A_306 : i32
        %mul3A_308 = arith.constant 128 : i32
        %mul3A_309 = arith.muli %arg1, %mul3A_308 : i32
        %add3A_310 = arith.addi %mul3A_309, %add3A_307 : i32
        %mul3A_311 = arith.constant 2 : i32
        %mul3A_312 = arith.muli %mul3A_311, %add3A_310 : i32
        "tpu.region"() ({
          %run_scoped3A = tpu.sem_alloc : memref<!tpu.dma_semaphore, #tpu.memory_space<semaphore_mem>>
          %dma_start3A_334 = arith.constant 0 : i32
          %dma_start3A_335 = tpu.memref_slice %arg2[%mul3A_312, %dma_start3A_334] : memref<4096x80xi32, #tpu.memory_space<hbm>> -> memref<2x80xi32, #tpu.memory_space<hbm>>
          %dma_start3A_336 = arith.constant 0 : i32
          %dma_start3A_337 = tpu.memref_slice %arg2[%mul3A_312, %dma_start3A_336] : memref<4096x80xi32, #tpu.memory_space<hbm>> -> memref<2x80xi32, #tpu.memory_space<hbm>>
          tpu.enqueue_dma source(%dma_start3A_337 : memref<2x80xi32, #tpu.memory_space<hbm>>) target(%arg14 : memref<2x80xi32, #tpu.memory_space<vmem>>) target_semaphore(%run_scoped3A : memref<!tpu.dma_semaphore, #tpu.memory_space<semaphore_mem>>)
          %dma_wait3A_338 = arith.constant 0 : i32
          %dma_wait3A_339 = tpu.memref_slice %arg2[%mul3A_312, %dma_wait3A_338] : memref<4096x80xi32, #tpu.memory_space<hbm>> -> memref<2x80xi32, #tpu.memory_space<hbm>>
          %dma_wait3A_340 = arith.constant 0 : i32
          %dma_wait3A_341 = tpu.memref_slice %arg2[%mul3A_312, %dma_wait3A_340] : memref<4096x80xi32, #tpu.memory_space<hbm>> -> memref<2x80xi32, #tpu.memory_space<hbm>>
          tpu.wait_dma2 semaphore(%run_scoped3A : memref<!tpu.dma_semaphore, #tpu.memory_space<semaphore_mem>>) src(%dma_wait3A_341 : memref<2x80xi32, #tpu.memory_space<hbm>>) dst(%arg14 : memref<2x80xi32, #tpu.memory_space<vmem>>)
          tpu.yield
        }) : () -> ()
        %scan3A_313 = arith.constant 0 : i32
        %scan3A_314 = arith.constant 5 : i32
        %scan3A_315 = arith.addi %scan3A_313, %scan3A_314 : i32
        %scan3A_316 = arith.constant 1 : i32
        scf.for %scan3A_334 = %scan3A_313 to %scan3A_315 step %scan3A_316  : i32 {
          %mul3A_335 = arith.constant 1 : i32
          %mul3A_336 = arith.muli %scan3A_334, %mul3A_335 : i32
          %add3A_337 = arith.constant 0 : i32
          %add3A_338 = arith.addi %add3A_337, %mul3A_336 : i32
          %mul3A_339 = arith.constant 16 : i32
          %mul3A_340 = arith.muli %add3A_338, %mul3A_339 : i32
          %get3A = arith.constant 0 : i32
          %get3A_341 = arith.index_cast %get3A : i32 to index
          %get3A_342 = arith.index_cast %mul3A_340 : i32 to index
          %get3A_343 = tpu.vector_load %arg14[%get3A_341, %get3A_342] {strides = array<i32>} : memref<2x80xi32, #tpu.memory_space<vmem>>, vector<1x16xi32>,
          %get3A_344 = vector.shape_cast %get3A_343 : vector<1x16xi32> to vector<16xi32>
          %add3A_345 = vector.broadcast %mul3A_4 : i32 to vector<16xi32>
          %add3A_346 = arith.addi %get3A_344, %add3A_345 : vector<16xi32>
          %swap3A = arith.constant 0 : i32
          %swap3A_347 = arith.index_cast %swap3A : i32 to index
          %swap3A_348 = arith.index_cast %mul3A_340 : i32 to index
          %swap3A_349 = tpu.vector_load %arg14[%swap3A_347, %swap3A_348] {strides = array<i32>} : memref<2x80xi32, #tpu.memory_space<vmem>>, vector<1x16xi32>,
          %swap3A_350 = vector.shape_cast %swap3A_349 : vector<1x16xi32> to vector<16xi32>
          %swap3A_351 = vector.shape_cast %add3A_346 : vector<16xi32> to vector<1x16xi32>
          tpu.vector_store %arg14[%swap3A_347, %swap3A_348], %swap3A_351 {strides = array<i32>} : memref<2x80xi32, #tpu.memory_space<vmem>>, vector<1x16xi32>,
        }
        %scan3A_317 = arith.constant 5 : i32
        %add3A_318 = arith.addi %mul3A_6, %mul3A_2 : i32
        %mul3A_319 = arith.constant 80 : i32
        %mul3A_320 = arith.muli %add3A_307, %mul3A_319 : i32
        %add3A_321 = arith.addi %add3A_318, %mul3A_320 : i32
        %multiple_of3A_322 = tpu.assume_multiple %add3A_321, 8 : i32
        %dma_start3A_323 = arith.constant 0 : i32
        %dma_start3A_324 = arith.constant 0 : i32
        %dma_start3A_325 = tpu.memref_slice %arg14[%dma_start3A_323, %dma_start3A_324] : memref<2x80xi32, #tpu.memory_space<vmem>> -> memref<1x80xi32, #tpu.memory_space<vmem>>
        %dma_start3A_326 = tpu.memref_squeeze %dma_start3A_325 : memref<1x80xi32, #tpu.memory_space<vmem>> -> memref<80xi32, #tpu.memory_space<vmem>>
        %dma_start3A_327 = arith.constant 0 : i32
        %dma_start3A_328 = arith.constant 0 : i32
        %dma_start3A_329 = tpu.memref_slice %arg4[%dma_start3A_327, %dma_start3A_328] : memref<20000x192xf32, #tpu.memory_space<hbm>> -> memref<20000x192xf32, #tpu.memory_space<hbm>>
        tpu.enqueue_indirect_dma source(%dma_start3A_329 : memref<20000x192xf32, #tpu.memory_space<hbm>>) target(%arg18 : memref<80x192xf32, #tpu.memory_space<vmem>>) offsets(%dma_start3A_326 : memref<80xi32, #tpu.memory_space<vmem>>) semaphore(%arg28 : memref<!tpu.dma_semaphore, #tpu.memory_space<semaphore_mem>>)
        %dma_start3A_330 = arith.constant 0 : i32
        %dma_start3A_331 = tpu.memref_slice %arg9[%multiple_of3A_322, %dma_start3A_330] : memref<327680x128xf32, #tpu.memory_space<hbm>> -> memref<80x128xf32, #tpu.memory_space<hbm>>
        %dma_start3A_332 = arith.constant 0 : i32
        %dma_start3A_333 = tpu.memref_slice %arg9[%multiple_of3A_322, %dma_start3A_332] : memref<327680x128xf32, #tpu.memory_space<hbm>> -> memref<80x128xf32, #tpu.memory_space<hbm>>
        tpu.enqueue_dma source(%dma_start3A_333 : memref<80x128xf32, #tpu.memory_space<hbm>>) target(%arg20 : memref<80x128xf32, #tpu.memory_space<vmem>>) target_semaphore(%arg28 : memref<!tpu.dma_semaphore, #tpu.memory_space<semaphore_mem>>)
      } else {
      }
      %add3A_270 = arith.constant 1 : i32
      %add3A_271 = arith.addi %add3A_201, %add3A_270 : i32
      %add3A_272 = arith.addi %mul3A_6, %mul3A_2 : i32
      %mul3A_273 = arith.constant 80 : i32
      %mul3A_274 = arith.muli %add3A_271, %mul3A_273 : i32
      %add3A_275 = arith.addi %add3A_272, %mul3A_274 : i32
      %multiple_of3A_276 = tpu.assume_multiple %add3A_275, 8 : i32
      %dma_wait3A_277 = arith.constant 0 : i32
      %dma_wait3A_278 = arith.constant 0 : i32
      %dma_wait3A_279 = tpu.memref_slice %arg15[%dma_wait3A_277, %dma_wait3A_278] : memref<2x80xi32, #tpu.memory_space<vmem>> -> memref<1x80xi32, #tpu.memory_space<vmem>>
      %dma_wait3A_280 = tpu.memref_squeeze %dma_wait3A_279 : memref<1x80xi32, #tpu.memory_space<vmem>> -> memref<80xi32, #tpu.memory_space<vmem>>
      %dma_wait3A_281 = arith.constant 0 : i32
      %dma_wait3A_282 = arith.constant 0 : i32
      %dma_wait3A_283 = tpu.memref_slice %arg4[%dma_wait3A_281, %dma_wait3A_282] : memref<20000x192xf32, #tpu.memory_space<hbm>> -> memref<20000x192xf32, #tpu.memory_space<hbm>>
      tpu.wait_indirect_dma semaphore(%arg29 : memref<!tpu.dma_semaphore, #tpu.memory_space<semaphore_mem>>) src(%dma_wait3A_283 : memref<20000x192xf32, #tpu.memory_space<hbm>>) dst(%arg19 : memref<80x192xf32, #tpu.memory_space<vmem>>)
      %dma_wait3A_284 = arith.constant 0 : i32
      %dma_wait3A_285 = tpu.memref_slice %arg9[%multiple_of3A_276, %dma_wait3A_284] : memref<327680x128xf32, #tpu.memory_space<hbm>> -> memref<80x128xf32, #tpu.memory_space<hbm>>
      %dma_wait3A_286 = arith.constant 0 : i32
      %dma_wait3A_287 = tpu.memref_slice %arg9[%multiple_of3A_276, %dma_wait3A_286] : memref<327680x128xf32, #tpu.memory_space<hbm>> -> memref<80x128xf32, #tpu.memory_space<hbm>>
      tpu.wait_dma2 semaphore(%arg29 : memref<!tpu.dma_semaphore, #tpu.memory_space<semaphore_mem>>) src(%dma_wait3A_287 : memref<80x128xf32, #tpu.memory_space<hbm>>) dst(%arg21 : memref<80x128xf32, #tpu.memory_space<vmem>>)
      %ge3A_288 = arith.constant 2 : i32
      %ge3A_289 = arith.cmpi sge, %add3A_271, %ge3A_288 : i32
      %convert_element_type3A_290 = arith.extui %ge3A_289 : i1 to i32
      %cond3A_291 = arith.constant 0 : i32
      %cond3A_292 = arith.cmpi ne, %convert_element_type3A_290, %cond3A_291 : i32
      scf.if %cond3A_292 {
        %dma_wait3A_306 = arith.constant 0 : i32
        %dma_wait3A_307 = arith.constant 0 : i32
        %dma_wait3A_308 = tpu.memref_slice %arg32[%dma_wait3A_306, %dma_wait3A_307] : memref<10112x64xf32, #tpu.memory_space<vmem_shared>> -> memref<10112x64xf32, #tpu.memory_space<vmem_shared>>
        tpu.wait_indirect_dma semaphore(%arg31 : memref<!tpu.dma_semaphore, #tpu.memory_space<semaphore_mem>>) src(%arg27 : memref<80x64xf32, #tpu.memory_space<vmem>>) dst(%dma_wait3A_308 : memref<10112x64xf32, #tpu.memory_space<vmem_shared>>)
      } else {
      }
      %scan3A_293 = arith.constant 0 : i32
      %scan3A_294 = arith.constant 80 : i32
      %scan3A_295 = arith.addi %scan3A_293, %scan3A_294 : i32
      %scan3A_296 = arith.constant 1 : i32
      scf.for %scan3A_306 = %scan3A_293 to %scan3A_295 step %scan3A_296  : i32 {
        %mul3A_307 = arith.constant 1 : i32
        %mul3A_308 = arith.muli %scan3A_306, %mul3A_307 : i32
        %add3A_309 = arith.constant 0 : i32
        %add3A_310 = arith.addi %add3A_309, %mul3A_308 : i32
        %get3A = arith.index_cast %add3A_310 : i32 to index
        %get3A_311 = arith.constant 0 : index
        %get3A_312 = tpu.vector_load %arg19[%get3A, %get3A_311] {strides = array<i32>} : memref<80x192xf32, #tpu.memory_space<vmem>>, vector<1x16xf32>,
        %get3A_313 = vector.shape_cast %get3A_312 : vector<1x16xf32> to vector<16xf32>
        %get3A_314 = arith.index_cast %add3A_310 : i32 to index
        %get3A_315 = arith.constant 0 : index
        %get3A_316 = tpu.vector_load %arg21[%get3A_314, %get3A_315] {strides = array<i32>} : memref<80x128xf32, #tpu.memory_space<vmem>>, vector<1x16xf32>,
        %get3A_317 = vector.shape_cast %get3A_316 : vector<1x16xf32> to vector<16xf32>
        %mul3A_318 = arith.mulf %get3A_313, %get3A_317 : vector<16xf32>
        %get3A_319 = arith.index_cast %add3A_310 : i32 to index
        %get3A_320 = arith.constant 128 : index
        %get3A_321 = tpu.vector_load %arg19[%get3A_319, %get3A_320] {strides = array<i32>} : memref<80x192xf32, #tpu.memory_space<vmem>>, vector<1x16xf32>,
        %get3A_322 = vector.shape_cast %get3A_321 : vector<1x16xf32> to vector<16xf32>
        %mul3A_323 = arith.mulf %mul3A_318, %get3A_322 : vector<16xf32>
        %get3A_324 = arith.index_cast %add3A_310 : i32 to index
        %get3A_325 = arith.constant 64 : index
        %get3A_326 = tpu.vector_load %arg19[%get3A_324, %get3A_325] {strides = array<i32>} : memref<80x192xf32, #tpu.memory_space<vmem>>, vector<1x16xf32>,
        %get3A_327 = vector.shape_cast %get3A_326 : vector<1x16xf32> to vector<16xf32>
        %get3A_328 = arith.index_cast %add3A_310 : i32 to index
        %get3A_329 = arith.constant 64 : index
        %get3A_330 = tpu.vector_load %arg21[%get3A_328, %get3A_329] {strides = array<i32>} : memref<80x128xf32, #tpu.memory_space<vmem>>, vector<1x16xf32>,
        %get3A_331 = vector.shape_cast %get3A_330 : vector<1x16xf32> to vector<16xf32>
        %mul3A_332 = arith.mulf %get3A_327, %get3A_331 : vector<16xf32>
        %add3A_333 = arith.addf %mul3A_323, %mul3A_332 : vector<16xf32>
        %swap3A = arith.index_cast %add3A_310 : i32 to index
        %swap3A_334 = arith.constant 0 : index
        %swap3A_335 = tpu.vector_load %arg27[%swap3A, %swap3A_334] {strides = array<i32>} : memref<80x64xf32, #tpu.memory_space<vmem>>, vector<1x16xf32>,
        %swap3A_336 = vector.shape_cast %swap3A_335 : vector<1x16xf32> to vector<16xf32>
        %swap3A_337 = vector.shape_cast %add3A_333 : vector<16xf32> to vector<1x16xf32>
        tpu.vector_store %arg27[%swap3A, %swap3A_334], %swap3A_337 {strides = array<i32>} : memref<80x64xf32, #tpu.memory_space<vmem>>, vector<1x16xf32>,
        %get3A_338 = arith.index_cast %add3A_310 : i32 to index
        %get3A_339 = arith.constant 16 : index
        %get3A_340 = tpu.vector_load %arg19[%get3A_338, %get3A_339] {strides = array<i32>} : memref<80x192xf32, #tpu.memory_space<vmem>>, vector<1x16xf32>,
        %get3A_341 = vector.shape_cast %get3A_340 : vector<1x16xf32> to vector<16xf32>
        %get3A_342 = arith.index_cast %add3A_310 : i32 to index
        %get3A_343 = arith.constant 16 : index
        %get3A_344 = tpu.vector_load %arg21[%get3A_342, %get3A_343] {strides = array<i32>} : memref<80x128xf32, #tpu.memory_space<vmem>>, vector<1x16xf32>,
        %get3A_345 = vector.shape_cast %get3A_344 : vector<1x16xf32> to vector<16xf32>
        %mul3A_346 = arith.mulf %get3A_341, %get3A_345 : vector<16xf32>
        %get3A_347 = arith.index_cast %add3A_310 : i32 to index
        %get3A_348 = arith.constant 144 : index
        %get3A_349 = tpu.vector_load %arg19[%get3A_347, %get3A_348] {strides = array<i32>} : memref<80x192xf32, #tpu.memory_space<vmem>>, vector<1x16xf32>,
        %get3A_350 = vector.shape_cast %get3A_349 : vector<1x16xf32> to vector<16xf32>
        %mul3A_351 = arith.mulf %mul3A_346, %get3A_350 : vector<16xf32>
        %get3A_352 = arith.index_cast %add3A_310 : i32 to index
        %get3A_353 = arith.constant 80 : index
        %get3A_354 = tpu.vector_load %arg19[%get3A_352, %get3A_353] {strides = array<i32>} : memref<80x192xf32, #tpu.memory_space<vmem>>, vector<1x16xf32>,
        %get3A_355 = vector.shape_cast %get3A_354 : vector<1x16xf32> to vector<16xf32>
        %get3A_356 = arith.index_cast %add3A_310 : i32 to index
        %get3A_357 = arith.constant 80 : index
        %get3A_358 = tpu.vector_load %arg21[%get3A_356, %get3A_357] {strides = array<i32>} : memref<80x128xf32, #tpu.memory_space<vmem>>, vector<1x16xf32>,
        %get3A_359 = vector.shape_cast %get3A_358 : vector<1x16xf32> to vector<16xf32>
        %mul3A_360 = arith.mulf %get3A_355, %get3A_359 : vector<16xf32>
        %add3A_361 = arith.addf %mul3A_351, %mul3A_360 : vector<16xf32>
        %swap3A_362 = arith.index_cast %add3A_310 : i32 to index
        %swap3A_363 = arith.constant 16 : index
        %swap3A_364 = tpu.vector_load %arg27[%swap3A_362, %swap3A_363] {strides = array<i32>} : memref<80x64xf32, #tpu.memory_space<vmem>>, vector<1x16xf32>,
        %swap3A_365 = vector.shape_cast %swap3A_364 : vector<1x16xf32> to vector<16xf32>
        %swap3A_366 = vector.shape_cast %add3A_361 : vector<16xf32> to vector<1x16xf32>
        tpu.vector_store %arg27[%swap3A_362, %swap3A_363], %swap3A_366 {strides = array<i32>} : memref<80x64xf32, #tpu.memory_space<vmem>>, vector<1x16xf32>,
        %get3A_367 = arith.index_cast %add3A_310 : i32 to index
        %get3A_368 = arith.constant 32 : index
        %get3A_369 = tpu.vector_load %arg19[%get3A_367, %get3A_368] {strides = array<i32>} : memref<80x192xf32, #tpu.memory_space<vmem>>, vector<1x16xf32>,
        %get3A_370 = vector.shape_cast %get3A_369 : vector<1x16xf32> to vector<16xf32>
        %get3A_371 = arith.index_cast %add3A_310 : i32 to index
        %get3A_372 = arith.constant 32 : index
        %get3A_373 = tpu.vector_load %arg21[%get3A_371, %get3A_372] {strides = array<i32>} : memref<80x128xf32, #tpu.memory_space<vmem>>, vector<1x16xf32>,
        %get3A_374 = vector.shape_cast %get3A_373 : vector<1x16xf32> to vector<16xf32>
        %mul3A_375 = arith.mulf %get3A_370, %get3A_374 : vector<16xf32>
        %get3A_376 = arith.index_cast %add3A_310 : i32 to index
        %get3A_377 = arith.constant 160 : index
        %get3A_378 = tpu.vector_load %arg19[%get3A_376, %get3A_377] {strides = array<i32>} : memref<80x192xf32, #tpu.memory_space<vmem>>, vector<1x16xf32>,
        %get3A_379 = vector.shape_cast %get3A_378 : vector<1x16xf32> to vector<16xf32>
        %mul3A_380 = arith.mulf %mul3A_375, %get3A_379 : vector<16xf32>
        %get3A_381 = arith.index_cast %add3A_310 : i32 to index
        %get3A_382 = arith.constant 96 : index
        %get3A_383 = tpu.vector_load %arg19[%get3A_381, %get3A_382] {strides = array<i32>} : memref<80x192xf32, #tpu.memory_space<vmem>>, vector<1x16xf32>,
        %get3A_384 = vector.shape_cast %get3A_383 : vector<1x16xf32> to vector<16xf32>
        %get3A_385 = arith.index_cast %add3A_310 : i32 to index
        %get3A_386 = arith.constant 96 : index
        %get3A_387 = tpu.vector_load %arg21[%get3A_385, %get3A_386] {strides = array<i32>} : memref<80x128xf32, #tpu.memory_space<vmem>>, vector<1x16xf32>,
        %get3A_388 = vector.shape_cast %get3A_387 : vector<1x16xf32> to vector<16xf32>
        %mul3A_389 = arith.mulf %get3A_384, %get3A_388 : vector<16xf32>
        %add3A_390 = arith.addf %mul3A_380, %mul3A_389 : vector<16xf32>
        %swap3A_391 = arith.index_cast %add3A_310 : i32 to index
        %swap3A_392 = arith.constant 32 : index
        %swap3A_393 = tpu.vector_load %arg27[%swap3A_391, %swap3A_392] {strides = array<i32>} : memref<80x64xf32, #tpu.memory_space<vmem>>, vector<1x16xf32>,
        %swap3A_394 = vector.shape_cast %swap3A_393 : vector<1x16xf32> to vector<16xf32>
        %swap3A_395 = vector.shape_cast %add3A_390 : vector<16xf32> to vector<1x16xf32>
        tpu.vector_store %arg27[%swap3A_391, %swap3A_392], %swap3A_395 {strides = array<i32>} : memref<80x64xf32, #tpu.memory_space<vmem>>, vector<1x16xf32>,
        %get3A_396 = arith.index_cast %add3A_310 : i32 to index
        %get3A_397 = arith.constant 48 : index
        %get3A_398 = tpu.vector_load %arg19[%get3A_396, %get3A_397] {strides = array<i32>} : memref<80x192xf32, #tpu.memory_space<vmem>>, vector<1x16xf32>,
        %get3A_399 = vector.shape_cast %get3A_398 : vector<1x16xf32> to vector<16xf32>
        %get3A_400 = arith.index_cast %add3A_310 : i32 to index
        %get3A_401 = arith.constant 48 : index
        %get3A_402 = tpu.vector_load %arg21[%get3A_400, %get3A_401] {strides = array<i32>} : memref<80x128xf32, #tpu.memory_space<vmem>>, vector<1x16xf32>,
        %get3A_403 = vector.shape_cast %get3A_402 : vector<1x16xf32> to vector<16xf32>
        %mul3A_404 = arith.mulf %get3A_399, %get3A_403 : vector<16xf32>
        %get3A_405 = arith.index_cast %add3A_310 : i32 to index
        %get3A_406 = arith.constant 176 : index
        %get3A_407 = tpu.vector_load %arg19[%get3A_405, %get3A_406] {strides = array<i32>} : memref<80x192xf32, #tpu.memory_space<vmem>>, vector<1x16xf32>,
        %get3A_408 = vector.shape_cast %get3A_407 : vector<1x16xf32> to vector<16xf32>
        %mul3A_409 = arith.mulf %mul3A_404, %get3A_408 : vector<16xf32>
        %get3A_410 = arith.index_cast %add3A_310 : i32 to index
        %get3A_411 = arith.constant 112 : index
        %get3A_412 = tpu.vector_load %arg19[%get3A_410, %get3A_411] {strides = array<i32>} : memref<80x192xf32, #tpu.memory_space<vmem>>, vector<1x16xf32>,
        %get3A_413 = vector.shape_cast %get3A_412 : vector<1x16xf32> to vector<16xf32>
        %get3A_414 = arith.index_cast %add3A_310 : i32 to index
        %get3A_415 = arith.constant 112 : index
        %get3A_416 = tpu.vector_load %arg21[%get3A_414, %get3A_415] {strides = array<i32>} : memref<80x128xf32, #tpu.memory_space<vmem>>, vector<1x16xf32>,
        %get3A_417 = vector.shape_cast %get3A_416 : vector<1x16xf32> to vector<16xf32>
        %mul3A_418 = arith.mulf %get3A_413, %get3A_417 : vector<16xf32>
        %add3A_419 = arith.addf %mul3A_409, %mul3A_418 : vector<16xf32>
        %swap3A_420 = arith.index_cast %add3A_310 : i32 to index
        %swap3A_421 = arith.constant 48 : index
        %swap3A_422 = tpu.vector_load %arg27[%swap3A_420, %swap3A_421] {strides = array<i32>} : memref<80x64xf32, #tpu.memory_space<vmem>>, vector<1x16xf32>,
        %swap3A_423 = vector.shape_cast %swap3A_422 : vector<1x16xf32> to vector<16xf32>
        %swap3A_424 = vector.shape_cast %add3A_419 : vector<16xf32> to vector<1x16xf32>
        tpu.vector_store %arg27[%swap3A_420, %swap3A_421], %swap3A_424 {strides = array<i32>} : memref<80x64xf32, #tpu.memory_space<vmem>>, vector<1x16xf32>,
      }
      %scan3A_297 = arith.constant 80 : i32
      %scan3A_298 = arith.constant 0 : i32
      %scan3A_299 = arith.constant 5 : i32
      %scan3A_300 = arith.addi %scan3A_298, %scan3A_299 : i32
      %scan3A_301 = arith.constant 1 : i32
      scf.for %scan3A_306 = %scan3A_298 to %scan3A_300 step %scan3A_301  : i32 {
        %mul3A_307 = arith.constant 1 : i32
        %mul3A_308 = arith.muli %scan3A_306, %mul3A_307 : i32
        %add3A_309 = arith.constant 0 : i32
        %add3A_310 = arith.addi %add3A_309, %mul3A_308 : i32
        %mul3A_311 = arith.constant 16 : i32
        %mul3A_312 = arith.muli %add3A_310, %mul3A_311 : i32
        %get3A = arith.constant 1 : i32
        %get3A_313 = arith.index_cast %get3A : i32 to index
        %get3A_314 = arith.index_cast %mul3A_312 : i32 to index
        %get3A_315 = tpu.vector_load %arg15[%get3A_313, %get3A_314] {strides = array<i32>} : memref<2x80xi32, #tpu.memory_space<vmem>>, vector<1x16xi32>,
        %get3A_316 = vector.shape_cast %get3A_315 : vector<1x16xi32> to vector<16xi32>
        %swap3A = arith.index_cast %mul3A_312 : i32 to index
        %swap3A_317 = tpu.vector_load %arg17[%swap3A] {strides = array<i32>} : memref<80xi32, #tpu.memory_space<vmem>>, vector<16xi32>,
        %swap3A_318 = vector.shape_cast %swap3A_317 : vector<16xi32> to vector<16xi32>
        %swap3A_319 = vector.shape_cast %get3A_316 : vector<16xi32> to vector<16xi32>
        tpu.vector_store %arg17[%swap3A], %swap3A_319 {strides = array<i32>} : memref<80xi32, #tpu.memory_space<vmem>>, vector<16xi32>,
      }
      %scan3A_302 = arith.constant 5 : i32
      %dma_start3A_303 = arith.constant 0 : i32
      %dma_start3A_304 = arith.constant 0 : i32
      %dma_start3A_305 = tpu.memref_slice %arg32[%dma_start3A_303, %dma_start3A_304] : memref<10112x64xf32, #tpu.memory_space<vmem_shared>> -> memref<10112x64xf32, #tpu.memory_space<vmem_shared>>
      tpu.enqueue_indirect_dma source(%arg27 : memref<80x64xf32, #tpu.memory_space<vmem>>) target(%dma_start3A_305 : memref<10112x64xf32, #tpu.memory_space<vmem_shared>>) offsets(%arg17 : memref<80xi32, #tpu.memory_space<vmem>>) semaphore(%arg31 : memref<!tpu.dma_semaphore, #tpu.memory_space<semaphore_mem>>) {add = true}
    }
    %scan3A_128 = arith.constant 64 : i32
    %dma_wait3A_129 = arith.constant 0 : i32
    %dma_wait3A_130 = arith.constant 0 : i32
    %dma_wait3A_131 = tpu.memref_slice %arg32[%dma_wait3A_129, %dma_wait3A_130] : memref<10112x64xf32, #tpu.memory_space<vmem_shared>> -> memref<10112x64xf32, #tpu.memory_space<vmem_shared>>
    tpu.wait_indirect_dma semaphore(%arg30 : memref<!tpu.dma_semaphore, #tpu.memory_space<semaphore_mem>>) src(%arg26 : memref<80x64xf32, #tpu.memory_space<vmem>>) dst(%dma_wait3A_131 : memref<10112x64xf32, #tpu.memory_space<vmem_shared>>)
    %dma_wait3A_132 = arith.constant 0 : i32
    %dma_wait3A_133 = arith.constant 0 : i32
    %dma_wait3A_134 = tpu.memref_slice %arg32[%dma_wait3A_132, %dma_wait3A_133] : memref<10112x64xf32, #tpu.memory_space<vmem_shared>> -> memref<10112x64xf32, #tpu.memory_space<vmem_shared>>
    tpu.wait_indirect_dma semaphore(%arg31 : memref<!tpu.dma_semaphore, #tpu.memory_space<semaphore_mem>>) src(%arg27 : memref<80x64xf32, #tpu.memory_space<vmem>>) dst(%dma_wait3A_134 : memref<10112x64xf32, #tpu.memory_space<vmem_shared>>)
    %barrier3A_135 = arith.constant 0 : index
    tpu.barrier barrier_id(%barrier3A_135)
    %lt3A_136 = arith.constant 15 : i32
    %lt3A_137 = arith.cmpi slt, %arg1, %lt3A_136 : i32
    %convert_element_type3A_138 = arith.extui %lt3A_137 : i1 to i32
    %cond3A_139 = arith.constant 0 : i32
    %cond3A_140 = arith.cmpi ne, %convert_element_type3A_138, %cond3A_139 : i32
    scf.if %cond3A_140 {
      %run_scoped3A = arith.constant 1 : i32
      "tpu.region"() ({
        %run_scoped3A_197 = tpu.sem_alloc : memref<!tpu.dma_semaphore, #tpu.memory_space<semaphore_mem>>
        %dma_start3A_198 = arith.constant 0 : i32
        %dma_start3A_199 = tpu.memref_slice %arg13[%run_scoped3A, %arg0, %mul3A_0, %dma_start3A_198] : memref<3x2x10000x64xf32, #tpu.memory_space<hbm>> -> memref<1x1x632x64xf32, #tpu.memory_space<hbm>>
        %dma_start3A_200 = tpu.memref_squeeze %dma_start3A_199 : memref<1x1x632x64xf32, #tpu.memory_space<hbm>> -> memref<632x64xf32, #tpu.memory_space<hbm>>
        %dma_start3A_201 = arith.constant 0 : i32
        %dma_start3A_202 = tpu.memref_slice %arg32[%mul3A_0, %dma_start3A_201] : memref<10112x64xf32, #tpu.memory_space<vmem_shared>> -> memref<632x64xf32, #tpu.memory_space<vmem_shared>>
        tpu.enqueue_dma source(%dma_start3A_202 : memref<632x64xf32, #tpu.memory_space<vmem_shared>>) target(%dma_start3A_200 : memref<632x64xf32, #tpu.memory_space<hbm>>) target_semaphore(%run_scoped3A_197 : memref<!tpu.dma_semaphore, #tpu.memory_space<semaphore_mem>>)
        %dma_wait3A_203 = arith.constant 0 : i32
        %dma_wait3A_204 = tpu.memref_slice %arg13[%run_scoped3A, %arg0, %mul3A_0, %dma_wait3A_203] : memref<3x2x10000x64xf32, #tpu.memory_space<hbm>> -> memref<1x1x632x64xf32, #tpu.memory_space<hbm>>
        %dma_wait3A_205 = tpu.memref_squeeze %dma_wait3A_204 : memref<1x1x632x64xf32, #tpu.memory_space<hbm>> -> memref<632x64xf32, #tpu.memory_space<hbm>>
        %dma_wait3A_206 = arith.constant 0 : i32
        %dma_wait3A_207 = tpu.memref_slice %arg32[%mul3A_0, %dma_wait3A_206] : memref<10112x64xf32, #tpu.memory_space<vmem_shared>> -> memref<632x64xf32, #tpu.memory_space<vmem_shared>>
        tpu.wait_dma2 semaphore(%run_scoped3A_197 : memref<!tpu.dma_semaphore, #tpu.memory_space<semaphore_mem>>) src(%dma_wait3A_207 : memref<632x64xf32, #tpu.memory_space<vmem_shared>>) dst(%dma_wait3A_205 : memref<632x64xf32, #tpu.memory_space<hbm>>)
        tpu.yield
      }) : () -> ()
    } else {
    }
    %eq3A_141 = arith.constant 15 : i32
    %eq3A_142 = arith.cmpi eq, %arg1, %eq3A_141 : i32
    %convert_element_type3A_143 = arith.extui %eq3A_142 : i1 to i32
    %cond3A_144 = arith.constant 0 : i32
    %cond3A_145 = arith.cmpi ne, %convert_element_type3A_143, %cond3A_144 : i32
    scf.if %cond3A_145 {
      %run_scoped3A = arith.constant 1 : i32
      "tpu.region"() ({
        %run_scoped3A_197 = tpu.sem_alloc : memref<!tpu.dma_semaphore, #tpu.memory_space<semaphore_mem>>
        %dma_start3A_198 = arith.constant 0 : i32
        %dma_start3A_199 = tpu.memref_slice %arg13[%run_scoped3A, %arg0, %mul3A_0, %dma_start3A_198] : memref<3x2x10000x64xf32, #tpu.memory_space<hbm>> -> memref<1x1x520x64xf32, #tpu.memory_space<hbm>>
        %dma_start3A_200 = tpu.memref_squeeze %dma_start3A_199 : memref<1x1x520x64xf32, #tpu.memory_space<hbm>> -> memref<520x64xf32, #tpu.memory_space<hbm>>
        %dma_start3A_201 = arith.constant 0 : i32
        %dma_start3A_202 = tpu.memref_slice %arg32[%mul3A_0, %dma_start3A_201] : memref<10112x64xf32, #tpu.memory_space<vmem_shared>> -> memref<520x64xf32, #tpu.memory_space<vmem_shared>>
        tpu.enqueue_dma source(%dma_start3A_202 : memref<520x64xf32, #tpu.memory_space<vmem_shared>>) target(%dma_start3A_200 : memref<520x64xf32, #tpu.memory_space<hbm>>) target_semaphore(%run_scoped3A_197 : memref<!tpu.dma_semaphore, #tpu.memory_space<semaphore_mem>>)
        %dma_wait3A_203 = arith.constant 0 : i32
        %dma_wait3A_204 = tpu.memref_slice %arg13[%run_scoped3A, %arg0, %mul3A_0, %dma_wait3A_203] : memref<3x2x10000x64xf32, #tpu.memory_space<hbm>> -> memref<1x1x520x64xf32, #tpu.memory_space<hbm>>
        %dma_wait3A_205 = tpu.memref_squeeze %dma_wait3A_204 : memref<1x1x520x64xf32, #tpu.memory_space<hbm>> -> memref<520x64xf32, #tpu.memory_space<hbm>>
        %dma_wait3A_206 = arith.constant 0 : i32
        %dma_wait3A_207 = tpu.memref_slice %arg32[%mul3A_0, %dma_wait3A_206] : memref<10112x64xf32, #tpu.memory_space<vmem_shared>> -> memref<520x64xf32, #tpu.memory_space<vmem_shared>>
        tpu.wait_dma2 semaphore(%run_scoped3A_197 : memref<!tpu.dma_semaphore, #tpu.memory_space<semaphore_mem>>) src(%dma_wait3A_207 : memref<520x64xf32, #tpu.memory_space<vmem_shared>>) dst(%dma_wait3A_205 : memref<520x64xf32, #tpu.memory_space<hbm>>)
        tpu.yield
      }) : () -> ()
    } else {
    }
    %barrier3A_146 = arith.constant 0 : index
    tpu.barrier barrier_id(%barrier3A_146)
    "tpu.region"() ({
      %run_scoped3A = tpu.sem_alloc : memref<!tpu.dma_semaphore, #tpu.memory_space<semaphore_mem>>
      %dma_start3A_197 = arith.constant 0 : i32
      %dma_start3A_198 = tpu.memref_slice %arg32[%mul3A_0, %dma_start3A_197] : memref<10112x64xf32, #tpu.memory_space<vmem_shared>> -> memref<632x64xf32, #tpu.memory_space<vmem_shared>>
      %dma_start3A_199 = arith.constant 0 : i32
      %dma_start3A_200 = tpu.memref_slice %arg11[%mul3A_0, %dma_start3A_199] : memref<10112x64xf32, #tpu.memory_space<hbm>> -> memref<632x64xf32, #tpu.memory_space<hbm>>
      tpu.enqueue_dma source(%dma_start3A_200 : memref<632x64xf32, #tpu.memory_space<hbm>>) target(%dma_start3A_198 : memref<632x64xf32, #tpu.memory_space<vmem_shared>>) target_semaphore(%run_scoped3A : memref<!tpu.dma_semaphore, #tpu.memory_space<semaphore_mem>>)
      %dma_wait3A_201 = arith.constant 0 : i32
      %dma_wait3A_202 = tpu.memref_slice %arg32[%mul3A_0, %dma_wait3A_201] : memref<10112x64xf32, #tpu.memory_space<vmem_shared>> -> memref<632x64xf32, #tpu.memory_space<vmem_shared>>
      %dma_wait3A_203 = arith.constant 0 : i32
      %dma_wait3A_204 = tpu.memref_slice %arg11[%mul3A_0, %dma_wait3A_203] : memref<10112x64xf32, #tpu.memory_space<hbm>> -> memref<632x64xf32, #tpu.memory_space<hbm>>
      tpu.wait_dma2 semaphore(%run_scoped3A : memref<!tpu.dma_semaphore, #tpu.memory_space<semaphore_mem>>) src(%dma_wait3A_204 : memref<632x64xf32, #tpu.memory_space<hbm>>) dst(%dma_wait3A_202 : memref<632x64xf32, #tpu.memory_space<vmem_shared>>)
      tpu.yield
    }) : () -> ()
    %barrier3A_147 = arith.constant 0 : index
    tpu.barrier barrier_id(%barrier3A_147)
    %mul3A_148 = arith.constant 128 : i32
    %mul3A_149 = arith.muli %arg1, %mul3A_148 : i32
    %add3A_150 = arith.constant 0 : i32
    %add3A_151 = arith.addi %mul3A_149, %add3A_150 : i32
    %mul3A_152 = arith.constant 2 : i32
    %mul3A_153 = arith.muli %mul3A_152, %add3A_151 : i32
    "tpu.region"() ({
      %run_scoped3A = tpu.sem_alloc : memref<!tpu.dma_semaphore, #tpu.memory_space<semaphore_mem>>
      %dma_start3A_197 = arith.constant 0 : i32
      %dma_start3A_198 = tpu.memref_slice %arg2[%mul3A_153, %dma_start3A_197] : memref<4096x80xi32, #tpu.memory_space<hbm>> -> memref<2x80xi32, #tpu.memory_space<hbm>>
      %dma_start3A_199 = arith.constant 0 : i32
      %dma_start3A_200 = tpu.memref_slice %arg2[%mul3A_153, %dma_start3A_199] : memref<4096x80xi32, #tpu.memory_space<hbm>> -> memref<2x80xi32, #tpu.memory_space<hbm>>
      tpu.enqueue_dma source(%dma_start3A_200 : memref<2x80xi32, #tpu.memory_space<hbm>>) target(%arg14 : memref<2x80xi32, #tpu.memory_space<vmem>>) target_semaphore(%run_scoped3A : memref<!tpu.dma_semaphore, #tpu.memory_space<semaphore_mem>>)
      %dma_wait3A_201 = arith.constant 0 : i32
      %dma_wait3A_202 = tpu.memref_slice %arg2[%mul3A_153, %dma_wait3A_201] : memref<4096x80xi32, #tpu.memory_space<hbm>> -> memref<2x80xi32, #tpu.memory_space<hbm>>
      %dma_wait3A_203 = arith.constant 0 : i32
      %dma_wait3A_204 = tpu.memref_slice %arg2[%mul3A_153, %dma_wait3A_203] : memref<4096x80xi32, #tpu.memory_space<hbm>> -> memref<2x80xi32, #tpu.memory_space<hbm>>
      tpu.wait_dma2 semaphore(%run_scoped3A : memref<!tpu.dma_semaphore, #tpu.memory_space<semaphore_mem>>) src(%dma_wait3A_204 : memref<2x80xi32, #tpu.memory_space<hbm>>) dst(%arg14 : memref<2x80xi32, #tpu.memory_space<vmem>>)
      tpu.yield
    }) : () -> ()
    %scan3A_154 = arith.constant 0 : i32
    %scan3A_155 = arith.constant 5 : i32
    %scan3A_156 = arith.addi %scan3A_154, %scan3A_155 : i32
    %scan3A_157 = arith.constant 1 : i32
    scf.for %scan3A_197 = %scan3A_154 to %scan3A_156 step %scan3A_157  : i32 {
      %mul3A_198 = arith.constant 1 : i32
      %mul3A_199 = arith.muli %scan3A_197, %mul3A_198 : i32
      %add3A_200 = arith.constant 0 : i32
      %add3A_201 = arith.addi %add3A_200, %mul3A_199 : i32
      %mul3A_202 = arith.constant 16 : i32
      %mul3A_203 = arith.muli %add3A_201, %mul3A_202 : i32
      %get3A = arith.constant 0 : i32
      %get3A_204 = arith.index_cast %get3A : i32 to index
      %get3A_205 = arith.index_cast %mul3A_203 : i32 to index
      %get3A_206 = tpu.vector_load %arg14[%get3A_204, %get3A_205] {strides = array<i32>} : memref<2x80xi32, #tpu.memory_space<vmem>>, vector<1x16xi32>,
      %get3A_207 = vector.shape_cast %get3A_206 : vector<1x16xi32> to vector<16xi32>
      %add3A_208 = vector.broadcast %mul3A_4 : i32 to vector<16xi32>
      %add3A_209 = arith.addi %get3A_207, %add3A_208 : vector<16xi32>
      %swap3A = arith.constant 0 : i32
      %swap3A_210 = arith.index_cast %swap3A : i32 to index
      %swap3A_211 = arith.index_cast %mul3A_203 : i32 to index
      %swap3A_212 = tpu.vector_load %arg14[%swap3A_210, %swap3A_211] {strides = array<i32>} : memref<2x80xi32, #tpu.memory_space<vmem>>, vector<1x16xi32>,
      %swap3A_213 = vector.shape_cast %swap3A_212 : vector<1x16xi32> to vector<16xi32>
      %swap3A_214 = vector.shape_cast %add3A_209 : vector<16xi32> to vector<1x16xi32>
      tpu.vector_store %arg14[%swap3A_210, %swap3A_211], %swap3A_214 {strides = array<i32>} : memref<2x80xi32, #tpu.memory_space<vmem>>, vector<1x16xi32>,
    }
    %scan3A_158 = arith.constant 5 : i32
    %add3A_159 = arith.addi %mul3A_6, %mul3A_2 : i32
    %add3A_160 = arith.constant 0 : i32
    %add3A_161 = arith.addi %add3A_159, %add3A_160 : i32
    %multiple_of3A_162 = tpu.assume_multiple %add3A_161, 8 : i32
    %dma_start3A_163 = arith.constant 0 : i32
    %dma_start3A_164 = arith.constant 0 : i32
    %dma_start3A_165 = tpu.memref_slice %arg14[%dma_start3A_163, %dma_start3A_164] : memref<2x80xi32, #tpu.memory_space<vmem>> -> memref<1x80xi32, #tpu.memory_space<vmem>>
    %dma_start3A_166 = tpu.memref_squeeze %dma_start3A_165 : memref<1x80xi32, #tpu.memory_space<vmem>> -> memref<80xi32, #tpu.memory_space<vmem>>
    %dma_start3A_167 = arith.constant 0 : i32
    %dma_start3A_168 = arith.constant 0 : i32
    %dma_start3A_169 = tpu.memref_slice %arg5[%dma_start3A_167, %dma_start3A_168] : memref<20000x192xf32, #tpu.memory_space<hbm>> -> memref<20000x192xf32, #tpu.memory_space<hbm>>
    tpu.enqueue_indirect_dma source(%dma_start3A_169 : memref<20000x192xf32, #tpu.memory_space<hbm>>) target(%arg18 : memref<80x192xf32, #tpu.memory_space<vmem>>) offsets(%dma_start3A_166 : memref<80xi32, #tpu.memory_space<vmem>>) semaphore(%arg28 : memref<!tpu.dma_semaphore, #tpu.memory_space<semaphore_mem>>)
    %dma_start3A_170 = arith.constant 0 : i32
    %dma_start3A_171 = tpu.memref_slice %arg10[%multiple_of3A_162, %dma_start3A_170] : memref<327680x128xf32, #tpu.memory_space<hbm>> -> memref<80x128xf32, #tpu.memory_space<hbm>>
    %dma_start3A_172 = arith.constant 0 : i32
    %dma_start3A_173 = tpu.memref_slice %arg10[%multiple_of3A_162, %dma_start3A_172] : memref<327680x128xf32, #tpu.memory_space<hbm>> -> memref<80x128xf32, #tpu.memory_space<hbm>>
    tpu.enqueue_dma source(%dma_start3A_173 : memref<80x128xf32, #tpu.memory_space<hbm>>) target(%arg20 : memref<80x128xf32, #tpu.memory_space<vmem>>) target_semaphore(%arg28 : memref<!tpu.dma_semaphore, #tpu.memory_space<semaphore_mem>>)
    %scan3A_174 = arith.constant 0 : i32
    %scan3A_175 = arith.constant 64 : i32
    %scan3A_176 = arith.addi %scan3A_174, %scan3A_175 : i32
    %scan3A_177 = arith.constant 1 : i32
    scf.for %scan3A_197 = %scan3A_174 to %scan3A_176 step %scan3A_177  : i32 {
      %mul3A_198 = arith.constant 2 : i32
      %mul3A_199 = arith.muli %scan3A_197, %mul3A_198 : i32
      %add3A_200 = arith.constant 0 : i32
      %add3A_201 = arith.addi %add3A_200, %mul3A_199 : i32
      %add3A_202 = arith.constant 1 : i32
      %add3A_203 = arith.addi %add3A_201, %add3A_202 : i32
      %mul3A_204 = arith.constant 128 : i32
      %mul3A_205 = arith.muli %arg1, %mul3A_204 : i32
      %add3A_206 = arith.addi %mul3A_205, %add3A_203 : i32
      %mul3A_207 = arith.constant 2 : i32
      %mul3A_208 = arith.muli %mul3A_207, %add3A_206 : i32
      "tpu.region"() ({
        %run_scoped3A = tpu.sem_alloc : memref<!tpu.dma_semaphore, #tpu.memory_space<semaphore_mem>>
        %dma_start3A_306 = arith.constant 0 : i32
        %dma_start3A_307 = tpu.memref_slice %arg2[%mul3A_208, %dma_start3A_306] : memref<4096x80xi32, #tpu.memory_space<hbm>> -> memref<2x80xi32, #tpu.memory_space<hbm>>
        %dma_start3A_308 = arith.constant 0 : i32
        %dma_start3A_309 = tpu.memref_slice %arg2[%mul3A_208, %dma_start3A_308] : memref<4096x80xi32, #tpu.memory_space<hbm>> -> memref<2x80xi32, #tpu.memory_space<hbm>>
        tpu.enqueue_dma source(%dma_start3A_309 : memref<2x80xi32, #tpu.memory_space<hbm>>) target(%arg15 : memref<2x80xi32, #tpu.memory_space<vmem>>) target_semaphore(%run_scoped3A : memref<!tpu.dma_semaphore, #tpu.memory_space<semaphore_mem>>)
        %dma_wait3A_310 = arith.constant 0 : i32
        %dma_wait3A_311 = tpu.memref_slice %arg2[%mul3A_208, %dma_wait3A_310] : memref<4096x80xi32, #tpu.memory_space<hbm>> -> memref<2x80xi32, #tpu.memory_space<hbm>>
        %dma_wait3A_312 = arith.constant 0 : i32
        %dma_wait3A_313 = tpu.memref_slice %arg2[%mul3A_208, %dma_wait3A_312] : memref<4096x80xi32, #tpu.memory_space<hbm>> -> memref<2x80xi32, #tpu.memory_space<hbm>>
        tpu.wait_dma2 semaphore(%run_scoped3A : memref<!tpu.dma_semaphore, #tpu.memory_space<semaphore_mem>>) src(%dma_wait3A_313 : memref<2x80xi32, #tpu.memory_space<hbm>>) dst(%arg15 : memref<2x80xi32, #tpu.memory_space<vmem>>)
        tpu.yield
      }) : () -> ()
      %scan3A_209 = arith.constant 0 : i32
      %scan3A_210 = arith.constant 5 : i32
      %scan3A_211 = arith.addi %scan3A_209, %scan3A_210 : i32
      %scan3A_212 = arith.constant 1 : i32
      scf.for %scan3A_306 = %scan3A_209 to %scan3A_211 step %scan3A_212  : i32 {
        %mul3A_307 = arith.constant 1 : i32
        %mul3A_308 = arith.muli %scan3A_306, %mul3A_307 : i32
        %add3A_309 = arith.constant 0 : i32
        %add3A_310 = arith.addi %add3A_309, %mul3A_308 : i32
        %mul3A_311 = arith.constant 16 : i32
        %mul3A_312 = arith.muli %add3A_310, %mul3A_311 : i32
        %get3A = arith.constant 0 : i32
        %get3A_313 = arith.index_cast %get3A : i32 to index
        %get3A_314 = arith.index_cast %mul3A_312 : i32 to index
        %get3A_315 = tpu.vector_load %arg15[%get3A_313, %get3A_314] {strides = array<i32>} : memref<2x80xi32, #tpu.memory_space<vmem>>, vector<1x16xi32>,
        %get3A_316 = vector.shape_cast %get3A_315 : vector<1x16xi32> to vector<16xi32>
        %add3A_317 = vector.broadcast %mul3A_4 : i32 to vector<16xi32>
        %add3A_318 = arith.addi %get3A_316, %add3A_317 : vector<16xi32>
        %swap3A = arith.constant 0 : i32
        %swap3A_319 = arith.index_cast %swap3A : i32 to index
        %swap3A_320 = arith.index_cast %mul3A_312 : i32 to index
        %swap3A_321 = tpu.vector_load %arg15[%swap3A_319, %swap3A_320] {strides = array<i32>} : memref<2x80xi32, #tpu.memory_space<vmem>>, vector<1x16xi32>,
        %swap3A_322 = vector.shape_cast %swap3A_321 : vector<1x16xi32> to vector<16xi32>
        %swap3A_323 = vector.shape_cast %add3A_318 : vector<16xi32> to vector<1x16xi32>
        tpu.vector_store %arg15[%swap3A_319, %swap3A_320], %swap3A_323 {strides = array<i32>} : memref<2x80xi32, #tpu.memory_space<vmem>>, vector<1x16xi32>,
      }
      %scan3A_213 = arith.constant 5 : i32
      %add3A_214 = arith.addi %mul3A_6, %mul3A_2 : i32
      %mul3A_215 = arith.constant 80 : i32
      %mul3A_216 = arith.muli %add3A_203, %mul3A_215 : i32
      %add3A_217 = arith.addi %add3A_214, %mul3A_216 : i32
      %multiple_of3A_218 = tpu.assume_multiple %add3A_217, 8 : i32
      %dma_start3A_219 = arith.constant 0 : i32
      %dma_start3A_220 = arith.constant 0 : i32
      %dma_start3A_221 = tpu.memref_slice %arg15[%dma_start3A_219, %dma_start3A_220] : memref<2x80xi32, #tpu.memory_space<vmem>> -> memref<1x80xi32, #tpu.memory_space<vmem>>
      %dma_start3A_222 = tpu.memref_squeeze %dma_start3A_221 : memref<1x80xi32, #tpu.memory_space<vmem>> -> memref<80xi32, #tpu.memory_space<vmem>>
      %dma_start3A_223 = arith.constant 0 : i32
      %dma_start3A_224 = arith.constant 0 : i32
      %dma_start3A_225 = tpu.memref_slice %arg5[%dma_start3A_223, %dma_start3A_224] : memref<20000x192xf32, #tpu.memory_space<hbm>> -> memref<20000x192xf32, #tpu.memory_space<hbm>>
      tpu.enqueue_indirect_dma source(%dma_start3A_225 : memref<20000x192xf32, #tpu.memory_space<hbm>>) target(%arg19 : memref<80x192xf32, #tpu.memory_space<vmem>>) offsets(%dma_start3A_222 : memref<80xi32, #tpu.memory_space<vmem>>) semaphore(%arg29 : memref<!tpu.dma_semaphore, #tpu.memory_space<semaphore_mem>>)
      %dma_start3A_226 = arith.constant 0 : i32
      %dma_start3A_227 = tpu.memref_slice %arg10[%multiple_of3A_218, %dma_start3A_226] : memref<327680x128xf32, #tpu.memory_space<hbm>> -> memref<80x128xf32, #tpu.memory_space<hbm>>
      %dma_start3A_228 = arith.constant 0 : i32
      %dma_start3A_229 = tpu.memref_slice %arg10[%multiple_of3A_218, %dma_start3A_228] : memref<327680x128xf32, #tpu.memory_space<hbm>> -> memref<80x128xf32, #tpu.memory_space<hbm>>
      tpu.enqueue_dma source(%dma_start3A_229 : memref<80x128xf32, #tpu.memory_space<hbm>>) target(%arg21 : memref<80x128xf32, #tpu.memory_space<vmem>>) target_semaphore(%arg29 : memref<!tpu.dma_semaphore, #tpu.memory_space<semaphore_mem>>)
      %add3A_230 = arith.addi %mul3A_6, %mul3A_2 : i32
      %mul3A_231 = arith.constant 80 : i32
      %mul3A_232 = arith.muli %add3A_201, %mul3A_231 : i32
      %add3A_233 = arith.addi %add3A_230, %mul3A_232 : i32
      %multiple_of3A_234 = tpu.assume_multiple %add3A_233, 8 : i32
      %dma_wait3A_235 = arith.constant 0 : i32
      %dma_wait3A_236 = arith.constant 0 : i32
      %dma_wait3A_237 = tpu.memref_slice %arg14[%dma_wait3A_235, %dma_wait3A_236] : memref<2x80xi32, #tpu.memory_space<vmem>> -> memref<1x80xi32, #tpu.memory_space<vmem>>
      %dma_wait3A_238 = tpu.memref_squeeze %dma_wait3A_237 : memref<1x80xi32, #tpu.memory_space<vmem>> -> memref<80xi32, #tpu.memory_space<vmem>>
      %dma_wait3A_239 = arith.constant 0 : i32
      %dma_wait3A_240 = arith.constant 0 : i32
      %dma_wait3A_241 = tpu.memref_slice %arg5[%dma_wait3A_239, %dma_wait3A_240] : memref<20000x192xf32, #tpu.memory_space<hbm>> -> memref<20000x192xf32, #tpu.memory_space<hbm>>
      tpu.wait_indirect_dma semaphore(%arg28 : memref<!tpu.dma_semaphore, #tpu.memory_space<semaphore_mem>>) src(%dma_wait3A_241 : memref<20000x192xf32, #tpu.memory_space<hbm>>) dst(%arg18 : memref<80x192xf32, #tpu.memory_space<vmem>>)
      %dma_wait3A_242 = arith.constant 0 : i32
      %dma_wait3A_243 = tpu.memref_slice %arg10[%multiple_of3A_234, %dma_wait3A_242] : memref<327680x128xf32, #tpu.memory_space<hbm>> -> memref<80x128xf32, #tpu.memory_space<hbm>>
      %dma_wait3A_244 = arith.constant 0 : i32
      %dma_wait3A_245 = tpu.memref_slice %arg10[%multiple_of3A_234, %dma_wait3A_244] : memref<327680x128xf32, #tpu.memory_space<hbm>> -> memref<80x128xf32, #tpu.memory_space<hbm>>
      tpu.wait_dma2 semaphore(%arg28 : memref<!tpu.dma_semaphore, #tpu.memory_space<semaphore_mem>>) src(%dma_wait3A_245 : memref<80x128xf32, #tpu.memory_space<hbm>>) dst(%arg20 : memref<80x128xf32, #tpu.memory_space<vmem>>)
      %ge3A = arith.constant 2 : i32
      %ge3A_246 = arith.cmpi sge, %add3A_201, %ge3A : i32
      %convert_element_type3A_247 = arith.extui %ge3A_246 : i1 to i32
      %cond3A_248 = arith.constant 0 : i32
      %cond3A_249 = arith.cmpi ne, %convert_element_type3A_247, %cond3A_248 : i32
      scf.if %cond3A_249 {
        %dma_wait3A_306 = arith.constant 0 : i32
        %dma_wait3A_307 = arith.constant 0 : i32
        %dma_wait3A_308 = tpu.memref_slice %arg32[%dma_wait3A_306, %dma_wait3A_307] : memref<10112x64xf32, #tpu.memory_space<vmem_shared>> -> memref<10112x64xf32, #tpu.memory_space<vmem_shared>>
        tpu.wait_indirect_dma semaphore(%arg30 : memref<!tpu.dma_semaphore, #tpu.memory_space<semaphore_mem>>) src(%arg26 : memref<80x64xf32, #tpu.memory_space<vmem>>) dst(%dma_wait3A_308 : memref<10112x64xf32, #tpu.memory_space<vmem_shared>>)
      } else {
      }
      %scan3A_250 = arith.constant 0 : i32
      %scan3A_251 = arith.constant 80 : i32
      %scan3A_252 = arith.addi %scan3A_250, %scan3A_251 : i32
      %scan3A_253 = arith.constant 1 : i32
      scf.for %scan3A_306 = %scan3A_250 to %scan3A_252 step %scan3A_253  : i32 {
        %mul3A_307 = arith.constant 1 : i32
        %mul3A_308 = arith.muli %scan3A_306, %mul3A_307 : i32
        %add3A_309 = arith.constant 0 : i32
        %add3A_310 = arith.addi %add3A_309, %mul3A_308 : i32
        %get3A = arith.index_cast %add3A_310 : i32 to index
        %get3A_311 = arith.constant 0 : index
        %get3A_312 = tpu.vector_load %arg18[%get3A, %get3A_311] {strides = array<i32>} : memref<80x192xf32, #tpu.memory_space<vmem>>, vector<1x16xf32>,
        %get3A_313 = vector.shape_cast %get3A_312 : vector<1x16xf32> to vector<16xf32>
        %get3A_314 = arith.index_cast %add3A_310 : i32 to index
        %get3A_315 = arith.constant 0 : index
        %get3A_316 = tpu.vector_load %arg20[%get3A_314, %get3A_315] {strides = array<i32>} : memref<80x128xf32, #tpu.memory_space<vmem>>, vector<1x16xf32>,
        %get3A_317 = vector.shape_cast %get3A_316 : vector<1x16xf32> to vector<16xf32>
        %mul3A_318 = arith.mulf %get3A_313, %get3A_317 : vector<16xf32>
        %get3A_319 = arith.index_cast %add3A_310 : i32 to index
        %get3A_320 = arith.constant 128 : index
        %get3A_321 = tpu.vector_load %arg18[%get3A_319, %get3A_320] {strides = array<i32>} : memref<80x192xf32, #tpu.memory_space<vmem>>, vector<1x16xf32>,
        %get3A_322 = vector.shape_cast %get3A_321 : vector<1x16xf32> to vector<16xf32>
        %mul3A_323 = arith.mulf %mul3A_318, %get3A_322 : vector<16xf32>
        %get3A_324 = arith.index_cast %add3A_310 : i32 to index
        %get3A_325 = arith.constant 64 : index
        %get3A_326 = tpu.vector_load %arg18[%get3A_324, %get3A_325] {strides = array<i32>} : memref<80x192xf32, #tpu.memory_space<vmem>>, vector<1x16xf32>,
        %get3A_327 = vector.shape_cast %get3A_326 : vector<1x16xf32> to vector<16xf32>
        %get3A_328 = arith.index_cast %add3A_310 : i32 to index
        %get3A_329 = arith.constant 64 : index
        %get3A_330 = tpu.vector_load %arg20[%get3A_328, %get3A_329] {strides = array<i32>} : memref<80x128xf32, #tpu.memory_space<vmem>>, vector<1x16xf32>,
        %get3A_331 = vector.shape_cast %get3A_330 : vector<1x16xf32> to vector<16xf32>
        %mul3A_332 = arith.mulf %get3A_327, %get3A_331 : vector<16xf32>
        %add3A_333 = arith.addf %mul3A_323, %mul3A_332 : vector<16xf32>
        %swap3A = arith.index_cast %add3A_310 : i32 to index
        %swap3A_334 = arith.constant 0 : index
        %swap3A_335 = tpu.vector_load %arg26[%swap3A, %swap3A_334] {strides = array<i32>} : memref<80x64xf32, #tpu.memory_space<vmem>>, vector<1x16xf32>,
        %swap3A_336 = vector.shape_cast %swap3A_335 : vector<1x16xf32> to vector<16xf32>
        %swap3A_337 = vector.shape_cast %add3A_333 : vector<16xf32> to vector<1x16xf32>
        tpu.vector_store %arg26[%swap3A, %swap3A_334], %swap3A_337 {strides = array<i32>} : memref<80x64xf32, #tpu.memory_space<vmem>>, vector<1x16xf32>,
        %get3A_338 = arith.index_cast %add3A_310 : i32 to index
        %get3A_339 = arith.constant 16 : index
        %get3A_340 = tpu.vector_load %arg18[%get3A_338, %get3A_339] {strides = array<i32>} : memref<80x192xf32, #tpu.memory_space<vmem>>, vector<1x16xf32>,
        %get3A_341 = vector.shape_cast %get3A_340 : vector<1x16xf32> to vector<16xf32>
        %get3A_342 = arith.index_cast %add3A_310 : i32 to index
        %get3A_343 = arith.constant 16 : index
        %get3A_344 = tpu.vector_load %arg20[%get3A_342, %get3A_343] {strides = array<i32>} : memref<80x128xf32, #tpu.memory_space<vmem>>, vector<1x16xf32>,
        %get3A_345 = vector.shape_cast %get3A_344 : vector<1x16xf32> to vector<16xf32>
        %mul3A_346 = arith.mulf %get3A_341, %get3A_345 : vector<16xf32>
        %get3A_347 = arith.index_cast %add3A_310 : i32 to index
        %get3A_348 = arith.constant 144 : index
        %get3A_349 = tpu.vector_load %arg18[%get3A_347, %get3A_348] {strides = array<i32>} : memref<80x192xf32, #tpu.memory_space<vmem>>, vector<1x16xf32>,
        %get3A_350 = vector.shape_cast %get3A_349 : vector<1x16xf32> to vector<16xf32>
        %mul3A_351 = arith.mulf %mul3A_346, %get3A_350 : vector<16xf32>
        %get3A_352 = arith.index_cast %add3A_310 : i32 to index
        %get3A_353 = arith.constant 80 : index
        %get3A_354 = tpu.vector_load %arg18[%get3A_352, %get3A_353] {strides = array<i32>} : memref<80x192xf32, #tpu.memory_space<vmem>>, vector<1x16xf32>,
        %get3A_355 = vector.shape_cast %get3A_354 : vector<1x16xf32> to vector<16xf32>
        %get3A_356 = arith.index_cast %add3A_310 : i32 to index
        %get3A_357 = arith.constant 80 : index
        %get3A_358 = tpu.vector_load %arg20[%get3A_356, %get3A_357] {strides = array<i32>} : memref<80x128xf32, #tpu.memory_space<vmem>>, vector<1x16xf32>,
        %get3A_359 = vector.shape_cast %get3A_358 : vector<1x16xf32> to vector<16xf32>
        %mul3A_360 = arith.mulf %get3A_355, %get3A_359 : vector<16xf32>
        %add3A_361 = arith.addf %mul3A_351, %mul3A_360 : vector<16xf32>
        %swap3A_362 = arith.index_cast %add3A_310 : i32 to index
        %swap3A_363 = arith.constant 16 : index
        %swap3A_364 = tpu.vector_load %arg26[%swap3A_362, %swap3A_363] {strides = array<i32>} : memref<80x64xf32, #tpu.memory_space<vmem>>, vector<1x16xf32>,
        %swap3A_365 = vector.shape_cast %swap3A_364 : vector<1x16xf32> to vector<16xf32>
        %swap3A_366 = vector.shape_cast %add3A_361 : vector<16xf32> to vector<1x16xf32>
        tpu.vector_store %arg26[%swap3A_362, %swap3A_363], %swap3A_366 {strides = array<i32>} : memref<80x64xf32, #tpu.memory_space<vmem>>, vector<1x16xf32>,
        %get3A_367 = arith.index_cast %add3A_310 : i32 to index
        %get3A_368 = arith.constant 32 : index
        %get3A_369 = tpu.vector_load %arg18[%get3A_367, %get3A_368] {strides = array<i32>} : memref<80x192xf32, #tpu.memory_space<vmem>>, vector<1x16xf32>,
        %get3A_370 = vector.shape_cast %get3A_369 : vector<1x16xf32> to vector<16xf32>
        %get3A_371 = arith.index_cast %add3A_310 : i32 to index
        %get3A_372 = arith.constant 32 : index
        %get3A_373 = tpu.vector_load %arg20[%get3A_371, %get3A_372] {strides = array<i32>} : memref<80x128xf32, #tpu.memory_space<vmem>>, vector<1x16xf32>,
        %get3A_374 = vector.shape_cast %get3A_373 : vector<1x16xf32> to vector<16xf32>
        %mul3A_375 = arith.mulf %get3A_370, %get3A_374 : vector<16xf32>
        %get3A_376 = arith.index_cast %add3A_310 : i32 to index
        %get3A_377 = arith.constant 160 : index
        %get3A_378 = tpu.vector_load %arg18[%get3A_376, %get3A_377] {strides = array<i32>} : memref<80x192xf32, #tpu.memory_space<vmem>>, vector<1x16xf32>,
        %get3A_379 = vector.shape_cast %get3A_378 : vector<1x16xf32> to vector<16xf32>
        %mul3A_380 = arith.mulf %mul3A_375, %get3A_379 : vector<16xf32>
        %get3A_381 = arith.index_cast %add3A_310 : i32 to index
        %get3A_382 = arith.constant 96 : index
        %get3A_383 = tpu.vector_load %arg18[%get3A_381, %get3A_382] {strides = array<i32>} : memref<80x192xf32, #tpu.memory_space<vmem>>, vector<1x16xf32>,
        %get3A_384 = vector.shape_cast %get3A_383 : vector<1x16xf32> to vector<16xf32>
        %get3A_385 = arith.index_cast %add3A_310 : i32 to index
        %get3A_386 = arith.constant 96 : index
        %get3A_387 = tpu.vector_load %arg20[%get3A_385, %get3A_386] {strides = array<i32>} : memref<80x128xf32, #tpu.memory_space<vmem>>, vector<1x16xf32>,
        %get3A_388 = vector.shape_cast %get3A_387 : vector<1x16xf32> to vector<16xf32>
        %mul3A_389 = arith.mulf %get3A_384, %get3A_388 : vector<16xf32>
        %add3A_390 = arith.addf %mul3A_380, %mul3A_389 : vector<16xf32>
        %swap3A_391 = arith.index_cast %add3A_310 : i32 to index
        %swap3A_392 = arith.constant 32 : index
        %swap3A_393 = tpu.vector_load %arg26[%swap3A_391, %swap3A_392] {strides = array<i32>} : memref<80x64xf32, #tpu.memory_space<vmem>>, vector<1x16xf32>,
        %swap3A_394 = vector.shape_cast %swap3A_393 : vector<1x16xf32> to vector<16xf32>
        %swap3A_395 = vector.shape_cast %add3A_390 : vector<16xf32> to vector<1x16xf32>
        tpu.vector_store %arg26[%swap3A_391, %swap3A_392], %swap3A_395 {strides = array<i32>} : memref<80x64xf32, #tpu.memory_space<vmem>>, vector<1x16xf32>,
        %get3A_396 = arith.index_cast %add3A_310 : i32 to index
        %get3A_397 = arith.constant 48 : index
        %get3A_398 = tpu.vector_load %arg18[%get3A_396, %get3A_397] {strides = array<i32>} : memref<80x192xf32, #tpu.memory_space<vmem>>, vector<1x16xf32>,
        %get3A_399 = vector.shape_cast %get3A_398 : vector<1x16xf32> to vector<16xf32>
        %get3A_400 = arith.index_cast %add3A_310 : i32 to index
        %get3A_401 = arith.constant 48 : index
        %get3A_402 = tpu.vector_load %arg20[%get3A_400, %get3A_401] {strides = array<i32>} : memref<80x128xf32, #tpu.memory_space<vmem>>, vector<1x16xf32>,
        %get3A_403 = vector.shape_cast %get3A_402 : vector<1x16xf32> to vector<16xf32>
        %mul3A_404 = arith.mulf %get3A_399, %get3A_403 : vector<16xf32>
        %get3A_405 = arith.index_cast %add3A_310 : i32 to index
        %get3A_406 = arith.constant 176 : index
        %get3A_407 = tpu.vector_load %arg18[%get3A_405, %get3A_406] {strides = array<i32>} : memref<80x192xf32, #tpu.memory_space<vmem>>, vector<1x16xf32>,
        %get3A_408 = vector.shape_cast %get3A_407 : vector<1x16xf32> to vector<16xf32>
        %mul3A_409 = arith.mulf %mul3A_404, %get3A_408 : vector<16xf32>
        %get3A_410 = arith.index_cast %add3A_310 : i32 to index
        %get3A_411 = arith.constant 112 : index
        %get3A_412 = tpu.vector_load %arg18[%get3A_410, %get3A_411] {strides = array<i32>} : memref<80x192xf32, #tpu.memory_space<vmem>>, vector<1x16xf32>,
        %get3A_413 = vector.shape_cast %get3A_412 : vector<1x16xf32> to vector<16xf32>
        %get3A_414 = arith.index_cast %add3A_310 : i32 to index
        %get3A_415 = arith.constant 112 : index
        %get3A_416 = tpu.vector_load %arg20[%get3A_414, %get3A_415] {strides = array<i32>} : memref<80x128xf32, #tpu.memory_space<vmem>>, vector<1x16xf32>,
        %get3A_417 = vector.shape_cast %get3A_416 : vector<1x16xf32> to vector<16xf32>
        %mul3A_418 = arith.mulf %get3A_413, %get3A_417 : vector<16xf32>
        %add3A_419 = arith.addf %mul3A_409, %mul3A_418 : vector<16xf32>
        %swap3A_420 = arith.index_cast %add3A_310 : i32 to index
        %swap3A_421 = arith.constant 48 : index
        %swap3A_422 = tpu.vector_load %arg26[%swap3A_420, %swap3A_421] {strides = array<i32>} : memref<80x64xf32, #tpu.memory_space<vmem>>, vector<1x16xf32>,
        %swap3A_423 = vector.shape_cast %swap3A_422 : vector<1x16xf32> to vector<16xf32>
        %swap3A_424 = vector.shape_cast %add3A_419 : vector<16xf32> to vector<1x16xf32>
        tpu.vector_store %arg26[%swap3A_420, %swap3A_421], %swap3A_424 {strides = array<i32>} : memref<80x64xf32, #tpu.memory_space<vmem>>, vector<1x16xf32>,
      }
      %scan3A_254 = arith.constant 80 : i32
      %scan3A_255 = arith.constant 0 : i32
      %scan3A_256 = arith.constant 5 : i32
      %scan3A_257 = arith.addi %scan3A_255, %scan3A_256 : i32
      %scan3A_258 = arith.constant 1 : i32
      scf.for %scan3A_306 = %scan3A_255 to %scan3A_257 step %scan3A_258  : i32 {
        %mul3A_307 = arith.constant 1 : i32
        %mul3A_308 = arith.muli %scan3A_306, %mul3A_307 : i32
        %add3A_309 = arith.constant 0 : i32
        %add3A_310 = arith.addi %add3A_309, %mul3A_308 : i32
        %mul3A_311 = arith.constant 16 : i32
        %mul3A_312 = arith.muli %add3A_310, %mul3A_311 : i32
        %get3A = arith.constant 1 : i32
        %get3A_313 = arith.index_cast %get3A : i32 to index
        %get3A_314 = arith.index_cast %mul3A_312 : i32 to index
        %get3A_315 = tpu.vector_load %arg14[%get3A_313, %get3A_314] {strides = array<i32>} : memref<2x80xi32, #tpu.memory_space<vmem>>, vector<1x16xi32>,
        %get3A_316 = vector.shape_cast %get3A_315 : vector<1x16xi32> to vector<16xi32>
        %swap3A = arith.index_cast %mul3A_312 : i32 to index
        %swap3A_317 = tpu.vector_load %arg16[%swap3A] {strides = array<i32>} : memref<80xi32, #tpu.memory_space<vmem>>, vector<16xi32>,
        %swap3A_318 = vector.shape_cast %swap3A_317 : vector<16xi32> to vector<16xi32>
        %swap3A_319 = vector.shape_cast %get3A_316 : vector<16xi32> to vector<16xi32>
        tpu.vector_store %arg16[%swap3A], %swap3A_319 {strides = array<i32>} : memref<80xi32, #tpu.memory_space<vmem>>, vector<16xi32>,
      }
      %scan3A_259 = arith.constant 5 : i32
      %dma_start3A_260 = arith.constant 0 : i32
      %dma_start3A_261 = arith.constant 0 : i32
      %dma_start3A_262 = tpu.memref_slice %arg32[%dma_start3A_260, %dma_start3A_261] : memref<10112x64xf32, #tpu.memory_space<vmem_shared>> -> memref<10112x64xf32, #tpu.memory_space<vmem_shared>>
      tpu.enqueue_indirect_dma source(%arg26 : memref<80x64xf32, #tpu.memory_space<vmem>>) target(%dma_start3A_262 : memref<10112x64xf32, #tpu.memory_space<vmem_shared>>) offsets(%arg16 : memref<80xi32, #tpu.memory_space<vmem>>) semaphore(%arg30 : memref<!tpu.dma_semaphore, #tpu.memory_space<semaphore_mem>>) {add = true}
      %add3A_263 = arith.constant 2 : i32
      %add3A_264 = arith.addi %add3A_201, %add3A_263 : i32
      %lt3A_265 = arith.constant 128 : i32
      %lt3A_266 = arith.cmpi slt, %add3A_264, %lt3A_265 : i32
      %convert_element_type3A_267 = arith.extui %lt3A_266 : i1 to i32
      %cond3A_268 = arith.constant 0 : i32
      %cond3A_269 = arith.cmpi ne, %convert_element_type3A_267, %cond3A_268 : i32
      scf.if %cond3A_269 {
        %add3A_306 = arith.constant 2 : i32
        %add3A_307 = arith.addi %add3A_201, %add3A_306 : i32
        %mul3A_308 = arith.constant 128 : i32
        %mul3A_309 = arith.muli %arg1, %mul3A_308 : i32
        %add3A_310 = arith.addi %mul3A_309, %add3A_307 : i32
        %mul3A_311 = arith.constant 2 : i32
        %mul3A_312 = arith.muli %mul3A_311, %add3A_310 : i32
        "tpu.region"() ({
          %run_scoped3A = tpu.sem_alloc : memref<!tpu.dma_semaphore, #tpu.memory_space<semaphore_mem>>
          %dma_start3A_334 = arith.constant 0 : i32
          %dma_start3A_335 = tpu.memref_slice %arg2[%mul3A_312, %dma_start3A_334] : memref<4096x80xi32, #tpu.memory_space<hbm>> -> memref<2x80xi32, #tpu.memory_space<hbm>>
          %dma_start3A_336 = arith.constant 0 : i32
          %dma_start3A_337 = tpu.memref_slice %arg2[%mul3A_312, %dma_start3A_336] : memref<4096x80xi32, #tpu.memory_space<hbm>> -> memref<2x80xi32, #tpu.memory_space<hbm>>
          tpu.enqueue_dma source(%dma_start3A_337 : memref<2x80xi32, #tpu.memory_space<hbm>>) target(%arg14 : memref<2x80xi32, #tpu.memory_space<vmem>>) target_semaphore(%run_scoped3A : memref<!tpu.dma_semaphore, #tpu.memory_space<semaphore_mem>>)
          %dma_wait3A_338 = arith.constant 0 : i32
          %dma_wait3A_339 = tpu.memref_slice %arg2[%mul3A_312, %dma_wait3A_338] : memref<4096x80xi32, #tpu.memory_space<hbm>> -> memref<2x80xi32, #tpu.memory_space<hbm>>
          %dma_wait3A_340 = arith.constant 0 : i32
          %dma_wait3A_341 = tpu.memref_slice %arg2[%mul3A_312, %dma_wait3A_340] : memref<4096x80xi32, #tpu.memory_space<hbm>> -> memref<2x80xi32, #tpu.memory_space<hbm>>
          tpu.wait_dma2 semaphore(%run_scoped3A : memref<!tpu.dma_semaphore, #tpu.memory_space<semaphore_mem>>) src(%dma_wait3A_341 : memref<2x80xi32, #tpu.memory_space<hbm>>) dst(%arg14 : memref<2x80xi32, #tpu.memory_space<vmem>>)
          tpu.yield
        }) : () -> ()
        %scan3A_313 = arith.constant 0 : i32
        %scan3A_314 = arith.constant 5 : i32
        %scan3A_315 = arith.addi %scan3A_313, %scan3A_314 : i32
        %scan3A_316 = arith.constant 1 : i32
        scf.for %scan3A_334 = %scan3A_313 to %scan3A_315 step %scan3A_316  : i32 {
          %mul3A_335 = arith.constant 1 : i32
          %mul3A_336 = arith.muli %scan3A_334, %mul3A_335 : i32
          %add3A_337 = arith.constant 0 : i32
          %add3A_338 = arith.addi %add3A_337, %mul3A_336 : i32
          %mul3A_339 = arith.constant 16 : i32
          %mul3A_340 = arith.muli %add3A_338, %mul3A_339 : i32
          %get3A = arith.constant 0 : i32
          %get3A_341 = arith.index_cast %get3A : i32 to index
          %get3A_342 = arith.index_cast %mul3A_340 : i32 to index
          %get3A_343 = tpu.vector_load %arg14[%get3A_341, %get3A_342] {strides = array<i32>} : memref<2x80xi32, #tpu.memory_space<vmem>>, vector<1x16xi32>,
          %get3A_344 = vector.shape_cast %get3A_343 : vector<1x16xi32> to vector<16xi32>
          %add3A_345 = vector.broadcast %mul3A_4 : i32 to vector<16xi32>
          %add3A_346 = arith.addi %get3A_344, %add3A_345 : vector<16xi32>
          %swap3A = arith.constant 0 : i32
          %swap3A_347 = arith.index_cast %swap3A : i32 to index
          %swap3A_348 = arith.index_cast %mul3A_340 : i32 to index
          %swap3A_349 = tpu.vector_load %arg14[%swap3A_347, %swap3A_348] {strides = array<i32>} : memref<2x80xi32, #tpu.memory_space<vmem>>, vector<1x16xi32>,
          %swap3A_350 = vector.shape_cast %swap3A_349 : vector<1x16xi32> to vector<16xi32>
          %swap3A_351 = vector.shape_cast %add3A_346 : vector<16xi32> to vector<1x16xi32>
          tpu.vector_store %arg14[%swap3A_347, %swap3A_348], %swap3A_351 {strides = array<i32>} : memref<2x80xi32, #tpu.memory_space<vmem>>, vector<1x16xi32>,
        }
        %scan3A_317 = arith.constant 5 : i32
        %add3A_318 = arith.addi %mul3A_6, %mul3A_2 : i32
        %mul3A_319 = arith.constant 80 : i32
        %mul3A_320 = arith.muli %add3A_307, %mul3A_319 : i32
        %add3A_321 = arith.addi %add3A_318, %mul3A_320 : i32
        %multiple_of3A_322 = tpu.assume_multiple %add3A_321, 8 : i32
        %dma_start3A_323 = arith.constant 0 : i32
        %dma_start3A_324 = arith.constant 0 : i32
        %dma_start3A_325 = tpu.memref_slice %arg14[%dma_start3A_323, %dma_start3A_324] : memref<2x80xi32, #tpu.memory_space<vmem>> -> memref<1x80xi32, #tpu.memory_space<vmem>>
        %dma_start3A_326 = tpu.memref_squeeze %dma_start3A_325 : memref<1x80xi32, #tpu.memory_space<vmem>> -> memref<80xi32, #tpu.memory_space<vmem>>
        %dma_start3A_327 = arith.constant 0 : i32
        %dma_start3A_328 = arith.constant 0 : i32
        %dma_start3A_329 = tpu.memref_slice %arg5[%dma_start3A_327, %dma_start3A_328] : memref<20000x192xf32, #tpu.memory_space<hbm>> -> memref<20000x192xf32, #tpu.memory_space<hbm>>
        tpu.enqueue_indirect_dma source(%dma_start3A_329 : memref<20000x192xf32, #tpu.memory_space<hbm>>) target(%arg18 : memref<80x192xf32, #tpu.memory_space<vmem>>) offsets(%dma_start3A_326 : memref<80xi32, #tpu.memory_space<vmem>>) semaphore(%arg28 : memref<!tpu.dma_semaphore, #tpu.memory_space<semaphore_mem>>)
        %dma_start3A_330 = arith.constant 0 : i32
        %dma_start3A_331 = tpu.memref_slice %arg10[%multiple_of3A_322, %dma_start3A_330] : memref<327680x128xf32, #tpu.memory_space<hbm>> -> memref<80x128xf32, #tpu.memory_space<hbm>>
        %dma_start3A_332 = arith.constant 0 : i32
        %dma_start3A_333 = tpu.memref_slice %arg10[%multiple_of3A_322, %dma_start3A_332] : memref<327680x128xf32, #tpu.memory_space<hbm>> -> memref<80x128xf32, #tpu.memory_space<hbm>>
        tpu.enqueue_dma source(%dma_start3A_333 : memref<80x128xf32, #tpu.memory_space<hbm>>) target(%arg20 : memref<80x128xf32, #tpu.memory_space<vmem>>) target_semaphore(%arg28 : memref<!tpu.dma_semaphore, #tpu.memory_space<semaphore_mem>>)
      } else {
      }
      %add3A_270 = arith.constant 1 : i32
      %add3A_271 = arith.addi %add3A_201, %add3A_270 : i32
      %add3A_272 = arith.addi %mul3A_6, %mul3A_2 : i32
      %mul3A_273 = arith.constant 80 : i32
      %mul3A_274 = arith.muli %add3A_271, %mul3A_273 : i32
      %add3A_275 = arith.addi %add3A_272, %mul3A_274 : i32
      %multiple_of3A_276 = tpu.assume_multiple %add3A_275, 8 : i32
      %dma_wait3A_277 = arith.constant 0 : i32
      %dma_wait3A_278 = arith.constant 0 : i32
      %dma_wait3A_279 = tpu.memref_slice %arg15[%dma_wait3A_277, %dma_wait3A_278] : memref<2x80xi32, #tpu.memory_space<vmem>> -> memref<1x80xi32, #tpu.memory_space<vmem>>
      %dma_wait3A_280 = tpu.memref_squeeze %dma_wait3A_279 : memref<1x80xi32, #tpu.memory_space<vmem>> -> memref<80xi32, #tpu.memory_space<vmem>>
      %dma_wait3A_281 = arith.constant 0 : i32
      %dma_wait3A_282 = arith.constant 0 : i32
      %dma_wait3A_283 = tpu.memref_slice %arg5[%dma_wait3A_281, %dma_wait3A_282] : memref<20000x192xf32, #tpu.memory_space<hbm>> -> memref<20000x192xf32, #tpu.memory_space<hbm>>
      tpu.wait_indirect_dma semaphore(%arg29 : memref<!tpu.dma_semaphore, #tpu.memory_space<semaphore_mem>>) src(%dma_wait3A_283 : memref<20000x192xf32, #tpu.memory_space<hbm>>) dst(%arg19 : memref<80x192xf32, #tpu.memory_space<vmem>>)
      %dma_wait3A_284 = arith.constant 0 : i32
      %dma_wait3A_285 = tpu.memref_slice %arg10[%multiple_of3A_276, %dma_wait3A_284] : memref<327680x128xf32, #tpu.memory_space<hbm>> -> memref<80x128xf32, #tpu.memory_space<hbm>>
      %dma_wait3A_286 = arith.constant 0 : i32
      %dma_wait3A_287 = tpu.memref_slice %arg10[%multiple_of3A_276, %dma_wait3A_286] : memref<327680x128xf32, #tpu.memory_space<hbm>> -> memref<80x128xf32, #tpu.memory_space<hbm>>
      tpu.wait_dma2 semaphore(%arg29 : memref<!tpu.dma_semaphore, #tpu.memory_space<semaphore_mem>>) src(%dma_wait3A_287 : memref<80x128xf32, #tpu.memory_space<hbm>>) dst(%arg21 : memref<80x128xf32, #tpu.memory_space<vmem>>)
      %ge3A_288 = arith.constant 2 : i32
      %ge3A_289 = arith.cmpi sge, %add3A_271, %ge3A_288 : i32
      %convert_element_type3A_290 = arith.extui %ge3A_289 : i1 to i32
      %cond3A_291 = arith.constant 0 : i32
      %cond3A_292 = arith.cmpi ne, %convert_element_type3A_290, %cond3A_291 : i32
      scf.if %cond3A_292 {
        %dma_wait3A_306 = arith.constant 0 : i32
        %dma_wait3A_307 = arith.constant 0 : i32
        %dma_wait3A_308 = tpu.memref_slice %arg32[%dma_wait3A_306, %dma_wait3A_307] : memref<10112x64xf32, #tpu.memory_space<vmem_shared>> -> memref<10112x64xf32, #tpu.memory_space<vmem_shared>>
        tpu.wait_indirect_dma semaphore(%arg31 : memref<!tpu.dma_semaphore, #tpu.memory_space<semaphore_mem>>) src(%arg27 : memref<80x64xf32, #tpu.memory_space<vmem>>) dst(%dma_wait3A_308 : memref<10112x64xf32, #tpu.memory_space<vmem_shared>>)
      } else {
      }
      %scan3A_293 = arith.constant 0 : i32
      %scan3A_294 = arith.constant 80 : i32
      %scan3A_295 = arith.addi %scan3A_293, %scan3A_294 : i32
      %scan3A_296 = arith.constant 1 : i32
      scf.for %scan3A_306 = %scan3A_293 to %scan3A_295 step %scan3A_296  : i32 {
        %mul3A_307 = arith.constant 1 : i32
        %mul3A_308 = arith.muli %scan3A_306, %mul3A_307 : i32
        %add3A_309 = arith.constant 0 : i32
        %add3A_310 = arith.addi %add3A_309, %mul3A_308 : i32
        %get3A = arith.index_cast %add3A_310 : i32 to index
        %get3A_311 = arith.constant 0 : index
        %get3A_312 = tpu.vector_load %arg19[%get3A, %get3A_311] {strides = array<i32>} : memref<80x192xf32, #tpu.memory_space<vmem>>, vector<1x16xf32>,
        %get3A_313 = vector.shape_cast %get3A_312 : vector<1x16xf32> to vector<16xf32>
        %get3A_314 = arith.index_cast %add3A_310 : i32 to index
        %get3A_315 = arith.constant 0 : index
        %get3A_316 = tpu.vector_load %arg21[%get3A_314, %get3A_315] {strides = array<i32>} : memref<80x128xf32, #tpu.memory_space<vmem>>, vector<1x16xf32>,
        %get3A_317 = vector.shape_cast %get3A_316 : vector<1x16xf32> to vector<16xf32>
        %mul3A_318 = arith.mulf %get3A_313, %get3A_317 : vector<16xf32>
        %get3A_319 = arith.index_cast %add3A_310 : i32 to index
        %get3A_320 = arith.constant 128 : index
        %get3A_321 = tpu.vector_load %arg19[%get3A_319, %get3A_320] {strides = array<i32>} : memref<80x192xf32, #tpu.memory_space<vmem>>, vector<1x16xf32>,
        %get3A_322 = vector.shape_cast %get3A_321 : vector<1x16xf32> to vector<16xf32>
        %mul3A_323 = arith.mulf %mul3A_318, %get3A_322 : vector<16xf32>
        %get3A_324 = arith.index_cast %add3A_310 : i32 to index
        %get3A_325 = arith.constant 64 : index
        %get3A_326 = tpu.vector_load %arg19[%get3A_324, %get3A_325] {strides = array<i32>} : memref<80x192xf32, #tpu.memory_space<vmem>>, vector<1x16xf32>,
        %get3A_327 = vector.shape_cast %get3A_326 : vector<1x16xf32> to vector<16xf32>
        %get3A_328 = arith.index_cast %add3A_310 : i32 to index
        %get3A_329 = arith.constant 64 : index
        %get3A_330 = tpu.vector_load %arg21[%get3A_328, %get3A_329] {strides = array<i32>} : memref<80x128xf32, #tpu.memory_space<vmem>>, vector<1x16xf32>,
        %get3A_331 = vector.shape_cast %get3A_330 : vector<1x16xf32> to vector<16xf32>
        %mul3A_332 = arith.mulf %get3A_327, %get3A_331 : vector<16xf32>
        %add3A_333 = arith.addf %mul3A_323, %mul3A_332 : vector<16xf32>
        %swap3A = arith.index_cast %add3A_310 : i32 to index
        %swap3A_334 = arith.constant 0 : index
        %swap3A_335 = tpu.vector_load %arg27[%swap3A, %swap3A_334] {strides = array<i32>} : memref<80x64xf32, #tpu.memory_space<vmem>>, vector<1x16xf32>,
        %swap3A_336 = vector.shape_cast %swap3A_335 : vector<1x16xf32> to vector<16xf32>
        %swap3A_337 = vector.shape_cast %add3A_333 : vector<16xf32> to vector<1x16xf32>
        tpu.vector_store %arg27[%swap3A, %swap3A_334], %swap3A_337 {strides = array<i32>} : memref<80x64xf32, #tpu.memory_space<vmem>>, vector<1x16xf32>,
        %get3A_338 = arith.index_cast %add3A_310 : i32 to index
        %get3A_339 = arith.constant 16 : index
        %get3A_340 = tpu.vector_load %arg19[%get3A_338, %get3A_339] {strides = array<i32>} : memref<80x192xf32, #tpu.memory_space<vmem>>, vector<1x16xf32>,
        %get3A_341 = vector.shape_cast %get3A_340 : vector<1x16xf32> to vector<16xf32>
        %get3A_342 = arith.index_cast %add3A_310 : i32 to index
        %get3A_343 = arith.constant 16 : index
        %get3A_344 = tpu.vector_load %arg21[%get3A_342, %get3A_343] {strides = array<i32>} : memref<80x128xf32, #tpu.memory_space<vmem>>, vector<1x16xf32>,
        %get3A_345 = vector.shape_cast %get3A_344 : vector<1x16xf32> to vector<16xf32>
        %mul3A_346 = arith.mulf %get3A_341, %get3A_345 : vector<16xf32>
        %get3A_347 = arith.index_cast %add3A_310 : i32 to index
        %get3A_348 = arith.constant 144 : index
        %get3A_349 = tpu.vector_load %arg19[%get3A_347, %get3A_348] {strides = array<i32>} : memref<80x192xf32, #tpu.memory_space<vmem>>, vector<1x16xf32>,
        %get3A_350 = vector.shape_cast %get3A_349 : vector<1x16xf32> to vector<16xf32>
        %mul3A_351 = arith.mulf %mul3A_346, %get3A_350 : vector<16xf32>
        %get3A_352 = arith.index_cast %add3A_310 : i32 to index
        %get3A_353 = arith.constant 80 : index
        %get3A_354 = tpu.vector_load %arg19[%get3A_352, %get3A_353] {strides = array<i32>} : memref<80x192xf32, #tpu.memory_space<vmem>>, vector<1x16xf32>,
        %get3A_355 = vector.shape_cast %get3A_354 : vector<1x16xf32> to vector<16xf32>
        %get3A_356 = arith.index_cast %add3A_310 : i32 to index
        %get3A_357 = arith.constant 80 : index
        %get3A_358 = tpu.vector_load %arg21[%get3A_356, %get3A_357] {strides = array<i32>} : memref<80x128xf32, #tpu.memory_space<vmem>>, vector<1x16xf32>,
        %get3A_359 = vector.shape_cast %get3A_358 : vector<1x16xf32> to vector<16xf32>
        %mul3A_360 = arith.mulf %get3A_355, %get3A_359 : vector<16xf32>
        %add3A_361 = arith.addf %mul3A_351, %mul3A_360 : vector<16xf32>
        %swap3A_362 = arith.index_cast %add3A_310 : i32 to index
        %swap3A_363 = arith.constant 16 : index
        %swap3A_364 = tpu.vector_load %arg27[%swap3A_362, %swap3A_363] {strides = array<i32>} : memref<80x64xf32, #tpu.memory_space<vmem>>, vector<1x16xf32>,
        %swap3A_365 = vector.shape_cast %swap3A_364 : vector<1x16xf32> to vector<16xf32>
        %swap3A_366 = vector.shape_cast %add3A_361 : vector<16xf32> to vector<1x16xf32>
        tpu.vector_store %arg27[%swap3A_362, %swap3A_363], %swap3A_366 {strides = array<i32>} : memref<80x64xf32, #tpu.memory_space<vmem>>, vector<1x16xf32>,
        %get3A_367 = arith.index_cast %add3A_310 : i32 to index
        %get3A_368 = arith.constant 32 : index
        %get3A_369 = tpu.vector_load %arg19[%get3A_367, %get3A_368] {strides = array<i32>} : memref<80x192xf32, #tpu.memory_space<vmem>>, vector<1x16xf32>,
        %get3A_370 = vector.shape_cast %get3A_369 : vector<1x16xf32> to vector<16xf32>
        %get3A_371 = arith.index_cast %add3A_310 : i32 to index
        %get3A_372 = arith.constant 32 : index
        %get3A_373 = tpu.vector_load %arg21[%get3A_371, %get3A_372] {strides = array<i32>} : memref<80x128xf32, #tpu.memory_space<vmem>>, vector<1x16xf32>,
        %get3A_374 = vector.shape_cast %get3A_373 : vector<1x16xf32> to vector<16xf32>
        %mul3A_375 = arith.mulf %get3A_370, %get3A_374 : vector<16xf32>
        %get3A_376 = arith.index_cast %add3A_310 : i32 to index
        %get3A_377 = arith.constant 160 : index
        %get3A_378 = tpu.vector_load %arg19[%get3A_376, %get3A_377] {strides = array<i32>} : memref<80x192xf32, #tpu.memory_space<vmem>>, vector<1x16xf32>,
        %get3A_379 = vector.shape_cast %get3A_378 : vector<1x16xf32> to vector<16xf32>
        %mul3A_380 = arith.mulf %mul3A_375, %get3A_379 : vector<16xf32>
        %get3A_381 = arith.index_cast %add3A_310 : i32 to index
        %get3A_382 = arith.constant 96 : index
        %get3A_383 = tpu.vector_load %arg19[%get3A_381, %get3A_382] {strides = array<i32>} : memref<80x192xf32, #tpu.memory_space<vmem>>, vector<1x16xf32>,
        %get3A_384 = vector.shape_cast %get3A_383 : vector<1x16xf32> to vector<16xf32>
        %get3A_385 = arith.index_cast %add3A_310 : i32 to index
        %get3A_386 = arith.constant 96 : index
        %get3A_387 = tpu.vector_load %arg21[%get3A_385, %get3A_386] {strides = array<i32>} : memref<80x128xf32, #tpu.memory_space<vmem>>, vector<1x16xf32>,
        %get3A_388 = vector.shape_cast %get3A_387 : vector<1x16xf32> to vector<16xf32>
        %mul3A_389 = arith.mulf %get3A_384, %get3A_388 : vector<16xf32>
        %add3A_390 = arith.addf %mul3A_380, %mul3A_389 : vector<16xf32>
        %swap3A_391 = arith.index_cast %add3A_310 : i32 to index
        %swap3A_392 = arith.constant 32 : index
        %swap3A_393 = tpu.vector_load %arg27[%swap3A_391, %swap3A_392] {strides = array<i32>} : memref<80x64xf32, #tpu.memory_space<vmem>>, vector<1x16xf32>,
        %swap3A_394 = vector.shape_cast %swap3A_393 : vector<1x16xf32> to vector<16xf32>
        %swap3A_395 = vector.shape_cast %add3A_390 : vector<16xf32> to vector<1x16xf32>
        tpu.vector_store %arg27[%swap3A_391, %swap3A_392], %swap3A_395 {strides = array<i32>} : memref<80x64xf32, #tpu.memory_space<vmem>>, vector<1x16xf32>,
        %get3A_396 = arith.index_cast %add3A_310 : i32 to index
        %get3A_397 = arith.constant 48 : index
        %get3A_398 = tpu.vector_load %arg19[%get3A_396, %get3A_397] {strides = array<i32>} : memref<80x192xf32, #tpu.memory_space<vmem>>, vector<1x16xf32>,
        %get3A_399 = vector.shape_cast %get3A_398 : vector<1x16xf32> to vector<16xf32>
        %get3A_400 = arith.index_cast %add3A_310 : i32 to index
        %get3A_401 = arith.constant 48 : index
        %get3A_402 = tpu.vector_load %arg21[%get3A_400, %get3A_401] {strides = array<i32>} : memref<80x128xf32, #tpu.memory_space<vmem>>, vector<1x16xf32>,
        %get3A_403 = vector.shape_cast %get3A_402 : vector<1x16xf32> to vector<16xf32>
        %mul3A_404 = arith.mulf %get3A_399, %get3A_403 : vector<16xf32>
        %get3A_405 = arith.index_cast %add3A_310 : i32 to index
        %get3A_406 = arith.constant 176 : index
        %get3A_407 = tpu.vector_load %arg19[%get3A_405, %get3A_406] {strides = array<i32>} : memref<80x192xf32, #tpu.memory_space<vmem>>, vector<1x16xf32>,
        %get3A_408 = vector.shape_cast %get3A_407 : vector<1x16xf32> to vector<16xf32>
        %mul3A_409 = arith.mulf %mul3A_404, %get3A_408 : vector<16xf32>
        %get3A_410 = arith.index_cast %add3A_310 : i32 to index
        %get3A_411 = arith.constant 112 : index
        %get3A_412 = tpu.vector_load %arg19[%get3A_410, %get3A_411] {strides = array<i32>} : memref<80x192xf32, #tpu.memory_space<vmem>>, vector<1x16xf32>,
        %get3A_413 = vector.shape_cast %get3A_412 : vector<1x16xf32> to vector<16xf32>
        %get3A_414 = arith.index_cast %add3A_310 : i32 to index
        %get3A_415 = arith.constant 112 : index
        %get3A_416 = tpu.vector_load %arg21[%get3A_414, %get3A_415] {strides = array<i32>} : memref<80x128xf32, #tpu.memory_space<vmem>>, vector<1x16xf32>,
        %get3A_417 = vector.shape_cast %get3A_416 : vector<1x16xf32> to vector<16xf32>
        %mul3A_418 = arith.mulf %get3A_413, %get3A_417 : vector<16xf32>
        %add3A_419 = arith.addf %mul3A_409, %mul3A_418 : vector<16xf32>
        %swap3A_420 = arith.index_cast %add3A_310 : i32 to index
        %swap3A_421 = arith.constant 48 : index
        %swap3A_422 = tpu.vector_load %arg27[%swap3A_420, %swap3A_421] {strides = array<i32>} : memref<80x64xf32, #tpu.memory_space<vmem>>, vector<1x16xf32>,
        %swap3A_423 = vector.shape_cast %swap3A_422 : vector<1x16xf32> to vector<16xf32>
        %swap3A_424 = vector.shape_cast %add3A_419 : vector<16xf32> to vector<1x16xf32>
        tpu.vector_store %arg27[%swap3A_420, %swap3A_421], %swap3A_424 {strides = array<i32>} : memref<80x64xf32, #tpu.memory_space<vmem>>, vector<1x16xf32>,
      }
      %scan3A_297 = arith.constant 80 : i32
      %scan3A_298 = arith.constant 0 : i32
      %scan3A_299 = arith.constant 5 : i32
      %scan3A_300 = arith.addi %scan3A_298, %scan3A_299 : i32
      %scan3A_301 = arith.constant 1 : i32
      scf.for %scan3A_306 = %scan3A_298 to %scan3A_300 step %scan3A_301  : i32 {
        %mul3A_307 = arith.constant 1 : i32
        %mul3A_308 = arith.muli %scan3A_306, %mul3A_307 : i32
        %add3A_309 = arith.constant 0 : i32
        %add3A_310 = arith.addi %add3A_309, %mul3A_308 : i32
        %mul3A_311 = arith.constant 16 : i32
        %mul3A_312 = arith.muli %add3A_310, %mul3A_311 : i32
        %get3A = arith.constant 1 : i32
        %get3A_313 = arith.index_cast %get3A : i32 to index
        %get3A_314 = arith.index_cast %mul3A_312 : i32 to index
        %get3A_315 = tpu.vector_load %arg15[%get3A_313, %get3A_314] {strides = array<i32>} : memref<2x80xi32, #tpu.memory_space<vmem>>, vector<1x16xi32>,
        %get3A_316 = vector.shape_cast %get3A_315 : vector<1x16xi32> to vector<16xi32>
        %swap3A = arith.index_cast %mul3A_312 : i32 to index
        %swap3A_317 = tpu.vector_load %arg17[%swap3A] {strides = array<i32>} : memref<80xi32, #tpu.memory_space<vmem>>, vector<16xi32>,
        %swap3A_318 = vector.shape_cast %swap3A_317 : vector<16xi32> to vector<16xi32>
        %swap3A_319 = vector.shape_cast %get3A_316 : vector<16xi32> to vector<16xi32>
        tpu.vector_store %arg17[%swap3A], %swap3A_319 {strides = array<i32>} : memref<80xi32, #tpu.memory_space<vmem>>, vector<16xi32>,
      }
      %scan3A_302 = arith.constant 5 : i32
      %dma_start3A_303 = arith.constant 0 : i32
      %dma_start3A_304 = arith.constant 0 : i32
      %dma_start3A_305 = tpu.memref_slice %arg32[%dma_start3A_303, %dma_start3A_304] : memref<10112x64xf32, #tpu.memory_space<vmem_shared>> -> memref<10112x64xf32, #tpu.memory_space<vmem_shared>>
      tpu.enqueue_indirect_dma source(%arg27 : memref<80x64xf32, #tpu.memory_space<vmem>>) target(%dma_start3A_305 : memref<10112x64xf32, #tpu.memory_space<vmem_shared>>) offsets(%arg17 : memref<80xi32, #tpu.memory_space<vmem>>) semaphore(%arg31 : memref<!tpu.dma_semaphore, #tpu.memory_space<semaphore_mem>>) {add = true}
    }
    %scan3A_178 = arith.constant 64 : i32
    %dma_wait3A_179 = arith.constant 0 : i32
    %dma_wait3A_180 = arith.constant 0 : i32
    %dma_wait3A_181 = tpu.memref_slice %arg32[%dma_wait3A_179, %dma_wait3A_180] : memref<10112x64xf32, #tpu.memory_space<vmem_shared>> -> memref<10112x64xf32, #tpu.memory_space<vmem_shared>>
    tpu.wait_indirect_dma semaphore(%arg30 : memref<!tpu.dma_semaphore, #tpu.memory_space<semaphore_mem>>) src(%arg26 : memref<80x64xf32, #tpu.memory_space<vmem>>) dst(%dma_wait3A_181 : memref<10112x64xf32, #tpu.memory_space<vmem_shared>>)
    %dma_wait3A_182 = arith.constant 0 : i32
    %dma_wait3A_183 = arith.constant 0 : i32
    %dma_wait3A_184 = tpu.memref_slice %arg32[%dma_wait3A_182, %dma_wait3A_183] : memref<10112x64xf32, #tpu.memory_space<vmem_shared>> -> memref<10112x64xf32, #tpu.memory_space<vmem_shared>>
    tpu.wait_indirect_dma semaphore(%arg31 : memref<!tpu.dma_semaphore, #tpu.memory_space<semaphore_mem>>) src(%arg27 : memref<80x64xf32, #tpu.memory_space<vmem>>) dst(%dma_wait3A_184 : memref<10112x64xf32, #tpu.memory_space<vmem_shared>>)
    %barrier3A_185 = arith.constant 0 : index
    tpu.barrier barrier_id(%barrier3A_185)
    %lt3A_186 = arith.constant 15 : i32
    %lt3A_187 = arith.cmpi slt, %arg1, %lt3A_186 : i32
    %convert_element_type3A_188 = arith.extui %lt3A_187 : i1 to i32
    %cond3A_189 = arith.constant 0 : i32
    %cond3A_190 = arith.cmpi ne, %convert_element_type3A_188, %cond3A_189 : i32
    scf.if %cond3A_190 {
      %run_scoped3A = arith.constant 2 : i32
      "tpu.region"() ({
        %run_scoped3A_197 = tpu.sem_alloc : memref<!tpu.dma_semaphore, #tpu.memory_space<semaphore_mem>>
        %dma_start3A_198 = arith.constant 0 : i32
        %dma_start3A_199 = tpu.memref_slice %arg13[%run_scoped3A, %arg0, %mul3A_0, %dma_start3A_198] : memref<3x2x10000x64xf32, #tpu.memory_space<hbm>> -> memref<1x1x632x64xf32, #tpu.memory_space<hbm>>
        %dma_start3A_200 = tpu.memref_squeeze %dma_start3A_199 : memref<1x1x632x64xf32, #tpu.memory_space<hbm>> -> memref<632x64xf32, #tpu.memory_space<hbm>>
        %dma_start3A_201 = arith.constant 0 : i32
        %dma_start3A_202 = tpu.memref_slice %arg32[%mul3A_0, %dma_start3A_201] : memref<10112x64xf32, #tpu.memory_space<vmem_shared>> -> memref<632x64xf32, #tpu.memory_space<vmem_shared>>
        tpu.enqueue_dma source(%dma_start3A_202 : memref<632x64xf32, #tpu.memory_space<vmem_shared>>) target(%dma_start3A_200 : memref<632x64xf32, #tpu.memory_space<hbm>>) target_semaphore(%run_scoped3A_197 : memref<!tpu.dma_semaphore, #tpu.memory_space<semaphore_mem>>)
        %dma_wait3A_203 = arith.constant 0 : i32
        %dma_wait3A_204 = tpu.memref_slice %arg13[%run_scoped3A, %arg0, %mul3A_0, %dma_wait3A_203] : memref<3x2x10000x64xf32, #tpu.memory_space<hbm>> -> memref<1x1x632x64xf32, #tpu.memory_space<hbm>>
        %dma_wait3A_205 = tpu.memref_squeeze %dma_wait3A_204 : memref<1x1x632x64xf32, #tpu.memory_space<hbm>> -> memref<632x64xf32, #tpu.memory_space<hbm>>
        %dma_wait3A_206 = arith.constant 0 : i32
        %dma_wait3A_207 = tpu.memref_slice %arg32[%mul3A_0, %dma_wait3A_206] : memref<10112x64xf32, #tpu.memory_space<vmem_shared>> -> memref<632x64xf32, #tpu.memory_space<vmem_shared>>
        tpu.wait_dma2 semaphore(%run_scoped3A_197 : memref<!tpu.dma_semaphore, #tpu.memory_space<semaphore_mem>>) src(%dma_wait3A_207 : memref<632x64xf32, #tpu.memory_space<vmem_shared>>) dst(%dma_wait3A_205 : memref<632x64xf32, #tpu.memory_space<hbm>>)
        tpu.yield
      }) : () -> ()
    } else {
    }
    %eq3A_191 = arith.constant 15 : i32
    %eq3A_192 = arith.cmpi eq, %arg1, %eq3A_191 : i32
    %convert_element_type3A_193 = arith.extui %eq3A_192 : i1 to i32
    %cond3A_194 = arith.constant 0 : i32
    %cond3A_195 = arith.cmpi ne, %convert_element_type3A_193, %cond3A_194 : i32
    scf.if %cond3A_195 {
      %run_scoped3A = arith.constant 2 : i32
      "tpu.region"() ({
        %run_scoped3A_197 = tpu.sem_alloc : memref<!tpu.dma_semaphore, #tpu.memory_space<semaphore_mem>>
        %dma_start3A_198 = arith.constant 0 : i32
        %dma_start3A_199 = tpu.memref_slice %arg13[%run_scoped3A, %arg0, %mul3A_0, %dma_start3A_198] : memref<3x2x10000x64xf32, #tpu.memory_space<hbm>> -> memref<1x1x520x64xf32, #tpu.memory_space<hbm>>
        %dma_start3A_200 = tpu.memref_squeeze %dma_start3A_199 : memref<1x1x520x64xf32, #tpu.memory_space<hbm>> -> memref<520x64xf32, #tpu.memory_space<hbm>>
        %dma_start3A_201 = arith.constant 0 : i32
        %dma_start3A_202 = tpu.memref_slice %arg32[%mul3A_0, %dma_start3A_201] : memref<10112x64xf32, #tpu.memory_space<vmem_shared>> -> memref<520x64xf32, #tpu.memory_space<vmem_shared>>
        tpu.enqueue_dma source(%dma_start3A_202 : memref<520x64xf32, #tpu.memory_space<vmem_shared>>) target(%dma_start3A_200 : memref<520x64xf32, #tpu.memory_space<hbm>>) target_semaphore(%run_scoped3A_197 : memref<!tpu.dma_semaphore, #tpu.memory_space<semaphore_mem>>)
        %dma_wait3A_203 = arith.constant 0 : i32
        %dma_wait3A_204 = tpu.memref_slice %arg13[%run_scoped3A, %arg0, %mul3A_0, %dma_wait3A_203] : memref<3x2x10000x64xf32, #tpu.memory_space<hbm>> -> memref<1x1x520x64xf32, #tpu.memory_space<hbm>>
        %dma_wait3A_205 = tpu.memref_squeeze %dma_wait3A_204 : memref<1x1x520x64xf32, #tpu.memory_space<hbm>> -> memref<520x64xf32, #tpu.memory_space<hbm>>
        %dma_wait3A_206 = arith.constant 0 : i32
        %dma_wait3A_207 = tpu.memref_slice %arg32[%mul3A_0, %dma_wait3A_206] : memref<10112x64xf32, #tpu.memory_space<vmem_shared>> -> memref<520x64xf32, #tpu.memory_space<vmem_shared>>
        tpu.wait_dma2 semaphore(%run_scoped3A_197 : memref<!tpu.dma_semaphore, #tpu.memory_space<semaphore_mem>>) src(%dma_wait3A_207 : memref<520x64xf32, #tpu.memory_space<vmem_shared>>) dst(%dma_wait3A_205 : memref<520x64xf32, #tpu.memory_space<hbm>>)
        tpu.yield
      }) : () -> ()
    } else {
    }
    %barrier3A_196 = arith.constant 0 : index
    tpu.barrier barrier_id(%barrier3A_196)
    return
  }
}

#map = affine_map<(d0, d1) -> (0)>
#map1 = affine_map<(d0, d1) -> (0, 0)>
module attributes {stable_mosaic.version = 14 : i64} {
  func.func @body(%arg0: i32, %arg1: i32, %arg2: memref<163840xi32, #tpu.memory_space<hbm>>, %arg3: memref<10112x16xf32, #tpu.memory_space<hbm>>, %arg4: memref<163840x16xf32, #tpu.memory_space<hbm>>, %arg5: memref<128xi32, #tpu.memory_space<vmem>>, %arg6: memref<128x16xf32, #tpu.memory_space<vmem>>, %arg7: memref<!tpu.dma_semaphore, #tpu.memory_space<semaphore_mem>>) attributes {dimension_semantics = [#tpu.dimension_semantics<core_parallel>, #tpu.dimension_semantics<subcore_parallel>], iteration_bounds = array<i64: 2, 16>, scalar_prefetch = 0 : i64, scratch_operands = 3 : i64, tpu.core_type = #tpu.core_type<sc_vector_subcore>, window_params = [{transform_indices = #map}, {transform_indices = #map1}, {transform_indices = #map1}]} {
    %mul3A = arith.constant 81920 : i32
    %mul3A_0 = arith.muli %arg0, %mul3A : i32
    %mul3A_1 = arith.constant 5120 : i32
    %mul3A_2 = arith.muli %arg1, %mul3A_1 : i32
    %add3A = arith.addi %mul3A_0, %mul3A_2 : i32
    %scan3A = arith.constant 0 : i32
    %scan3A_3 = arith.constant 40 : i32
    %scan3A_4 = arith.addi %scan3A, %scan3A_3 : i32
    %scan3A_5 = arith.constant 1 : i32
    scf.for %scan3A_7 = %scan3A to %scan3A_4 step %scan3A_5  : i32 {
      %mul3A_8 = arith.constant 1 : i32
      %mul3A_9 = arith.muli %scan3A_7, %mul3A_8 : i32
      %add3A_10 = arith.constant 0 : i32
      %add3A_11 = arith.addi %add3A_10, %mul3A_9 : i32
      %mul3A_12 = arith.constant 128 : i32
      %mul3A_13 = arith.muli %add3A_11, %mul3A_12 : i32
      %add3A_14 = arith.addi %add3A, %mul3A_13 : i32
      %multiple_of3A = tpu.assume_multiple %add3A_14, 8 : i32
      "tpu.region"() ({
        %run_scoped3A = tpu.sem_alloc : memref<!tpu.dma_semaphore, #tpu.memory_space<semaphore_mem>>
        %dma_start3A_19 = tpu.memref_slice %arg2[%multiple_of3A] : memref<163840xi32, #tpu.memory_space<hbm>> -> memref<128xi32, #tpu.memory_space<hbm>>
        %dma_start3A_20 = tpu.memref_slice %arg2[%multiple_of3A] : memref<163840xi32, #tpu.memory_space<hbm>> -> memref<128xi32, #tpu.memory_space<hbm>>
        tpu.enqueue_dma source(%dma_start3A_20 : memref<128xi32, #tpu.memory_space<hbm>>) target(%arg5 : memref<128xi32, #tpu.memory_space<vmem>>) target_semaphore(%run_scoped3A : memref<!tpu.dma_semaphore, #tpu.memory_space<semaphore_mem>>)
        %dma_wait3A_21 = tpu.memref_slice %arg2[%multiple_of3A] : memref<163840xi32, #tpu.memory_space<hbm>> -> memref<128xi32, #tpu.memory_space<hbm>>
        %dma_wait3A_22 = tpu.memref_slice %arg2[%multiple_of3A] : memref<163840xi32, #tpu.memory_space<hbm>> -> memref<128xi32, #tpu.memory_space<hbm>>
        tpu.wait_dma2 semaphore(%run_scoped3A : memref<!tpu.dma_semaphore, #tpu.memory_space<semaphore_mem>>) src(%dma_wait3A_22 : memref<128xi32, #tpu.memory_space<hbm>>) dst(%arg5 : memref<128xi32, #tpu.memory_space<vmem>>)
        tpu.yield
      }) : () -> ()
      %dma_start3A = arith.constant 0 : i32
      %dma_start3A_15 = arith.constant 0 : i32
      %dma_start3A_16 = tpu.memref_slice %arg3[%dma_start3A, %dma_start3A_15] : memref<10112x16xf32, #tpu.memory_space<hbm>> -> memref<10112x16xf32, #tpu.memory_space<hbm>>
      tpu.enqueue_indirect_dma source(%dma_start3A_16 : memref<10112x16xf32, #tpu.memory_space<hbm>>) target(%arg6 : memref<128x16xf32, #tpu.memory_space<vmem>>) offsets(%arg5 : memref<128xi32, #tpu.memory_space<vmem>>) semaphore(%arg7 : memref<!tpu.dma_semaphore, #tpu.memory_space<semaphore_mem>>)
      %dma_wait3A = arith.constant 0 : i32
      %dma_wait3A_17 = arith.constant 0 : i32
      %dma_wait3A_18 = tpu.memref_slice %arg3[%dma_wait3A, %dma_wait3A_17] : memref<10112x16xf32, #tpu.memory_space<hbm>> -> memref<10112x16xf32, #tpu.memory_space<hbm>>
      tpu.wait_indirect_dma semaphore(%arg7 : memref<!tpu.dma_semaphore, #tpu.memory_space<semaphore_mem>>) src(%dma_wait3A_18 : memref<10112x16xf32, #tpu.memory_space<hbm>>) dst(%arg6 : memref<128x16xf32, #tpu.memory_space<vmem>>)
      "tpu.region"() ({
        %run_scoped3A = tpu.sem_alloc : memref<!tpu.dma_semaphore, #tpu.memory_space<semaphore_mem>>
        %dma_start3A_19 = arith.constant 0 : i32
        %dma_start3A_20 = tpu.memref_slice %arg4[%multiple_of3A, %dma_start3A_19] : memref<163840x16xf32, #tpu.memory_space<hbm>> -> memref<128x16xf32, #tpu.memory_space<hbm>>
        %dma_start3A_21 = arith.constant 0 : i32
        %dma_start3A_22 = tpu.memref_slice %arg4[%multiple_of3A, %dma_start3A_21] : memref<163840x16xf32, #tpu.memory_space<hbm>> -> memref<128x16xf32, #tpu.memory_space<hbm>>
        tpu.enqueue_dma source(%arg6 : memref<128x16xf32, #tpu.memory_space<vmem>>) target(%dma_start3A_22 : memref<128x16xf32, #tpu.memory_space<hbm>>) target_semaphore(%run_scoped3A : memref<!tpu.dma_semaphore, #tpu.memory_space<semaphore_mem>>)
        %dma_wait3A_23 = arith.constant 0 : i32
        %dma_wait3A_24 = tpu.memref_slice %arg4[%multiple_of3A, %dma_wait3A_23] : memref<163840x16xf32, #tpu.memory_space<hbm>> -> memref<128x16xf32, #tpu.memory_space<hbm>>
        %dma_wait3A_25 = arith.constant 0 : i32
        %dma_wait3A_26 = tpu.memref_slice %arg4[%multiple_of3A, %dma_wait3A_25] : memref<163840x16xf32, #tpu.memory_space<hbm>> -> memref<128x16xf32, #tpu.memory_space<hbm>>
        tpu.wait_dma2 semaphore(%run_scoped3A : memref<!tpu.dma_semaphore, #tpu.memory_space<semaphore_mem>>) src(%arg6 : memref<128x16xf32, #tpu.memory_space<vmem>>) dst(%dma_wait3A_26 : memref<128x16xf32, #tpu.memory_space<hbm>>)
        tpu.yield
      }) : () -> ()
    }
    %scan3A_6 = arith.constant 40 : i32
    return
  }
}

module attributes {stable_mosaic.version = 14 : i64} {
  func.func @_k2b_body(%arg0: i32, %arg1: memref<10112x16xf32, #tpu.memory_space<vmem>>, %arg2: memref<10112x16xf32, #tpu.memory_space<vmem>>) attributes {dimension_semantics = [#tpu.dimension_semantics<arbitrary>], iteration_bounds = array<i64: 1>, scalar_prefetch = 0 : i64, scratch_operands = 0 : i64, tpu.core_type = #tpu.core_type<tc>, window_params = [{pipeline_mode = #tpu.pipeline_mode<synchronous>, transform_indices = @transform_0, window_bounds = array<i64: 10112, 16>}, {pipeline_mode = #tpu.pipeline_mode<synchronous>, transform_indices = @transform_1, window_bounds = array<i64: 10112, 16>}]} {
    %get3A = arith.constant 0 : index
    %get3A_0 = arith.constant 0 : index
    %get3A_1 = vector.load %arg1[%get3A, %get3A_0] : memref<10112x16xf32, #tpu.memory_space<vmem>>, vector<10112x16xf32>
    %slice3A = vector.extract_strided_slice %get3A_1 {offsets = [0, 0], sizes = [10112, 3], strides = [1, 1]} : vector<10112x16xf32> to vector<10112x3xf32>
    %slice3A_2 = vector.extract_strided_slice %get3A_1 {offsets = [0, 3], sizes = [10112, 1], strides = [1, 1]} : vector<10112x16xf32> to vector<10112x1xf32>
    %max3A = arith.constant 1.000000e+00 : f32
    %max3A_3 = vector.broadcast %max3A : f32 to vector<10112x1xf32>
    %max3A_4 = arith.maximumf %slice3A_2, %max3A_3 : vector<10112x1xf32>
    %div3A = vector.broadcast %max3A_4 : vector<10112x1xf32> to vector<10112x3xf32>
    %div3A_5 = arith.divf %slice3A, %div3A : vector<10112x3xf32>
    %mul3A = arith.mulf %div3A_5, %div3A_5 : vector<10112x3xf32>
    %reduce_sum3A = arith.constant dense<0.000000e+00> : vector<10112xf32>
    %reduce_sum3A_6 = vector.multi_reduction <add>, %mul3A, %reduce_sum3A [1] : vector<10112x3xf32> to vector<10112xf32>
    %broadcast_in_dim3A = vector.shape_cast %reduce_sum3A_6 : vector<10112xf32> to vector<10112x1xf32>
    %add3A = arith.constant 9.99999971E-10 : f32
    %add3A_7 = vector.broadcast %add3A : f32 to vector<10112x1xf32>
    %add3A_8 = arith.addf %broadcast_in_dim3A, %add3A_7 : vector<10112x1xf32>
    %sqrt3A = math.sqrt %add3A_8 : vector<10112x1xf32>
    %div3A_9 = vector.broadcast %sqrt3A : vector<10112x1xf32> to vector<10112x3xf32>
    %div3A_10 = arith.divf %div3A_5, %div3A_9 : vector<10112x3xf32>
    %iota3A = tpu.iota {dimensions = array<i32: 1>} : vector<10112x3xi32>
    %eq3A = arith.constant 0 : i32
    %eq3A_11 = vector.broadcast %eq3A : i32 to vector<10112x3xi32>
    %eq3A_12 = arith.cmpi eq, %iota3A, %eq3A_11 : vector<10112x3xi32>
    %jit3A = arith.constant 1.000000e+00 : f32
    %jit3A_13 = arith.constant 0.000000e+00 : f32
    %broadcast_in_dim3A_14 = vector.broadcast %jit3A : f32 to vector<10112x3xf32>
    %broadcast_in_dim3A_15 = vector.broadcast %jit3A_13 : f32 to vector<10112x3xf32>
    %select_n3A = arith.select %eq3A_12, %broadcast_in_dim3A_14, %broadcast_in_dim3A_15 : vector<10112x3xi1>, vector<10112x3xf32>
    %lt3A = arith.constant 5.000000e-05 : f32
    %lt3A_16 = vector.broadcast %lt3A : f32 to vector<10112x1xf32>
    %lt3A_17 = arith.cmpf olt, %sqrt3A, %lt3A_16 : vector<10112x1xf32>
    %broadcast_in_dim3A_18 = vector.shape_cast %lt3A_17 : vector<10112x1xi1> to vector<10112x1xi1>
    %broadcast_in_dim3A_19 = vector.broadcast %broadcast_in_dim3A_18 : vector<10112x1xi1> to vector<10112x3xi1>
    %select_n3A_20 = arith.select %broadcast_in_dim3A_19, %select_n3A, %div3A_10 : vector<10112x3xi1>, vector<10112x3xf32>
    %broadcast_in_dim3A_21 = arith.constant 0.000000e+00 : f32
    %broadcast_in_dim3A_22 = vector.broadcast %broadcast_in_dim3A_21 : f32 to vector<10112x13xf32>
    %concatenate3A = tpu.concatenate %select_n3A_20, %broadcast_in_dim3A_22 in 1 : vector<10112x3xf32>, vector<10112x13xf32> -> vector<10112x16xf32>
    %swap3A = arith.constant 0 : index
    %swap3A_23 = arith.constant 0 : index
    %swap3A_24 = vector.load %arg2[%swap3A, %swap3A_23] : memref<10112x16xf32, #tpu.memory_space<vmem>>, vector<10112x16xf32>
    tpu.vector_store %arg2[%swap3A, %swap3A_23], %concatenate3A {strides = array<i32>} : memref<10112x16xf32, #tpu.memory_space<vmem>>, vector<10112x16xf32>,
    return
  }
  func.func @transform_0(%arg0: i32) -> (i32, i32) {
    %c0_i32 = arith.constant 0 : i32
    %c0_i32_0 = arith.constant 0 : i32
    %c0_i32_1 = arith.constant 0 : i32
    return %c0_i32, %c0_i32_0 : i32, i32
  }
  func.func @transform_1(%arg0: i32) -> (i32, i32) {
    %c0_i32 = arith.constant 0 : i32
    %c0_i32_0 = arith.constant 0 : i32
    %c0_i32_1 = arith.constant 0 : i32
    return %c0_i32, %c0_i32_0 : i32, i32
  }
}

module attributes {stable_mosaic.version = 14 : i64} {
  func.func @_k2a_body(%arg0: i32, %arg1: memref<1000x128xf32, #tpu.memory_space<vmem>>, %arg2: memref<64x128xf32, #tpu.memory_space<vmem>>, %arg3: memref<1x64xf32, #tpu.memory_space<vmem>>, %arg4: memref<384x64xf32, #tpu.memory_space<vmem>>, %arg5: memref<1x384xf32, #tpu.memory_space<vmem>>, %arg6: memref<3x2x1000x64xf32, #tpu.memory_space<vmem>>) attributes {dimension_semantics = [#tpu.dimension_semantics<arbitrary>], iteration_bounds = array<i64: 10>, scalar_prefetch = 0 : i64, scratch_operands = 0 : i64, tpu.core_type = #tpu.core_type<tc>, window_params = [{transform_indices = @transform_0, window_bounds = array<i64: 1000, 128>}, {pipeline_mode = #tpu.pipeline_mode<synchronous>, transform_indices = @transform_1, window_bounds = array<i64: 64, 128>}, {pipeline_mode = #tpu.pipeline_mode<synchronous>, transform_indices = @transform_2, window_bounds = array<i64: 1, 64>}, {pipeline_mode = #tpu.pipeline_mode<synchronous>, transform_indices = @transform_3, window_bounds = array<i64: 384, 64>}, {pipeline_mode = #tpu.pipeline_mode<synchronous>, transform_indices = @transform_4, window_bounds = array<i64: 1, 384>}, {transform_indices = @transform_5, window_bounds = array<i64: 3, 2, 1000, 64>}]} {
    %get3A = arith.constant 0 : index
    %get3A_0 = arith.constant 0 : index
    %get3A_1 = vector.load %arg1[%get3A, %get3A_0] : memref<1000x128xf32, #tpu.memory_space<vmem>>, vector<1000x128xf32>
    %get3A_2 = arith.constant 0 : index
    %get3A_3 = arith.constant 0 : index
    %get3A_4 = vector.load %arg2[%get3A_2, %get3A_3] : memref<64x128xf32, #tpu.memory_space<vmem>>, vector<64x128xf32>
    %dot_general3A = arith.constant dense<0.000000e+00> : vector<1000x64xf32>
    %dot_general3A_5 = tpu.matmul %get3A_1, %get3A_4, %dot_general3A {dimension_numbers = #tpu.dot_dimension_numbers<[1], [1], [0], [0], [0, 0, 1, 0], [], []>, transpose_lhs_hint = false} : vector<1000x128xf32>, vector<64x128xf32>, vector<1000x64xf32> -> vector<1000x64xf32>
    %get3A_6 = arith.constant 0 : index
    %get3A_7 = arith.constant 0 : index
    %get3A_8 = vector.load %arg3[%get3A_6, %get3A_7] : memref<1x64xf32, #tpu.memory_space<vmem>>, vector<1x64xf32>
    %add3A = vector.broadcast %get3A_8 : vector<1x64xf32> to vector<1000x64xf32>
    %add3A_9 = arith.addf %dot_general3A_5, %add3A : vector<1000x64xf32>
    %logistic3A = arith.negf %add3A_9 : vector<1000x64xf32>
    %logistic3A_10 = math.exp %logistic3A : vector<1000x64xf32>
    %logistic3A_11 = arith.constant 1.000000e+00 : f32
    %logistic3A_12 = vector.broadcast %logistic3A_11 : f32 to vector<1000x64xf32>
    %logistic3A_13 = arith.addf %logistic3A_12, %logistic3A_10 : vector<1000x64xf32>
    %logistic3A_14 = arith.divf %logistic3A_12, %logistic3A_13 : vector<1000x64xf32>
    %mul3A = arith.mulf %add3A_9, %logistic3A_14 : vector<1000x64xf32>
    %mul3A_15 = arith.constant 1.66666663 : f32
    %mul3A_16 = vector.broadcast %mul3A_15 : f32 to vector<1000x64xf32>
    %mul3A_17 = arith.mulf %mul3A, %mul3A_16 : vector<1000x64xf32>
    %get3A_18 = arith.constant 0 : index
    %get3A_19 = arith.constant 0 : index
    %get3A_20 = vector.load %arg4[%get3A_18, %get3A_19] : memref<384x64xf32, #tpu.memory_space<vmem>>, vector<384x64xf32>
    %dot_general3A_21 = arith.constant dense<0.000000e+00> : vector<1000x384xf32>
    %dot_general3A_22 = tpu.matmul %mul3A_17, %get3A_20, %dot_general3A_21 {dimension_numbers = #tpu.dot_dimension_numbers<[1], [1], [0], [0], [0, 0, 1, 0], [], []>, transpose_lhs_hint = false} : vector<1000x64xf32>, vector<384x64xf32>, vector<1000x384xf32> -> vector<1000x384xf32>
    %get3A_23 = arith.constant 0 : index
    %get3A_24 = arith.constant 0 : index
    %get3A_25 = vector.load %arg5[%get3A_23, %get3A_24] : memref<1x384xf32, #tpu.memory_space<vmem>>, vector<1x384xf32>
    %add3A_26 = vector.broadcast %get3A_25 : vector<1x384xf32> to vector<1000x384xf32>
    %add3A_27 = arith.addf %dot_general3A_22, %add3A_26 : vector<1000x384xf32>
    %slice3A = vector.extract_strided_slice %add3A_27 {offsets = [0, 0], sizes = [1000, 64], strides = [1, 1]} : vector<1000x384xf32> to vector<1000x64xf32>
    %swap3A = arith.constant 0 : index
    %swap3A_28 = arith.constant 0 : index
    %swap3A_29 = arith.constant 0 : index
    %swap3A_30 = arith.constant 0 : index
    %swap3A_31 = vector.load %arg6[%swap3A, %swap3A_28, %swap3A_29, %swap3A_30] : memref<3x2x1000x64xf32, #tpu.memory_space<vmem>>, vector<1x1x1000x64xf32>
    %swap3A_32 = vector.shape_cast %swap3A_31 : vector<1x1x1000x64xf32> to vector<1000x64xf32>
    %swap3A_33 = vector.shape_cast %slice3A : vector<1000x64xf32> to vector<1x1x1000x64xf32>
    tpu.vector_store %arg6[%swap3A, %swap3A_28, %swap3A_29, %swap3A_30], %swap3A_33 {strides = array<i32>} : memref<3x2x1000x64xf32, #tpu.memory_space<vmem>>, vector<1x1x1000x64xf32>,
    %slice3A_34 = vector.extract_strided_slice %add3A_27 {offsets = [0, 64], sizes = [1000, 64], strides = [1, 1]} : vector<1000x384xf32> to vector<1000x64xf32>
    %swap3A_35 = arith.constant 0 : index
    %swap3A_36 = arith.constant 1 : index
    %swap3A_37 = arith.constant 0 : index
    %swap3A_38 = arith.constant 0 : index
    %swap3A_39 = vector.load %arg6[%swap3A_35, %swap3A_36, %swap3A_37, %swap3A_38] : memref<3x2x1000x64xf32, #tpu.memory_space<vmem>>, vector<1x1x1000x64xf32>
    %swap3A_40 = vector.shape_cast %swap3A_39 : vector<1x1x1000x64xf32> to vector<1000x64xf32>
    %swap3A_41 = vector.shape_cast %slice3A_34 : vector<1000x64xf32> to vector<1x1x1000x64xf32>
    tpu.vector_store %arg6[%swap3A_35, %swap3A_36, %swap3A_37, %swap3A_38], %swap3A_41 {strides = array<i32>} : memref<3x2x1000x64xf32, #tpu.memory_space<vmem>>, vector<1x1x1000x64xf32>,
    %slice3A_42 = vector.extract_strided_slice %add3A_27 {offsets = [0, 128], sizes = [1000, 64], strides = [1, 1]} : vector<1000x384xf32> to vector<1000x64xf32>
    %swap3A_43 = arith.constant 1 : index
    %swap3A_44 = arith.constant 0 : index
    %swap3A_45 = arith.constant 0 : index
    %swap3A_46 = arith.constant 0 : index
    %swap3A_47 = vector.load %arg6[%swap3A_43, %swap3A_44, %swap3A_45, %swap3A_46] : memref<3x2x1000x64xf32, #tpu.memory_space<vmem>>, vector<1x1x1000x64xf32>
    %swap3A_48 = vector.shape_cast %swap3A_47 : vector<1x1x1000x64xf32> to vector<1000x64xf32>
    %swap3A_49 = vector.shape_cast %slice3A_42 : vector<1000x64xf32> to vector<1x1x1000x64xf32>
    tpu.vector_store %arg6[%swap3A_43, %swap3A_44, %swap3A_45, %swap3A_46], %swap3A_49 {strides = array<i32>} : memref<3x2x1000x64xf32, #tpu.memory_space<vmem>>, vector<1x1x1000x64xf32>,
    %slice3A_50 = vector.extract_strided_slice %add3A_27 {offsets = [0, 192], sizes = [1000, 64], strides = [1, 1]} : vector<1000x384xf32> to vector<1000x64xf32>
    %swap3A_51 = arith.constant 1 : index
    %swap3A_52 = arith.constant 1 : index
    %swap3A_53 = arith.constant 0 : index
    %swap3A_54 = arith.constant 0 : index
    %swap3A_55 = vector.load %arg6[%swap3A_51, %swap3A_52, %swap3A_53, %swap3A_54] : memref<3x2x1000x64xf32, #tpu.memory_space<vmem>>, vector<1x1x1000x64xf32>
    %swap3A_56 = vector.shape_cast %swap3A_55 : vector<1x1x1000x64xf32> to vector<1000x64xf32>
    %swap3A_57 = vector.shape_cast %slice3A_50 : vector<1000x64xf32> to vector<1x1x1000x64xf32>
    tpu.vector_store %arg6[%swap3A_51, %swap3A_52, %swap3A_53, %swap3A_54], %swap3A_57 {strides = array<i32>} : memref<3x2x1000x64xf32, #tpu.memory_space<vmem>>, vector<1x1x1000x64xf32>,
    %slice3A_58 = vector.extract_strided_slice %add3A_27 {offsets = [0, 256], sizes = [1000, 64], strides = [1, 1]} : vector<1000x384xf32> to vector<1000x64xf32>
    %swap3A_59 = arith.constant 2 : index
    %swap3A_60 = arith.constant 0 : index
    %swap3A_61 = arith.constant 0 : index
    %swap3A_62 = arith.constant 0 : index
    %swap3A_63 = vector.load %arg6[%swap3A_59, %swap3A_60, %swap3A_61, %swap3A_62] : memref<3x2x1000x64xf32, #tpu.memory_space<vmem>>, vector<1x1x1000x64xf32>
    %swap3A_64 = vector.shape_cast %swap3A_63 : vector<1x1x1000x64xf32> to vector<1000x64xf32>
    %swap3A_65 = vector.shape_cast %slice3A_58 : vector<1000x64xf32> to vector<1x1x1000x64xf32>
    tpu.vector_store %arg6[%swap3A_59, %swap3A_60, %swap3A_61, %swap3A_62], %swap3A_65 {strides = array<i32>} : memref<3x2x1000x64xf32, #tpu.memory_space<vmem>>, vector<1x1x1000x64xf32>,
    %slice3A_66 = vector.extract_strided_slice %add3A_27 {offsets = [0, 320], sizes = [1000, 64], strides = [1, 1]} : vector<1000x384xf32> to vector<1000x64xf32>
    %swap3A_67 = arith.constant 2 : index
    %swap3A_68 = arith.constant 1 : index
    %swap3A_69 = arith.constant 0 : index
    %swap3A_70 = arith.constant 0 : index
    %swap3A_71 = vector.load %arg6[%swap3A_67, %swap3A_68, %swap3A_69, %swap3A_70] : memref<3x2x1000x64xf32, #tpu.memory_space<vmem>>, vector<1x1x1000x64xf32>
    %swap3A_72 = vector.shape_cast %swap3A_71 : vector<1x1x1000x64xf32> to vector<1000x64xf32>
    %swap3A_73 = vector.shape_cast %slice3A_66 : vector<1000x64xf32> to vector<1x1x1000x64xf32>
    tpu.vector_store %arg6[%swap3A_67, %swap3A_68, %swap3A_69, %swap3A_70], %swap3A_73 {strides = array<i32>} : memref<3x2x1000x64xf32, #tpu.memory_space<vmem>>, vector<1x1x1000x64xf32>,
    return
  }
  func.func @transform_0(%arg0: i32) -> (i32, i32) {
    %c0_i32 = arith.constant 0 : i32
    %c0_i32_0 = arith.constant 0 : i32
    return %arg0, %c0_i32 : i32, i32
  }
  func.func @transform_1(%arg0: i32) -> (i32, i32) {
    %c0_i32 = arith.constant 0 : i32
    %c0_i32_0 = arith.constant 0 : i32
    %c0_i32_1 = arith.constant 0 : i32
    return %c0_i32, %c0_i32_0 : i32, i32
  }
  func.func @transform_2(%arg0: i32) -> (i32, i32) {
    %c0_i32 = arith.constant 0 : i32
    %c0_i32_0 = arith.constant 0 : i32
    %c0_i32_1 = arith.constant 0 : i32
    return %c0_i32, %c0_i32_0 : i32, i32
  }
  func.func @transform_3(%arg0: i32) -> (i32, i32) {
    %c0_i32 = arith.constant 0 : i32
    %c0_i32_0 = arith.constant 0 : i32
    %c0_i32_1 = arith.constant 0 : i32
    return %c0_i32, %c0_i32_0 : i32, i32
  }
  func.func @transform_4(%arg0: i32) -> (i32, i32) {
    %c0_i32 = arith.constant 0 : i32
    %c0_i32_0 = arith.constant 0 : i32
    %c0_i32_1 = arith.constant 0 : i32
    return %c0_i32, %c0_i32_0 : i32, i32
  }
  func.func @transform_5(%arg0: i32) -> (i32, i32, i32, i32) {
    %c0_i32 = arith.constant 0 : i32
    %c0_i32_0 = arith.constant 0 : i32
    %c0_i32_1 = arith.constant 0 : i32
    %c0_i32_2 = arith.constant 0 : i32
    return %c0_i32, %c0_i32_0, %arg0, %c0_i32_1 : i32, i32, i32, i32
  }
}

module attributes {stable_mosaic.version = 14 : i64} {
  func.func @body(%arg0: i32, %arg1: memref<1024x16xf32, #tpu.memory_space<vmem>>, %arg2: memref<1024x16xf32, #tpu.memory_space<vmem>>, %arg3: memref<1024x3xf32, #tpu.memory_space<vmem>>, %arg4: memref<384x16xf32, #tpu.memory_space<vmem>>, %arg5: memref<1x384xf32, #tpu.memory_space<vmem>>, %arg6: memref<4x384xf32, #tpu.memory_space<vmem>>, %arg7: memref<1x384xf32, #tpu.memory_space<vmem>>, %arg8: memref<1x3xf32, #tpu.memory_space<vmem>>, %arg9: memref<1x3xf32, #tpu.memory_space<vmem>>, %arg10: memref<2x1024x64xf32, #tpu.memory_space<vmem>>, %arg11: memref<3x2x1024x128xf32, #tpu.memory_space<vmem>>) attributes {dimension_semantics = [#tpu.dimension_semantics<arbitrary>], iteration_bounds = array<i64: 160>, scalar_prefetch = 0 : i64, scratch_operands = 0 : i64, tpu.core_type = #tpu.core_type<tc>, window_params = [{transform_indices = @transform_0, window_bounds = array<i64: 1024, 16>}, {transform_indices = @transform_1, window_bounds = array<i64: 1024, 16>}, {transform_indices = @transform_2, window_bounds = array<i64: 1024, 3>}, {pipeline_mode = #tpu.pipeline_mode<synchronous>, transform_indices = @transform_3, window_bounds = array<i64: 384, 16>}, {pipeline_mode = #tpu.pipeline_mode<synchronous>, transform_indices = @transform_4, window_bounds = array<i64: 1, 384>}, {pipeline_mode = #tpu.pipeline_mode<synchronous>, transform_indices = @transform_5, window_bounds = array<i64: 4, 384>}, {pipeline_mode = #tpu.pipeline_mode<synchronous>, transform_indices = @transform_6, window_bounds = array<i64: 1, 384>}, {pipeline_mode = #tpu.pipeline_mode<synchronous>, transform_indices = @transform_7, window_bounds = array<i64: 1, 3>}, {pipeline_mode = #tpu.pipeline_mode<synchronous>, transform_indices = @transform_8, window_bounds = array<i64: 1, 3>}, {transform_indices = @transform_9, window_bounds = array<i64: 2, 1024, 64>}, {transform_indices = @transform_10, window_bounds = array<i64: 3, 2, 1024, 128>}]} {
    %get3A = arith.constant 0 : index
    %get3A_0 = arith.constant 0 : index
    %get3A_1 = vector.load %arg3[%get3A, %get3A_0] : memref<1024x3xf32, #tpu.memory_space<vmem>>, vector<1024x3xf32>
    %get3A_2 = arith.constant 0 : index
    %get3A_3 = arith.constant 0 : index
    %get3A_4 = vector.load %arg2[%get3A_2, %get3A_3] : memref<1024x16xf32, #tpu.memory_space<vmem>>, vector<1024x3xf32>
    %mul3A = arith.mulf %get3A_1, %get3A_4 : vector<1024x3xf32>
    %reduce_sum3A = arith.constant dense<0.000000e+00> : vector<1024xf32>
    %reduce_sum3A_5 = vector.multi_reduction <add>, %mul3A, %reduce_sum3A [1] : vector<1024x3xf32> to vector<1024xf32>
    %broadcast_in_dim3A = vector.shape_cast %reduce_sum3A_5 : vector<1024xf32> to vector<1024x1xf32>
    %mul3A_6 = arith.constant 1.500000e+00 : f32
    %mul3A_7 = vector.broadcast %mul3A_6 : f32 to vector<1024x1xf32>
    %mul3A_8 = arith.mulf %mul3A_7, %broadcast_in_dim3A : vector<1024x1xf32>
    %mul3A_9 = arith.mulf %mul3A_8, %broadcast_in_dim3A : vector<1024x1xf32>
    %sub3A = arith.constant 5.000000e-01 : f32
    %sub3A_10 = vector.broadcast %sub3A : f32 to vector<1024x1xf32>
    %sub3A_11 = arith.subf %mul3A_9, %sub3A_10 : vector<1024x1xf32>
    %add3A = arith.constant 1.000000e+00 : f32
    %add3A_12 = vector.broadcast %add3A : f32 to vector<1024x1xf32>
    %add3A_13 = arith.addf %add3A_12, %broadcast_in_dim3A : vector<1024x1xf32>
    %add3A_14 = arith.addf %add3A_13, %sub3A_11 : vector<1024x1xf32>
    %div3A = arith.constant 3.000000e+00 : f32
    %div3A_15 = vector.broadcast %div3A : f32 to vector<1024x1xf32>
    %div3A_16 = arith.divf %add3A_14, %div3A_15 : vector<1024x1xf32>
    %sub3A_17 = arith.constant 1.000000e+00 : f32
    %sub3A_18 = vector.broadcast %sub3A_17 : f32 to vector<1024x1xf32>
    %sub3A_19 = arith.subf %sub3A_18, %div3A_16 : vector<1024x1xf32>
    %sub3A_20 = arith.subf %broadcast_in_dim3A, %div3A_16 : vector<1024x1xf32>
    %sub3A_21 = arith.subf %sub3A_11, %div3A_16 : vector<1024x1xf32>
    %mul3A_22 = arith.mulf %sub3A_19, %sub3A_19 : vector<1024x1xf32>
    %mul3A_23 = arith.mulf %sub3A_20, %sub3A_20 : vector<1024x1xf32>
    %add3A_24 = arith.addf %mul3A_22, %mul3A_23 : vector<1024x1xf32>
    %mul3A_25 = arith.mulf %sub3A_21, %sub3A_21 : vector<1024x1xf32>
    %add3A_26 = arith.addf %add3A_24, %mul3A_25 : vector<1024x1xf32>
    %div3A_27 = arith.constant 3.000000e+00 : f32
    %div3A_28 = vector.broadcast %div3A_27 : f32 to vector<1024x1xf32>
    %div3A_29 = arith.divf %add3A_26, %div3A_28 : vector<1024x1xf32>
    %add3A_30 = arith.constant 9.99999974E-6 : f32
    %add3A_31 = vector.broadcast %add3A_30 : f32 to vector<1024x1xf32>
    %add3A_32 = arith.addf %div3A_29, %add3A_31 : vector<1024x1xf32>
    %rsqrt3A = math.rsqrt %add3A_32 : vector<1024x1xf32>
    %mul3A_33 = arith.mulf %sub3A_19, %rsqrt3A : vector<1024x1xf32>
    %get3A_34 = arith.constant 0 : index
    %get3A_35 = arith.constant 0 : index
    %get3A_36 = vector.load %arg8[%get3A_34, %get3A_35] : memref<1x3xf32, #tpu.memory_space<vmem>>, vector<1x1xf32>
    %get3A_37 = vector.extract %get3A_36[0, 0] : f32 from vector<1x1xf32>
    %mul3A_38 = vector.broadcast %get3A_37 : f32 to vector<1024x1xf32>
    %mul3A_39 = arith.mulf %mul3A_33, %mul3A_38 : vector<1024x1xf32>
    %get3A_40 = arith.constant 0 : index
    %get3A_41 = arith.constant 0 : index
    %get3A_42 = vector.load %arg9[%get3A_40, %get3A_41] : memref<1x3xf32, #tpu.memory_space<vmem>>, vector<1x1xf32>
    %get3A_43 = vector.extract %get3A_42[0, 0] : f32 from vector<1x1xf32>
    %add3A_44 = vector.broadcast %get3A_43 : f32 to vector<1024x1xf32>
    %add3A_45 = arith.addf %mul3A_39, %add3A_44 : vector<1024x1xf32>
    %mul3A_46 = arith.mulf %sub3A_20, %rsqrt3A : vector<1024x1xf32>
    %get3A_47 = arith.constant 0 : index
    %get3A_48 = arith.constant 1 : index
    %get3A_49 = vector.load %arg8[%get3A_47, %get3A_48] : memref<1x3xf32, #tpu.memory_space<vmem>>, vector<1x1xf32>
    %get3A_50 = vector.extract %get3A_49[0, 0] : f32 from vector<1x1xf32>
    %mul3A_51 = vector.broadcast %get3A_50 : f32 to vector<1024x1xf32>
    %mul3A_52 = arith.mulf %mul3A_46, %mul3A_51 : vector<1024x1xf32>
    %get3A_53 = arith.constant 0 : index
    %get3A_54 = arith.constant 1 : index
    %get3A_55 = vector.load %arg9[%get3A_53, %get3A_54] : memref<1x3xf32, #tpu.memory_space<vmem>>, vector<1x1xf32>
    %get3A_56 = vector.extract %get3A_55[0, 0] : f32 from vector<1x1xf32>
    %add3A_57 = vector.broadcast %get3A_56 : f32 to vector<1024x1xf32>
    %add3A_58 = arith.addf %mul3A_52, %add3A_57 : vector<1024x1xf32>
    %mul3A_59 = arith.mulf %sub3A_21, %rsqrt3A : vector<1024x1xf32>
    %get3A_60 = arith.constant 0 : index
    %get3A_61 = arith.constant 2 : index
    %get3A_62 = vector.load %arg8[%get3A_60, %get3A_61] : memref<1x3xf32, #tpu.memory_space<vmem>>, vector<1x1xf32>
    %get3A_63 = vector.extract %get3A_62[0, 0] : f32 from vector<1x1xf32>
    %mul3A_64 = vector.broadcast %get3A_63 : f32 to vector<1024x1xf32>
    %mul3A_65 = arith.mulf %mul3A_59, %mul3A_64 : vector<1024x1xf32>
    %get3A_66 = arith.constant 0 : index
    %get3A_67 = arith.constant 2 : index
    %get3A_68 = vector.load %arg9[%get3A_66, %get3A_67] : memref<1x3xf32, #tpu.memory_space<vmem>>, vector<1x1xf32>
    %get3A_69 = vector.extract %get3A_68[0, 0] : f32 from vector<1x1xf32>
    %add3A_70 = vector.broadcast %get3A_69 : f32 to vector<1024x1xf32>
    %add3A_71 = arith.addf %mul3A_65, %add3A_70 : vector<1024x1xf32>
    %get3A_72 = arith.constant 0 : index
    %get3A_73 = arith.constant 0 : index
    %get3A_74 = vector.load %arg6[%get3A_72, %get3A_73] : memref<4x384xf32, #tpu.memory_space<vmem>>, vector<1x384xf32>
    %mul3A_75 = vector.broadcast %broadcast_in_dim3A : vector<1024x1xf32> to vector<1024x384xf32>
    %mul3A_76 = vector.broadcast %get3A_74 : vector<1x384xf32> to vector<1024x384xf32>
    %mul3A_77 = arith.mulf %mul3A_75, %mul3A_76 : vector<1024x384xf32>
    %get3A_78 = arith.constant 1 : index
    %get3A_79 = arith.constant 0 : index
    %get3A_80 = vector.load %arg6[%get3A_78, %get3A_79] : memref<4x384xf32, #tpu.memory_space<vmem>>, vector<1x384xf32>
    %mul3A_81 = vector.broadcast %add3A_45 : vector<1024x1xf32> to vector<1024x384xf32>
    %mul3A_82 = vector.broadcast %get3A_80 : vector<1x384xf32> to vector<1024x384xf32>
    %mul3A_83 = arith.mulf %mul3A_81, %mul3A_82 : vector<1024x384xf32>
    %add3A_84 = arith.addf %mul3A_77, %mul3A_83 : vector<1024x384xf32>
    %get3A_85 = arith.constant 2 : index
    %get3A_86 = arith.constant 0 : index
    %get3A_87 = vector.load %arg6[%get3A_85, %get3A_86] : memref<4x384xf32, #tpu.memory_space<vmem>>, vector<1x384xf32>
    %mul3A_88 = vector.broadcast %add3A_58 : vector<1024x1xf32> to vector<1024x384xf32>
    %mul3A_89 = vector.broadcast %get3A_87 : vector<1x384xf32> to vector<1024x384xf32>
    %mul3A_90 = arith.mulf %mul3A_88, %mul3A_89 : vector<1024x384xf32>
    %add3A_91 = arith.addf %add3A_84, %mul3A_90 : vector<1024x384xf32>
    %get3A_92 = arith.constant 3 : index
    %get3A_93 = arith.constant 0 : index
    %get3A_94 = vector.load %arg6[%get3A_92, %get3A_93] : memref<4x384xf32, #tpu.memory_space<vmem>>, vector<1x384xf32>
    %mul3A_95 = vector.broadcast %add3A_71 : vector<1024x1xf32> to vector<1024x384xf32>
    %mul3A_96 = vector.broadcast %get3A_94 : vector<1x384xf32> to vector<1024x384xf32>
    %mul3A_97 = arith.mulf %mul3A_95, %mul3A_96 : vector<1024x384xf32>
    %add3A_98 = arith.addf %add3A_91, %mul3A_97 : vector<1024x384xf32>
    %get3A_99 = arith.constant 0 : index
    %get3A_100 = arith.constant 0 : index
    %get3A_101 = vector.load %arg7[%get3A_99, %get3A_100] : memref<1x384xf32, #tpu.memory_space<vmem>>, vector<1x384xf32>
    %add3A_102 = vector.broadcast %get3A_101 : vector<1x384xf32> to vector<1024x384xf32>
    %add3A_103 = arith.addf %add3A_98, %add3A_102 : vector<1024x384xf32>
    %logistic3A = arith.negf %add3A_103 : vector<1024x384xf32>
    %logistic3A_104 = math.exp %logistic3A : vector<1024x384xf32>
    %logistic3A_105 = arith.constant 1.000000e+00 : f32
    %logistic3A_106 = vector.broadcast %logistic3A_105 : f32 to vector<1024x384xf32>
    %logistic3A_107 = arith.addf %logistic3A_106, %logistic3A_104 : vector<1024x384xf32>
    %logistic3A_108 = arith.divf %logistic3A_106, %logistic3A_107 : vector<1024x384xf32>
    %mul3A_109 = arith.mulf %add3A_103, %logistic3A_108 : vector<1024x384xf32>
    %mul3A_110 = arith.constant 1.66666663 : f32
    %mul3A_111 = vector.broadcast %mul3A_110 : f32 to vector<1024x384xf32>
    %mul3A_112 = arith.mulf %mul3A_109, %mul3A_111 : vector<1024x384xf32>
    %tanh3A = math.tanh %mul3A_112 : vector<1024x384xf32>
    %get3A_113 = arith.constant 0 : index
    %get3A_114 = arith.constant 0 : index
    %get3A_115 = vector.load %arg1[%get3A_113, %get3A_114] : memref<1024x16xf32, #tpu.memory_space<vmem>>, vector<1024x16xf32>
    %get3A_116 = arith.constant 0 : index
    %get3A_117 = arith.constant 0 : index
    %get3A_118 = vector.load %arg4[%get3A_116, %get3A_117] : memref<384x16xf32, #tpu.memory_space<vmem>>, vector<384x16xf32>
    %dot_general3A = arith.constant dense<0.000000e+00> : vector<1024x384xf32>
    %dot_general3A_119 = tpu.matmul %get3A_115, %get3A_118, %dot_general3A {dimension_numbers = #tpu.dot_dimension_numbers<[1], [1], [0], [0], [0, 0, 1, 0], [], []>, transpose_lhs_hint = false} : vector<1024x16xf32>, vector<384x16xf32>, vector<1024x384xf32> -> vector<1024x384xf32>
    %get3A_120 = arith.constant 0 : index
    %get3A_121 = arith.constant 0 : index
    %get3A_122 = vector.load %arg5[%get3A_120, %get3A_121] : memref<1x384xf32, #tpu.memory_space<vmem>>, vector<1x384xf32>
    %add3A_123 = vector.broadcast %get3A_122 : vector<1x384xf32> to vector<1024x384xf32>
    %add3A_124 = arith.addf %dot_general3A_119, %add3A_123 : vector<1024x384xf32>
    %add3A_125 = arith.constant 1.000000e+00 : f32
    %add3A_126 = vector.broadcast %add3A_125 : f32 to vector<1024x384xf32>
    %add3A_127 = arith.addf %add3A_126, %tanh3A : vector<1024x384xf32>
    %mul3A_128 = arith.mulf %add3A_124, %add3A_127 : vector<1024x384xf32>
    %mul3A_129 = arith.constant 0.577350259 : f32
    %mul3A_130 = vector.broadcast %mul3A_129 : f32 to vector<1024x384xf32>
    %mul3A_131 = arith.mulf %mul3A_128, %mul3A_130 : vector<1024x384xf32>
    %mul3A_132 = arith.constant 1024 : i32
    %mul3A_133 = arith.muli %arg0, %mul3A_132 : i32
    %iota3A = tpu.iota {dimensions = array<i32: 0>} : vector<1024x1xi32>
    %add3A_134 = vector.broadcast %mul3A_133 : i32 to vector<1024x1xi32>
    %add3A_135 = arith.addi %add3A_134, %iota3A : vector<1024x1xi32>
    %lt3A = arith.constant 160000 : i32
    %lt3A_136 = vector.broadcast %lt3A : i32 to vector<1024x1xi32>
    %lt3A_137 = arith.cmpi slt, %add3A_135, %lt3A_136 : vector<1024x1xi32>
    %jit3A = arith.constant 0.000000e+00 : f32
    %broadcast_in_dim3A_138 = vector.shape_cast %lt3A_137 : vector<1024x1xi1> to vector<1024x1xi1>
    %broadcast_in_dim3A_139 = vector.broadcast %broadcast_in_dim3A_138 : vector<1024x1xi1> to vector<1024x384xi1>
    %broadcast_in_dim3A_140 = vector.broadcast %jit3A : f32 to vector<1024x384xf32>
    %select_n3A = arith.select %broadcast_in_dim3A_139, %mul3A_131, %broadcast_in_dim3A_140 : vector<1024x384xi1>, vector<1024x384xf32>
    %slice3A = vector.extract_strided_slice %select_n3A {offsets = [0, 256], sizes = [1024, 128], strides = [1, 1]} : vector<1024x384xf32> to vector<1024x128xf32>
    %slice3A_141 = vector.extract_strided_slice %select_n3A {offsets = [0, 0], sizes = [1024, 128], strides = [1, 1]} : vector<1024x384xf32> to vector<1024x128xf32>
    %mul3A_142 = arith.constant 0.0883883461 : f32
    %mul3A_143 = vector.broadcast %mul3A_142 : f32 to vector<1024x128xf32>
    %mul3A_144 = arith.mulf %slice3A_141, %mul3A_143 : vector<1024x128xf32>
    %slice3A_145 = vector.extract_strided_slice %select_n3A {offsets = [0, 128], sizes = [1024, 128], strides = [1, 1]} : vector<1024x384xf32> to vector<1024x128xf32>
    %mul3A_146 = arith.constant 0.0883883461 : f32
    %mul3A_147 = vector.broadcast %mul3A_146 : f32 to vector<1024x128xf32>
    %mul3A_148 = arith.mulf %slice3A_145, %mul3A_147 : vector<1024x128xf32>
    %slice3A_149 = vector.extract_strided_slice %slice3A {offsets = [0, 0], sizes = [1024, 64], strides = [1, 1]} : vector<1024x128xf32> to vector<1024x64xf32>
    %swap3A = arith.constant 0 : index
    %swap3A_150 = arith.constant 0 : index
    %swap3A_151 = arith.constant 0 : index
    %swap3A_152 = vector.load %arg10[%swap3A, %swap3A_150, %swap3A_151] : memref<2x1024x64xf32, #tpu.memory_space<vmem>>, vector<1x1024x64xf32>
    %swap3A_153 = vector.shape_cast %swap3A_152 : vector<1x1024x64xf32> to vector<1024x64xf32>
    %swap3A_154 = vector.shape_cast %slice3A_149 : vector<1024x64xf32> to vector<1x1024x64xf32>
    tpu.vector_store %arg10[%swap3A, %swap3A_150, %swap3A_151], %swap3A_154 {strides = array<i32>} : memref<2x1024x64xf32, #tpu.memory_space<vmem>>, vector<1x1024x64xf32>,
    %slice3A_155 = vector.extract_strided_slice %mul3A_144 {offsets = [0, 0], sizes = [1024, 64], strides = [1, 1]} : vector<1024x128xf32> to vector<1024x64xf32>
    %swap3A_156 = arith.constant 0 : index
    %swap3A_157 = arith.constant 0 : index
    %swap3A_158 = arith.constant 0 : index
    %swap3A_159 = arith.constant 0 : index
    %swap3A_160 = vector.load %arg11[%swap3A_156, %swap3A_157, %swap3A_158, %swap3A_159] : memref<3x2x1024x128xf32, #tpu.memory_space<vmem>>, vector<1x1x1024x64xf32>
    %swap3A_161 = vector.shape_cast %swap3A_160 : vector<1x1x1024x64xf32> to vector<1024x64xf32>
    %swap3A_162 = vector.shape_cast %slice3A_155 : vector<1024x64xf32> to vector<1x1x1024x64xf32>
    tpu.vector_store %arg11[%swap3A_156, %swap3A_157, %swap3A_158, %swap3A_159], %swap3A_162 {strides = array<i32>} : memref<3x2x1024x128xf32, #tpu.memory_space<vmem>>, vector<1x1x1024x64xf32>,
    %slice3A_163 = vector.extract_strided_slice %mul3A_148 {offsets = [0, 0], sizes = [1024, 64], strides = [1, 1]} : vector<1024x128xf32> to vector<1024x64xf32>
    %slice3A_164 = vector.extract_strided_slice %get3A_1 {offsets = [0, 0], sizes = [1024, 1], strides = [1, 1]} : vector<1024x3xf32> to vector<1024x1xf32>
    %mul3A_165 = vector.broadcast %slice3A_164 : vector<1024x1xf32> to vector<1024x64xf32>
    %mul3A_166 = arith.mulf %slice3A_163, %mul3A_165 : vector<1024x64xf32>
    %swap3A_167 = arith.constant 0 : index
    %swap3A_168 = arith.constant 0 : index
    %swap3A_169 = arith.constant 0 : index
    %swap3A_170 = arith.constant 64 : index
    %swap3A_171 = vector.load %arg11[%swap3A_167, %swap3A_168, %swap3A_169, %swap3A_170] : memref<3x2x1024x128xf32, #tpu.memory_space<vmem>>, vector<1x1x1024x64xf32>
    %swap3A_172 = vector.shape_cast %swap3A_171 : vector<1x1x1024x64xf32> to vector<1024x64xf32>
    %swap3A_173 = vector.shape_cast %mul3A_166 : vector<1024x64xf32> to vector<1x1x1024x64xf32>
    tpu.vector_store %arg11[%swap3A_167, %swap3A_168, %swap3A_169, %swap3A_170], %swap3A_173 {strides = array<i32>} : memref<3x2x1024x128xf32, #tpu.memory_space<vmem>>, vector<1x1x1024x64xf32>,
    %slice3A_174 = vector.extract_strided_slice %mul3A_144 {offsets = [0, 0], sizes = [1024, 64], strides = [1, 1]} : vector<1024x128xf32> to vector<1024x64xf32>
    %swap3A_175 = arith.constant 1 : index
    %swap3A_176 = arith.constant 0 : index
    %swap3A_177 = arith.constant 0 : index
    %swap3A_178 = arith.constant 0 : index
    %swap3A_179 = vector.load %arg11[%swap3A_175, %swap3A_176, %swap3A_177, %swap3A_178] : memref<3x2x1024x128xf32, #tpu.memory_space<vmem>>, vector<1x1x1024x64xf32>
    %swap3A_180 = vector.shape_cast %swap3A_179 : vector<1x1x1024x64xf32> to vector<1024x64xf32>
    %swap3A_181 = vector.shape_cast %slice3A_174 : vector<1024x64xf32> to vector<1x1x1024x64xf32>
    tpu.vector_store %arg11[%swap3A_175, %swap3A_176, %swap3A_177, %swap3A_178], %swap3A_181 {strides = array<i32>} : memref<3x2x1024x128xf32, #tpu.memory_space<vmem>>, vector<1x1x1024x64xf32>,
    %slice3A_182 = vector.extract_strided_slice %mul3A_148 {offsets = [0, 0], sizes = [1024, 64], strides = [1, 1]} : vector<1024x128xf32> to vector<1024x64xf32>
    %slice3A_183 = vector.extract_strided_slice %get3A_1 {offsets = [0, 1], sizes = [1024, 1], strides = [1, 1]} : vector<1024x3xf32> to vector<1024x1xf32>
    %mul3A_184 = vector.broadcast %slice3A_183 : vector<1024x1xf32> to vector<1024x64xf32>
    %mul3A_185 = arith.mulf %slice3A_182, %mul3A_184 : vector<1024x64xf32>
    %swap3A_186 = arith.constant 1 : index
    %swap3A_187 = arith.constant 0 : index
    %swap3A_188 = arith.constant 0 : index
    %swap3A_189 = arith.constant 64 : index
    %swap3A_190 = vector.load %arg11[%swap3A_186, %swap3A_187, %swap3A_188, %swap3A_189] : memref<3x2x1024x128xf32, #tpu.memory_space<vmem>>, vector<1x1x1024x64xf32>
    %swap3A_191 = vector.shape_cast %swap3A_190 : vector<1x1x1024x64xf32> to vector<1024x64xf32>
    %swap3A_192 = vector.shape_cast %mul3A_185 : vector<1024x64xf32> to vector<1x1x1024x64xf32>
    tpu.vector_store %arg11[%swap3A_186, %swap3A_187, %swap3A_188, %swap3A_189], %swap3A_192 {strides = array<i32>} : memref<3x2x1024x128xf32, #tpu.memory_space<vmem>>, vector<1x1x1024x64xf32>,
    %slice3A_193 = vector.extract_strided_slice %mul3A_144 {offsets = [0, 0], sizes = [1024, 64], strides = [1, 1]} : vector<1024x128xf32> to vector<1024x64xf32>
    %swap3A_194 = arith.constant 2 : index
    %swap3A_195 = arith.constant 0 : index
    %swap3A_196 = arith.constant 0 : index
    %swap3A_197 = arith.constant 0 : index
    %swap3A_198 = vector.load %arg11[%swap3A_194, %swap3A_195, %swap3A_196, %swap3A_197] : memref<3x2x1024x128xf32, #tpu.memory_space<vmem>>, vector<1x1x1024x64xf32>
    %swap3A_199 = vector.shape_cast %swap3A_198 : vector<1x1x1024x64xf32> to vector<1024x64xf32>
    %swap3A_200 = vector.shape_cast %slice3A_193 : vector<1024x64xf32> to vector<1x1x1024x64xf32>
    tpu.vector_store %arg11[%swap3A_194, %swap3A_195, %swap3A_196, %swap3A_197], %swap3A_200 {strides = array<i32>} : memref<3x2x1024x128xf32, #tpu.memory_space<vmem>>, vector<1x1x1024x64xf32>,
    %slice3A_201 = vector.extract_strided_slice %mul3A_148 {offsets = [0, 0], sizes = [1024, 64], strides = [1, 1]} : vector<1024x128xf32> to vector<1024x64xf32>
    %slice3A_202 = vector.extract_strided_slice %get3A_1 {offsets = [0, 2], sizes = [1024, 1], strides = [1, 1]} : vector<1024x3xf32> to vector<1024x1xf32>
    %mul3A_203 = vector.broadcast %slice3A_202 : vector<1024x1xf32> to vector<1024x64xf32>
    %mul3A_204 = arith.mulf %slice3A_201, %mul3A_203 : vector<1024x64xf32>
    %swap3A_205 = arith.constant 2 : index
    %swap3A_206 = arith.constant 0 : index
    %swap3A_207 = arith.constant 0 : index
    %swap3A_208 = arith.constant 64 : index
    %swap3A_209 = vector.load %arg11[%swap3A_205, %swap3A_206, %swap3A_207, %swap3A_208] : memref<3x2x1024x128xf32, #tpu.memory_space<vmem>>, vector<1x1x1024x64xf32>
    %swap3A_210 = vector.shape_cast %swap3A_209 : vector<1x1x1024x64xf32> to vector<1024x64xf32>
    %swap3A_211 = vector.shape_cast %mul3A_204 : vector<1024x64xf32> to vector<1x1x1024x64xf32>
    tpu.vector_store %arg11[%swap3A_205, %swap3A_206, %swap3A_207, %swap3A_208], %swap3A_211 {strides = array<i32>} : memref<3x2x1024x128xf32, #tpu.memory_space<vmem>>, vector<1x1x1024x64xf32>,
    %slice3A_212 = vector.extract_strided_slice %slice3A {offsets = [0, 64], sizes = [1024, 64], strides = [1, 1]} : vector<1024x128xf32> to vector<1024x64xf32>
    %swap3A_213 = arith.constant 1 : index
    %swap3A_214 = arith.constant 0 : index
    %swap3A_215 = arith.constant 0 : index
    %swap3A_216 = vector.load %arg10[%swap3A_213, %swap3A_214, %swap3A_215] : memref<2x1024x64xf32, #tpu.memory_space<vmem>>, vector<1x1024x64xf32>
    %swap3A_217 = vector.shape_cast %swap3A_216 : vector<1x1024x64xf32> to vector<1024x64xf32>
    %swap3A_218 = vector.shape_cast %slice3A_212 : vector<1024x64xf32> to vector<1x1024x64xf32>
    tpu.vector_store %arg10[%swap3A_213, %swap3A_214, %swap3A_215], %swap3A_218 {strides = array<i32>} : memref<2x1024x64xf32, #tpu.memory_space<vmem>>, vector<1x1024x64xf32>,
    %slice3A_219 = vector.extract_strided_slice %mul3A_144 {offsets = [0, 64], sizes = [1024, 64], strides = [1, 1]} : vector<1024x128xf32> to vector<1024x64xf32>
    %swap3A_220 = arith.constant 0 : index
    %swap3A_221 = arith.constant 1 : index
    %swap3A_222 = arith.constant 0 : index
    %swap3A_223 = arith.constant 0 : index
    %swap3A_224 = vector.load %arg11[%swap3A_220, %swap3A_221, %swap3A_222, %swap3A_223] : memref<3x2x1024x128xf32, #tpu.memory_space<vmem>>, vector<1x1x1024x64xf32>
    %swap3A_225 = vector.shape_cast %swap3A_224 : vector<1x1x1024x64xf32> to vector<1024x64xf32>
    %swap3A_226 = vector.shape_cast %slice3A_219 : vector<1024x64xf32> to vector<1x1x1024x64xf32>
    tpu.vector_store %arg11[%swap3A_220, %swap3A_221, %swap3A_222, %swap3A_223], %swap3A_226 {strides = array<i32>} : memref<3x2x1024x128xf32, #tpu.memory_space<vmem>>, vector<1x1x1024x64xf32>,
    %slice3A_227 = vector.extract_strided_slice %mul3A_148 {offsets = [0, 64], sizes = [1024, 64], strides = [1, 1]} : vector<1024x128xf32> to vector<1024x64xf32>
    %slice3A_228 = vector.extract_strided_slice %get3A_1 {offsets = [0, 0], sizes = [1024, 1], strides = [1, 1]} : vector<1024x3xf32> to vector<1024x1xf32>
    %mul3A_229 = vector.broadcast %slice3A_228 : vector<1024x1xf32> to vector<1024x64xf32>
    %mul3A_230 = arith.mulf %slice3A_227, %mul3A_229 : vector<1024x64xf32>
    %swap3A_231 = arith.constant 0 : index
    %swap3A_232 = arith.constant 1 : index
    %swap3A_233 = arith.constant 0 : index
    %swap3A_234 = arith.constant 64 : index
    %swap3A_235 = vector.load %arg11[%swap3A_231, %swap3A_232, %swap3A_233, %swap3A_234] : memref<3x2x1024x128xf32, #tpu.memory_space<vmem>>, vector<1x1x1024x64xf32>
    %swap3A_236 = vector.shape_cast %swap3A_235 : vector<1x1x1024x64xf32> to vector<1024x64xf32>
    %swap3A_237 = vector.shape_cast %mul3A_230 : vector<1024x64xf32> to vector<1x1x1024x64xf32>
    tpu.vector_store %arg11[%swap3A_231, %swap3A_232, %swap3A_233, %swap3A_234], %swap3A_237 {strides = array<i32>} : memref<3x2x1024x128xf32, #tpu.memory_space<vmem>>, vector<1x1x1024x64xf32>,
    %slice3A_238 = vector.extract_strided_slice %mul3A_144 {offsets = [0, 64], sizes = [1024, 64], strides = [1, 1]} : vector<1024x128xf32> to vector<1024x64xf32>
    %swap3A_239 = arith.constant 1 : index
    %swap3A_240 = arith.constant 1 : index
    %swap3A_241 = arith.constant 0 : index
    %swap3A_242 = arith.constant 0 : index
    %swap3A_243 = vector.load %arg11[%swap3A_239, %swap3A_240, %swap3A_241, %swap3A_242] : memref<3x2x1024x128xf32, #tpu.memory_space<vmem>>, vector<1x1x1024x64xf32>
    %swap3A_244 = vector.shape_cast %swap3A_243 : vector<1x1x1024x64xf32> to vector<1024x64xf32>
    %swap3A_245 = vector.shape_cast %slice3A_238 : vector<1024x64xf32> to vector<1x1x1024x64xf32>
    tpu.vector_store %arg11[%swap3A_239, %swap3A_240, %swap3A_241, %swap3A_242], %swap3A_245 {strides = array<i32>} : memref<3x2x1024x128xf32, #tpu.memory_space<vmem>>, vector<1x1x1024x64xf32>,
    %slice3A_246 = vector.extract_strided_slice %mul3A_148 {offsets = [0, 64], sizes = [1024, 64], strides = [1, 1]} : vector<1024x128xf32> to vector<1024x64xf32>
    %slice3A_247 = vector.extract_strided_slice %get3A_1 {offsets = [0, 1], sizes = [1024, 1], strides = [1, 1]} : vector<1024x3xf32> to vector<1024x1xf32>
    %mul3A_248 = vector.broadcast %slice3A_247 : vector<1024x1xf32> to vector<1024x64xf32>
    %mul3A_249 = arith.mulf %slice3A_246, %mul3A_248 : vector<1024x64xf32>
    %swap3A_250 = arith.constant 1 : index
    %swap3A_251 = arith.constant 1 : index
    %swap3A_252 = arith.constant 0 : index
    %swap3A_253 = arith.constant 64 : index
    %swap3A_254 = vector.load %arg11[%swap3A_250, %swap3A_251, %swap3A_252, %swap3A_253] : memref<3x2x1024x128xf32, #tpu.memory_space<vmem>>, vector<1x1x1024x64xf32>
    %swap3A_255 = vector.shape_cast %swap3A_254 : vector<1x1x1024x64xf32> to vector<1024x64xf32>
    %swap3A_256 = vector.shape_cast %mul3A_249 : vector<1024x64xf32> to vector<1x1x1024x64xf32>
    tpu.vector_store %arg11[%swap3A_250, %swap3A_251, %swap3A_252, %swap3A_253], %swap3A_256 {strides = array<i32>} : memref<3x2x1024x128xf32, #tpu.memory_space<vmem>>, vector<1x1x1024x64xf32>,
    %slice3A_257 = vector.extract_strided_slice %mul3A_144 {offsets = [0, 64], sizes = [1024, 64], strides = [1, 1]} : vector<1024x128xf32> to vector<1024x64xf32>
    %swap3A_258 = arith.constant 2 : index
    %swap3A_259 = arith.constant 1 : index
    %swap3A_260 = arith.constant 0 : index
    %swap3A_261 = arith.constant 0 : index
    %swap3A_262 = vector.load %arg11[%swap3A_258, %swap3A_259, %swap3A_260, %swap3A_261] : memref<3x2x1024x128xf32, #tpu.memory_space<vmem>>, vector<1x1x1024x64xf32>
    %swap3A_263 = vector.shape_cast %swap3A_262 : vector<1x1x1024x64xf32> to vector<1024x64xf32>
    %swap3A_264 = vector.shape_cast %slice3A_257 : vector<1024x64xf32> to vector<1x1x1024x64xf32>
    tpu.vector_store %arg11[%swap3A_258, %swap3A_259, %swap3A_260, %swap3A_261], %swap3A_264 {strides = array<i32>} : memref<3x2x1024x128xf32, #tpu.memory_space<vmem>>, vector<1x1x1024x64xf32>,
    %slice3A_265 = vector.extract_strided_slice %mul3A_148 {offsets = [0, 64], sizes = [1024, 64], strides = [1, 1]} : vector<1024x128xf32> to vector<1024x64xf32>
    %slice3A_266 = vector.extract_strided_slice %get3A_1 {offsets = [0, 2], sizes = [1024, 1], strides = [1, 1]} : vector<1024x3xf32> to vector<1024x1xf32>
    %mul3A_267 = vector.broadcast %slice3A_266 : vector<1024x1xf32> to vector<1024x64xf32>
    %mul3A_268 = arith.mulf %slice3A_265, %mul3A_267 : vector<1024x64xf32>
    %swap3A_269 = arith.constant 2 : index
    %swap3A_270 = arith.constant 1 : index
    %swap3A_271 = arith.constant 0 : index
    %swap3A_272 = arith.constant 64 : index
    %swap3A_273 = vector.load %arg11[%swap3A_269, %swap3A_270, %swap3A_271, %swap3A_272] : memref<3x2x1024x128xf32, #tpu.memory_space<vmem>>, vector<1x1x1024x64xf32>
    %swap3A_274 = vector.shape_cast %swap3A_273 : vector<1x1x1024x64xf32> to vector<1024x64xf32>
    %swap3A_275 = vector.shape_cast %mul3A_268 : vector<1024x64xf32> to vector<1x1x1024x64xf32>
    tpu.vector_store %arg11[%swap3A_269, %swap3A_270, %swap3A_271, %swap3A_272], %swap3A_275 {strides = array<i32>} : memref<3x2x1024x128xf32, #tpu.memory_space<vmem>>, vector<1x1x1024x64xf32>,
    return
  }
  func.func @transform_0(%arg0: i32) -> (i32, i32) {
    %c0_i32 = arith.constant 0 : i32
    %c0_i32_0 = arith.constant 0 : i32
    return %arg0, %c0_i32 : i32, i32
  }
  func.func @transform_1(%arg0: i32) -> (i32, i32) {
    %c0_i32 = arith.constant 0 : i32
    %c0_i32_0 = arith.constant 0 : i32
    return %arg0, %c0_i32 : i32, i32
  }
  func.func @transform_2(%arg0: i32) -> (i32, i32) {
    %c0_i32 = arith.constant 0 : i32
    %c0_i32_0 = arith.constant 0 : i32
    return %arg0, %c0_i32 : i32, i32
  }
  func.func @transform_3(%arg0: i32) -> (i32, i32) {
    %c0_i32 = arith.constant 0 : i32
    %c0_i32_0 = arith.constant 0 : i32
    %c0_i32_1 = arith.constant 0 : i32
    return %c0_i32, %c0_i32_0 : i32, i32
  }
  func.func @transform_4(%arg0: i32) -> (i32, i32) {
    %c0_i32 = arith.constant 0 : i32
    %c0_i32_0 = arith.constant 0 : i32
    %c0_i32_1 = arith.constant 0 : i32
    return %c0_i32, %c0_i32_0 : i32, i32
  }
  func.func @transform_5(%arg0: i32) -> (i32, i32) {
    %c0_i32 = arith.constant 0 : i32
    %c0_i32_0 = arith.constant 0 : i32
    %c0_i32_1 = arith.constant 0 : i32
    return %c0_i32, %c0_i32_0 : i32, i32
  }
  func.func @transform_6(%arg0: i32) -> (i32, i32) {
    %c0_i32 = arith.constant 0 : i32
    %c0_i32_0 = arith.constant 0 : i32
    %c0_i32_1 = arith.constant 0 : i32
    return %c0_i32, %c0_i32_0 : i32, i32
  }
  func.func @transform_7(%arg0: i32) -> (i32, i32) {
    %c0_i32 = arith.constant 0 : i32
    %c0_i32_0 = arith.constant 0 : i32
    %c0_i32_1 = arith.constant 0 : i32
    return %c0_i32, %c0_i32_0 : i32, i32
  }
  func.func @transform_8(%arg0: i32) -> (i32, i32) {
    %c0_i32 = arith.constant 0 : i32
    %c0_i32_0 = arith.constant 0 : i32
    %c0_i32_1 = arith.constant 0 : i32
    return %c0_i32, %c0_i32_0 : i32, i32
  }
  func.func @transform_9(%arg0: i32) -> (i32, i32, i32) {
    %c0_i32 = arith.constant 0 : i32
    %c0_i32_0 = arith.constant 0 : i32
    %c0_i32_1 = arith.constant 0 : i32
    return %c0_i32, %arg0, %c0_i32_0 : i32, i32, i32
  }
  func.func @transform_10(%arg0: i32) -> (i32, i32, i32, i32) {
    %c0_i32 = arith.constant 0 : i32
    %c0_i32_0 = arith.constant 0 : i32
    %c0_i32_1 = arith.constant 0 : i32
    %c0_i32_2 = arith.constant 0 : i32
    return %c0_i32, %c0_i32_0, %arg0, %c0_i32_1 : i32, i32, i32, i32
  }
}

</mosaic_0001>

<sc_bundles>
// kernel: kernel.11.cloned.1.call-start
scs
__scs_entry_jumppad:
0x0: {  	(pc) =	sbr.rel $0x88, $3  }
0x1: {  	(tag) =	ssettag $0x0;
	lr =	simm.s32 $0x1  }
0x2: {  	[smem:$0x3F92] =	sst lr;
	_ =	strace $0xD0000000  }
0x3: {  	_ = 	snop  }
0x4: {  	_ = 	snop  }
0x5: {  	_ = 	snop  }
0x6: {  	_ = 	snop  }
0x7: {  	_ = 	snop  }
__scs_overlays_trampoline_lowered:
0x8: {  	[smem:$0x3FA1] =	sst s0  }
0x9: {  	[smem:$0x3FA2] =	sst s1  }
0xa: {  	[smem:$0x3FA3] =	sst s2  }
0xb: {  	[smem:$0x3FA4] =	sst s3  }
0xc: {  	[smem:$0x3FA5] =	sst s4  }
0xd: {  	[smem:$0x3FA6] =	sst s5  }
0xe: {  	[smem:$0x3FA7] =	sst s6  }
0xf: {  	[smem:$0x3FA8] =	sst s7  }
0x10: {  	[smem:$0x3FA9] =	sst s8  }
0x11: {  	[smem:$0x3FAA] =	sst s9;
	s0 =	simm.s32 @!p0 $0x0  }
0x12: {  	s1 =	sld [smem:$0x3F90];
	s0 =	simm.s32 @p0 $0x1  }
0x13: {  	[smem:$0x3FAB] =	sst s0;
	s0 =	simm.s32 @!p1 $0x0  }
0x14: {  	s2 =	sld [smem:$0x3F8F];
	s0 =	simm.s32 @p1 $0x1  }
0x15: {  	[smem:$0x3FAC] =	sst s0;
	s0 =	simm.s32 @!p2 $0x0  }
0x16: {  	s3 =	sld [smem:$0x3FDB];
	s0 =	simm.s32 @p2 $0x1  }
0x17: {  	s4 =	simm.s32 $0x1BF5;
	[smem:$0x3FAE] =	sst s0  }
0x18: {  	s0 =	sld [smem:$0x3F91];
	_ =	swait.ge [sflag:s4], $0x0  }
0x19: {  	s7 =	sld [smem:$0x3F92]  }
0x1a: {  	s8 =	sadd.s32 $0xFFFFE003, lr  }
0x1b: {  	s9 =	sadd.s32 $0xFFFFFEF7, lr;
	s5 =	simm.s32 $0xFFFFFFFF;
	p2 =	slt.u32 s8, $0xFFFFF086  }
0x1c: {  	p1 =	slt.u32 s9, $0xF7A;
	s5 =	simm.s32 @!p2 $0x0  }
0x1d: {  	s5 =	simm.s32 @p1 $0x1;
	p0 =	seq.s32 s7, s2  }
0x1e: {  	s7 =	smul.u32 @!p0 $0xF7A, s2;
	p2 =	seq.s32 @!p0 s5, $0x0  }
0x1f: {  	s9 =	smul.u32 $0xF7A, s1;
	s8 =	simm.s32 @!p0 $0x1BF5;
	p2 =	por !p2, p0  }
0x20: {  	[sflag:s8] =	ssyncset.s32 @!p0 $0xFFFFF086;
	s6 =	sadd.s32 @!p0 s3, s7;
	s7 =	simm.s32 @!p0 $0x108  }
0x21: {  	s3 =	sadd.s32 s3, s9;
	s6 =	sadd.s32 @!p0 $0x88, s6;
	s7 =	simm.s32 @p2 $0x1082  }
0x22: {  	[simem:s7], [sflag:s8] =	dma.local @!p0 [hbm:s6], $0xF7A  }
0x23: {  	s9 =	sor.u32 $0xD0000000, s2;
	s6 =	simm.s32 $0x108;
	_ =	swait.ge @!p0 [sflag:s8], $0x0  }
0x24: {  	s3 =	sadd.s32 $0x88, s3;
	s6 =	simm.s32 @!p1 $0x1082;
	[sflag:s4] =	ssyncset.s32 $0xFFFFF086  }
0x25: {  	[simem:s6], [sflag:s4] =	dma.local [hbm:s3], $0xF7A  }
0x26: {  	[smem:$0x3F92] =	sst s1;
	(tag) =	ssettag s2;
	_ =	strace s9  }
0x27: {  	s1 =	sld [smem:$0x3FA2]  }
0x28: {  	s2 =	sld [smem:$0x3FA3]  }
0x29: {  	s4 =	sld [smem:$0x3FA5]  }
0x2a: {  	p0 =	seq.s32 s5, $0x0;
	s5 =	sld [smem:$0x3FA6]  }
0x2b: {  	s6 =	sld [smem:$0x3FA7]  }
0x2c: {  	s7 =	sld [smem:$0x3FA8]  }
0x2d: {  	s3 =	simm.s32 $0x108;
	s8 =	sld [smem:$0x3FA9]  }
0x2e: {  	s3 =	simm.s32 @!p0 $0x1082;
	s9 =	sld [smem:$0x3FAA]  }
0x2f: {  	lr =	sadd.s32 s0, s3;
	s0 =	sld [smem:$0x3FA1]  }
0x30: {  	s3 =	sld [smem:$0x3FA4]  }
0x31: {  	[smem:$0x3FAD] =	sst s10  }
0x32: {  	s10 =	sld [smem:$0x3FAB];
	_ =	sdelay $0x3  }
0x33: {  	p0 =	seq.s32 s10, $0x1;
	s10 =	sld [smem:$0x3FAD];
	_ =	sdelay $0x3  }
0x34: {  	[smem:$0x3FAD] =	sst s10  }
0x35: {  	s10 =	sld [smem:$0x3FAC];
	_ =	sdelay $0x3  }
0x36: {  	p1 =	seq.s32 s10, $0x1;
	s10 =	sld [smem:$0x3FAD];
	_ =	sdelay $0x3  }
0x37: {  	[smem:$0x3FAD] =	sst s10  }
0x38: {  	s10 =	sld [smem:$0x3FAE]  }
0x39: {  	_ = 	snop;
	(pc) =	sbr.ind lr, $3  }
0x3a: {  	_ = 	snop  }
0x3b: {  	_ = 	snop  }
0x3c: {  	p2 =	seq.s32 s10, $0x1;
	s10 =	sld [smem:$0x3FAD]  }
0x3d: {  	_ =	shalt  }
0x3e: {  	_ =	shalt  }
0x3f: {  	_ =	shalt  }
0x40: {  	_ =	shalt  }
0x41: {  	_ =	shalt  }
0x42: {  	_ =	shalt  }
0x43: {  	_ =	shalt  }
0x44: {  	_ =	shalt  }
0x45: {  	_ =	shalt  }
0x46: {  	_ =	shalt  }
0x47: {  	_ =	shalt  }
0x48: {  	_ =	shalt  }
0x49: {  	_ =	shalt  }
0x4a: {  	_ =	shalt  }
0x4b: {  	_ =	shalt  }
0x4c: {  	_ =	shalt  }
0x4d: {  	_ =	shalt  }
0x4e: {  	_ =	shalt  }
0x4f: {  	_ =	shalt  }
0x50: {  	_ =	shalt  }
0x51: {  	_ =	shalt  }
0x52: {  	_ =	shalt  }
0x53: {  	_ =	shalt  }
0x54: {  	_ =	shalt  }
0x55: {  	_ =	shalt  }
0x56: {  	_ =	shalt  }
0x57: {  	_ =	shalt  }
0x58: {  	_ =	shalt  }
0x59: {  	_ =	shalt  }
0x5a: {  	_ =	shalt  }
0x5b: {  	_ =	shalt  }
0x5c: {  	_ =	shalt  }
0x5d: {  	_ =	shalt  }
0x5e: {  	_ =	shalt  }
0x5f: {  	_ =	shalt  }
0x60: {  	_ =	shalt  }
0x61: {  	_ =	shalt  }
0x62: {  	_ =	shalt  }
0x63: {  	_ =	shalt  }
0x64: {  	_ =	shalt  }
0x65: {  	_ =	shalt  }
0x66: {  	_ =	shalt  }
0x67: {  	_ =	shalt  }
0x68: {  	_ =	shalt  }
0x69: {  	_ =	shalt  }
0x6a: {  	_ =	shalt  }
0x6b: {  	_ =	shalt  }
0x6c: {  	_ =	shalt  }
0x6d: {  	_ =	shalt  }
0x6e: {  	_ =	shalt  }
0x6f: {  	_ =	shalt  }
0x70: {  	_ =	shalt  }
0x71: {  	_ =	shalt  }
0x72: {  	_ =	shalt  }
0x73: {  	_ =	shalt  }
0x74: {  	_ =	shalt  }
0x75: {  	_ =	shalt  }
0x76: {  	_ =	shalt  }
0x77: {  	_ =	shalt  }
0x78: {  	_ =	shalt  }
0x79: {  	_ =	shalt  }
0x7a: {  	_ =	shalt  }
0x7b: {  	_ =	shalt  }
0x7c: {  	_ =	shalt  }
0x7d: {  	_ =	shalt  }
0x7e: {  	_ =	shalt  }
0x7f: {  	_ =	shalt  }
0x80: {  	_ =	shalt  }
0x81: {  	_ =	shalt  }
0x82: {  	_ =	shalt  }
0x83: {  	_ =	shalt  }
0x84: {  	_ =	shalt  }
0x85: {  	_ =	shalt  }
0x86: {  	_ =	shalt  }
0x87: {  	_ =	shalt  }
.Lfunc_end0:
.L_simem_size_0:
called_computation.1_lowered:
.L_overlay_start_0:
0x88: {  	s2 =	sld [smem:$0x3FD9]  }
0x89: {  	s3 =	sld [smem:$0x3FFE];
	_ =	sdelay $0x1  }
0x8a: {  	s1 =	srdreg.scid  }
0x8b: {  	s0 =	sand.u32 $0x1, s1  }
0x8c: {  	s16 =	sshll.u32 s0, $0xA;
	s2 =	sadd.s32 s3, s2  }
0x8d: {  	s2 =	sadd.s32 s2, s16  }
0x8e: {  	[smem:$0x3FB9] =	sst s2  }
0x8f: {  	_ = 	snop  }
0x90: {  	(tm) =	ssettm $0x1  }
0x91: {  	s17 =	sld [smem:$0x3FFB];
	_ =	sdelay $0x3  }
0x92: {  	_ =	strace s17  }
0x93: {  	s2 =	sld [smem:$0x3FFC];
	_ =	sdelay $0x3  }
0x94: {  	_ =	strace s2  }
0x95: {  	s2 =	sld [smem:$0x3FFD];
	_ =	sdelay $0x3  }
0x96: {  	_ =	strace s2  }
0x97: {  	_ =	strace $0x8FFFFFFF  }
0x98: {  	s18 =	sld [smem:$0x3FDB];
	_ =	sdelay $0x1  }
0x99: {  	s19 =	simm.s32 $_scs_section_size  }
0x9a: {  	s4 =	simm.s32 $_size__tile_overlayer_lowered;
	s5 =	simm.s32 $_tile_overlayer_lowered  }
0x9b: {  	s22 =	simm.s32 $0x1BFF;
	s21 =	sshll.u32 s5, $0x1;
	s2 =	sadd.s32 s19, s18  }
0x9c: {  	s6 =	simm.s32 $0x0;
	s20 =	sshll.u32 s4, $0x1;
	s4 =	sadd.s32 s21, s2  }
0x9d: {  	[timem:s6], [sflag:s22] =	dma.local [hbm:s4], s20  }
0x9e: {  	_ =	swait.ge [sflag:s22], s20  }
0x9f: {  	s3 =	ssub.s32 $0x0, s20;
	[sflag:s22] =	ssyncset.done $0x0  }
0xa0: {  	[sflag:s22] =	ssyncadd.s32 s3;
	_ =	sdelay $0x1  }
0xa1: {  	s23 =	simm.s32 $0x1B8B  }
0xa2: {  	_ =	swait.ge [sflag:s23], $0x1  }
0xa3: {  	[sflag:s23] =	ssyncset.done $0x0  }
0xa4: {  	s25 =	simm.s32 $0x1B8E;
	s24 =	sld [smem:$0x3FFE];
	[sflag:s23] =	ssyncadd.s32 $0xFFFFFFFF  }
0xa5: {  	s26 =	simm.s32 $execute0_lowered;
	[smem:$0x3FD2] =	sst s25  }
0xa6: {  	s4 =	sshll.u32 s26, $0x1;
	_ =	strace $0x80000049;
	[dreg:$0x1] =	wrdreg $0xFFFFFFFF  }
0xa7: {  	s28 =	simm.s32 $_size_execute0_lowered;
	s2 =	sadd.s32 s2, s4;
	[dreg:$0x0] =	wrdreg $0x0  }
0xa8: {  	s4 =	sshll.u32 s28, $0x1;
	[dreg:$0x2] =	wrdreg s2  }
0xa9: {  	[dreg:$0x3] =	wrdreg s4  }
0xaa: {  	[dreg:$0x4] =	wrdreg $0xC0  }
0xab: {  	_ =	task [dreg:s6], $0x5FFFF  }
0xac: {  	[dreg:$0x1] =	wrdreg $0xFFFFFFFF  }
0xad: {  	[dreg:$0x0] =	wrdreg $0x60  }
0xae: {  	[dreg:$0x2] =	wrdreg s24  }
0xaf: {  	[dreg:$0x3] =	wrdreg $0x9  }
0xb0: {  	_ =	task.clear_ibuf [dreg:s6], $0x4FFFF;
	_ =	strace $0x90000049  }
0xb1: {  	s29 =	simm.s32 $0x9;
	_ =	strace $0x8000004B  }
0xb2: {  	_ =	swait.ge [sflag:s29], $0x1  }
0xb3: {  	[sflag:s29] =	ssyncadd.s32 $0xFFFFFFFF  }
0xb4: {  	_ =	strace $0x9000004B  }
0xb5: {  	_ =	sfence  }
0xb6: {  	s30 =	sld [smem:$0x0];
	_ =	sdelay $0x2  }
0xb7: {  	s31 =	sshll.u32 s1, $0xD;
	s1 =	sshrl.u32 s1, $0x2  }
0xb8: {  	s3 =	sand.u32 $0x4000, s31;
	s1 =	sadd.s32 s1, s30  }
0xb9: {  	s0 =	sor.u32 s3, s0;
	s1 =	sshll.u32 s1, $0x11  }
0xba: {  	s0 =	sor.u32 s1, s0  }
0xbb: {  	s0 =	sadd.s32 $0x8F2B, s0  }
0xbc: {  	[sflag:s0] =	ssyncadd.remote.s32 $0x1  }
0xbd: {  	_ =	sfence.sel $0xFFFF  }
0xbe: {  	[dreg:$0x0] =	wrdreg $0xFFFFFFFF;
	(pc) =	sbr.abs _section_cstart, $3  }
0xbf: {  	[dreg:$0x1] =	wrdreg $0xFFFFFFFF  }
0xc0: {  	_ =	task.clear_ibuf [dreg:s6], $0x2FFFF;
	_ =	strace $0x9FFFFFFF  }
0xc1: {  	(tm) =	ssettm $0x7FFFFFFF  }
tec
execute0_lowered:
.L_overlay_start_1:
0x0: {  	(tag) =	ssettag $0x1  }
0x1: {  	s3 =	rddreg [dreg:$0x0];
	s1 =	srdreg.scid  }
0x2: {  	s0 =	rddreg [dreg:$0x1];
	s4 =	sand.u32 $0x1, s1  }
0x3: {  	s2 =	simm.s32 $0x0;
	s1 =	stileid.u32;
	s5 =	smul.u32 $0x14000, s4  }
0x4: {  	s10 =	simm.s32 $0x0;
	[smem:$0x7FF] =	sst s2;
	s6 =	smul.u32 $0x1400, s1  }
0x5: {  	_ =	strace $0x8000004A;
	s30 =	smul.u32 $0x28000, s4;
	s4 =	ssub.s32 $0x2, s4  }
0x6: {  	s8 =	smul.u32 $0x2800, s1;
	s7 =	sshrl.u32 s4, $0x1;
	s5 =	sadd.s32 s6, s5  }
0x7: {  	s31 =	sadd.s32 s30, s3;
	s4 =	ssub.s32 s4, s7;
	s5 =	sshrl.u32 s5, $0x3  }
0x8: {  	s7 =	simm.s32 $0x2;
	s4 =	smax.u32 s4, $0x1;
	s9 =	sadd.s32 s5, s3  }
0x9: {  	s3 =	sadd.s32 $0x282600, s3;
	s5 =	sadd.s32 s8, s31;
	s8 =	simm.s32 $0x80  }
0xa: {  	s5 =	sadd.s32 $0x287600, s5;
	s6 =	sadd.s32 $0x27D600, s9;
	s9 =	simm.s32 $0x1  }
.LBB2_1:
0xb: {  	s11 =	sadd.s32 $0x0, s6  }
0xc: {  	[tilespmem:s2], [sflag:$0x2] =	stream.linear.gather [hbm4b:s11+s2], $0x80, $0x38;
	[tilespmem:$0x880] =	vst v63  }
0xd: {  	_ =	swait.ge [sflag:s7], $0x80  }
0xe: {  	[sflag:s7] =	ssyncset.done $0x0  }
0xf: {  	[sflag:s7] =	ssyncadd.s32 $0xFFFFFF80  }
0x10: {  	[tilespmem:s8], [sflag:$0x1] =	stream.indirect.gather [hbm4b:s3+s8], $0x10, s2, s8, $0xb8;
	[tilespmem:$0x880] =	vst v63  }
0x11: {  	_ =	swait.ge [sflag:s9], $0x800  }
0x12: {  	[sflag:s9] =	ssyncset.done $0x0  }
0x13: {  	[sflag:s9] =	ssyncadd.s32 $0xFFFFF800  }
0x14: {  	[hbm4b:s5+s2] =	stream.linear.scatter [tilespmem:s8], [sflag:$0x2], $0x800, $0x38;
	[tilespmem:$0x880] =	vst v63  }
0x15: {  	s12 =	simm.s32 $0x10;
	_ =	swait.ge [sflag:s7], $0x800  }
0x16: {  	s13 =	simm.s32 $0x20;
	s11 =	sadd.s32 $0x100, s5;
	[sflag:s7] =	ssyncset.done $0x0  }
.LBB2_2:
0x17: {  	s14 =	sadd.s32 s12, s6  }
0x18: {  	[sflag:s7] =	ssyncadd.s32 $0xFFFFF800;
	s12 =	smov.u32 s13;
	s15 =	sadd.s32 $0x10, s13  }
0x19: {  	[tilespmem:s2], [sflag:$0x2] =	stream.linear.gather [hbm4b:s14+s2], $0x80, $0x38;
	[tilespmem:$0x880] =	vst v63  }
0x1a: {  	p0 =	sne.s32 s13, $0x270;
	_ =	swait.ge [sflag:s7], $0x80  }
0x1b: {  	[sflag:s7] =	ssyncset.done $0x0  }
0x1c: {  	[sflag:s7] =	ssyncadd.s32 $0xFFFFFF80  }
0x1d: {  	[tilespmem:s8], [sflag:$0x1] =	stream.indirect.gather [hbm4b:s3+s8], $0x10, s2, s8, $0xb8;
	[tilespmem:$0x880] =	vst v63  }
0x1e: {  	_ =	swait.ge [sflag:s9], $0x800  }
.Ltmp0:
0x1f: {  	[sflag:s9] =	ssyncset.done $0x0;
	(pc) =	sbr.rel @p0 .LBB2_2-.Ltmp0, $4  }
0x20: {  	[sflag:s9] =	ssyncadd.s32 $0xFFFFF800  }
0x21: {  	[hbm4b:s11+s2] =	stream.linear.scatter [tilespmem:s8], [sflag:$0x2], $0x800, $0x38;
	[tilespmem:$0x880] =	vst v63  }
0x22: {  	_ =	swait.ge [sflag:s7], $0x800  }
0x23: {  	s13 =	smov.u32 s15;
	s11 =	sadd.s32 $0x100, s11;
	[sflag:s7] =	ssyncset.done $0x0  }
0x24: {  	s12 =	sadd.s32 s12, s6;
	[sflag:s7] =	ssyncadd.s32 $0xFFFFF800  }
0x25: {  	[tilespmem:s2], [sflag:$0x2] =	stream.linear.gather [hbm4b:s12+s2], $0x80, $0x38;
	[tilespmem:$0x880] =	vst v63  }
0x26: {  	_ =	swait.ge [sflag:s7], $0x80  }
0x27: {  	[sflag:s7] =	ssyncset.done $0x0  }
0x28: {  	[sflag:s7] =	ssyncadd.s32 $0xFFFFFF80  }
0x29: {  	[tilespmem:s8], [sflag:$0x1] =	stream.indirect.gather [hbm4b:s3+s8], $0x10, s2, s8, $0xb8;
	[tilespmem:$0x880] =	vst v63  }
0x2a: {  	s10 =	sadd.s32 $0x1, s10;
	_ =	swait.ge [sflag:s9], $0x800  }
0x2b: {  	p0 =	sne.s32 s10, s4;
	[sflag:s9] =	ssyncset.done $0x0  }
.Ltmp1:
0x2c: {  	[sflag:s9] =	ssyncadd.s32 $0xFFFFF800;
	(pc) =	sbr.rel @p0 .LBB2_1-.Ltmp1, $4  }
0x2d: {  	[hbm4b:s11+s2] =	stream.linear.scatter [tilespmem:s8], [sflag:$0x2], $0x800, $0x38;
	[tilespmem:$0x880] =	vst v63  }
0x2e: {  	_ =	swait.ge [sflag:s7], $0x800  }
0x2f: {  	[sflag:s7] =	ssyncset.done $0x0  }
0x30: {  	[sflag:s7] =	ssyncadd.s32 $0xFFFFF800  }
0x31: {  	_ =	sfence.sel $0x180000  }
0x32: {  	[bflag:$0x0] =	sbarrier.arrive $0xFFFF  }
0x33: {  	p0 =	sne.s32 s1, $0x0;
	_ =	strace $0x9000004A  }
0x34: {  	s0 =	sadd.s32 @!p0 $0x100000, s0;
	[bflag:$0x2] =	sbarrier.arrive $0xFFFF  }
0x35: {  	[sflag:s0] =	ssyncadd.tile.s32 @!p0 $0x1;
	_ =	shalt  }
.Lfunc_end2:
_tile_overlayer_lowered:
.L_overlay_start_2:
0x36: {  	(tag) =	ssettag $0x2  }
0x37: {  	s0 =	rddreg [dreg:$0x0];
	s2 =	stileid.u32  }
0x38: {  	s1 =	rddreg [dreg:$0x1];
	p0 =	sne.s32 s2, $0x0  }
0x39: {  	s3 =	rddreg [dreg:$0x2];
	[bflag:$0x3] =	sbarrier.arrive $0xFFFF;
	s2 =	simm.s32 @!p0 $0x1C02  }
0x3a: {  	[timem:s3], [sflag:s2] =	dma.local @!p0 [hbm:s0], s1  }
0x3b: {  	s0 =	simm.s32 @!p0 $0x2  }
0x3c: {  	_ =	swait.ge @!p0 [sflag:s0], s1  }
0x3d: {  	s1 =	ssub.s32 @!p0 $0x0, s1;
	[sflag:s0] =	ssyncset.done @!p0 $0x0  }
0x3e: {  	[sflag:s0] =	ssyncadd.s32 @!p0 s1  }
0x3f: {  	[bflag:$0x3] =	sbarrier.arrive $0xFFFF  }
0x40: {  	_ =	shalt  }

// kernel: kernel.14.cloned.1.call-start
scs
__scs_entry_jumppad:
0x0: {  	(pc) =	sbr.rel $0x88, $3  }
0x1: {  	(tag) =	ssettag $0x0;
	lr =	simm.s32 $0x1  }
0x2: {  	[smem:$0x3F92] =	sst lr;
	_ =	strace $0xD0000000  }
0x3: {  	_ = 	snop  }
0x4: {  	_ = 	snop  }
0x5: {  	_ = 	snop  }
0x6: {  	_ = 	snop  }
0x7: {  	_ = 	snop  }
__scs_overlays_trampoline_lowered:
0x8: {  	[smem:$0x3FA1] =	sst s0  }
0x9: {  	[smem:$0x3FA2] =	sst s1  }
0xa: {  	[smem:$0x3FA3] =	sst s2  }
0xb: {  	[smem:$0x3FA4] =	sst s3  }
0xc: {  	[smem:$0x3FA5] =	sst s4  }
0xd: {  	[smem:$0x3FA6] =	sst s5  }
0xe: {  	[smem:$0x3FA7] =	sst s6  }
0xf: {  	[smem:$0x3FA8] =	sst s7  }
0x10: {  	[smem:$0x3FA9] =	sst s8  }
0x11: {  	[smem:$0x3FAA] =	sst s9;
	s0 =	simm.s32 @!p0 $0x0  }
0x12: {  	s1 =	sld [smem:$0x3F90];
	s0 =	simm.s32 @p0 $0x1  }
0x13: {  	[smem:$0x3FAB] =	sst s0;
	s0 =	simm.s32 @!p1 $0x0  }
0x14: {  	s2 =	sld [smem:$0x3F8F];
	s0 =	simm.s32 @p1 $0x1  }
0x15: {  	[smem:$0x3FAC] =	sst s0;
	s0 =	simm.s32 @!p2 $0x0  }
0x16: {  	s3 =	sld [smem:$0x3FDB];
	s0 =	simm.s32 @p2 $0x1  }
0x17: {  	s4 =	simm.s32 $0x1BF5;
	[smem:$0x3FAE] =	sst s0  }
0x18: {  	s0 =	sld [smem:$0x3F91];
	_ =	swait.ge [sflag:s4], $0x0  }
0x19: {  	s7 =	sld [smem:$0x3F92]  }
0x1a: {  	s8 =	sadd.s32 $0xFFFFE003, lr  }
0x1b: {  	s9 =	sadd.s32 $0xFFFFFEF7, lr;
	s5 =	simm.s32 $0xFFFFFFFF;
	p2 =	slt.u32 s8, $0xFFFFF086  }
0x1c: {  	p1 =	slt.u32 s9, $0xF7A;
	s5 =	simm.s32 @!p2 $0x0  }
0x1d: {  	s5 =	simm.s32 @p1 $0x1;
	p0 =	seq.s32 s7, s2  }
0x1e: {  	s7 =	smul.u32 @!p0 $0xF7A, s2;
	p2 =	seq.s32 @!p0 s5, $0x0  }
0x1f: {  	s9 =	smul.u32 $0xF7A, s1;
	s8 =	simm.s32 @!p0 $0x1BF5;
	p2 =	por !p2, p0  }
0x20: {  	[sflag:s8] =	ssyncset.s32 @!p0 $0xFFFFF086;
	s6 =	sadd.s32 @!p0 s3, s7;
	s7 =	simm.s32 @!p0 $0x108  }
0x21: {  	s3 =	sadd.s32 s3, s9;
	s6 =	sadd.s32 @!p0 $0x88, s6;
	s7 =	simm.s32 @p2 $0x1082  }
0x22: {  	[simem:s7], [sflag:s8] =	dma.local @!p0 [hbm:s6], $0xF7A  }
0x23: {  	s9 =	sor.u32 $0xD0000000, s2;
	s6 =	simm.s32 $0x108;
	_ =	swait.ge @!p0 [sflag:s8], $0x0  }
0x24: {  	s3 =	sadd.s32 $0x88, s3;
	s6 =	simm.s32 @!p1 $0x1082;
	[sflag:s4] =	ssyncset.s32 $0xFFFFF086  }
0x25: {  	[simem:s6], [sflag:s4] =	dma.local [hbm:s3], $0xF7A  }
0x26: {  	[smem:$0x3F92] =	sst s1;
	(tag) =	ssettag s2;
	_ =	strace s9  }
0x27: {  	s1 =	sld [smem:$0x3FA2]  }
0x28: {  	s2 =	sld [smem:$0x3FA3]  }
0x29: {  	s4 =	sld [smem:$0x3FA5]  }
0x2a: {  	p0 =	seq.s32 s5, $0x0;
	s5 =	sld [smem:$0x3FA6]  }
0x2b: {  	s6 =	sld [smem:$0x3FA7]  }
0x2c: {  	s7 =	sld [smem:$0x3FA8]  }
0x2d: {  	s3 =	simm.s32 $0x108;
	s8 =	sld [smem:$0x3FA9]  }
0x2e: {  	s3 =	simm.s32 @!p0 $0x1082;
	s9 =	sld [smem:$0x3FAA]  }
0x2f: {  	lr =	sadd.s32 s0, s3;
	s0 =	sld [smem:$0x3FA1]  }
0x30: {  	s3 =	sld [smem:$0x3FA4]  }
0x31: {  	[smem:$0x3FAD] =	sst s10  }
0x32: {  	s10 =	sld [smem:$0x3FAB];
	_ =	sdelay $0x3  }
0x33: {  	p0 =	seq.s32 s10, $0x1;
	s10 =	sld [smem:$0x3FAD];
	_ =	sdelay $0x3  }
0x34: {  	[smem:$0x3FAD] =	sst s10  }
0x35: {  	s10 =	sld [smem:$0x3FAC];
	_ =	sdelay $0x3  }
0x36: {  	p1 =	seq.s32 s10, $0x1;
	s10 =	sld [smem:$0x3FAD];
	_ =	sdelay $0x3  }
0x37: {  	[smem:$0x3FAD] =	sst s10  }
0x38: {  	s10 =	sld [smem:$0x3FAE]  }
0x39: {  	_ = 	snop;
	(pc) =	sbr.ind lr, $3  }
0x3a: {  	_ = 	snop  }
0x3b: {  	_ = 	snop  }
0x3c: {  	p2 =	seq.s32 s10, $0x1;
	s10 =	sld [smem:$0x3FAD]  }
0x3d: {  	_ =	shalt  }
0x3e: {  	_ =	shalt  }
0x3f: {  	_ =	shalt  }
0x40: {  	_ =	shalt  }
0x41: {  	_ =	shalt  }
0x42: {  	_ =	shalt  }
0x43: {  	_ =	shalt  }
0x44: {  	_ =	shalt  }
0x45: {  	_ =	shalt  }
0x46: {  	_ =	shalt  }
0x47: {  	_ =	shalt  }
0x48: {  	_ =	shalt  }
0x49: {  	_ =	shalt  }
0x4a: {  	_ =	shalt  }
0x4b: {  	_ =	shalt  }
0x4c: {  	_ =	shalt  }
0x4d: {  	_ =	shalt  }
0x4e: {  	_ =	shalt  }
0x4f: {  	_ =	shalt  }
0x50: {  	_ =	shalt  }
0x51: {  	_ =	shalt  }
0x52: {  	_ =	shalt  }
0x53: {  	_ =	shalt  }
0x54: {  	_ =	shalt  }
0x55: {  	_ =	shalt  }
0x56: {  	_ =	shalt  }
0x57: {  	_ =	shalt  }
0x58: {  	_ =	shalt  }
0x59: {  	_ =	shalt  }
0x5a: {  	_ =	shalt  }
0x5b: {  	_ =	shalt  }
0x5c: {  	_ =	shalt  }
0x5d: {  	_ =	shalt  }
0x5e: {  	_ =	shalt  }
0x5f: {  	_ =	shalt  }
0x60: {  	_ =	shalt  }
0x61: {  	_ =	shalt  }
0x62: {  	_ =	shalt  }
0x63: {  	_ =	shalt  }
0x64: {  	_ =	shalt  }
0x65: {  	_ =	shalt  }
0x66: {  	_ =	shalt  }
0x67: {  	_ =	shalt  }
0x68: {  	_ =	shalt  }
0x69: {  	_ =	shalt  }
0x6a: {  	_ =	shalt  }
0x6b: {  	_ =	shalt  }
0x6c: {  	_ =	shalt  }
0x6d: {  	_ =	shalt  }
0x6e: {  	_ =	shalt  }
0x6f: {  	_ =	shalt  }
0x70: {  	_ =	shalt  }
0x71: {  	_ =	shalt  }
0x72: {  	_ =	shalt  }
0x73: {  	_ =	shalt  }
0x74: {  	_ =	shalt  }
0x75: {  	_ =	shalt  }
0x76: {  	_ =	shalt  }
0x77: {  	_ =	shalt  }
0x78: {  	_ =	shalt  }
0x79: {  	_ =	shalt  }
0x7a: {  	_ =	shalt  }
0x7b: {  	_ =	shalt  }
0x7c: {  	_ =	shalt  }
0x7d: {  	_ =	shalt  }
0x7e: {  	_ =	shalt  }
0x7f: {  	_ =	shalt  }
0x80: {  	_ =	shalt  }
0x81: {  	_ =	shalt  }
0x82: {  	_ =	shalt  }
0x83: {  	_ =	shalt  }
0x84: {  	_ =	shalt  }
0x85: {  	_ =	shalt  }
0x86: {  	_ =	shalt  }
0x87: {  	_ =	shalt  }
.Lfunc_end0:
.L_simem_size_0:
called_computation.2_lowered:
.L_overlay_start_0:
0x88: {  	s2 =	sld [smem:$0x3FD9]  }
0x89: {  	s3 =	sld [smem:$0x3FFE];
	_ =	sdelay $0x1  }
0x8a: {  	s1 =	srdreg.scid  }
0x8b: {  	s0 =	sand.u32 $0x1, s1  }
0x8c: {  	s14 =	sshll.u32 s0, $0xA;
	s2 =	sadd.s32 s3, s2  }
0x8d: {  	s2 =	sadd.s32 s2, s14  }
0x8e: {  	[smem:$0x3FB9] =	sst s2  }
0x8f: {  	_ = 	snop  }
0x90: {  	s2 =	sld [smem:$0x3FD0];
	_ =	sdelay $0x2  }
0x91: {  	s15 =	simm.s32 $0xA;
	s4 =	simm.s32 $0x10  }
0x92: {  	[smem:s4], [sflag:s15] =	dma.local [hbm:s2], $0x1  }
0x93: {  	_ =	swait.eq [sflag:s15], $0x1  }
0x94: {  	[sflag:s15] =	ssyncset.done $0x0  }
0x95: {  	s16 =	sld [smem:$0x10];
	[sflag:s15] =	ssyncadd.s32 $0xFFFFFFFF  }
0x96: {  	s17 =	sld [smem:$0x11];
	(tm) =	ssettm $0x1  }
0x97: {  	s18 =	sld [smem:$0x3FFB];
	_ =	sdelay $0x3  }
0x98: {  	_ =	strace s18  }
0x99: {  	s4 =	sld [smem:$0x3FFC];
	_ =	sdelay $0x3  }
0x9a: {  	_ =	strace s4  }
0x9b: {  	s4 =	sld [smem:$0x3FFD];
	_ =	sdelay $0x3  }
0x9c: {  	_ =	strace s4  }
0x9d: {  	_ =	strace $0x8FFFFFFF  }
0x9e: {  	s19 =	sld [smem:$0x3FDB];
	_ =	sdelay $0x1  }
0x9f: {  	s5 =	simm.s32 $_scs_section_size  }
0xa0: {  	s6 =	simm.s32 $_size__tile_overlayer_lowered;
	s7 =	simm.s32 $_tile_overlayer_lowered  }
0xa1: {  	s22 =	simm.s32 $0x1BFF;
	s21 =	sshll.u32 s7, $0x1;
	s4 =	sadd.s32 s5, s19  }
0xa2: {  	s8 =	simm.s32 $0x0;
	s20 =	sshll.u32 s6, $0x1;
	s6 =	sadd.s32 s21, s4  }
0xa3: {  	[timem:s8], [sflag:s22] =	dma.local [hbm:s6], s20  }
0xa4: {  	_ =	swait.ge [sflag:s22], s20  }
0xa5: {  	s5 =	ssub.s32 $0x0, s20;
	[sflag:s22] =	ssyncset.done $0x0  }
0xa6: {  	[sflag:s22] =	ssyncadd.s32 s5;
	_ =	sdelay $0x1  }
0xa7: {  	s23 =	simm.s32 $0x1B8B  }
0xa8: {  	_ =	swait.ge [sflag:s23], $0x1  }
0xa9: {  	[sflag:s23] =	ssyncset.done $0x0  }
0xaa: {  	s25 =	simm.s32 $0x1B8E;
	s24 =	sld [smem:$0x3FFE];
	[sflag:s23] =	ssyncadd.s32 $0xFFFFFFFF  }
0xab: {  	s26 =	simm.s32 $execute0_lowered;
	[smem:$0x3FD2] =	sst s25  }
0xac: {  	s6 =	sshll.u32 s26, $0x1;
	_ =	strace $0x8000004C;
	[dreg:$0x1] =	wrdreg $0xFFFFFFFF  }
0xad: {  	s28 =	simm.s32 $_size_execute0_lowered;
	s4 =	sadd.s32 s4, s6;
	[dreg:$0x0] =	wrdreg $0x0  }
0xae: {  	s6 =	sshll.u32 s28, $0x1;
	[dreg:$0x2] =	wrdreg s4  }
0xaf: {  	[dreg:$0x3] =	wrdreg s6  }
0xb0: {  	[dreg:$0x4] =	wrdreg $0xC0  }
0xb1: {  	_ =	task [dreg:s8], $0x5FFFF  }
0xb2: {  	[dreg:$0x1] =	wrdreg $0xFFFFFFFF  }
0xb3: {  	[dreg:$0x0] =	wrdreg $0x60  }
0xb4: {  	[dreg:$0x2] =	wrdreg s24  }
0xb5: {  	[dreg:$0x3] =	wrdreg s17  }
0xb6: {  	[dreg:$0x4] =	wrdreg s16  }
0xb7: {  	[dreg:$0x5] =	wrdreg $0x141E00  }
0xb8: {  	[dreg:$0x6] =	wrdreg $0x9  }
0xb9: {  	_ =	task.clear_ibuf [dreg:s8], $0x7FFFF;
	_ =	strace $0x9000004C  }
0xba: {  	s29 =	simm.s32 $0x9;
	_ =	strace $0x8000004E  }
0xbb: {  	_ =	swait.ge [sflag:s29], $0x1  }
0xbc: {  	[sflag:s29] =	ssyncadd.s32 $0xFFFFFFFF  }
0xbd: {  	_ =	strace $0x9000004E  }
0xbe: {  	_ =	sfence  }
0xbf: {  	s30 =	sld [smem:$0x0];
	_ =	sdelay $0x2  }
0xc0: {  	s31 =	sshll.u32 s1, $0xD;
	s1 =	sshrl.u32 s1, $0x2  }
0xc1: {  	s3 =	sand.u32 $0x4000, s31;
	s1 =	sadd.s32 s1, s30  }
0xc2: {  	s0 =	sor.u32 s3, s0;
	s1 =	sshll.u32 s1, $0x11  }
0xc3: {  	s0 =	sor.u32 s1, s0  }
0xc4: {  	s0 =	sadd.s32 $0x8F2B, s0  }
0xc5: {  	[sflag:s0] =	ssyncadd.remote.s32 $0x1  }
0xc6: {  	_ =	sfence.sel $0xFFFF  }
0xc7: {  	[dreg:$0x0] =	wrdreg $0xFFFFFFFF;
	(pc) =	sbr.abs _section_cstart, $3  }
0xc8: {  	[dreg:$0x1] =	wrdreg $0xFFFFFFFF  }
0xc9: {  	_ =	task.clear_ibuf [dreg:s8], $0x2FFFF;
	_ =	strace $0x9FFFFFFF  }
0xca: {  	(tm) =	ssettm $0x7FFFFFFF  }
0xcb: {  	_ =	shalt  }
tec
execute0_lowered:
.L_overlay_start_1:
0x0: {  	(tag) =	ssettag $0x1  }
0x1: {  	s0 =	rddreg [dreg:$0x0]  }
0x2: {  	s20 =	rddreg [dreg:$0x2]  }
0x3: {  	s3 =	rddreg [dreg:$0x3];
	s4 =	simm.s32 $0x0;
	s18 =	stileid.u32  }
0x4: {  	s5 =	srdreg.scid;
	s28 =	simm.s32 $0x190;
	s29 =	simm.s32 $0x12DE0  }
0x5: {  	[smem:$0x7FF] =	sst s4;
	s6 =	sadd.s32 $0x7600, s0;
	s9 =	sadd.s32 $0x20D400, s0  }
0x6: {  	s7 =	sadd.s32 $0x198000, s0;
	s1 =	smul.u32 $0x9E00, s18;
	s10 =	sadd.s32 $0x48D400, s0  }
0x7: {  	s8 =	sadd.s32 $0x11600, s0;
	s11 =	sadd.s32 $0x20C8600, s0;
	s13 =	smul.u32 $0x2800, s18  }
0x8: {  	s12 =	sadd.s32 $0x98D400, s0;
	s5 =	sand.u32 $0x1, s5;
	s24 =	smul.u32 $0xA00, s18  }
0x9: {  	s14 =	sadd.s32 $0x9A600, s0;
	s23 =	sshll.u32 s18, $0x6;
	s19 =	smul.u32 $0x2710, s5  }
0xa: {  	p0 =	seq.s32 s18, $0xF;
	s30 =	sshll.u32 s18, $0x7;
	s17 =	smul.u32 $0x28000, s5  }
0xb: {  	_ =	strace $0x8000004D;
	s15 =	ssub.s32 $0x2, s5;
	s5 =	smul.u32 $0x9C400, s5  }
0xc: {  	s22 =	sor.u32 $0x1C05, s23;
	s2 =	sshrl.u32 s1, $0x3;
	s16 =	sshrl.u32 s15, $0x1  }
0xd: {  	s21 =	sadd.s32 s1, s3;
	[dreg:$0x7] =	wrdreg s22;
	s2 =	sadd.s32 s2, s0  }
0xe: {  	s0 =	sadd.s32 $0xC1800, s0;
	s1 =	sadd.s32 s1, s5;
	s5 =	sshrl.u32 s5, $0x3  }
0xf: {  	[dreg:$0x5] =	wrdreg s21;
	s2 =	sadd.s32 $0x86A00, s2;
	s1 =	sshrl.u32 s1, $0x3  }
0x10: {  	s25 =	sadd.s32 $0x12840, s5;
	[dreg:$0x6] =	wrdreg s2;
	s26 =	sadd.s32 s14, s1  }
0x11: {  	s15 =	ssub.s32 s15, s16;
	s14 =	sadd.s32 s14, s25;
	[dreg:$0x8] =	wrdreg s26  }
0x12: {  	s16 =	sadd.s32 s13, s17;
	s31 =	sadd.s32 s0, s25;
	[dreg:$0x9] =	wrdreg s14  }
0x13: {  	s13 =	sshll.u32 s16, $0x4;
	s2 =	sadd.s32 s6, s24;
	[dreg:$0xb] =	wrdreg s31  }
0x14: {  	s18 =	simm.s32 $0xA0;
	s17 =	sadd.s32 s10, s13;
	[dreg:$0xc] =	wrdreg s2  }
0x15: {  	s23 =	sadd.s32 s11, s13;
	s25 =	smax.u32 s15, $0x1;
	[dreg:$0xe] =	wrdreg s17  }
0x16: {  	s15 =	simm.s32 $0xDDE0;
	s14 =	sadd.s32 s0, s1;
	[dreg:$0xf] =	wrdreg s23  }
0x17: {  	s0 =	sadd.s32 s0, s5;
	s5 =	sshll.u32 s16, $0x3;
	[dreg:$0x13] =	wrdreg s25  }
0x18: {  	s17 =	simm.s32 $0x50;
	s1 =	sadd.s32 s9, s5;
	[dreg:$0xa] =	wrdreg s14  }
0x19: {  	s23 =	simm.s32 $0x1;
	s24 =	sadd.s32 $0x39940, s0;
	[dreg:$0xd] =	wrdreg s1  }
0x1a: {  	s25 =	simm.s32 $0x119E0;
	s0 =	sadd.s32 $0x60A40, s0;
	[dreg:$0x11] =	wrdreg s24  }
0x1b: {  	s26 =	sadd.s32 $0x27100, s14;
	s31 =	sadd.s32 $0x4E200, s14;
	[dreg:$0x12] =	wrdreg s0  }
0x1c: {  	s5 =	simm.s32 $0x5;
	s1 =	sadd.s32 s12, s13;
	[dreg:$0x14] =	wrdreg s26  }
0x1d: {  	[dreg:$0x15] =	wrdreg s31;
	s24 =	simm.s32 $0x140;
	s26 =	simm.s32 $0x2  }
0x1e: {  	v0 =	vmov s19;
	s13 =	simm.s32 $0xA1E0;
	[dreg:$0x10] =	wrdreg s1;
	s1 =	simm.s32 $0x0  }
.LBB2_1:
0x1f: {  	[dreg:$0x16] =	wrdreg s1  }
0x20: {  	s19 =	sshrl.u32 s21, $0x3;
	s0 =	rddreg [dreg:$0x6]  }
0x21: {  	[dreg:$0x19] =	wrdreg s19  }
0x22: {  	[spmem:s19], [sflag:s22] =	dma.local [hbm:s0], $0x13C0  }
0x23: {  	_ =	swait.ge [sflag:s5], $0x13C0  }
0x24: {  	[sflag:s5] =	ssyncset.done $0x0  }
0x25: {  	[sflag:s5] =	ssyncadd.s32 $0xFFFFEC40  }
0x26: {  	[bflag:$0x0] =	sbarrier.arrive $0xFFFF  }
0x27: {  	s1 =	rddreg [dreg:$0xc]  }
0x28: {  	[tilespmem:s4], [sflag:$0x5] =	stream.linear.gather [hbm4b:s1+s4], $0xA0, $0x38;
	[tilespmem:$0x1DFE0] =	vst v63  }
0x29: {  	_ =	swait.ge [sflag:s5], $0xA0  }
0x2a: {  	[sflag:s5] =	ssyncset.done $0x0  }
0x2b: {  	[sflag:s5] =	ssyncadd.s32 $0xFFFFFF60  }
0x2c: {  	v1 =	vld [tilespmem:$0x0]  }
0x2d: {  	v2 =	vld [tilespmem:$0x10]  }
0x2e: {  	v3 =	vld [tilespmem:$0x20]  }
0x2f: {  	v4 =	vld [tilespmem:$0x30]  }
0x30: {  	v5 =	vld [tilespmem:$0x40]  }
0x31: {  	v1 =	vadd.s32 v0, v1  }
0x32: {  	[tilespmem:$0x0] =	vst v1;
	v1 =	vadd.s32 v0, v2  }
0x33: {  	[tilespmem:$0x10] =	vst v1;
	v1 =	vadd.s32 v0, v3  }
0x34: {  	[tilespmem:$0x20] =	vst v1;
	v1 =	vadd.s32 v0, v4  }
0x35: {  	[tilespmem:$0x30] =	vst v1;
	v1 =	vadd.s32 v0, v5  }
0x36: {  	s2 =	simm.s32 $0xC9E0;
	[tilespmem:$0x40] =	vst v1  }
0x37: {  	[tilespmem:s2], [sflag:$0x1] =	stream.indirect.gather [hbm4b:s20+s17], $0x40, s4, s17, $0xb8;
	[tilespmem:$0x1DFE0] =	vst v63  }
0x38: {  	s19 =	simm.s32 $0xF1E0;
	s14 =	rddreg [dreg:$0xd]  }
0x39: {  	[tilespmem:s19], [sflag:$0x1] =	stream.linear.gather [hbm4b:s14+s4], $0x1400, $0x38;
	[tilespmem:$0x1DFE0] =	vst v63  }
0x3a: {  	s31 =	simm.s32 $0x0;
	s19 =	simm.s32 $0x105E0  }
.LBB2_2:
0x3b: {  	s0 =	sshllo.u32 s31, $0x1  }
0x3c: {  	s1 =	sadd.s32 s30, s0  }
0x3d: {  	s1 =	smul.u32 $0x14, s1;
	_ =	sdelay $0x1  }
0x3e: {  	s1 =	sadd.s32 s6, s1  }
0x3f: {  	[tilespmem:s18], [sflag:$0x5] =	stream.linear.gather [hbm4b:s1+s4], $0xA0, $0x38;
	[tilespmem:$0x1DFE0] =	vst v63  }
0x40: {  	_ =	swait.ge [sflag:s5], $0xA0  }
0x41: {  	[sflag:s5] =	ssyncset.done $0x0  }
0x42: {  	[sflag:s5] =	ssyncadd.s32 $0xFFFFFF60  }
0x43: {  	v1 =	vld [tilespmem:$0xA0]  }
0x44: {  	v2 =	vld [tilespmem:$0xB0]  }
0x45: {  	v3 =	vld [tilespmem:$0xC0]  }
0x46: {  	v4 =	vld [tilespmem:$0xD0]  }
0x47: {  	v5 =	vld [tilespmem:$0xE0]  }
0x48: {  	v1 =	vadd.s32 v0, v1  }
0x49: {  	s0 =	smul.u32 $0x50, s0;
	[tilespmem:$0xA0] =	vst v1;
	v1 =	vadd.s32 v0, v2  }
0x4a: {  	[tilespmem:$0xB0] =	vst v1;
	v1 =	vadd.s32 v0, v3  }
0x4b: {  	s0 =	sadd.s32 s16, s0;
	[tilespmem:$0xC0] =	vst v1;
	v1 =	vadd.s32 v0, v4  }
0x4c: {  	s0 =	sshll.u32 s0, $0x3;
	[tilespmem:$0xD0] =	vst v1;
	v1 =	vadd.s32 v0, v5  }
0x4d: {  	s0 =	sand.u32 $0x1FFFFF80, s0;
	[tilespmem:$0xE0] =	vst v1  }
0x4e: {  	[tilespmem:s15], [sflag:$0x2] =	stream.indirect.gather [hbm4b:s20+s17], $0x40, s18, s17, $0xb8;
	[tilespmem:$0x1DFE0] =	vst v63  }
0x4f: {  	s0 =	sadd.s32 s9, s0  }
0x50: {  	[tilespmem:s19], [sflag:$0x2] =	stream.linear.gather [hbm4b:s0+s4], $0x1400, $0x38;
	[tilespmem:$0x1DFE0] =	vst v63  }
0x51: {  	_ =	swait.ge [sflag:s23], $0x1400  }
0x52: {  	[sflag:s23] =	ssyncset.done $0x0  }
0x53: {  	[sflag:s23] =	ssyncadd.s32 $0xFFFFEC00  }
0x54: {  	_ =	swait.ge [sflag:s23], $0x1400  }
0x55: {  	p1 =	seq.s32 s31, $0x0;
	[sflag:s23] =	ssyncset.done $0x0  }
0x56: {  	s0 =	simm.s32 @!p1 $0x3;
	[sflag:s23] =	ssyncadd.s32 $0xFFFFEC00  }
0x57: {  	_ =	swait.ge @!p1 [sflag:s0], $0x1400  }
0x58: {  	[sflag:s0] =	ssyncset.done @!p1 $0x0  }
0x59: {  	s1 =	simm.s32 $0x0;
	[sflag:s0] =	ssyncadd.s32 @!p1 $0xFFFFEC00  }
0x5a: {  	v3 =	vld [tilespmem:s1+$0xCA10]  }
0x5b: {  	v5 =	vld [tilespmem:s1+$0xF210]  }
0x5c: {  	v6 =	vld [tilespmem:s1+$0xC9E0]  }
0x5d: {  	v7 =	vld [tilespmem:s1+$0xF1E0]  }
0x5e: {  	v2 =	vld [tilespmem:s1+$0xC9F0]  }
0x5f: {  	v4 =	vld [tilespmem:s1+$0xF1F0]  }
0x60: {  	v1 =	vld [tilespmem:s1+$0xCA00];
	v8 =	vmul.f32 v5, v3  }
0x61: {  	s2 =	simm.s32 $0x40;
	v5 =	vld [tilespmem:s1+$0xF200]  }
0x62: {  	s14 =	simm.s32 $0x200;
	s0 =	sshll.u32 s31, $0x1;
	v3 =	vld [tilespmem:s2+$0xCA10];
	v6 =	vmul.f32 v7, v6;
	[tilespmem:s1+$0x11A10] =	vst v8  }
.LBB2_3:
0x63: {  	p2 =	sne.s32 s14, $0x4F00;
	v7 =	vld [tilespmem:s2+$0xF210]  }
0x64: {  	v8 =	vld [tilespmem:s2+$0xC9E0];
	[tilespmem:s1+$0x119E0] =	vst v6;
	v4 =	vmul.f32 v4, v2  }
0x65: {  	v6 =	vld [tilespmem:s2+$0xF1E0]  }
.Ltmp0:
0x66: {  	v2 =	vld [tilespmem:s2+$0xC9F0];
	[tilespmem:s1+$0x119F0] =	vst v4;
	v5 =	vmul.f32 v5, v1;
	(pc) =	sbr.rel @p2 .LBB2_3-.Ltmp0, $4  }
0x67: {  	v4 =	vld [tilespmem:s2+$0xF1F0]  }
0x68: {  	v1 =	vld [tilespmem:s2+$0xCA00];
	v7 =	vmul.f32 v7, v3;
	[tilespmem:s1+$0x11A00] =	vst v5;
	s1 =	smov.u32 s2  }
0x69: {  	s2 =	sshra.s32 s14, $0x2;
	v5 =	vld [tilespmem:s1+$0xF200]  }
0x6a: {  	s14 =	sadd.s32 $0x100, s14;
	v3 =	vld [tilespmem:s2+$0xCA10];
	v6 =	vmul.f32 v6, v8;
	[tilespmem:s1+$0x11A10] =	vst v7  }
0x6b: {  	v7 =	vld [tilespmem:s2+$0xF210]  }
0x6c: {  	v8 =	vld [tilespmem:s2+$0xC9E0];
	[tilespmem:s1+$0x119E0] =	vst v6;
	v2 =	vmul.f32 v4, v2  }
0x6d: {  	v4 =	vld [tilespmem:s2+$0xF1E0]  }
0x6e: {  	v6 =	vld [tilespmem:s2+$0xC9F0];
	[tilespmem:s1+$0x119F0] =	vst v2;
	v1 =	vmul.f32 v5, v1  }
0x6f: {  	v2 =	vld [tilespmem:s2+$0xF1F0]  }
0x70: {  	v5 =	vld [tilespmem:s2+$0xCA00];
	[tilespmem:s1+$0x11A00] =	vst v1  }
0x71: {  	v1 =	vld [tilespmem:s2+$0xF200];
	_ =	sdelay $0x1  }
0x72: {  	v3 =	vmul.f32 v7, v3  }
0x73: {  	v4 =	vmul.f32 v4, v8  }
0x74: {  	[tilespmem:s2+$0x11A10] =	vst v3;
	v2 =	vmul.f32 v2, v6  }
0x75: {  	[tilespmem:s2+$0x119E0] =	vst v4;
	v1 =	vmul.f32 v1, v5  }
0x76: {  	[tilespmem:s2+$0x119F0] =	vst v2  }
0x77: {  	[tilespmem:s2+$0x11A00] =	vst v1  }
0x78: {  	v1 =	vld [tilespmem:$0x50]  }
0x79: {  	v2 =	vld [tilespmem:$0x60]  }
0x7a: {  	v3 =	vld [tilespmem:$0x70]  }
0x7b: {  	v4 =	vld [tilespmem:$0x80]  }
0x7c: {  	v5 =	vld [tilespmem:$0x90]  }
0x7d: {  	[tilespmem:$0x140] =	vst v1  }
0x7e: {  	p2 =	seq.s32 s31, $0x3F;
	[tilespmem:$0x150] =	vst v2  }
0x7f: {  	s0 =	sadd.s32 @!p2 $0x2, s0;
	[tilespmem:$0x160] =	vst v3  }
0x80: {  	s1 =	sadd.s32 @!p2 s30, s0;
	[tilespmem:$0x170] =	vst v4  }
0x81: {  	s1 =	smul.u32 @!p2 $0x14, s1;
	[tilespmem:$0x180] =	vst v5  }
0x82: {  	[spmem:s3] =	stream.indirect.scatter.add.f32 [tilespmem:s25], [sflag:$0x3], $0x40, s24, s17, $0xb8;
	[tilespmem:$0x1DFE0] =	vst v63  }
0x83: {  	s1 =	sadd.s32 @!p2 s6, s1;
	s2 =	simm.s32 @!p2 $0x0  }
0x84: {  	[tilespmem:s2], [sflag:$0x5] =	stream.linear.gather @!p2 [hbm4b:s1+s2], $0xA0, $0x38;
	[tilespmem:$0x1DFE0] =	vst v63  }
0x85: {  	s1 =	simm.s32 @!p2 $0x5  }
0x86: {  	_ =	swait.ge @!p2 [sflag:s1], $0xA0  }
0x87: {  	[sflag:s1] =	ssyncset.done @!p2 $0x0  }
0x88: {  	[sflag:s1] =	ssyncadd.s32 @!p2 $0xFFFFFF60  }
0x89: {  	v1 =	vld @!p2 [tilespmem:$0x0]  }
0x8a: {  	v2 =	vld @!p2 [tilespmem:$0x10]  }
0x8b: {  	v3 =	vld @!p2 [tilespmem:$0x20]  }
0x8c: {  	v4 =	vld @!p2 [tilespmem:$0x30]  }
0x8d: {  	v5 =	vld @!p2 [tilespmem:$0x40]  }
0x8e: {  	v1 =	vadd.s32 @!p2 v0, v1  }
0x8f: {  	s0 =	smul.u32 @!p2 $0x50, s0;
	[tilespmem:$0x0] =	vst @!p2 v1;
	v1 =	vadd.s32 @!p2 v0, v2  }
0x90: {  	[tilespmem:$0x10] =	vst @!p2 v1;
	v1 =	vadd.s32 @!p2 v0, v3  }
0x91: {  	s0 =	sadd.s32 @!p2 s16, s0;
	[tilespmem:$0x20] =	vst @!p2 v1;
	v1 =	vadd.s32 @!p2 v0, v4  }
0x92: {  	s0 =	sshll.u32 @!p2 s0, $0x3;
	[tilespmem:$0x30] =	vst @!p2 v1;
	v1 =	vadd.s32 @!p2 v0, v5  }
0x93: {  	s14 =	simm.s32 @!p2 $0xC9E0;
	s0 =	sand.u32 @!p2 $0x1FFFFF00, s0;
	s1 =	simm.s32 @!p2 $0x50;
	[tilespmem:$0x40] =	vst @!p2 v1  }
0x94: {  	[tilespmem:s14], [sflag:$0x1] =	stream.indirect.gather @!p2 [hbm4b:s20+s1], $0x40, s2, s1, $0xb8;
	[tilespmem:$0x1DFE0] =	vst v63  }
0x95: {  	s0 =	sadd.s32 @!p2 s9, s0;
	s1 =	simm.s32 @!p2 $0xF1E0  }
0x96: {  	[tilespmem:s1], [sflag:$0x1] =	stream.linear.gather @!p2 [hbm4b:s0+s2], $0x1400, $0x38;
	[tilespmem:$0x1DFE0] =	vst v63  }
0x97: {  	_ =	swait.ge [sflag:s26], $0x1400  }
0x98: {  	[sflag:s26] =	ssyncset.done $0x0  }
0x99: {  	[sflag:s26] =	ssyncadd.s32 $0xFFFFEC00  }
0x9a: {  	_ =	swait.ge [sflag:s26], $0x1400  }
0x9b: {  	[sflag:s26] =	ssyncset.done $0x0  }
0x9c: {  	s0 =	simm.s32 @!p1 $0x4;
	[sflag:s26] =	ssyncadd.s32 $0xFFFFEC00  }
0x9d: {  	_ =	swait.ge @!p1 [sflag:s0], $0x1400  }
0x9e: {  	[sflag:s0] =	ssyncset.done @!p1 $0x0  }
0x9f: {  	[sflag:s0] =	ssyncadd.s32 @!p1 $0xFFFFEC00;
	s0 =	simm.s32 $0x0  }
0xa0: {  	v3 =	vld [tilespmem:s0+$0xDE10]  }
0xa1: {  	v5 =	vld [tilespmem:s0+$0x10610]  }
0xa2: {  	v6 =	vld [tilespmem:s0+$0xDDE0]  }
0xa3: {  	v7 =	vld [tilespmem:s0+$0x105E0]  }
0xa4: {  	v2 =	vld [tilespmem:s0+$0xDDF0]  }
0xa5: {  	v4 =	vld [tilespmem:s0+$0x105F0]  }
0xa6: {  	v1 =	vld [tilespmem:s0+$0xDE00];
	v8 =	vmul.f32 v5, v3  }
0xa7: {  	s1 =	simm.s32 $0x40;
	v5 =	vld [tilespmem:s0+$0x10600]  }
0xa8: {  	s2 =	simm.s32 $0x200;
	v3 =	vld [tilespmem:s1+$0xDE10];
	v6 =	vmul.f32 v7, v6;
	[tilespmem:s0+$0x12E10] =	vst v8  }
.LBB2_5:
0xa9: {  	p1 =	sne.s32 s2, $0x4F00;
	v7 =	vld [tilespmem:s1+$0x10610]  }
0xaa: {  	v8 =	vld [tilespmem:s1+$0xDDE0];
	[tilespmem:s0+$0x12DE0] =	vst v6;
	v4 =	vmul.f32 v4, v2  }
0xab: {  	v6 =	vld [tilespmem:s1+$0x105E0]  }
.Ltmp1:
0xac: {  	v2 =	vld [tilespmem:s1+$0xDDF0];
	[tilespmem:s0+$0x12DF0] =	vst v4;
	v5 =	vmul.f32 v5, v1;
	(pc) =	sbr.rel @p1 .LBB2_5-.Ltmp1, $4  }
0xad: {  	v4 =	vld [tilespmem:s1+$0x105F0]  }
0xae: {  	v1 =	vld [tilespmem:s1+$0xDE00];
	v7 =	vmul.f32 v7, v3;
	[tilespmem:s0+$0x12E00] =	vst v5;
	s0 =	smov.u32 s1  }
0xaf: {  	s1 =	sshra.s32 s2, $0x2;
	v5 =	vld [tilespmem:s0+$0x10600]  }
0xb0: {  	s2 =	sadd.s32 $0x100, s2;
	v3 =	vld [tilespmem:s1+$0xDE10];
	v6 =	vmul.f32 v6, v8;
	[tilespmem:s0+$0x12E10] =	vst v7  }
0xb1: {  	v7 =	vld [tilespmem:s1+$0x10610]  }
0xb2: {  	v8 =	vld [tilespmem:s1+$0xDDE0];
	[tilespmem:s0+$0x12DE0] =	vst v6;
	v2 =	vmul.f32 v4, v2  }
0xb3: {  	v61 =	vld [tilespmem:s1+$0x105E0]  }
0xb4: {  	v6 =	vld [tilespmem:s1+$0xDDF0];
	[tilespmem:s0+$0x12DF0] =	vst v2;
	v1 =	vmul.f32 v5, v1  }
0xb5: {  	v2 =	vld [tilespmem:s1+$0x105F0]  }
0xb6: {  	v62 =	vld [tilespmem:s1+$0xDE00];
	[tilespmem:s0+$0x12E00] =	vst v1  }
0xb7: {  	v1 =	vld [tilespmem:s1+$0x10600];
	_ =	sdelay $0x1  }
0xb8: {  	v3 =	vmul.f32 v7, v3  }
0xb9: {  	v4 =	vmul.f32 v61, v8  }
0xba: {  	[tilespmem:s1+$0x12E10] =	vst v3;
	v2 =	vmul.f32 v2, v6  }
0xbb: {  	[tilespmem:s1+$0x12DE0] =	vst v4;
	v1 =	vmul.f32 v1, v62  }
0xbc: {  	[tilespmem:s1+$0x12DF0] =	vst v2  }
0xbd: {  	[tilespmem:s1+$0x12E00] =	vst v1  }
0xbe: {  	v1 =	vld [tilespmem:$0xF0]  }
0xbf: {  	v2 =	vld [tilespmem:$0x100]  }
0xc0: {  	v3 =	vld [tilespmem:$0x110]  }
0xc1: {  	v4 =	vld [tilespmem:$0x120]  }
0xc2: {  	s31 =	sadd.s32 $0x1, s31;
	v63 =	vld [tilespmem:$0x130]  }
0xc3: {  	p1 =	sne.s32 s31, $0x40;
	[tilespmem:$0x190] =	vst v1  }
.Ltmp2:
0xc4: {  	[tilespmem:$0x1A0] =	vst v2;
	(pc) =	sbr.rel @p1 .LBB2_2-.Ltmp2, $4  }
0xc5: {  	[tilespmem:$0x1B0] =	vst v3  }
0xc6: {  	[tilespmem:$0x1C0] =	vst v4  }
0xc7: {  	[tilespmem:$0x1D0] =	vst v63  }
0xc8: {  	[spmem:s3] =	stream.indirect.scatter.add.f32 [tilespmem:s29], [sflag:$0x4], $0x40, s28, s17, $0xb8;
	[tilespmem:$0x1DFE0] =	vst v63  }
0xc9: {  	s0 =	simm.s32 $0x3  }
0xca: {  	_ =	swait.ge [sflag:s0], $0x1400  }
0xcb: {  	[sflag:s0] =	ssyncset.done $0x0  }
0xcc: {  	s1 =	simm.s32 $0x4;
	[sflag:s0] =	ssyncadd.s32 $0xFFFFEC00  }
0xcd: {  	_ =	swait.ge [sflag:s1], $0x1400  }
0xce: {  	[sflag:s1] =	ssyncset.done $0x0  }
0xcf: {  	[sflag:s1] =	ssyncadd.s32 $0xFFFFEC00  }
0xd0: {  	[bflag:$0x0] =	sbarrier.arrive $0xFFFF  }
0xd1: {  	s1 =	sshrl.u32 @p0 s21, $0x3;
	s0 =	rddreg [dreg:$0x9]  }
0xd2: {  	[dreg:$0x17] =	wrdreg s1  }
0xd3: {  	[hbm:s0], [sflag:s22] =	dma.local @p0 [spmem:s1], $0x1040  }
0xd4: {  	s0 =	simm.s32 @p0 $0x5  }
0xd5: {  	s1 =	sshrl.u32 @!p0 s21, $0x3;
	_ =	swait.ge @p0 [sflag:s0], $0x1040  }
0xd6: {  	[dreg:$0x18] =	wrdreg s1;
	[sflag:s0] =	ssyncset.done @p0 $0x0  }
0xd7: {  	[sflag:s0] =	ssyncadd.s32 @p0 $0xFFFFEFC0;
	s0 =	rddreg [dreg:$0x8]  }
0xd8: {  	[hbm:s0], [sflag:s22] =	dma.local @!p0 [spmem:s1], $0x13C0  }
0xd9: {  	s0 =	simm.s32 @!p0 $0x5  }
0xda: {  	_ =	swait.ge @!p0 [sflag:s0], $0x13C0  }
0xdb: {  	[sflag:s0] =	ssyncset.done @!p0 $0x0  }
0xdc: {  	[sflag:s0] =	ssyncadd.s32 @!p0 $0xFFFFEC40  }
0xdd: {  	[bflag:$0x0] =	sbarrier.arrive $0xFFFF  }
0xde: {  	s2 =	rddreg [dreg:$0x6]  }
0xdf: {  	s14 =	rddreg [dreg:$0x19]  }
0xe0: {  	[spmem:s14], [sflag:s22] =	dma.local [hbm:s2], $0x13C0  }
0xe1: {  	_ =	swait.ge [sflag:s5], $0x13C0  }
0xe2: {  	[sflag:s5] =	ssyncset.done $0x0  }
0xe3: {  	[sflag:s5] =	ssyncadd.s32 $0xFFFFEC40  }
0xe4: {  	[bflag:$0x0] =	sbarrier.arrive $0xFFFF  }
0xe5: {  	s31 =	simm.s32 $0x0;
	s15 =	rddreg [dreg:$0xc]  }
0xe6: {  	[tilespmem:s31], [sflag:$0x5] =	stream.linear.gather [hbm4b:s15+s31], $0xA0, $0x38;
	[tilespmem:$0x1DFE0] =	vst v63  }
0xe7: {  	_ =	swait.ge [sflag:s5], $0xA0  }
0xe8: {  	[sflag:s5] =	ssyncset.done $0x0  }
0xe9: {  	[sflag:s5] =	ssyncadd.s32 $0xFFFFFF60  }
0xea: {  	v1 =	vld [tilespmem:$0x0]  }
0xeb: {  	v2 =	vld [tilespmem:$0x10]  }
0xec: {  	v3 =	vld [tilespmem:$0x20]  }
0xed: {  	v4 =	vld [tilespmem:$0x30]  }
0xee: {  	v5 =	vld [tilespmem:$0x40]  }
0xef: {  	v1 =	vadd.s32 v0, v1  }
0xf0: {  	[tilespmem:$0x0] =	vst v1;
	v1 =	vadd.s32 v0, v2  }
0xf1: {  	[tilespmem:$0x10] =	vst v1;
	v1 =	vadd.s32 v0, v3  }
0xf2: {  	[tilespmem:$0x20] =	vst v1;
	v1 =	vadd.s32 v0, v4  }
0xf3: {  	[tilespmem:$0x30] =	vst v1;
	v1 =	vadd.s32 v0, v5  }
0xf4: {  	s20 =	simm.s32 $0x1E0;
	s19 =	rddreg [dreg:$0x1];
	[tilespmem:$0x40] =	vst v1  }
0xf5: {  	[tilespmem:s20], [sflag:$0x1] =	stream.indirect.gather [hbm4b:s19+s17], $0xC0, s31, s17, $0xb8;
	[tilespmem:$0x1DFE0] =	vst v63  }
0xf6: {  	s22 =	simm.s32 $0x79E0;
	s21 =	rddreg [dreg:$0xe]  }
0xf7: {  	[tilespmem:s22], [sflag:$0x1] =	stream.linear.gather [hbm4b:s21+s31], $0x2800, $0x38;
	[tilespmem:$0x1DFE0] =	vst v63  }
.LBB2_8:
0xf8: {  	s0 =	sshllo.u32 s31, $0x1  }
0xf9: {  	s1 =	sadd.s32 s30, s0  }
0xfa: {  	s1 =	smul.u32 $0x14, s1;
	_ =	sdelay $0x1  }
0xfb: {  	s1 =	sadd.s32 s6, s1  }
0xfc: {  	[tilespmem:s18], [sflag:$0x5] =	stream.linear.gather [hbm4b:s1+s4], $0xA0, $0x38;
	[tilespmem:$0x1DFE0] =	vst v63  }
0xfd: {  	_ =	swait.ge [sflag:s5], $0xA0  }
0xfe: {  	[sflag:s5] =	ssyncset.done $0x0  }
0xff: {  	[sflag:s5] =	ssyncadd.s32 $0xFFFFFF60  }
0x100: {  	v1 =	vld [tilespmem:$0xA0]  }
0x101: {  	v2 =	vld [tilespmem:$0xB0]  }
0x102: {  	v3 =	vld [tilespmem:$0xC0]  }
0x103: {  	v4 =	vld [tilespmem:$0xD0]  }
0x104: {  	v5 =	vld [tilespmem:$0xE0]  }
0x105: {  	v1 =	vadd.s32 v0, v1  }
0x106: {  	s0 =	smul.u32 $0x50, s0;
	[tilespmem:$0xA0] =	vst v1;
	v1 =	vadd.s32 v0, v2  }
0x107: {  	[tilespmem:$0xB0] =	vst v1;
	v1 =	vadd.s32 v0, v3  }
0x108: {  	s0 =	sadd.s32 s16, s0;
	[tilespmem:$0xC0] =	vst v1;
	v1 =	vadd.s32 v0, v4  }
0x109: {  	s0 =	sshll.u32 s0, $0x4;
	[tilespmem:$0xD0] =	vst v1;
	v1 =	vadd.s32 v0, v5  }
0x10a: {  	s2 =	simm.s32 $0x3DE0;
	s0 =	sand.u32 $0x1FFFFF00, s0;
	s20 =	rddreg [dreg:$0x1];
	[tilespmem:$0xE0] =	vst v1  }
0x10b: {  	[tilespmem:s2], [sflag:$0x2] =	stream.indirect.gather [hbm4b:s20+s17], $0xC0, s18, s17, $0xb8;
	[tilespmem:$0x1DFE0] =	vst v63  }
0x10c: {  	s0 =	sadd.s32 s10, s0  }
0x10d: {  	[tilespmem:s13], [sflag:$0x2] =	stream.linear.gather [hbm4b:s0+s4], $0x2800, $0x38;
	[tilespmem:$0x1DFE0] =	vst v63  }
0x10e: {  	_ =	swait.ge [sflag:s23], $0x3C00  }
0x10f: {  	[sflag:s23] =	ssyncset.done $0x0  }
0x110: {  	[sflag:s23] =	ssyncadd.s32 $0xFFFFC400  }
0x111: {  	_ =	swait.ge [sflag:s23], $0x2800  }
0x112: {  	p1 =	seq.s32 s31, $0x0;
	[sflag:s23] =	ssyncset.done $0x0  }
0x113: {  	s0 =	simm.s32 @!p1 $0x3;
	[sflag:s23] =	ssyncadd.s32 $0xFFFFD800  }
0x114: {  	_ =	swait.ge @!p1 [sflag:s0], $0x1400  }
0x115: {  	[sflag:s0] =	ssyncset.done @!p1 $0x0  }
0x116: {  	s21 =	simm.s32 $0x240;
	[sflag:s0] =	ssyncadd.s32 @!p1 $0xFFFFEC00  }
0x117: {  	s14 =	simm.s32 $0x7A20;
	v1 =	vld [tilespmem:s21+$0xFFFFFFE0]  }
0x118: {  	v2 =	vld [tilespmem:s14+$0xFFFFFFC0]  }
0x119: {  	v3 =	vld [tilespmem:s21+$0xFFFFFFA0]  }
0x11a: {  	v4 =	vld [tilespmem:s14+$0x0]  }
0x11b: {  	v5 =	vld [tilespmem:s21+$0x20];
	_ =	sdelay $0x2  }
0x11c: {  	v2 =	vmul.f32 v2, v3;
	_ =	sdelay $0x1  }
0x11d: {  	v1 =	vmul.f32 v4, v1;
	v2 =	vmul.f32 v5, v2;
	_ =	sdelay $0x1  }
0x11e: {  	v1 =	vadd.f32 v1, v2  }
0x11f: {  	s20 =	simm.s32 $0x0  }
0x120: {  	[tilespmem:s20+$0x119E0] =	vst v1  }
0x121: {  	v1 =	vld [tilespmem:s21+$0xFFFFFFB0]  }
0x122: {  	v2 =	vld [tilespmem:s14+$0xFFFFFFD0]  }
0x123: {  	v3 =	vld [tilespmem:s14+$0x10]  }
0x124: {  	v4 =	vld [tilespmem:s21+$0x30]  }
0x125: {  	v5 =	vld [tilespmem:s21+$0xFFFFFFF0];
	_ =	sdelay $0x2  }
0x126: {  	v1 =	vmul.f32 v2, v1;
	_ =	sdelay $0x1  }
0x127: {  	v2 =	vmul.f32 v3, v5;
	v1 =	vmul.f32 v4, v1;
	_ =	sdelay $0x1  }
0x128: {  	v1 =	vadd.f32 v2, v1;
	_ =	sdelay $0x1  }
0x129: {  	[tilespmem:s20+$0x119F0] =	vst v1  }
0x12a: {  	v1 =	vld [tilespmem:s21+$0xFFFFFFC0]  }
0x12b: {  	v2 =	vld [tilespmem:s14+$0xFFFFFFE0]  }
0x12c: {  	v3 =	vld [tilespmem:s21+$0x0]  }
0x12d: {  	v4 =	vld [tilespmem:s21+$0x40]  }
0x12e: {  	v5 =	vld [tilespmem:s14+$0x20];
	_ =	sdelay $0x2  }
0x12f: {  	v1 =	vmul.f32 v2, v1;
	_ =	sdelay $0x1  }
0x130: {  	v2 =	vmul.f32 v5, v3;
	v1 =	vmul.f32 v4, v1;
	_ =	sdelay $0x1  }
0x131: {  	v1 =	vadd.f32 v2, v1;
	_ =	sdelay $0x1  }
0x132: {  	[tilespmem:s20+$0x11A00] =	vst v1  }
0x133: {  	v4 =	vld [tilespmem:s21+$0xFFFFFFD0]  }
0x134: {  	v5 =	vld [tilespmem:s14+$0xFFFFFFF0]  }
0x135: {  	v1 =	vld [tilespmem:s21+$0x50]  }
0x136: {  	v2 =	vld [tilespmem:s21+$0x10]  }
0x137: {  	s15 =	simm.s32 $0x100;
	v3 =	vld [tilespmem:s14+$0x30]  }
0x138: {  	s22 =	simm.s32 $0x7AA0;
	s1 =	simm.s32 $0x300;
	s2 =	simm.s32 $0x200  }
0x139: {  	s0 =	sshll.u32 s31, $0x1;
	s21 =	simm.s32 $0x300;
	s14 =	simm.s32 $0x7AA0;
	v4 =	vmul.f32 v5, v4  }
.LBB2_9:
0x13a: {  	_ = 	snop  }
0x13b: {  	p2 =	sne.s32 s2, $0x4F00;
	s22 =	sadd.s32 $0x80, s22;
	s1 =	sadd.s32 $0xC0, s1  }
0x13c: {  	s19 =	smov.u32 s2;
	s2 =	sadd.s32 $0x100, s2;
	v1 =	vmul.f32 v1, v4;
	v2 =	vmul.f32 v3, v2;
	_ =	sdelay $0x1  }
0x13d: {  	v1 =	vadd.f32 v2, v1;
	_ =	sdelay $0x1  }
0x13e: {  	[tilespmem:s20+$0x11A10] =	vst v1  }
0x13f: {  	v1 =	vld [tilespmem:s21+$0xFFFFFFE0]  }
0x140: {  	v2 =	vld [tilespmem:s14+$0xFFFFFFC0]  }
0x141: {  	v3 =	vld [tilespmem:s21+$0xFFFFFFA0]  }
0x142: {  	v4 =	vld [tilespmem:s14+$0x0]  }
0x143: {  	v5 =	vld [tilespmem:s21+$0x20];
	_ =	sdelay $0x2  }
0x144: {  	v2 =	vmul.f32 v2, v3  }
0x145: {  	v1 =	vmul.f32 v4, v1  }
0x146: {  	v2 =	vmul.f32 v5, v2;
	_ =	sdelay $0x1  }
0x147: {  	v1 =	vadd.f32 v1, v2  }
0x148: {  	s20 =	sshra.s32 s15, $0x2;
	s15 =	smov.u32 s19  }
0x149: {  	[tilespmem:s20+$0x119E0] =	vst v1  }
0x14a: {  	v1 =	vld [tilespmem:s21+$0xFFFFFFB0]  }
0x14b: {  	v2 =	vld [tilespmem:s14+$0xFFFFFFD0]  }
0x14c: {  	v3 =	vld [tilespmem:s14+$0x10]  }
0x14d: {  	v4 =	vld [tilespmem:s21+$0x30]  }
0x14e: {  	v5 =	vld [tilespmem:s21+$0xFFFFFFF0];
	_ =	sdelay $0x1  }
0x14f: {  	v1 =	vmul.f32 v2, v1;
	_ =	sdelay $0x1  }
0x150: {  	v1 =	vmul.f32 v4, v1  }
0x151: {  	v2 =	vmul.f32 v3, v5;
	_ =	sdelay $0x1  }
0x152: {  	v1 =	vadd.f32 v2, v1;
	_ =	sdelay $0x1  }
0x153: {  	[tilespmem:s20+$0x119F0] =	vst v1  }
0x154: {  	v1 =	vld [tilespmem:s21+$0xFFFFFFC0]  }
0x155: {  	v2 =	vld [tilespmem:s14+$0xFFFFFFE0]  }
0x156: {  	v3 =	vld [tilespmem:s21+$0x0]  }
0x157: {  	v4 =	vld [tilespmem:s21+$0x40]  }
0x158: {  	v5 =	vld [tilespmem:s14+$0x20];
	_ =	sdelay $0x1  }
0x159: {  	v1 =	vmul.f32 v2, v1;
	_ =	sdelay $0x1  }
0x15a: {  	v1 =	vmul.f32 v4, v1  }
0x15b: {  	v2 =	vmul.f32 v5, v3;
	_ =	sdelay $0x1  }
0x15c: {  	v1 =	vadd.f32 v2, v1;
	_ =	sdelay $0x1  }
0x15d: {  	[tilespmem:s20+$0x11A00] =	vst v1  }
0x15e: {  	v4 =	vld [tilespmem:s21+$0xFFFFFFD0]  }
0x15f: {  	v5 =	vld [tilespmem:s14+$0xFFFFFFF0]  }
.Ltmp3:
0x160: {  	v1 =	vld [tilespmem:s21+$0x50];
	(pc) =	sbr.rel @p2 .LBB2_9-.Ltmp3, $3  }
0x161: {  	v2 =	vld [tilespmem:s21+$0x10];
	s21 =	smov.u32 s1  }
0x162: {  	v3 =	vld [tilespmem:s14+$0x30];
	s14 =	smov.u32 s22;
	_ =	sdelay $0x1  }
0x163: {  	v4 =	vmul.f32 v5, v4  }
0x164: {  	_ =	sdelay $0x1  }
0x165: {  	v1 =	vmul.f32 v1, v4;
	v2 =	vmul.f32 v3, v2;
	_ =	sdelay $0x1  }
0x166: {  	v1 =	vadd.f32 v2, v1;
	_ =	sdelay $0x1  }
0x167: {  	[tilespmem:s20+$0x11A10] =	vst v1  }
0x168: {  	v1 =	vld [tilespmem:s21+$0xFFFFFFE0]  }
0x169: {  	v2 =	vld [tilespmem:s14+$0xFFFFFFC0]  }
0x16a: {  	v3 =	vld [tilespmem:s21+$0xFFFFFFA0]  }
0x16b: {  	v4 =	vld [tilespmem:s14+$0x0]  }
0x16c: {  	v5 =	vld [tilespmem:s21+$0x20];
	_ =	sdelay $0x2  }
0x16d: {  	v2 =	vmul.f32 v2, v3;
	_ =	sdelay $0x1  }
0x16e: {  	v1 =	vmul.f32 v4, v1;
	v2 =	vmul.f32 v5, v2;
	_ =	sdelay $0x1  }
0x16f: {  	v1 =	vadd.f32 v1, v2  }
0x170: {  	s1 =	sshra.s32 s15, $0x2  }
0x171: {  	[tilespmem:s1+$0x119E0] =	vst v1  }
0x172: {  	v1 =	vld [tilespmem:s21+$0xFFFFFFB0]  }
0x173: {  	v2 =	vld [tilespmem:s14+$0xFFFFFFD0]  }
0x174: {  	v3 =	vld [tilespmem:s14+$0x10]  }
0x175: {  	v4 =	vld [tilespmem:s21+$0x30]  }
0x176: {  	v5 =	vld [tilespmem:s21+$0xFFFFFFF0];
	_ =	sdelay $0x2  }
0x177: {  	v1 =	vmul.f32 v2, v1;
	_ =	sdelay $0x1  }
0x178: {  	v2 =	vmul.f32 v3, v5;
	v1 =	vmul.f32 v4, v1;
	_ =	sdelay $0x1  }
0x179: {  	v1 =	vadd.f32 v2, v1;
	_ =	sdelay $0x1  }
0x17a: {  	[tilespmem:s1+$0x119F0] =	vst v1  }
0x17b: {  	v1 =	vld [tilespmem:s21+$0xFFFFFFC0]  }
0x17c: {  	v2 =	vld [tilespmem:s14+$0xFFFFFFE0]  }
0x17d: {  	v3 =	vld [tilespmem:s21+$0x0]  }
0x17e: {  	v4 =	vld [tilespmem:s21+$0x40]  }
0x17f: {  	v5 =	vld [tilespmem:s14+$0x20];
	_ =	sdelay $0x2  }
0x180: {  	v1 =	vmul.f32 v2, v1;
	_ =	sdelay $0x1  }
0x181: {  	v2 =	vmul.f32 v5, v3;
	v1 =	vmul.f32 v4, v1;
	_ =	sdelay $0x1  }
0x182: {  	v1 =	vadd.f32 v2, v1;
	_ =	sdelay $0x1  }
0x183: {  	[tilespmem:s1+$0x11A00] =	vst v1  }
0x184: {  	v1 =	vld [tilespmem:s21+$0xFFFFFFD0]  }
0x185: {  	v2 =	vld [tilespmem:s14+$0xFFFFFFF0]  }
0x186: {  	v3 =	vld [tilespmem:s21+$0x50]  }
0x187: {  	v4 =	vld [tilespmem:s21+$0x10]  }
0x188: {  	v5 =	vld [tilespmem:s14+$0x30];
	_ =	sdelay $0x2  }
0x189: {  	v1 =	vmul.f32 v2, v1;
	_ =	sdelay $0x1  }
0x18a: {  	v2 =	vmul.f32 v5, v4;
	v1 =	vmul.f32 v3, v1;
	_ =	sdelay $0x1  }
0x18b: {  	v1 =	vadd.f32 v2, v1;
	_ =	sdelay $0x1  }
0x18c: {  	[tilespmem:s1+$0x11A10] =	vst v1  }
0x18d: {  	v1 =	vld [tilespmem:$0x50]  }
0x18e: {  	v2 =	vld [tilespmem:$0x60]  }
0x18f: {  	v3 =	vld [tilespmem:$0x70]  }
0x190: {  	v4 =	vld [tilespmem:$0x80]  }
0x191: {  	v5 =	vld [tilespmem:$0x90]  }
0x192: {  	[tilespmem:$0x140] =	vst v1  }
0x193: {  	p2 =	seq.s32 s31, $0x3F;
	[tilespmem:$0x150] =	vst v2  }
0x194: {  	s0 =	sadd.s32 @!p2 $0x2, s0;
	[tilespmem:$0x160] =	vst v3  }
0x195: {  	s1 =	sadd.s32 @!p2 s30, s0;
	[tilespmem:$0x170] =	vst v4  }
0x196: {  	s1 =	smul.u32 @!p2 $0x14, s1;
	[tilespmem:$0x180] =	vst v5  }
0x197: {  	[spmem:s3] =	stream.indirect.scatter.add.f32 [tilespmem:s25], [sflag:$0x3], $0x40, s24, s17, $0xb8;
	[tilespmem:$0x1DFE0] =	vst v63  }
0x198: {  	s2 =	simm.s32 @!p2 $0x0;
	s1 =	sadd.s32 @!p2 s6, s1  }
0x199: {  	[tilespmem:s2], [sflag:$0x5] =	stream.linear.gather @!p2 [hbm4b:s1+s2], $0xA0, $0x38;
	[tilespmem:$0x1DFE0] =	vst v63  }
0x19a: {  	s1 =	simm.s32 @!p2 $0x5  }
0x19b: {  	_ =	swait.ge @!p2 [sflag:s1], $0xA0  }
0x19c: {  	[sflag:s1] =	ssyncset.done @!p2 $0x0  }
0x19d: {  	[sflag:s1] =	ssyncadd.s32 @!p2 $0xFFFFFF60  }
0x19e: {  	v1 =	vld @!p2 [tilespmem:$0x0]  }
0x19f: {  	v2 =	vld @!p2 [tilespmem:$0x10]  }
0x1a0: {  	v3 =	vld @!p2 [tilespmem:$0x20]  }
0x1a1: {  	v4 =	vld @!p2 [tilespmem:$0x30]  }
0x1a2: {  	v5 =	vld @!p2 [tilespmem:$0x40]  }
0x1a3: {  	v1 =	vadd.s32 @!p2 v0, v1  }
0x1a4: {  	s0 =	smul.u32 @!p2 $0x50, s0;
	[tilespmem:$0x0] =	vst @!p2 v1;
	v1 =	vadd.s32 @!p2 v0, v2  }
0x1a5: {  	[tilespmem:$0x10] =	vst @!p2 v1;
	v1 =	vadd.s32 @!p2 v0, v3  }
0x1a6: {  	s0 =	sadd.s32 @!p2 s16, s0;
	[tilespmem:$0x20] =	vst @!p2 v1;
	v1 =	vadd.s32 @!p2 v0, v4  }
0x1a7: {  	s14 =	simm.s32 @!p2 $0x1E0;
	s0 =	sshll.u32 @!p2 s0, $0x4;
	[tilespmem:$0x30] =	vst @!p2 v1;
	v1 =	vadd.s32 @!p2 v0, v5  }
0x1a8: {  	s0 =	sand.u32 @!p2 $0x1FFFFE00, s0;
	s1 =	simm.s32 @!p2 $0x50;
	s15 =	rddreg [dreg:$0x1];
	[tilespmem:$0x40] =	vst @!p2 v1  }
0x1a9: {  	[tilespmem:s14], [sflag:$0x1] =	stream.indirect.gather @!p2 [hbm4b:s15+s1], $0xC0, s2, s1, $0xb8;
	[tilespmem:$0x1DFE0] =	vst v63  }
0x1aa: {  	s0 =	sadd.s32 @!p2 s10, s0;
	s1 =	simm.s32 @!p2 $0x79E0  }
0x1ab: {  	[tilespmem:s1], [sflag:$0x1] =	stream.linear.gather @!p2 [hbm4b:s0+s2], $0x2800, $0x38;
	[tilespmem:$0x1DFE0] =	vst v63  }
0x1ac: {  	_ =	swait.ge [sflag:s26], $0x3C00  }
0x1ad: {  	[sflag:s26] =	ssyncset.done $0x0  }
0x1ae: {  	[sflag:s26] =	ssyncadd.s32 $0xFFFFC400  }
0x1af: {  	_ =	swait.ge [sflag:s26], $0x2800  }
0x1b0: {  	[sflag:s26] =	ssyncset.done $0x0  }
0x1b1: {  	s0 =	simm.s32 @!p1 $0x4;
	[sflag:s26] =	ssyncadd.s32 $0xFFFFD800  }
0x1b2: {  	_ =	swait.ge @!p1 [sflag:s0], $0x1400  }
0x1b3: {  	[sflag:s0] =	ssyncset.done @!p1 $0x0  }
0x1b4: {  	s19 =	simm.s32 $0x3E40;
	[sflag:s0] =	ssyncadd.s32 @!p1 $0xFFFFEC00  }
0x1b5: {  	s22 =	simm.s32 $0xA220;
	v1 =	vld [tilespmem:s19+$0xFFFFFFE0]  }
0x1b6: {  	v2 =	vld [tilespmem:s22+$0xFFFFFFC0]  }
0x1b7: {  	v3 =	vld [tilespmem:s19+$0xFFFFFFA0]  }
0x1b8: {  	v4 =	vld [tilespmem:s22+$0x0]  }
0x1b9: {  	v5 =	vld [tilespmem:s19+$0x20];
	_ =	sdelay $0x2  }
0x1ba: {  	v2 =	vmul.f32 v2, v3;
	_ =	sdelay $0x1  }
0x1bb: {  	v1 =	vmul.f32 v4, v1;
	v2 =	vmul.f32 v5, v2;
	_ =	sdelay $0x1  }
0x1bc: {  	v1 =	vadd.f32 v1, v2  }
0x1bd: {  	s20 =	simm.s32 $0x0  }
0x1be: {  	[tilespmem:s20+$0x12DE0] =	vst v1  }
0x1bf: {  	v1 =	vld [tilespmem:s19+$0xFFFFFFB0]  }
0x1c0: {  	v2 =	vld [tilespmem:s22+$0xFFFFFFD0]  }
0x1c1: {  	v3 =	vld [tilespmem:s22+$0x10]  }
0x1c2: {  	v4 =	vld [tilespmem:s19+$0x30]  }
0x1c3: {  	v5 =	vld [tilespmem:s19+$0xFFFFFFF0];
	_ =	sdelay $0x2  }
0x1c4: {  	v1 =	vmul.f32 v2, v1;
	_ =	sdelay $0x1  }
0x1c5: {  	v2 =	vmul.f32 v3, v5;
	v1 =	vmul.f32 v4, v1;
	_ =	sdelay $0x1  }
0x1c6: {  	v1 =	vadd.f32 v2, v1;
	_ =	sdelay $0x1  }
0x1c7: {  	[tilespmem:s20+$0x12DF0] =	vst v1  }
0x1c8: {  	v1 =	vld [tilespmem:s19+$0xFFFFFFC0]  }
0x1c9: {  	v2 =	vld [tilespmem:s22+$0xFFFFFFE0]  }
0x1ca: {  	v3 =	vld [tilespmem:s19+$0x0]  }
0x1cb: {  	v4 =	vld [tilespmem:s19+$0x40]  }
0x1cc: {  	v5 =	vld [tilespmem:s22+$0x20];
	_ =	sdelay $0x2  }
0x1cd: {  	v1 =	vmul.f32 v2, v1;
	_ =	sdelay $0x1  }
0x1ce: {  	v2 =	vmul.f32 v5, v3;
	v1 =	vmul.f32 v4, v1;
	_ =	sdelay $0x1  }
0x1cf: {  	v1 =	vadd.f32 v2, v1;
	_ =	sdelay $0x1  }
0x1d0: {  	[tilespmem:s20+$0x12E00] =	vst v1  }
0x1d1: {  	v4 =	vld [tilespmem:s19+$0xFFFFFFD0]  }
0x1d2: {  	v5 =	vld [tilespmem:s22+$0xFFFFFFF0]  }
0x1d3: {  	v1 =	vld [tilespmem:s19+$0x50]  }
0x1d4: {  	v2 =	vld [tilespmem:s19+$0x10]  }
0x1d5: {  	v3 =	vld [tilespmem:s22+$0x30]  }
0x1d6: {  	s21 =	simm.s32 $0xA2A0;
	s15 =	simm.s32 $0x100;
	s14 =	simm.s32 $0xA2A0  }
0x1d7: {  	s1 =	simm.s32 $0x3F00;
	s2 =	simm.s32 $0x200;
	s0 =	simm.s32 $0x3F00;
	v4 =	vmul.f32 v5, v4  }
.LBB2_11:
0x1d8: {  	_ = 	snop  }
0x1d9: {  	p1 =	sne.s32 s2, $0x4F00;
	s21 =	sadd.s32 $0x80, s21;
	s1 =	sadd.s32 $0xC0, s1  }
0x1da: {  	s19 =	smov.u32 s2;
	s2 =	sadd.s32 $0x100, s2;
	v1 =	vmul.f32 v1, v4;
	v2 =	vmul.f32 v3, v2;
	_ =	sdelay $0x1  }
0x1db: {  	v1 =	vadd.f32 v2, v1;
	_ =	sdelay $0x1  }
0x1dc: {  	[tilespmem:s20+$0x12E10] =	vst v1  }
0x1dd: {  	v1 =	vld [tilespmem:s0+$0xFFFFFFE0]  }
0x1de: {  	v2 =	vld [tilespmem:s14+$0xFFFFFFC0]  }
0x1df: {  	v3 =	vld [tilespmem:s0+$0xFFFFFFA0]  }
0x1e0: {  	v4 =	vld [tilespmem:s14+$0x0]  }
0x1e1: {  	v5 =	vld [tilespmem:s0+$0x20];
	_ =	sdelay $0x2  }
0x1e2: {  	v2 =	vmul.f32 v2, v3  }
0x1e3: {  	v1 =	vmul.f32 v4, v1  }
0x1e4: {  	v2 =	vmul.f32 v5, v2;
	_ =	sdelay $0x1  }
0x1e5: {  	v1 =	vadd.f32 v1, v2  }
0x1e6: {  	s20 =	sshra.s32 s15, $0x2;
	s15 =	smov.u32 s19  }
0x1e7: {  	[tilespmem:s20+$0x12DE0] =	vst v1  }
0x1e8: {  	v1 =	vld [tilespmem:s0+$0xFFFFFFB0]  }
0x1e9: {  	v2 =	vld [tilespmem:s14+$0xFFFFFFD0]  }
0x1ea: {  	v3 =	vld [tilespmem:s14+$0x10]  }
0x1eb: {  	v4 =	vld [tilespmem:s0+$0x30]  }
0x1ec: {  	v5 =	vld [tilespmem:s0+$0xFFFFFFF0];
	_ =	sdelay $0x1  }
0x1ed: {  	v1 =	vmul.f32 v2, v1;
	_ =	sdelay $0x1  }
0x1ee: {  	v1 =	vmul.f32 v4, v1  }
0x1ef: {  	v2 =	vmul.f32 v3, v5;
	_ =	sdelay $0x1  }
0x1f0: {  	v1 =	vadd.f32 v2, v1;
	_ =	sdelay $0x1  }
0x1f1: {  	[tilespmem:s20+$0x12DF0] =	vst v1  }
0x1f2: {  	v1 =	vld [tilespmem:s0+$0xFFFFFFC0]  }
0x1f3: {  	v2 =	vld [tilespmem:s14+$0xFFFFFFE0]  }
0x1f4: {  	v3 =	vld [tilespmem:s0+$0x0]  }
0x1f5: {  	v4 =	vld [tilespmem:s0+$0x40]  }
0x1f6: {  	v5 =	vld [tilespmem:s14+$0x20];
	_ =	sdelay $0x1  }
0x1f7: {  	v1 =	vmul.f32 v2, v1;
	_ =	sdelay $0x1  }
0x1f8: {  	v1 =	vmul.f32 v4, v1  }
0x1f9: {  	v2 =	vmul.f32 v5, v3;
	_ =	sdelay $0x1  }
0x1fa: {  	v1 =	vadd.f32 v2, v1;
	_ =	sdelay $0x1  }
0x1fb: {  	[tilespmem:s20+$0x12E00] =	vst v1  }
0x1fc: {  	v4 =	vld [tilespmem:s0+$0xFFFFFFD0]  }
0x1fd: {  	v5 =	vld [tilespmem:s14+$0xFFFFFFF0]  }
.Ltmp4:
0x1fe: {  	v1 =	vld [tilespmem:s0+$0x50];
	(pc) =	sbr.rel @p1 .LBB2_11-.Ltmp4, $3  }
0x1ff: {  	v2 =	vld [tilespmem:s0+$0x10];
	s0 =	smov.u32 s1  }
0x200: {  	v3 =	vld [tilespmem:s14+$0x30];
	s14 =	smov.u32 s21;
	_ =	sdelay $0x1  }
0x201: {  	v4 =	vmul.f32 v5, v4  }
0x202: {  	_ =	sdelay $0x1  }
0x203: {  	v1 =	vmul.f32 v1, v4;
	v2 =	vmul.f32 v3, v2;
	_ =	sdelay $0x1  }
0x204: {  	v1 =	vadd.f32 v2, v1;
	_ =	sdelay $0x1  }
0x205: {  	[tilespmem:s20+$0x12E10] =	vst v1  }
0x206: {  	v1 =	vld [tilespmem:s0+$0xFFFFFFE0]  }
0x207: {  	v2 =	vld [tilespmem:s14+$0xFFFFFFC0]  }
0x208: {  	v3 =	vld [tilespmem:s0+$0xFFFFFFA0]  }
0x209: {  	v55 =	vld [tilespmem:s14+$0x0]  }
0x20a: {  	v5 =	vld [tilespmem:s0+$0x20];
	_ =	sdelay $0x2  }
0x20b: {  	v2 =	vmul.f32 v2, v3;
	_ =	sdelay $0x1  }
0x20c: {  	v1 =	vmul.f32 v55, v1;
	v2 =	vmul.f32 v5, v2;
	_ =	sdelay $0x1  }
0x20d: {  	v1 =	vadd.f32 v1, v2  }
0x20e: {  	s1 =	sshra.s32 s15, $0x2  }
0x20f: {  	[tilespmem:s1+$0x12DE0] =	vst v1  }
0x210: {  	v1 =	vld [tilespmem:s0+$0xFFFFFFB0]  }
0x211: {  	v2 =	vld [tilespmem:s14+$0xFFFFFFD0]  }
0x212: {  	v3 =	vld [tilespmem:s14+$0x10]  }
0x213: {  	v56 =	vld [tilespmem:s0+$0x30]  }
0x214: {  	v57 =	vld [tilespmem:s0+$0xFFFFFFF0];
	_ =	sdelay $0x2  }
0x215: {  	v1 =	vmul.f32 v2, v1;
	_ =	sdelay $0x1  }
0x216: {  	v2 =	vmul.f32 v3, v57;
	v1 =	vmul.f32 v56, v1;
	_ =	sdelay $0x1  }
0x217: {  	v1 =	vadd.f32 v2, v1;
	_ =	sdelay $0x1  }
0x218: {  	[tilespmem:s1+$0x12DF0] =	vst v1  }
0x219: {  	v1 =	vld [tilespmem:s0+$0xFFFFFFC0]  }
0x21a: {  	v2 =	vld [tilespmem:s14+$0xFFFFFFE0]  }
0x21b: {  	v3 =	vld [tilespmem:s0+$0x0]  }
0x21c: {  	v58 =	vld [tilespmem:s0+$0x40]  }
0x21d: {  	v59 =	vld [tilespmem:s14+$0x20];
	_ =	sdelay $0x2  }
0x21e: {  	v1 =	vmul.f32 v2, v1;
	_ =	sdelay $0x1  }
0x21f: {  	v2 =	vmul.f32 v59, v3;
	v1 =	vmul.f32 v58, v1;
	_ =	sdelay $0x1  }
0x220: {  	v1 =	vadd.f32 v2, v1;
	_ =	sdelay $0x1  }
0x221: {  	[tilespmem:s1+$0x12E00] =	vst v1  }
0x222: {  	v1 =	vld [tilespmem:s0+$0xFFFFFFD0]  }
0x223: {  	v2 =	vld [tilespmem:s14+$0xFFFFFFF0]  }
0x224: {  	v3 =	vld [tilespmem:s0+$0x50]  }
0x225: {  	v60 =	vld [tilespmem:s0+$0x10]  }
0x226: {  	v61 =	vld [tilespmem:s14+$0x30];
	_ =	sdelay $0x2  }
0x227: {  	v1 =	vmul.f32 v2, v1;
	_ =	sdelay $0x1  }
0x228: {  	v2 =	vmul.f32 v61, v60;
	v1 =	vmul.f32 v3, v1;
	_ =	sdelay $0x1  }
0x229: {  	v1 =	vadd.f32 v2, v1;
	_ =	sdelay $0x1  }
0x22a: {  	[tilespmem:s1+$0x12E10] =	vst v1  }
0x22b: {  	v1 =	vld [tilespmem:$0xF0]  }
0x22c: {  	v2 =	vld [tilespmem:$0x100]  }
0x22d: {  	v3 =	vld [tilespmem:$0x110]  }
0x22e: {  	v62 =	vld [tilespmem:$0x120]  }
0x22f: {  	s31 =	sadd.s32 $0x1, s31;
	v63 =	vld [tilespmem:$0x130]  }
0x230: {  	p1 =	sne.s32 s31, $0x40;
	[tilespmem:$0x190] =	vst v1  }
.Ltmp5:
0x231: {  	[tilespmem:$0x1A0] =	vst v2;
	(pc) =	sbr.rel @p1 .LBB2_8-.Ltmp5, $4  }
0x232: {  	[tilespmem:$0x1B0] =	vst v3  }
0x233: {  	[tilespmem:$0x1C0] =	vst v62  }
0x234: {  	[tilespmem:$0x1D0] =	vst v63  }
0x235: {  	[spmem:s3] =	stream.indirect.scatter.add.f32 [tilespmem:s29], [sflag:$0x4], $0x40, s28, s17, $0xb8;
	[tilespmem:$0x1DFE0] =	vst v63  }
0x236: {  	s0 =	simm.s32 $0x3  }
0x237: {  	_ =	swait.ge [sflag:s0], $0x1400  }
0x238: {  	[sflag:s0] =	ssyncset.done $0x0  }
0x239: {  	s2 =	simm.s32 $0x4;
	[sflag:s0] =	ssyncadd.s32 $0xFFFFEC00  }
0x23a: {  	_ =	swait.ge [sflag:s2], $0x1400  }
0x23b: {  	[sflag:s2] =	ssyncset.done $0x0  }
0x23c: {  	[sflag:s2] =	ssyncadd.s32 $0xFFFFEC00  }
0x23d: {  	[bflag:$0x0] =	sbarrier.arrive $0xFFFF  }
0x23e: {  	s1 =	rddreg [dreg:$0x7]  }
0x23f: {  	s0 =	rddreg [dreg:$0xb]  }
0x240: {  	s2 =	rddreg [dreg:$0x17]  }
0x241: {  	[hbm:s0], [sflag:s1] =	dma.local @p0 [spmem:s2], $0x1040  }
0x242: {  	s0 =	simm.s32 @p0 $0x5  }
0x243: {  	_ =	swait.ge @p0 [sflag:s0], $0x1040  }
0x244: {  	[sflag:s0] =	ssyncset.done @p0 $0x0;
	s2 =	rddreg [dreg:$0x18]  }
0x245: {  	[sflag:s0] =	ssyncadd.s32 @p0 $0xFFFFEFC0;
	s0 =	rddreg [dreg:$0xa]  }
0x246: {  	[hbm:s0], [sflag:s1] =	dma.local @!p0 [spmem:s2], $0x13C0  }
0x247: {  	s0 =	simm.s32 @!p0 $0x5  }
0x248: {  	_ =	swait.ge @!p0 [sflag:s0], $0x13C0  }
0x249: {  	[sflag:s0] =	ssyncset.done @!p0 $0x0  }
0x24a: {  	[sflag:s0] =	ssyncadd.s32 @!p0 $0xFFFFEC40  }
0x24b: {  	[bflag:$0x0] =	sbarrier.arrive $0xFFFF  }
0x24c: {  	s14 =	rddreg [dreg:$0x6]  }
0x24d: {  	s15 =	rddreg [dreg:$0x19]  }
0x24e: {  	[spmem:s15], [sflag:s1] =	dma.local [hbm:s14], $0x13C0  }
0x24f: {  	_ =	swait.ge [sflag:s5], $0x13C0  }
0x250: {  	[sflag:s5] =	ssyncset.done $0x0  }
0x251: {  	[sflag:s5] =	ssyncadd.s32 $0xFFFFEC40  }
0x252: {  	[bflag:$0x0] =	sbarrier.arrive $0xFFFF  }
0x253: {  	s31 =	simm.s32 $0x0;
	s19 =	rddreg [dreg:$0xc]  }
0x254: {  	[tilespmem:s31], [sflag:$0x5] =	stream.linear.gather [hbm4b:s19+s31], $0xA0, $0x38;
	[tilespmem:$0x1DFE0] =	vst v63  }
0x255: {  	_ =	swait.ge [sflag:s5], $0xA0  }
0x256: {  	[sflag:s5] =	ssyncset.done $0x0  }
0x257: {  	[sflag:s5] =	ssyncadd.s32 $0xFFFFFF60  }
0x258: {  	v1 =	vld [tilespmem:$0x0]  }
0x259: {  	v2 =	vld [tilespmem:$0x10]  }
0x25a: {  	v3 =	vld [tilespmem:$0x20]  }
0x25b: {  	v4 =	vld [tilespmem:$0x30]  }
0x25c: {  	v5 =	vld [tilespmem:$0x40]  }
0x25d: {  	v1 =	vadd.s32 v0, v1  }
0x25e: {  	[tilespmem:$0x0] =	vst v1;
	v1 =	vadd.s32 v0, v2  }
0x25f: {  	[tilespmem:$0x10] =	vst v1;
	v1 =	vadd.s32 v0, v3  }
0x260: {  	[tilespmem:$0x20] =	vst v1;
	v1 =	vadd.s32 v0, v4  }
0x261: {  	[tilespmem:$0x30] =	vst v1;
	v1 =	vadd.s32 v0, v5  }
0x262: {  	s20 =	simm.s32 $0x1E0;
	[tilespmem:$0x40] =	vst v1  }
0x263: {  	[tilespmem:s20], [sflag:$0x1] =	stream.indirect.gather [hbm4b:s7+s17], $0xC0, s31, s17, $0xb8;
	[tilespmem:$0x1DFE0] =	vst v63  }
0x264: {  	s22 =	simm.s32 $0x79E0;
	s21 =	rddreg [dreg:$0xf]  }
0x265: {  	[tilespmem:s22], [sflag:$0x1] =	stream.linear.gather [hbm4b:s21+s31], $0x2800, $0x38;
	[tilespmem:$0x1DFE0] =	vst v63  }
.LBB2_14:
0x266: {  	s0 =	sshllo.u32 s31, $0x1  }
0x267: {  	s1 =	sadd.s32 s30, s0  }
0x268: {  	s1 =	smul.u32 $0x14, s1;
	_ =	sdelay $0x1  }
0x269: {  	s1 =	sadd.s32 s6, s1  }
0x26a: {  	[tilespmem:s18], [sflag:$0x5] =	stream.linear.gather [hbm4b:s1+s4], $0xA0, $0x38;
	[tilespmem:$0x1DFE0] =	vst v63  }
0x26b: {  	_ =	swait.ge [sflag:s5], $0xA0  }
0x26c: {  	[sflag:s5] =	ssyncset.done $0x0  }
0x26d: {  	[sflag:s5] =	ssyncadd.s32 $0xFFFFFF60  }
0x26e: {  	v1 =	vld [tilespmem:$0xA0]  }
0x26f: {  	v2 =	vld [tilespmem:$0xB0]  }
0x270: {  	v3 =	vld [tilespmem:$0xC0]  }
0x271: {  	v4 =	vld [tilespmem:$0xD0]  }
0x272: {  	v5 =	vld [tilespmem:$0xE0]  }
0x273: {  	v1 =	vadd.s32 v0, v1  }
0x274: {  	s0 =	smul.u32 $0x50, s0;
	[tilespmem:$0xA0] =	vst v1;
	v1 =	vadd.s32 v0, v2  }
0x275: {  	[tilespmem:$0xB0] =	vst v1;
	v1 =	vadd.s32 v0, v3  }
0x276: {  	s0 =	sadd.s32 s16, s0;
	[tilespmem:$0xC0] =	vst v1;
	v1 =	vadd.s32 v0, v4  }
0x277: {  	s0 =	sshll.u32 s0, $0x4;
	[tilespmem:$0xD0] =	vst v1;
	v1 =	vadd.s32 v0, v5  }
0x278: {  	s22 =	simm.s32 $0x3DE0;
	s0 =	sand.u32 $0x1FFFFF00, s0;
	[tilespmem:$0xE0] =	vst v1  }
0x279: {  	[tilespmem:s22], [sflag:$0x2] =	stream.indirect.gather [hbm4b:s7+s17], $0xC0, s18, s17, $0xb8;
	[tilespmem:$0x1DFE0] =	vst v63  }
0x27a: {  	s0 =	sadd.s32 s11, s0  }
0x27b: {  	[tilespmem:s13], [sflag:$0x2] =	stream.linear.gather [hbm4b:s0+s4], $0x2800, $0x38;
	[tilespmem:$0x1DFE0] =	vst v63  }
0x27c: {  	_ =	swait.ge [sflag:s23], $0x3C00  }
0x27d: {  	[sflag:s23] =	ssyncset.done $0x0  }
0x27e: {  	[sflag:s23] =	ssyncadd.s32 $0xFFFFC400  }
0x27f: {  	_ =	swait.ge [sflag:s23], $0x2800  }
0x280: {  	p1 =	seq.s32 s31, $0x0;
	[sflag:s23] =	ssyncset.done $0x0  }
0x281: {  	s0 =	simm.s32 @!p1 $0x3;
	[sflag:s23] =	ssyncadd.s32 $0xFFFFD800  }
0x282: {  	_ =	swait.ge @!p1 [sflag:s0], $0x1400  }
0x283: {  	[sflag:s0] =	ssyncset.done @!p1 $0x0  }
0x284: {  	s2 =	simm.s32 $0x240;
	[sflag:s0] =	ssyncadd.s32 @!p1 $0xFFFFEC00  }
0x285: {  	s14 =	simm.s32 $0x7A20;
	v1 =	vld [tilespmem:s2+$0xFFFFFFE0]  }
0x286: {  	v2 =	vld [tilespmem:s14+$0xFFFFFFC0]  }
0x287: {  	v3 =	vld [tilespmem:s2+$0xFFFFFFA0]  }
0x288: {  	v4 =	vld [tilespmem:s14+$0x0]  }
0x289: {  	v5 =	vld [tilespmem:s2+$0x20];
	_ =	sdelay $0x2  }
0x28a: {  	v2 =	vmul.f32 v2, v3;
	_ =	sdelay $0x1  }
0x28b: {  	v1 =	vmul.f32 v4, v1;
	v2 =	vmul.f32 v5, v2;
	_ =	sdelay $0x1  }
0x28c: {  	v1 =	vadd.f32 v1, v2  }
0x28d: {  	s20 =	simm.s32 $0x0  }
0x28e: {  	[tilespmem:s20+$0x119E0] =	vst v1  }
0x28f: {  	v1 =	vld [tilespmem:s2+$0xFFFFFFB0]  }
0x290: {  	v2 =	vld [tilespmem:s14+$0xFFFFFFD0]  }
0x291: {  	v3 =	vld [tilespmem:s14+$0x10]  }
0x292: {  	v4 =	vld [tilespmem:s2+$0x30]  }
0x293: {  	v5 =	vld [tilespmem:s2+$0xFFFFFFF0];
	_ =	sdelay $0x2  }
0x294: {  	v1 =	vmul.f32 v2, v1;
	_ =	sdelay $0x1  }
0x295: {  	v2 =	vmul.f32 v3, v5;
	v1 =	vmul.f32 v4, v1;
	_ =	sdelay $0x1  }
0x296: {  	v1 =	vadd.f32 v2, v1;
	_ =	sdelay $0x1  }
0x297: {  	[tilespmem:s20+$0x119F0] =	vst v1  }
0x298: {  	v1 =	vld [tilespmem:s2+$0xFFFFFFC0]  }
0x299: {  	v2 =	vld [tilespmem:s14+$0xFFFFFFE0]  }
0x29a: {  	v3 =	vld [tilespmem:s2+$0x0]  }
0x29b: {  	v4 =	vld [tilespmem:s2+$0x40]  }
0x29c: {  	v5 =	vld [tilespmem:s14+$0x20];
	_ =	sdelay $0x2  }
0x29d: {  	v1 =	vmul.f32 v2, v1;
	_ =	sdelay $0x1  }
0x29e: {  	v2 =	vmul.f32 v5, v3;
	v1 =	vmul.f32 v4, v1;
	_ =	sdelay $0x1  }
0x29f: {  	v1 =	vadd.f32 v2, v1;
	_ =	sdelay $0x1  }
0x2a0: {  	[tilespmem:s20+$0x11A00] =	vst v1  }
0x2a1: {  	v4 =	vld [tilespmem:s2+$0xFFFFFFD0]  }
0x2a2: {  	v5 =	vld [tilespmem:s14+$0xFFFFFFF0]  }
0x2a3: {  	v1 =	vld [tilespmem:s2+$0x50]  }
0x2a4: {  	v2 =	vld [tilespmem:s2+$0x10]  }
0x2a5: {  	s15 =	simm.s32 $0x100;
	v3 =	vld [tilespmem:s14+$0x30]  }
0x2a6: {  	s21 =	simm.s32 $0x7AA0;
	s1 =	simm.s32 $0x300;
	s22 =	simm.s32 $0x7AA0  }
0x2a7: {  	s0 =	sshll.u32 s31, $0x1;
	s2 =	simm.s32 $0x200;
	s14 =	simm.s32 $0x300;
	v4 =	vmul.f32 v5, v4  }
.LBB2_15:
0x2a8: {  	_ = 	snop  }
0x2a9: {  	p2 =	sne.s32 s2, $0x4F00;
	s22 =	sadd.s32 $0x80, s22;
	s1 =	sadd.s32 $0xC0, s1  }
0x2aa: {  	s19 =	smov.u32 s2;
	s2 =	sadd.s32 $0x100, s2;
	v1 =	vmul.f32 v1, v4;
	v2 =	vmul.f32 v3, v2;
	_ =	sdelay $0x1  }
0x2ab: {  	v1 =	vadd.f32 v2, v1;
	_ =	sdelay $0x1  }
0x2ac: {  	[tilespmem:s20+$0x11A10] =	vst v1  }
0x2ad: {  	v1 =	vld [tilespmem:s14+$0xFFFFFFE0]  }
0x2ae: {  	v2 =	vld [tilespmem:s21+$0xFFFFFFC0]  }
0x2af: {  	v3 =	vld [tilespmem:s14+$0xFFFFFFA0]  }
0x2b0: {  	v4 =	vld [tilespmem:s21+$0x0]  }
0x2b1: {  	v5 =	vld [tilespmem:s14+$0x20];
	_ =	sdelay $0x2  }
0x2b2: {  	v2 =	vmul.f32 v2, v3  }
0x2b3: {  	v1 =	vmul.f32 v4, v1  }
0x2b4: {  	v2 =	vmul.f32 v5, v2;
	_ =	sdelay $0x1  }
0x2b5: {  	v1 =	vadd.f32 v1, v2  }
0x2b6: {  	s20 =	sshra.s32 s15, $0x2;
	s15 =	smov.u32 s19  }
0x2b7: {  	[tilespmem:s20+$0x119E0] =	vst v1  }
0x2b8: {  	v1 =	vld [tilespmem:s14+$0xFFFFFFB0]  }
0x2b9: {  	v2 =	vld [tilespmem:s21+$0xFFFFFFD0]  }
0x2ba: {  	v3 =	vld [tilespmem:s21+$0x10]  }
0x2bb: {  	v4 =	vld [tilespmem:s14+$0x30]  }
0x2bc: {  	v5 =	vld [tilespmem:s14+$0xFFFFFFF0];
	_ =	sdelay $0x1  }
0x2bd: {  	v1 =	vmul.f32 v2, v1;
	_ =	sdelay $0x1  }
0x2be: {  	v1 =	vmul.f32 v4, v1  }
0x2bf: {  	v2 =	vmul.f32 v3, v5;
	_ =	sdelay $0x1  }
0x2c0: {  	v1 =	vadd.f32 v2, v1;
	_ =	sdelay $0x1  }
0x2c1: {  	[tilespmem:s20+$0x119F0] =	vst v1  }
0x2c2: {  	v1 =	vld [tilespmem:s14+$0xFFFFFFC0]  }
0x2c3: {  	v2 =	vld [tilespmem:s21+$0xFFFFFFE0]  }
0x2c4: {  	v3 =	vld [tilespmem:s14+$0x0]  }
0x2c5: {  	v4 =	vld [tilespmem:s14+$0x40]  }
0x2c6: {  	v5 =	vld [tilespmem:s21+$0x20];
	_ =	sdelay $0x1  }
0x2c7: {  	v1 =	vmul.f32 v2, v1;
	_ =	sdelay $0x1  }
0x2c8: {  	v1 =	vmul.f32 v4, v1  }
0x2c9: {  	v2 =	vmul.f32 v5, v3;
	_ =	sdelay $0x1  }
0x2ca: {  	v1 =	vadd.f32 v2, v1;
	_ =	sdelay $0x1  }
0x2cb: {  	[tilespmem:s20+$0x11A00] =	vst v1  }
0x2cc: {  	v4 =	vld [tilespmem:s14+$0xFFFFFFD0]  }
0x2cd: {  	v5 =	vld [tilespmem:s21+$0xFFFFFFF0]  }
.Ltmp6:
0x2ce: {  	v1 =	vld [tilespmem:s14+$0x50];
	(pc) =	sbr.rel @p2 .LBB2_15-.Ltmp6, $3  }
0x2cf: {  	v2 =	vld [tilespmem:s14+$0x10];
	s14 =	smov.u32 s1  }
0x2d0: {  	v3 =	vld [tilespmem:s21+$0x30];
	s21 =	smov.u32 s22;
	_ =	sdelay $0x1  }
0x2d1: {  	v4 =	vmul.f32 v5, v4  }
0x2d2: {  	_ =	sdelay $0x1  }
0x2d3: {  	v1 =	vmul.f32 v1, v4;
	v2 =	vmul.f32 v3, v2;
	_ =	sdelay $0x1  }
0x2d4: {  	v1 =	vadd.f32 v2, v1;
	_ =	sdelay $0x1  }
0x2d5: {  	[tilespmem:s20+$0x11A10] =	vst v1  }
0x2d6: {  	v1 =	vld [tilespmem:s14+$0xFFFFFFE0]  }
0x2d7: {  	v2 =	vld [tilespmem:s21+$0xFFFFFFC0]  }
0x2d8: {  	v3 =	vld [tilespmem:s14+$0xFFFFFFA0]  }
0x2d9: {  	v4 =	vld [tilespmem:s21+$0x0]  }
0x2da: {  	v5 =	vld [tilespmem:s14+$0x20];
	_ =	sdelay $0x2  }
0x2db: {  	v2 =	vmul.f32 v2, v3;
	_ =	sdelay $0x1  }
0x2dc: {  	v1 =	vmul.f32 v4, v1;
	v2 =	vmul.f32 v5, v2;
	_ =	sdelay $0x1  }
0x2dd: {  	v1 =	vadd.f32 v1, v2  }
0x2de: {  	s1 =	sshra.s32 s15, $0x2  }
0x2df: {  	[tilespmem:s1+$0x119E0] =	vst v1  }
0x2e0: {  	v1 =	vld [tilespmem:s14+$0xFFFFFFB0]  }
0x2e1: {  	v2 =	vld [tilespmem:s21+$0xFFFFFFD0]  }
0x2e2: {  	v3 =	vld [tilespmem:s21+$0x10]  }
0x2e3: {  	v4 =	vld [tilespmem:s14+$0x30]  }
0x2e4: {  	v5 =	vld [tilespmem:s14+$0xFFFFFFF0];
	_ =	sdelay $0x2  }
0x2e5: {  	v1 =	vmul.f32 v2, v1;
	_ =	sdelay $0x1  }
0x2e6: {  	v2 =	vmul.f32 v3, v5;
	v1 =	vmul.f32 v4, v1;
	_ =	sdelay $0x1  }
0x2e7: {  	v1 =	vadd.f32 v2, v1;
	_ =	sdelay $0x1  }
0x2e8: {  	[tilespmem:s1+$0x119F0] =	vst v1  }
0x2e9: {  	v1 =	vld [tilespmem:s14+$0xFFFFFFC0]  }
0x2ea: {  	v2 =	vld [tilespmem:s21+$0xFFFFFFE0]  }
0x2eb: {  	v3 =	vld [tilespmem:s14+$0x0]  }
0x2ec: {  	v4 =	vld [tilespmem:s14+$0x40]  }
0x2ed: {  	v5 =	vld [tilespmem:s21+$0x20];
	_ =	sdelay $0x2  }
0x2ee: {  	v1 =	vmul.f32 v2, v1;
	_ =	sdelay $0x1  }
0x2ef: {  	v2 =	vmul.f32 v5, v3;
	v1 =	vmul.f32 v4, v1;
	_ =	sdelay $0x1  }
0x2f0: {  	v1 =	vadd.f32 v2, v1;
	_ =	sdelay $0x1  }
0x2f1: {  	[tilespmem:s1+$0x11A00] =	vst v1  }
0x2f2: {  	v1 =	vld [tilespmem:s14+$0xFFFFFFD0]  }
0x2f3: {  	v2 =	vld [tilespmem:s21+$0xFFFFFFF0]  }
0x2f4: {  	v3 =	vld [tilespmem:s14+$0x50]  }
0x2f5: {  	v4 =	vld [tilespmem:s14+$0x10]  }
0x2f6: {  	v5 =	vld [tilespmem:s21+$0x30];
	_ =	sdelay $0x2  }
0x2f7: {  	v1 =	vmul.f32 v2, v1;
	_ =	sdelay $0x1  }
0x2f8: {  	v2 =	vmul.f32 v5, v4;
	v1 =	vmul.f32 v3, v1;
	_ =	sdelay $0x1  }
0x2f9: {  	v1 =	vadd.f32 v2, v1;
	_ =	sdelay $0x1  }
0x2fa: {  	[tilespmem:s1+$0x11A10] =	vst v1  }
0x2fb: {  	v1 =	vld [tilespmem:$0x50]  }
0x2fc: {  	v2 =	vld [tilespmem:$0x60]  }
0x2fd: {  	v3 =	vld [tilespmem:$0x70]  }
0x2fe: {  	v4 =	vld [tilespmem:$0x80]  }
0x2ff: {  	v5 =	vld [tilespmem:$0x90]  }
0x300: {  	[tilespmem:$0x140] =	vst v1  }
0x301: {  	p2 =	seq.s32 s31, $0x3F;
	[tilespmem:$0x150] =	vst v2  }
0x302: {  	s0 =	sadd.s32 @!p2 $0x2, s0;
	[tilespmem:$0x160] =	vst v3  }
0x303: {  	s1 =	sadd.s32 @!p2 s30, s0;
	[tilespmem:$0x170] =	vst v4  }
0x304: {  	s1 =	smul.u32 @!p2 $0x14, s1;
	[tilespmem:$0x180] =	vst v5  }
0x305: {  	[spmem:s3] =	stream.indirect.scatter.add.f32 [tilespmem:s25], [sflag:$0x3], $0x40, s24, s17, $0xb8;
	[tilespmem:$0x1DFE0] =	vst v63  }
0x306: {  	s2 =	simm.s32 @!p2 $0x0;
	s1 =	sadd.s32 @!p2 s6, s1  }
0x307: {  	[tilespmem:s2], [sflag:$0x5] =	stream.linear.gather @!p2 [hbm4b:s1+s2], $0xA0, $0x38;
	[tilespmem:$0x1DFE0] =	vst v63  }
0x308: {  	s1 =	simm.s32 @!p2 $0x5  }
0x309: {  	_ =	swait.ge @!p2 [sflag:s1], $0xA0  }
0x30a: {  	[sflag:s1] =	ssyncset.done @!p2 $0x0  }
0x30b: {  	[sflag:s1] =	ssyncadd.s32 @!p2 $0xFFFFFF60  }
0x30c: {  	v1 =	vld @!p2 [tilespmem:$0x0]  }
0x30d: {  	v2 =	vld @!p2 [tilespmem:$0x10]  }
0x30e: {  	v3 =	vld @!p2 [tilespmem:$0x20]  }
0x30f: {  	v4 =	vld @!p2 [tilespmem:$0x30]  }
0x310: {  	v5 =	vld @!p2 [tilespmem:$0x40]  }
0x311: {  	v1 =	vadd.s32 @!p2 v0, v1  }
0x312: {  	s0 =	smul.u32 @!p2 $0x50, s0;
	[tilespmem:$0x0] =	vst @!p2 v1;
	v1 =	vadd.s32 @!p2 v0, v2  }
0x313: {  	[tilespmem:$0x10] =	vst @!p2 v1;
	v1 =	vadd.s32 @!p2 v0, v3  }
0x314: {  	s0 =	sadd.s32 @!p2 s16, s0;
	[tilespmem:$0x20] =	vst @!p2 v1;
	v1 =	vadd.s32 @!p2 v0, v4  }
0x315: {  	s0 =	sshll.u32 @!p2 s0, $0x4;
	[tilespmem:$0x30] =	vst @!p2 v1;
	v1 =	vadd.s32 @!p2 v0, v5  }
0x316: {  	s14 =	simm.s32 @!p2 $0x1E0;
	s0 =	sand.u32 @!p2 $0x1FFFFE00, s0;
	s1 =	simm.s32 @!p2 $0x50;
	[tilespmem:$0x40] =	vst @!p2 v1  }
0x317: {  	[tilespmem:s14], [sflag:$0x1] =	stream.indirect.gather @!p2 [hbm4b:s7+s1], $0xC0, s2, s1, $0xb8;
	[tilespmem:$0x1DFE0] =	vst v63  }
0x318: {  	s0 =	sadd.s32 @!p2 s11, s0;
	s1 =	simm.s32 @!p2 $0x79E0  }
0x319: {  	[tilespmem:s1], [sflag:$0x1] =	stream.linear.gather @!p2 [hbm4b:s0+s2], $0x2800, $0x38;
	[tilespmem:$0x1DFE0] =	vst v63  }
0x31a: {  	_ =	swait.ge [sflag:s26], $0x3C00  }
0x31b: {  	[sflag:s26] =	ssyncset.done $0x0  }
0x31c: {  	[sflag:s26] =	ssyncadd.s32 $0xFFFFC400  }
0x31d: {  	_ =	swait.ge [sflag:s26], $0x2800  }
0x31e: {  	[sflag:s26] =	ssyncset.done $0x0  }
0x31f: {  	s0 =	simm.s32 @!p1 $0x4;
	[sflag:s26] =	ssyncadd.s32 $0xFFFFD800  }
0x320: {  	_ =	swait.ge @!p1 [sflag:s0], $0x1400  }
0x321: {  	[sflag:s0] =	ssyncset.done @!p1 $0x0  }
0x322: {  	s19 =	simm.s32 $0x3E40;
	[sflag:s0] =	ssyncadd.s32 @!p1 $0xFFFFEC00  }
0x323: {  	s22 =	simm.s32 $0xA220;
	v1 =	vld [tilespmem:s19+$0xFFFFFFE0]  }
0x324: {  	v2 =	vld [tilespmem:s22+$0xFFFFFFC0]  }
0x325: {  	v3 =	vld [tilespmem:s19+$0xFFFFFFA0]  }
0x326: {  	v4 =	vld [tilespmem:s22+$0x0]  }
0x327: {  	v5 =	vld [tilespmem:s19+$0x20];
	_ =	sdelay $0x2  }
0x328: {  	v2 =	vmul.f32 v2, v3;
	_ =	sdelay $0x1  }
0x329: {  	v1 =	vmul.f32 v4, v1;
	v2 =	vmul.f32 v5, v2;
	_ =	sdelay $0x1  }
0x32a: {  	v1 =	vadd.f32 v1, v2  }
0x32b: {  	s20 =	simm.s32 $0x0  }
0x32c: {  	[tilespmem:s20+$0x12DE0] =	vst v1  }
0x32d: {  	v1 =	vld [tilespmem:s19+$0xFFFFFFB0]  }
0x32e: {  	v2 =	vld [tilespmem:s22+$0xFFFFFFD0]  }
0x32f: {  	v3 =	vld [tilespmem:s22+$0x10]  }
0x330: {  	v4 =	vld [tilespmem:s19+$0x30]  }
0x331: {  	v5 =	vld [tilespmem:s19+$0xFFFFFFF0];
	_ =	sdelay $0x2  }
0x332: {  	v1 =	vmul.f32 v2, v1;
	_ =	sdelay $0x1  }
0x333: {  	v2 =	vmul.f32 v3, v5;
	v1 =	vmul.f32 v4, v1;
	_ =	sdelay $0x1  }
0x334: {  	v1 =	vadd.f32 v2, v1;
	_ =	sdelay $0x1  }
0x335: {  	[tilespmem:s20+$0x12DF0] =	vst v1  }
0x336: {  	v1 =	vld [tilespmem:s19+$0xFFFFFFC0]  }
0x337: {  	v2 =	vld [tilespmem:s22+$0xFFFFFFE0]  }
0x338: {  	v3 =	vld [tilespmem:s19+$0x0]  }
0x339: {  	v4 =	vld [tilespmem:s19+$0x40]  }
0x33a: {  	v5 =	vld [tilespmem:s22+$0x20];
	_ =	sdelay $0x2  }
0x33b: {  	v1 =	vmul.f32 v2, v1;
	_ =	sdelay $0x1  }
0x33c: {  	v2 =	vmul.f32 v5, v3;
	v1 =	vmul.f32 v4, v1;
	_ =	sdelay $0x1  }
0x33d: {  	v1 =	vadd.f32 v2, v1;
	_ =	sdelay $0x1  }
0x33e: {  	[tilespmem:s20+$0x12E00] =	vst v1  }
0x33f: {  	v4 =	vld [tilespmem:s19+$0xFFFFFFD0]  }
0x340: {  	v5 =	vld [tilespmem:s22+$0xFFFFFFF0]  }
0x341: {  	v1 =	vld [tilespmem:s19+$0x50]  }
0x342: {  	v2 =	vld [tilespmem:s19+$0x10]  }
0x343: {  	v3 =	vld [tilespmem:s22+$0x30]  }
0x344: {  	s15 =	simm.s32 $0x100;
	s21 =	simm.s32 $0xA2A0;
	s14 =	simm.s32 $0xA2A0  }
0x345: {  	s1 =	simm.s32 $0x3F00;
	s2 =	simm.s32 $0x200;
	s0 =	simm.s32 $0x3F00;
	v4 =	vmul.f32 v5, v4  }
.LBB2_17:
0x346: {  	_ = 	snop  }
0x347: {  	p1 =	sne.s32 s2, $0x4F00;
	s21 =	sadd.s32 $0x80, s21;
	s1 =	sadd.s32 $0xC0, s1  }
0x348: {  	s19 =	smov.u32 s2;
	s2 =	sadd.s32 $0x100, s2;
	v1 =	vmul.f32 v1, v4;
	v2 =	vmul.f32 v3, v2;
	_ =	sdelay $0x1  }
0x349: {  	v1 =	vadd.f32 v2, v1;
	_ =	sdelay $0x1  }
0x34a: {  	[tilespmem:s20+$0x12E10] =	vst v1  }
0x34b: {  	v1 =	vld [tilespmem:s0+$0xFFFFFFE0]  }
0x34c: {  	v2 =	vld [tilespmem:s14+$0xFFFFFFC0]  }
0x34d: {  	v3 =	vld [tilespmem:s0+$0xFFFFFFA0]  }
0x34e: {  	v4 =	vld [tilespmem:s14+$0x0]  }
0x34f: {  	v5 =	vld [tilespmem:s0+$0x20];
	_ =	sdelay $0x2  }
0x350: {  	v2 =	vmul.f32 v2, v3  }
0x351: {  	v1 =	vmul.f32 v4, v1  }
0x352: {  	v2 =	vmul.f32 v5, v2;
	_ =	sdelay $0x1  }
0x353: {  	v1 =	vadd.f32 v1, v2  }
0x354: {  	s20 =	sshra.s32 s15, $0x2;
	s15 =	smov.u32 s19  }
0x355: {  	[tilespmem:s20+$0x12DE0] =	vst v1  }
0x356: {  	v1 =	vld [tilespmem:s0+$0xFFFFFFB0]  }
0x357: {  	v2 =	vld [tilespmem:s14+$0xFFFFFFD0]  }
0x358: {  	v3 =	vld [tilespmem:s14+$0x10]  }
0x359: {  	v4 =	vld [tilespmem:s0+$0x30]  }
0x35a: {  	v5 =	vld [tilespmem:s0+$0xFFFFFFF0];
	_ =	sdelay $0x1  }
0x35b: {  	v1 =	vmul.f32 v2, v1;
	_ =	sdelay $0x1  }
0x35c: {  	v1 =	vmul.f32 v4, v1  }
0x35d: {  	v2 =	vmul.f32 v3, v5;
	_ =	sdelay $0x1  }
0x35e: {  	v1 =	vadd.f32 v2, v1;
	_ =	sdelay $0x1  }
0x35f: {  	[tilespmem:s20+$0x12DF0] =	vst v1  }
0x360: {  	v1 =	vld [tilespmem:s0+$0xFFFFFFC0]  }
0x361: {  	v2 =	vld [tilespmem:s14+$0xFFFFFFE0]  }
0x362: {  	v3 =	vld [tilespmem:s0+$0x0]  }
0x363: {  	v4 =	vld [tilespmem:s0+$0x40]  }
0x364: {  	v5 =	vld [tilespmem:s14+$0x20];
	_ =	sdelay $0x1  }
0x365: {  	v1 =	vmul.f32 v2, v1;
	_ =	sdelay $0x1  }
0x366: {  	v1 =	vmul.f32 v4, v1  }
0x367: {  	v2 =	vmul.f32 v5, v3;
	_ =	sdelay $0x1  }
0x368: {  	v1 =	vadd.f32 v2, v1;
	_ =	sdelay $0x1  }
0x369: {  	[tilespmem:s20+$0x12E00] =	vst v1  }
0x36a: {  	v4 =	vld [tilespmem:s0+$0xFFFFFFD0]  }
0x36b: {  	v5 =	vld [tilespmem:s14+$0xFFFFFFF0]  }
.Ltmp7:
0x36c: {  	v1 =	vld [tilespmem:s0+$0x50];
	(pc) =	sbr.rel @p1 .LBB2_17-.Ltmp7, $3  }
0x36d: {  	v2 =	vld [tilespmem:s0+$0x10];
	s0 =	smov.u32 s1  }
0x36e: {  	v3 =	vld [tilespmem:s14+$0x30];
	s14 =	smov.u32 s21;
	_ =	sdelay $0x1  }
0x36f: {  	v4 =	vmul.f32 v5, v4  }
0x370: {  	_ =	sdelay $0x1  }
0x371: {  	v1 =	vmul.f32 v1, v4;
	v2 =	vmul.f32 v3, v2;
	_ =	sdelay $0x1  }
0x372: {  	v1 =	vadd.f32 v2, v1;
	_ =	sdelay $0x1  }
0x373: {  	[tilespmem:s20+$0x12E10] =	vst v1  }
0x374: {  	v1 =	vld [tilespmem:s0+$0xFFFFFFE0]  }
0x375: {  	v2 =	vld [tilespmem:s14+$0xFFFFFFC0]  }
0x376: {  	v3 =	vld [tilespmem:s0+$0xFFFFFFA0]  }
0x377: {  	v55 =	vld [tilespmem:s14+$0x0]  }
0x378: {  	v5 =	vld [tilespmem:s0+$0x20];
	_ =	sdelay $0x2  }
0x379: {  	v2 =	vmul.f32 v2, v3;
	_ =	sdelay $0x1  }
0x37a: {  	v1 =	vmul.f32 v55, v1;
	v2 =	vmul.f32 v5, v2;
	_ =	sdelay $0x1  }
0x37b: {  	v1 =	vadd.f32 v1, v2  }
0x37c: {  	s1 =	sshra.s32 s15, $0x2  }
0x37d: {  	[tilespmem:s1+$0x12DE0] =	vst v1  }
0x37e: {  	v1 =	vld [tilespmem:s0+$0xFFFFFFB0]  }
0x37f: {  	v2 =	vld [tilespmem:s14+$0xFFFFFFD0]  }
0x380: {  	v3 =	vld [tilespmem:s14+$0x10]  }
0x381: {  	v56 =	vld [tilespmem:s0+$0x30]  }
0x382: {  	v57 =	vld [tilespmem:s0+$0xFFFFFFF0];
	_ =	sdelay $0x2  }
0x383: {  	v1 =	vmul.f32 v2, v1;
	_ =	sdelay $0x1  }
0x384: {  	v2 =	vmul.f32 v3, v57;
	v1 =	vmul.f32 v56, v1;
	_ =	sdelay $0x1  }
0x385: {  	v1 =	vadd.f32 v2, v1;
	_ =	sdelay $0x1  }
0x386: {  	[tilespmem:s1+$0x12DF0] =	vst v1  }
0x387: {  	v1 =	vld [tilespmem:s0+$0xFFFFFFC0]  }
0x388: {  	v2 =	vld [tilespmem:s14+$0xFFFFFFE0]  }
0x389: {  	v3 =	vld [tilespmem:s0+$0x0]  }
0x38a: {  	v58 =	vld [tilespmem:s0+$0x40]  }
0x38b: {  	v59 =	vld [tilespmem:s14+$0x20];
	_ =	sdelay $0x2  }
0x38c: {  	v1 =	vmul.f32 v2, v1;
	_ =	sdelay $0x1  }
0x38d: {  	v2 =	vmul.f32 v59, v3;
	v1 =	vmul.f32 v58, v1;
	_ =	sdelay $0x1  }
0x38e: {  	v1 =	vadd.f32 v2, v1;
	_ =	sdelay $0x1  }
0x38f: {  	[tilespmem:s1+$0x12E00] =	vst v1  }
0x390: {  	v1 =	vld [tilespmem:s0+$0xFFFFFFD0]  }
0x391: {  	v2 =	vld [tilespmem:s14+$0xFFFFFFF0]  }
0x392: {  	v3 =	vld [tilespmem:s0+$0x50]  }
0x393: {  	v60 =	vld [tilespmem:s0+$0x10]  }
0x394: {  	v61 =	vld [tilespmem:s14+$0x30];
	_ =	sdelay $0x2  }
0x395: {  	v1 =	vmul.f32 v2, v1;
	_ =	sdelay $0x1  }
0x396: {  	v2 =	vmul.f32 v61, v60;
	v1 =	vmul.f32 v3, v1;
	_ =	sdelay $0x1  }
0x397: {  	v1 =	vadd.f32 v2, v1;
	_ =	sdelay $0x1  }
0x398: {  	[tilespmem:s1+$0x12E10] =	vst v1  }
0x399: {  	v1 =	vld [tilespmem:$0xF0]  }
0x39a: {  	v2 =	vld [tilespmem:$0x100]  }
0x39b: {  	v3 =	vld [tilespmem:$0x110]  }
0x39c: {  	v62 =	vld [tilespmem:$0x120]  }
0x39d: {  	s31 =	sadd.s32 $0x1, s31;
	v63 =	vld [tilespmem:$0x130]  }
0x39e: {  	p1 =	sne.s32 s31, $0x40;
	[tilespmem:$0x190] =	vst v1  }
.Ltmp8:
0x39f: {  	[tilespmem:$0x1A0] =	vst v2;
	(pc) =	sbr.rel @p1 .LBB2_14-.Ltmp8, $4  }
0x3a0: {  	[tilespmem:$0x1B0] =	vst v3  }
0x3a1: {  	[tilespmem:$0x1C0] =	vst v62  }
0x3a2: {  	[tilespmem:$0x1D0] =	vst v63  }
0x3a3: {  	[spmem:s3] =	stream.indirect.scatter.add.f32 [tilespmem:s29], [sflag:$0x4], $0x40, s28, s17, $0xb8;
	[tilespmem:$0x1DFE0] =	vst v63  }
0x3a4: {  	s0 =	simm.s32 $0x3  }
0x3a5: {  	_ =	swait.ge [sflag:s0], $0x1400  }
0x3a6: {  	[sflag:s0] =	ssyncset.done $0x0  }
0x3a7: {  	s2 =	simm.s32 $0x4;
	[sflag:s0] =	ssyncadd.s32 $0xFFFFEC00  }
0x3a8: {  	_ =	swait.ge [sflag:s2], $0x1400  }
0x3a9: {  	[sflag:s2] =	ssyncset.done $0x0  }
0x3aa: {  	[sflag:s2] =	ssyncadd.s32 $0xFFFFEC00  }
0x3ab: {  	[bflag:$0x0] =	sbarrier.arrive $0xFFFF  }
0x3ac: {  	s1 =	rddreg [dreg:$0x7]  }
0x3ad: {  	s0 =	rddreg [dreg:$0x11]  }
0x3ae: {  	s2 =	rddreg [dreg:$0x17]  }
0x3af: {  	[hbm:s0], [sflag:s1] =	dma.local @p0 [spmem:s2], $0x1040  }
0x3b0: {  	s0 =	simm.s32 @p0 $0x5  }
0x3b1: {  	_ =	swait.ge @p0 [sflag:s0], $0x1040  }
0x3b2: {  	[sflag:s0] =	ssyncset.done @p0 $0x0;
	s2 =	rddreg [dreg:$0x18]  }
0x3b3: {  	[sflag:s0] =	ssyncadd.s32 @p0 $0xFFFFEFC0;
	s0 =	rddreg [dreg:$0x14]  }
0x3b4: {  	[hbm:s0], [sflag:s1] =	dma.local @!p0 [spmem:s2], $0x13C0  }
0x3b5: {  	s0 =	simm.s32 @!p0 $0x5  }
0x3b6: {  	_ =	swait.ge @!p0 [sflag:s0], $0x13C0  }
0x3b7: {  	[sflag:s0] =	ssyncset.done @!p0 $0x0  }
0x3b8: {  	[sflag:s0] =	ssyncadd.s32 @!p0 $0xFFFFEC40  }
0x3b9: {  	[bflag:$0x0] =	sbarrier.arrive $0xFFFF  }
0x3ba: {  	s14 =	rddreg [dreg:$0x6]  }
0x3bb: {  	s15 =	rddreg [dreg:$0x19]  }
0x3bc: {  	[spmem:s15], [sflag:s1] =	dma.local [hbm:s14], $0x13C0  }
0x3bd: {  	_ =	swait.ge [sflag:s5], $0x13C0  }
0x3be: {  	[sflag:s5] =	ssyncset.done $0x0  }
0x3bf: {  	[sflag:s5] =	ssyncadd.s32 $0xFFFFEC40  }
0x3c0: {  	[bflag:$0x0] =	sbarrier.arrive $0xFFFF  }
0x3c1: {  	s21 =	simm.s32 $0x0;
	s19 =	rddreg [dreg:$0xc]  }
0x3c2: {  	[tilespmem:s21], [sflag:$0x5] =	stream.linear.gather [hbm4b:s19+s21], $0xA0, $0x38;
	[tilespmem:$0x1DFE0] =	vst v63  }
0x3c3: {  	_ =	swait.ge [sflag:s5], $0xA0  }
0x3c4: {  	[sflag:s5] =	ssyncset.done $0x0  }
0x3c5: {  	[sflag:s5] =	ssyncadd.s32 $0xFFFFFF60  }
0x3c6: {  	v1 =	vld [tilespmem:$0x0]  }
0x3c7: {  	v2 =	vld [tilespmem:$0x10]  }
0x3c8: {  	v3 =	vld [tilespmem:$0x20]  }
0x3c9: {  	v4 =	vld [tilespmem:$0x30]  }
0x3ca: {  	v5 =	vld [tilespmem:$0x40]  }
0x3cb: {  	v1 =	vadd.s32 v0, v1  }
0x3cc: {  	[tilespmem:$0x0] =	vst v1;
	v1 =	vadd.s32 v0, v2  }
0x3cd: {  	[tilespmem:$0x10] =	vst v1;
	v1 =	vadd.s32 v0, v3  }
0x3ce: {  	[tilespmem:$0x20] =	vst v1;
	v1 =	vadd.s32 v0, v4  }
0x3cf: {  	[tilespmem:$0x30] =	vst v1;
	v1 =	vadd.s32 v0, v5  }
0x3d0: {  	s20 =	simm.s32 $0x1E0;
	[tilespmem:$0x40] =	vst v1  }
0x3d1: {  	[tilespmem:s20], [sflag:$0x1] =	stream.indirect.gather [hbm4b:s8+s17], $0xC0, s21, s17, $0xb8;
	[tilespmem:$0x1DFE0] =	vst v63  }
0x3d2: {  	s31 =	simm.s32 $0x79E0;
	s22 =	rddreg [dreg:$0x10]  }
0x3d3: {  	[tilespmem:s31], [sflag:$0x1] =	stream.linear.gather [hbm4b:s22+s21], $0x2800, $0x38;
	[tilespmem:$0x1DFE0] =	vst v63  }
.LBB2_20:
0x3d4: {  	s0 =	sshllo.u32 s21, $0x1  }
0x3d5: {  	s1 =	sadd.s32 s30, s0  }
0x3d6: {  	s1 =	smul.u32 $0x14, s1;
	_ =	sdelay $0x1  }
0x3d7: {  	s1 =	sadd.s32 s6, s1  }
0x3d8: {  	[tilespmem:s18], [sflag:$0x5] =	stream.linear.gather [hbm4b:s1+s4], $0xA0, $0x38;
	[tilespmem:$0x1DFE0] =	vst v63  }
0x3d9: {  	_ =	swait.ge [sflag:s5], $0xA0  }
0x3da: {  	[sflag:s5] =	ssyncset.done $0x0  }
0x3db: {  	[sflag:s5] =	ssyncadd.s32 $0xFFFFFF60  }
0x3dc: {  	v1 =	vld [tilespmem:$0xA0]  }
0x3dd: {  	v2 =	vld [tilespmem:$0xB0]  }
0x3de: {  	v3 =	vld [tilespmem:$0xC0]  }
0x3df: {  	v4 =	vld [tilespmem:$0xD0]  }
0x3e0: {  	v5 =	vld [tilespmem:$0xE0]  }
0x3e1: {  	v1 =	vadd.s32 v0, v1  }
0x3e2: {  	s0 =	smul.u32 $0x50, s0;
	[tilespmem:$0xA0] =	vst v1;
	v1 =	vadd.s32 v0, v2  }
0x3e3: {  	[tilespmem:$0xB0] =	vst v1;
	v1 =	vadd.s32 v0, v3  }
0x3e4: {  	s0 =	sadd.s32 s16, s0;
	[tilespmem:$0xC0] =	vst v1;
	v1 =	vadd.s32 v0, v4  }
0x3e5: {  	s0 =	sshll.u32 s0, $0x4;
	[tilespmem:$0xD0] =	vst v1;
	v1 =	vadd.s32 v0, v5  }
0x3e6: {  	s22 =	simm.s32 $0x3DE0;
	s0 =	sand.u32 $0x1FFFFF00, s0;
	[tilespmem:$0xE0] =	vst v1  }
0x3e7: {  	[tilespmem:s22], [sflag:$0x2] =	stream.indirect.gather [hbm4b:s8+s17], $0xC0, s18, s17, $0xb8;
	[tilespmem:$0x1DFE0] =	vst v63  }
0x3e8: {  	s0 =	sadd.s32 s12, s0  }
0x3e9: {  	[tilespmem:s13], [sflag:$0x2] =	stream.linear.gather [hbm4b:s0+s4], $0x2800, $0x38;
	[tilespmem:$0x1DFE0] =	vst v63  }
0x3ea: {  	_ =	swait.ge [sflag:s23], $0x3C00  }
0x3eb: {  	[sflag:s23] =	ssyncset.done $0x0  }
0x3ec: {  	[sflag:s23] =	ssyncadd.s32 $0xFFFFC400  }
0x3ed: {  	_ =	swait.ge [sflag:s23], $0x2800  }
0x3ee: {  	p1 =	seq.s32 s21, $0x0;
	[sflag:s23] =	ssyncset.done $0x0  }
0x3ef: {  	s0 =	simm.s32 @!p1 $0x3;
	[sflag:s23] =	ssyncadd.s32 $0xFFFFD800  }
0x3f0: {  	_ =	swait.ge @!p1 [sflag:s0], $0x1400  }
0x3f1: {  	[sflag:s0] =	ssyncset.done @!p1 $0x0  }
0x3f2: {  	s2 =	simm.s32 $0x240;
	[sflag:s0] =	ssyncadd.s32 @!p1 $0xFFFFEC00  }
0x3f3: {  	s14 =	simm.s32 $0x7A20;
	v1 =	vld [tilespmem:s2+$0xFFFFFFE0]  }
0x3f4: {  	v2 =	vld [tilespmem:s14+$0xFFFFFFC0]  }
0x3f5: {  	v3 =	vld [tilespmem:s2+$0xFFFFFFA0]  }
0x3f6: {  	v4 =	vld [tilespmem:s14+$0x0]  }
0x3f7: {  	v5 =	vld [tilespmem:s2+$0x20];
	_ =	sdelay $0x2  }
0x3f8: {  	v2 =	vmul.f32 v2, v3;
	_ =	sdelay $0x1  }
0x3f9: {  	v1 =	vmul.f32 v4, v1;
	v2 =	vmul.f32 v5, v2;
	_ =	sdelay $0x1  }
0x3fa: {  	v1 =	vadd.f32 v1, v2  }
0x3fb: {  	s20 =	simm.s32 $0x0  }
0x3fc: {  	[tilespmem:s20+$0x119E0] =	vst v1  }
0x3fd: {  	v1 =	vld [tilespmem:s2+$0xFFFFFFB0]  }
0x3fe: {  	v2 =	vld [tilespmem:s14+$0xFFFFFFD0]  }
0x3ff: {  	v3 =	vld [tilespmem:s14+$0x10]  }
0x400: {  	v4 =	vld [tilespmem:s2+$0x30]  }
0x401: {  	v5 =	vld [tilespmem:s2+$0xFFFFFFF0];
	_ =	sdelay $0x2  }
0x402: {  	v1 =	vmul.f32 v2, v1;
	_ =	sdelay $0x1  }
0x403: {  	v2 =	vmul.f32 v3, v5;
	v1 =	vmul.f32 v4, v1;
	_ =	sdelay $0x1  }
0x404: {  	v1 =	vadd.f32 v2, v1;
	_ =	sdelay $0x1  }
0x405: {  	[tilespmem:s20+$0x119F0] =	vst v1  }
0x406: {  	v1 =	vld [tilespmem:s2+$0xFFFFFFC0]  }
0x407: {  	v2 =	vld [tilespmem:s14+$0xFFFFFFE0]  }
0x408: {  	v3 =	vld [tilespmem:s2+$0x0]  }
0x409: {  	v4 =	vld [tilespmem:s2+$0x40]  }
0x40a: {  	v5 =	vld [tilespmem:s14+$0x20];
	_ =	sdelay $0x2  }
0x40b: {  	v1 =	vmul.f32 v2, v1;
	_ =	sdelay $0x1  }
0x40c: {  	v2 =	vmul.f32 v5, v3;
	v1 =	vmul.f32 v4, v1;
	_ =	sdelay $0x1  }
0x40d: {  	v1 =	vadd.f32 v2, v1;
	_ =	sdelay $0x1  }
0x40e: {  	[tilespmem:s20+$0x11A00] =	vst v1  }
0x40f: {  	v4 =	vld [tilespmem:s2+$0xFFFFFFD0]  }
0x410: {  	v5 =	vld [tilespmem:s14+$0xFFFFFFF0]  }
0x411: {  	v1 =	vld [tilespmem:s2+$0x50]  }
0x412: {  	v2 =	vld [tilespmem:s2+$0x10]  }
0x413: {  	s15 =	simm.s32 $0x100;
	v3 =	vld [tilespmem:s14+$0x30]  }
0x414: {  	s31 =	simm.s32 $0x7AA0;
	s1 =	simm.s32 $0x300;
	s22 =	simm.s32 $0x7AA0  }
0x415: {  	s0 =	sshll.u32 s21, $0x1;
	s2 =	simm.s32 $0x200;
	s14 =	simm.s32 $0x300;
	v4 =	vmul.f32 v5, v4  }
.LBB2_21:
0x416: {  	_ = 	snop  }
0x417: {  	p2 =	sne.s32 s2, $0x4F00;
	s22 =	sadd.s32 $0x80, s22;
	s1 =	sadd.s32 $0xC0, s1  }
0x418: {  	s19 =	smov.u32 s2;
	s2 =	sadd.s32 $0x100, s2;
	v1 =	vmul.f32 v1, v4;
	v2 =	vmul.f32 v3, v2;
	_ =	sdelay $0x1  }
0x419: {  	v1 =	vadd.f32 v2, v1;
	_ =	sdelay $0x1  }
0x41a: {  	[tilespmem:s20+$0x11A10] =	vst v1  }
0x41b: {  	v1 =	vld [tilespmem:s14+$0xFFFFFFE0]  }
0x41c: {  	v2 =	vld [tilespmem:s31+$0xFFFFFFC0]  }
0x41d: {  	v3 =	vld [tilespmem:s14+$0xFFFFFFA0]  }
0x41e: {  	v4 =	vld [tilespmem:s31+$0x0]  }
0x41f: {  	v5 =	vld [tilespmem:s14+$0x20];
	_ =	sdelay $0x2  }
0x420: {  	v2 =	vmul.f32 v2, v3  }
0x421: {  	v1 =	vmul.f32 v4, v1  }
0x422: {  	v2 =	vmul.f32 v5, v2;
	_ =	sdelay $0x1  }
0x423: {  	v1 =	vadd.f32 v1, v2  }
0x424: {  	s20 =	sshra.s32 s15, $0x2;
	s15 =	smov.u32 s19  }
0x425: {  	[tilespmem:s20+$0x119E0] =	vst v1  }
0x426: {  	v1 =	vld [tilespmem:s14+$0xFFFFFFB0]  }
0x427: {  	v2 =	vld [tilespmem:s31+$0xFFFFFFD0]  }
0x428: {  	v3 =	vld [tilespmem:s31+$0x10]  }
0x429: {  	v4 =	vld [tilespmem:s14+$0x30]  }
0x42a: {  	v5 =	vld [tilespmem:s14+$0xFFFFFFF0];
	_ =	sdelay $0x1  }
0x42b: {  	v1 =	vmul.f32 v2, v1;
	_ =	sdelay $0x1  }
0x42c: {  	v1 =	vmul.f32 v4, v1  }
0x42d: {  	v2 =	vmul.f32 v3, v5;
	_ =	sdelay $0x1  }
0x42e: {  	v1 =	vadd.f32 v2, v1;
	_ =	sdelay $0x1  }
0x42f: {  	[tilespmem:s20+$0x119F0] =	vst v1  }
0x430: {  	v1 =	vld [tilespmem:s14+$0xFFFFFFC0]  }
0x431: {  	v2 =	vld [tilespmem:s31+$0xFFFFFFE0]  }
0x432: {  	v3 =	vld [tilespmem:s14+$0x0]  }
0x433: {  	v4 =	vld [tilespmem:s14+$0x40]  }
0x434: {  	v5 =	vld [tilespmem:s31+$0x20];
	_ =	sdelay $0x1  }
0x435: {  	v1 =	vmul.f32 v2, v1;
	_ =	sdelay $0x1  }
0x436: {  	v1 =	vmul.f32 v4, v1  }
0x437: {  	v2 =	vmul.f32 v5, v3;
	_ =	sdelay $0x1  }
0x438: {  	v1 =	vadd.f32 v2, v1;
	_ =	sdelay $0x1  }
0x439: {  	[tilespmem:s20+$0x11A00] =	vst v1  }
0x43a: {  	v4 =	vld [tilespmem:s14+$0xFFFFFFD0]  }
0x43b: {  	v5 =	vld [tilespmem:s31+$0xFFFFFFF0]  }
.Ltmp9:
0x43c: {  	v1 =	vld [tilespmem:s14+$0x50];
	(pc) =	sbr.rel @p2 .LBB2_21-.Ltmp9, $3  }
0x43d: {  	v2 =	vld [tilespmem:s14+$0x10];
	s14 =	smov.u32 s1  }
0x43e: {  	v3 =	vld [tilespmem:s31+$0x30];
	s31 =	smov.u32 s22;
	_ =	sdelay $0x1  }
0x43f: {  	v4 =	vmul.f32 v5, v4  }
0x440: {  	_ =	sdelay $0x1  }
0x441: {  	v1 =	vmul.f32 v1, v4;
	v2 =	vmul.f32 v3, v2;
	_ =	sdelay $0x1  }
0x442: {  	v1 =	vadd.f32 v2, v1;
	_ =	sdelay $0x1  }
0x443: {  	[tilespmem:s20+$0x11A10] =	vst v1  }
0x444: {  	v1 =	vld [tilespmem:s14+$0xFFFFFFE0]  }
0x445: {  	v2 =	vld [tilespmem:s31+$0xFFFFFFC0]  }
0x446: {  	v3 =	vld [tilespmem:s14+$0xFFFFFFA0]  }
0x447: {  	v4 =	vld [tilespmem:s31+$0x0]  }
0x448: {  	v5 =	vld [tilespmem:s14+$0x20];
	_ =	sdelay $0x2  }
0x449: {  	v2 =	vmul.f32 v2, v3;
	_ =	sdelay $0x1  }
0x44a: {  	v1 =	vmul.f32 v4, v1;
	v2 =	vmul.f32 v5, v2;
	_ =	sdelay $0x1  }
0x44b: {  	v1 =	vadd.f32 v1, v2  }
0x44c: {  	s1 =	sshra.s32 s15, $0x2  }
0x44d: {  	[tilespmem:s1+$0x119E0] =	vst v1  }
0x44e: {  	v1 =	vld [tilespmem:s14+$0xFFFFFFB0]  }
0x44f: {  	v2 =	vld [tilespmem:s31+$0xFFFFFFD0]  }
0x450: {  	v3 =	vld [tilespmem:s31+$0x10]  }
0x451: {  	v4 =	vld [tilespmem:s14+$0x30]  }
0x452: {  	v5 =	vld [tilespmem:s14+$0xFFFFFFF0];
	_ =	sdelay $0x2  }
0x453: {  	v1 =	vmul.f32 v2, v1;
	_ =	sdelay $0x1  }
0x454: {  	v2 =	vmul.f32 v3, v5;
	v1 =	vmul.f32 v4, v1;
	_ =	sdelay $0x1  }
0x455: {  	v1 =	vadd.f32 v2, v1;
	_ =	sdelay $0x1  }
0x456: {  	[tilespmem:s1+$0x119F0] =	vst v1  }
0x457: {  	v1 =	vld [tilespmem:s14+$0xFFFFFFC0]  }
0x458: {  	v2 =	vld [tilespmem:s31+$0xFFFFFFE0]  }
0x459: {  	v3 =	vld [tilespmem:s14+$0x0]  }
0x45a: {  	v4 =	vld [tilespmem:s14+$0x40]  }
0x45b: {  	v5 =	vld [tilespmem:s31+$0x20];
	_ =	sdelay $0x2  }
0x45c: {  	v1 =	vmul.f32 v2, v1;
	_ =	sdelay $0x1  }
0x45d: {  	v2 =	vmul.f32 v5, v3;
	v1 =	vmul.f32 v4, v1;
	_ =	sdelay $0x1  }
0x45e: {  	v1 =	vadd.f32 v2, v1;
	_ =	sdelay $0x1  }
0x45f: {  	[tilespmem:s1+$0x11A00] =	vst v1  }
0x460: {  	v1 =	vld [tilespmem:s14+$0xFFFFFFD0]  }
0x461: {  	v2 =	vld [tilespmem:s31+$0xFFFFFFF0]  }
0x462: {  	v3 =	vld [tilespmem:s14+$0x50]  }
0x463: {  	v4 =	vld [tilespmem:s14+$0x10]  }
0x464: {  	v5 =	vld [tilespmem:s31+$0x30];
	_ =	sdelay $0x2  }
0x465: {  	v1 =	vmul.f32 v2, v1;
	_ =	sdelay $0x1  }
0x466: {  	v2 =	vmul.f32 v5, v4;
	v1 =	vmul.f32 v3, v1;
	_ =	sdelay $0x1  }
0x467: {  	v1 =	vadd.f32 v2, v1;
	_ =	sdelay $0x1  }
0x468: {  	[tilespmem:s1+$0x11A10] =	vst v1  }
0x469: {  	v1 =	vld [tilespmem:$0x50]  }
0x46a: {  	v2 =	vld [tilespmem:$0x60]  }
0x46b: {  	v3 =	vld [tilespmem:$0x70]  }
0x46c: {  	v4 =	vld [tilespmem:$0x80]  }
0x46d: {  	v5 =	vld [tilespmem:$0x90]  }
0x46e: {  	[tilespmem:$0x140] =	vst v1  }
0x46f: {  	p2 =	seq.s32 s21, $0x3F;
	[tilespmem:$0x150] =	vst v2  }
0x470: {  	s0 =	sadd.s32 @!p2 $0x2, s0;
	[tilespmem:$0x160] =	vst v3  }
0x471: {  	s1 =	sadd.s32 @!p2 s30, s0;
	[tilespmem:$0x170] =	vst v4  }
0x472: {  	s1 =	smul.u32 @!p2 $0x14, s1;
	[tilespmem:$0x180] =	vst v5  }
0x473: {  	[spmem:s3] =	stream.indirect.scatter.add.f32 [tilespmem:s25], [sflag:$0x3], $0x40, s24, s17, $0xb8;
	[tilespmem:$0x1DFE0] =	vst v63  }
0x474: {  	s2 =	simm.s32 @!p2 $0x0;
	s1 =	sadd.s32 @!p2 s6, s1  }
0x475: {  	[tilespmem:s2], [sflag:$0x5] =	stream.linear.gather @!p2 [hbm4b:s1+s2], $0xA0, $0x38;
	[tilespmem:$0x1DFE0] =	vst v63  }
0x476: {  	s1 =	simm.s32 @!p2 $0x5  }
0x477: {  	_ =	swait.ge @!p2 [sflag:s1], $0xA0  }
0x478: {  	[sflag:s1] =	ssyncset.done @!p2 $0x0  }
0x479: {  	[sflag:s1] =	ssyncadd.s32 @!p2 $0xFFFFFF60  }
0x47a: {  	v1 =	vld @!p2 [tilespmem:$0x0]  }
0x47b: {  	v2 =	vld @!p2 [tilespmem:$0x10]  }
0x47c: {  	v3 =	vld @!p2 [tilespmem:$0x20]  }
0x47d: {  	v4 =	vld @!p2 [tilespmem:$0x30]  }
0x47e: {  	v5 =	vld @!p2 [tilespmem:$0x40]  }
0x47f: {  	v1 =	vadd.s32 @!p2 v0, v1  }
0x480: {  	s0 =	smul.u32 @!p2 $0x50, s0;
	[tilespmem:$0x0] =	vst @!p2 v1;
	v1 =	vadd.s32 @!p2 v0, v2  }
0x481: {  	[tilespmem:$0x10] =	vst @!p2 v1;
	v1 =	vadd.s32 @!p2 v0, v3  }
0x482: {  	s0 =	sadd.s32 @!p2 s16, s0;
	[tilespmem:$0x20] =	vst @!p2 v1;
	v1 =	vadd.s32 @!p2 v0, v4  }
0x483: {  	s0 =	sshll.u32 @!p2 s0, $0x4;
	[tilespmem:$0x30] =	vst @!p2 v1;
	v1 =	vadd.s32 @!p2 v0, v5  }
0x484: {  	s14 =	simm.s32 @!p2 $0x1E0;
	s0 =	sand.u32 @!p2 $0x1FFFFE00, s0;
	s1 =	simm.s32 @!p2 $0x50;
	[tilespmem:$0x40] =	vst @!p2 v1  }
0x485: {  	[tilespmem:s14], [sflag:$0x1] =	stream.indirect.gather @!p2 [hbm4b:s8+s1], $0xC0, s2, s1, $0xb8;
	[tilespmem:$0x1DFE0] =	vst v63  }
0x486: {  	s0 =	sadd.s32 @!p2 s12, s0;
	s1 =	simm.s32 @!p2 $0x79E0  }
0x487: {  	[tilespmem:s1], [sflag:$0x1] =	stream.linear.gather @!p2 [hbm4b:s0+s2], $0x2800, $0x38;
	[tilespmem:$0x1DFE0] =	vst v63  }
0x488: {  	_ =	swait.ge [sflag:s26], $0x3C00  }
0x489: {  	[sflag:s26] =	ssyncset.done $0x0  }
0x48a: {  	[sflag:s26] =	ssyncadd.s32 $0xFFFFC400  }
0x48b: {  	_ =	swait.ge [sflag:s26], $0x2800  }
0x48c: {  	[sflag:s26] =	ssyncset.done $0x0  }
0x48d: {  	s0 =	simm.s32 @!p1 $0x4;
	[sflag:s26] =	ssyncadd.s32 $0xFFFFD800  }
0x48e: {  	_ =	swait.ge @!p1 [sflag:s0], $0x1400  }
0x48f: {  	[sflag:s0] =	ssyncset.done @!p1 $0x0  }
0x490: {  	s19 =	simm.s32 $0x3E40;
	[sflag:s0] =	ssyncadd.s32 @!p1 $0xFFFFEC00  }
0x491: {  	s31 =	simm.s32 $0xA220;
	v1 =	vld [tilespmem:s19+$0xFFFFFFE0]  }
0x492: {  	v2 =	vld [tilespmem:s31+$0xFFFFFFC0]  }
0x493: {  	v3 =	vld [tilespmem:s19+$0xFFFFFFA0]  }
0x494: {  	v4 =	vld [tilespmem:s31+$0x0]  }
0x495: {  	v5 =	vld [tilespmem:s19+$0x20];
	_ =	sdelay $0x2  }
0x496: {  	v2 =	vmul.f32 v2, v3;
	_ =	sdelay $0x1  }
0x497: {  	v1 =	vmul.f32 v4, v1;
	v2 =	vmul.f32 v5, v2;
	_ =	sdelay $0x1  }
0x498: {  	v1 =	vadd.f32 v1, v2  }
0x499: {  	s20 =	simm.s32 $0x0  }
0x49a: {  	[tilespmem:s20+$0x12DE0] =	vst v1  }
0x49b: {  	v1 =	vld [tilespmem:s19+$0xFFFFFFB0]  }
0x49c: {  	v2 =	vld [tilespmem:s31+$0xFFFFFFD0]  }
0x49d: {  	v3 =	vld [tilespmem:s31+$0x10]  }
0x49e: {  	v4 =	vld [tilespmem:s19+$0x30]  }
0x49f: {  	v5 =	vld [tilespmem:s19+$0xFFFFFFF0];
	_ =	sdelay $0x2  }
0x4a0: {  	v1 =	vmul.f32 v2, v1;
	_ =	sdelay $0x1  }
0x4a1: {  	v2 =	vmul.f32 v3, v5;
	v1 =	vmul.f32 v4, v1;
	_ =	sdelay $0x1  }
0x4a2: {  	v1 =	vadd.f32 v2, v1;
	_ =	sdelay $0x1  }
0x4a3: {  	[tilespmem:s20+$0x12DF0] =	vst v1  }
0x4a4: {  	v1 =	vld [tilespmem:s19+$0xFFFFFFC0]  }
0x4a5: {  	v2 =	vld [tilespmem:s31+$0xFFFFFFE0]  }
0x4a6: {  	v3 =	vld [tilespmem:s19+$0x0]  }
0x4a7: {  	v4 =	vld [tilespmem:s19+$0x40]  }
0x4a8: {  	v5 =	vld [tilespmem:s31+$0x20];
	_ =	sdelay $0x2  }
0x4a9: {  	v1 =	vmul.f32 v2, v1;
	_ =	sdelay $0x1  }
0x4aa: {  	v2 =	vmul.f32 v5, v3;
	v1 =	vmul.f32 v4, v1;
	_ =	sdelay $0x1  }
0x4ab: {  	v1 =	vadd.f32 v2, v1;
	_ =	sdelay $0x1  }
0x4ac: {  	[tilespmem:s20+$0x12E00] =	vst v1  }
0x4ad: {  	v4 =	vld [tilespmem:s19+$0xFFFFFFD0]  }
0x4ae: {  	v5 =	vld [tilespmem:s31+$0xFFFFFFF0]  }
0x4af: {  	v1 =	vld [tilespmem:s19+$0x50]  }
0x4b0: {  	v2 =	vld [tilespmem:s19+$0x10]  }
0x4b1: {  	v3 =	vld [tilespmem:s31+$0x30]  }
0x4b2: {  	s15 =	simm.s32 $0x100;
	s22 =	simm.s32 $0xA2A0;
	s14 =	simm.s32 $0xA2A0  }
0x4b3: {  	s1 =	simm.s32 $0x3F00;
	s2 =	simm.s32 $0x200;
	s0 =	simm.s32 $0x3F00;
	v4 =	vmul.f32 v5, v4  }
.LBB2_23:
0x4b4: {  	_ = 	snop  }
0x4b5: {  	p1 =	sne.s32 s2, $0x4F00;
	s22 =	sadd.s32 $0x80, s22;
	s1 =	sadd.s32 $0xC0, s1  }
0x4b6: {  	s19 =	smov.u32 s2;
	s2 =	sadd.s32 $0x100, s2;
	v1 =	vmul.f32 v1, v4;
	v2 =	vmul.f32 v3, v2;
	_ =	sdelay $0x1  }
0x4b7: {  	v1 =	vadd.f32 v2, v1;
	_ =	sdelay $0x1  }
0x4b8: {  	[tilespmem:s20+$0x12E10] =	vst v1  }
0x4b9: {  	v1 =	vld [tilespmem:s0+$0xFFFFFFE0]  }
0x4ba: {  	v2 =	vld [tilespmem:s14+$0xFFFFFFC0]  }
0x4bb: {  	v3 =	vld [tilespmem:s0+$0xFFFFFFA0]  }
0x4bc: {  	v4 =	vld [tilespmem:s14+$0x0]  }
0x4bd: {  	v5 =	vld [tilespmem:s0+$0x20];
	_ =	sdelay $0x2  }
0x4be: {  	v2 =	vmul.f32 v2, v3  }
0x4bf: {  	v1 =	vmul.f32 v4, v1  }
0x4c0: {  	v2 =	vmul.f32 v5, v2;
	_ =	sdelay $0x1  }
0x4c1: {  	v1 =	vadd.f32 v1, v2  }
0x4c2: {  	s20 =	sshra.s32 s15, $0x2;
	s15 =	smov.u32 s19  }
0x4c3: {  	[tilespmem:s20+$0x12DE0] =	vst v1  }
0x4c4: {  	v1 =	vld [tilespmem:s0+$0xFFFFFFB0]  }
0x4c5: {  	v2 =	vld [tilespmem:s14+$0xFFFFFFD0]  }
0x4c6: {  	v3 =	vld [tilespmem:s14+$0x10]  }
0x4c7: {  	v4 =	vld [tilespmem:s0+$0x30]  }
0x4c8: {  	v5 =	vld [tilespmem:s0+$0xFFFFFFF0];
	_ =	sdelay $0x1  }
0x4c9: {  	v1 =	vmul.f32 v2, v1;
	_ =	sdelay $0x1  }
0x4ca: {  	v1 =	vmul.f32 v4, v1  }
0x4cb: {  	v2 =	vmul.f32 v3, v5;
	_ =	sdelay $0x1  }
0x4cc: {  	v1 =	vadd.f32 v2, v1;
	_ =	sdelay $0x1  }
0x4cd: {  	[tilespmem:s20+$0x12DF0] =	vst v1  }
0x4ce: {  	v1 =	vld [tilespmem:s0+$0xFFFFFFC0]  }
0x4cf: {  	v2 =	vld [tilespmem:s14+$0xFFFFFFE0]  }
0x4d0: {  	v3 =	vld [tilespmem:s0+$0x0]  }
0x4d1: {  	v4 =	vld [tilespmem:s0+$0x40]  }
0x4d2: {  	v5 =	vld [tilespmem:s14+$0x20];
	_ =	sdelay $0x1  }
0x4d3: {  	v1 =	vmul.f32 v2, v1;
	_ =	sdelay $0x1  }
0x4d4: {  	v1 =	vmul.f32 v4, v1  }
0x4d5: {  	v2 =	vmul.f32 v5, v3;
	_ =	sdelay $0x1  }
0x4d6: {  	v1 =	vadd.f32 v2, v1;
	_ =	sdelay $0x1  }
0x4d7: {  	[tilespmem:s20+$0x12E00] =	vst v1  }
0x4d8: {  	v4 =	vld [tilespmem:s0+$0xFFFFFFD0]  }
0x4d9: {  	v5 =	vld [tilespmem:s14+$0xFFFFFFF0]  }
.Ltmp10:
0x4da: {  	v1 =	vld [tilespmem:s0+$0x50];
	(pc) =	sbr.rel @p1 .LBB2_23-.Ltmp10, $3  }
0x4db: {  	v2 =	vld [tilespmem:s0+$0x10];
	s0 =	smov.u32 s1  }
0x4dc: {  	v3 =	vld [tilespmem:s14+$0x30];
	s14 =	smov.u32 s22;
	_ =	sdelay $0x1  }
0x4dd: {  	v4 =	vmul.f32 v5, v4  }
0x4de: {  	_ =	sdelay $0x1  }
0x4df: {  	v1 =	vmul.f32 v1, v4;
	v2 =	vmul.f32 v3, v2;
	_ =	sdelay $0x1  }
0x4e0: {  	v1 =	vadd.f32 v2, v1;
	_ =	sdelay $0x1  }
0x4e1: {  	[tilespmem:s20+$0x12E10] =	vst v1  }
0x4e2: {  	v1 =	vld [tilespmem:s0+$0xFFFFFFE0]  }
0x4e3: {  	v2 =	vld [tilespmem:s14+$0xFFFFFFC0]  }
0x4e4: {  	v3 =	vld [tilespmem:s0+$0xFFFFFFA0]  }
0x4e5: {  	v55 =	vld [tilespmem:s14+$0x0]  }
0x4e6: {  	v5 =	vld [tilespmem:s0+$0x20];
	_ =	sdelay $0x2  }
0x4e7: {  	v2 =	vmul.f32 v2, v3;
	_ =	sdelay $0x1  }
0x4e8: {  	v1 =	vmul.f32 v55, v1;
	v2 =	vmul.f32 v5, v2;
	_ =	sdelay $0x1  }
0x4e9: {  	v1 =	vadd.f32 v1, v2  }
0x4ea: {  	s1 =	sshra.s32 s15, $0x2  }
0x4eb: {  	[tilespmem:s1+$0x12DE0] =	vst v1  }
0x4ec: {  	v1 =	vld [tilespmem:s0+$0xFFFFFFB0]  }
0x4ed: {  	v2 =	vld [tilespmem:s14+$0xFFFFFFD0]  }
0x4ee: {  	v3 =	vld [tilespmem:s14+$0x10]  }
0x4ef: {  	v56 =	vld [tilespmem:s0+$0x30]  }
0x4f0: {  	v57 =	vld [tilespmem:s0+$0xFFFFFFF0];
	_ =	sdelay $0x2  }
0x4f1: {  	v1 =	vmul.f32 v2, v1;
	_ =	sdelay $0x1  }
0x4f2: {  	v2 =	vmul.f32 v3, v57;
	v1 =	vmul.f32 v56, v1;
	_ =	sdelay $0x1  }
0x4f3: {  	v1 =	vadd.f32 v2, v1;
	_ =	sdelay $0x1  }
0x4f4: {  	[tilespmem:s1+$0x12DF0] =	vst v1  }
0x4f5: {  	v1 =	vld [tilespmem:s0+$0xFFFFFFC0]  }
0x4f6: {  	v2 =	vld [tilespmem:s14+$0xFFFFFFE0]  }
0x4f7: {  	v3 =	vld [tilespmem:s0+$0x0]  }
0x4f8: {  	v58 =	vld [tilespmem:s0+$0x40]  }
0x4f9: {  	v59 =	vld [tilespmem:s14+$0x20];
	_ =	sdelay $0x2  }
0x4fa: {  	v1 =	vmul.f32 v2, v1;
	_ =	sdelay $0x1  }
0x4fb: {  	v2 =	vmul.f32 v59, v3;
	v1 =	vmul.f32 v58, v1;
	_ =	sdelay $0x1  }
0x4fc: {  	v1 =	vadd.f32 v2, v1;
	_ =	sdelay $0x1  }
0x4fd: {  	[tilespmem:s1+$0x12E00] =	vst v1  }
0x4fe: {  	v1 =	vld [tilespmem:s0+$0xFFFFFFD0]  }
0x4ff: {  	v2 =	vld [tilespmem:s14+$0xFFFFFFF0]  }
0x500: {  	v3 =	vld [tilespmem:s0+$0x50]  }
0x501: {  	v60 =	vld [tilespmem:s0+$0x10]  }
0x502: {  	v61 =	vld [tilespmem:s14+$0x30];
	_ =	sdelay $0x2  }
0x503: {  	v1 =	vmul.f32 v2, v1;
	_ =	sdelay $0x1  }
0x504: {  	v2 =	vmul.f32 v61, v60;
	v1 =	vmul.f32 v3, v1;
	_ =	sdelay $0x1  }
0x505: {  	v1 =	vadd.f32 v2, v1;
	_ =	sdelay $0x1  }
0x506: {  	[tilespmem:s1+$0x12E10] =	vst v1  }
0x507: {  	v1 =	vld [tilespmem:$0xF0]  }
0x508: {  	v2 =	vld [tilespmem:$0x100]  }
0x509: {  	v3 =	vld [tilespmem:$0x110]  }
0x50a: {  	v62 =	vld [tilespmem:$0x120]  }
0x50b: {  	s21 =	sadd.s32 $0x1, s21;
	v63 =	vld [tilespmem:$0x130]  }
0x50c: {  	p1 =	sne.s32 s21, $0x40;
	[tilespmem:$0x190] =	vst v1  }
.Ltmp11:
0x50d: {  	[tilespmem:$0x1A0] =	vst v2;
	(pc) =	sbr.rel @p1 .LBB2_20-.Ltmp11, $4  }
0x50e: {  	[tilespmem:$0x1B0] =	vst v3  }
0x50f: {  	[tilespmem:$0x1C0] =	vst v62  }
0x510: {  	[tilespmem:$0x1D0] =	vst v63  }
0x511: {  	[spmem:s3] =	stream.indirect.scatter.add.f32 [tilespmem:s29], [sflag:$0x4], $0x40, s28, s17, $0xb8;
	[tilespmem:$0x1DFE0] =	vst v63  }
0x512: {  	s0 =	simm.s32 $0x3  }
0x513: {  	_ =	swait.ge [sflag:s0], $0x1400  }
0x514: {  	[sflag:s0] =	ssyncset.done $0x0  }
0x515: {  	s20 =	simm.s32 $0x4;
	[sflag:s0] =	ssyncadd.s32 $0xFFFFEC00  }
0x516: {  	_ =	swait.ge [sflag:s20], $0x1400  }
0x517: {  	[sflag:s20] =	ssyncset.done $0x0  }
0x518: {  	[sflag:s20] =	ssyncadd.s32 $0xFFFFEC00  }
0x519: {  	[bflag:$0x0] =	sbarrier.arrive $0xFFFF  }
0x51a: {  	s22 =	rddreg [dreg:$0x7]  }
0x51b: {  	s0 =	rddreg [dreg:$0x12]  }
0x51c: {  	s1 =	rddreg [dreg:$0x17]  }
0x51d: {  	[hbm:s0], [sflag:s22] =	dma.local @p0 [spmem:s1], $0x1040  }
0x51e: {  	s0 =	simm.s32 @p0 $0x5  }
0x51f: {  	_ =	swait.ge @p0 [sflag:s0], $0x1040  }
0x520: {  	[sflag:s0] =	ssyncset.done @p0 $0x0;
	s1 =	rddreg [dreg:$0x18]  }
0x521: {  	[sflag:s0] =	ssyncadd.s32 @p0 $0xFFFFEFC0;
	s0 =	rddreg [dreg:$0x15]  }
0x522: {  	[hbm:s0], [sflag:s22] =	dma.local @!p0 [spmem:s1], $0x13C0  }
0x523: {  	s0 =	simm.s32 @!p0 $0x5  }
0x524: {  	_ =	swait.ge @!p0 [sflag:s0], $0x13C0  }
0x525: {  	s21 =	rddreg [dreg:$0x16]  }
0x526: {  	s31 =	rddreg [dreg:$0x13];
	s1 =	sadd.s32 $0x1, s21  }
0x527: {  	p1 =	sne.s32 s1, s31  }
.Ltmp12:
0x528: {  	[sflag:s0] =	ssyncset.done @!p0 $0x0;
	(pc) =	sbr.rel @p1 .LBB2_1-.Ltmp12, $4  }
0x529: {  	[sflag:s0] =	ssyncadd.s32 @!p0 $0xFFFFEC40  }
0x52a: {  	[bflag:$0x0] =	sbarrier.arrive $0xFFFF  }
0x52b: {  	s20 =	rddreg [dreg:$0x2]  }
0x52c: {  	s15 =	simm.s32 $0xDDE0;
	s21 =	rddreg [dreg:$0x5]  }
0x52d: {  	_ =	sfence.sel $0x180000  }
0x52e: {  	[bflag:$0x0] =	sbarrier.arrive $0xFFFF  }
0x52f: {  	_ =	strace $0x9000004D  }
0x530: {  	s0 =	stileid.u32;
	[bflag:$0x2] =	sbarrier.arrive $0xFFFF  }
0x531: {  	p0 =	sne.s32 s0, $0x0;
	s0 =	rddreg [dreg:$0x4]  }
0x532: {  	s0 =	sadd.s32 @!p0 $0x100000, s0  }
0x533: {  	[sflag:s0] =	ssyncadd.tile.s32 @!p0 $0x1;
	_ =	shalt  }
.Lfunc_end2:
_tile_overlayer_lowered:
.L_overlay_start_2:
0x534: {  	(tag) =	ssettag $0x2  }
0x535: {  	s0 =	rddreg [dreg:$0x0];
	s2 =	stileid.u32  }
0x536: {  	s1 =	rddreg [dreg:$0x1];
	p0 =	sne.s32 s2, $0x0  }
0x537: {  	s3 =	rddreg [dreg:$0x2];
	[bflag:$0x3] =	sbarrier.arrive $0xFFFF;
	s2 =	simm.s32 @!p0 $0x1C05  }
0x538: {  	[timem:s3], [sflag:s2] =	dma.local @!p0 [hbm:s0], s1  }
0x539: {  	s0 =	simm.s32 @!p0 $0x5  }
0x53a: {  	_ =	swait.ge @!p0 [sflag:s0], s1  }
0x53b: {  	s1 =	ssub.s32 @!p0 $0x0, s1;
	[sflag:s0] =	ssyncset.done @!p0 $0x0  }
0x53c: {  	[sflag:s0] =	ssyncadd.s32 @!p0 s1  }
0x53d: {  	[bflag:$0x3] =	sbarrier.arrive $0xFFFF  }
0x53e: {  	_ =	shalt  }

// kernel: kernel.8.cloned.1.call-start
scs
__scs_entry_jumppad:
0x0: {  	(pc) =	sbr.rel $0x88, $3  }
0x1: {  	(tag) =	ssettag $0x0;
	lr =	simm.s32 $0x1  }
0x2: {  	[smem:$0x3F92] =	sst lr;
	_ =	strace $0xD0000000  }
0x3: {  	_ = 	snop  }
0x4: {  	_ = 	snop  }
0x5: {  	_ = 	snop  }
0x6: {  	_ = 	snop  }
0x7: {  	_ = 	snop  }
__scs_overlays_trampoline_lowered:
0x8: {  	[smem:$0x3FA1] =	sst s0  }
0x9: {  	[smem:$0x3FA2] =	sst s1  }
0xa: {  	[smem:$0x3FA3] =	sst s2  }
0xb: {  	[smem:$0x3FA4] =	sst s3  }
0xc: {  	[smem:$0x3FA5] =	sst s4  }
0xd: {  	[smem:$0x3FA6] =	sst s5  }
0xe: {  	[smem:$0x3FA7] =	sst s6  }
0xf: {  	[smem:$0x3FA8] =	sst s7  }
0x10: {  	[smem:$0x3FA9] =	sst s8  }
0x11: {  	[smem:$0x3FAA] =	sst s9;
	s0 =	simm.s32 @!p0 $0x0  }
0x12: {  	s1 =	sld [smem:$0x3F90];
	s0 =	simm.s32 @p0 $0x1  }
0x13: {  	[smem:$0x3FAB] =	sst s0;
	s0 =	simm.s32 @!p1 $0x0  }
0x14: {  	s2 =	sld [smem:$0x3F8F];
	s0 =	simm.s32 @p1 $0x1  }
0x15: {  	[smem:$0x3FAC] =	sst s0;
	s0 =	simm.s32 @!p2 $0x0  }
0x16: {  	s3 =	sld [smem:$0x3FDB];
	s0 =	simm.s32 @p2 $0x1  }
0x17: {  	s4 =	simm.s32 $0x1BF5;
	[smem:$0x3FAE] =	sst s0  }
0x18: {  	s0 =	sld [smem:$0x3F91];
	_ =	swait.ge [sflag:s4], $0x0  }
0x19: {  	s7 =	sld [smem:$0x3F92]  }
0x1a: {  	s8 =	sadd.s32 $0xFFFFE003, lr  }
0x1b: {  	s9 =	sadd.s32 $0xFFFFFEF7, lr;
	s5 =	simm.s32 $0xFFFFFFFF;
	p2 =	slt.u32 s8, $0xFFFFF086  }
0x1c: {  	p1 =	slt.u32 s9, $0xF7A;
	s5 =	simm.s32 @!p2 $0x0  }
0x1d: {  	s5 =	simm.s32 @p1 $0x1;
	p0 =	seq.s32 s7, s2  }
0x1e: {  	s7 =	smul.u32 @!p0 $0xF7A, s2;
	p2 =	seq.s32 @!p0 s5, $0x0  }
0x1f: {  	s9 =	smul.u32 $0xF7A, s1;
	s8 =	simm.s32 @!p0 $0x1BF5;
	p2 =	por !p2, p0  }
0x20: {  	[sflag:s8] =	ssyncset.s32 @!p0 $0xFFFFF086;
	s6 =	sadd.s32 @!p0 s3, s7;
	s7 =	simm.s32 @!p0 $0x108  }
0x21: {  	s3 =	sadd.s32 s3, s9;
	s6 =	sadd.s32 @!p0 $0x88, s6;
	s7 =	simm.s32 @p2 $0x1082  }
0x22: {  	[simem:s7], [sflag:s8] =	dma.local @!p0 [hbm:s6], $0xF7A  }
0x23: {  	s9 =	sor.u32 $0xD0000000, s2;
	s6 =	simm.s32 $0x108;
	_ =	swait.ge @!p0 [sflag:s8], $0x0  }
0x24: {  	s3 =	sadd.s32 $0x88, s3;
	s6 =	simm.s32 @!p1 $0x1082;
	[sflag:s4] =	ssyncset.s32 $0xFFFFF086  }
0x25: {  	[simem:s6], [sflag:s4] =	dma.local [hbm:s3], $0xF7A  }
0x26: {  	[smem:$0x3F92] =	sst s1;
	(tag) =	ssettag s2;
	_ =	strace s9  }
0x27: {  	s1 =	sld [smem:$0x3FA2]  }
0x28: {  	s2 =	sld [smem:$0x3FA3]  }
0x29: {  	s4 =	sld [smem:$0x3FA5]  }
0x2a: {  	p0 =	seq.s32 s5, $0x0;
	s5 =	sld [smem:$0x3FA6]  }
0x2b: {  	s6 =	sld [smem:$0x3FA7]  }
0x2c: {  	s7 =	sld [smem:$0x3FA8]  }
0x2d: {  	s3 =	simm.s32 $0x108;
	s8 =	sld [smem:$0x3FA9]  }
0x2e: {  	s3 =	simm.s32 @!p0 $0x1082;
	s9 =	sld [smem:$0x3FAA]  }
0x2f: {  	lr =	sadd.s32 s0, s3;
	s0 =	sld [smem:$0x3FA1]  }
0x30: {  	s3 =	sld [smem:$0x3FA4]  }
0x31: {  	[smem:$0x3FAD] =	sst s10  }
0x32: {  	s10 =	sld [smem:$0x3FAB];
	_ =	sdelay $0x3  }
0x33: {  	p0 =	seq.s32 s10, $0x1;
	s10 =	sld [smem:$0x3FAD];
	_ =	sdelay $0x3  }
0x34: {  	[smem:$0x3FAD] =	sst s10  }
0x35: {  	s10 =	sld [smem:$0x3FAC];
	_ =	sdelay $0x3  }
0x36: {  	p1 =	seq.s32 s10, $0x1;
	s10 =	sld [smem:$0x3FAD];
	_ =	sdelay $0x3  }
0x37: {  	[smem:$0x3FAD] =	sst s10  }
0x38: {  	s10 =	sld [smem:$0x3FAE]  }
0x39: {  	_ = 	snop;
	(pc) =	sbr.ind lr, $3  }
0x3a: {  	_ = 	snop  }
0x3b: {  	_ = 	snop  }
0x3c: {  	p2 =	seq.s32 s10, $0x1;
	s10 =	sld [smem:$0x3FAD]  }
0x3d: {  	_ =	shalt  }
0x3e: {  	_ =	shalt  }
0x3f: {  	_ =	shalt  }
0x40: {  	_ =	shalt  }
0x41: {  	_ =	shalt  }
0x42: {  	_ =	shalt  }
0x43: {  	_ =	shalt  }
0x44: {  	_ =	shalt  }
0x45: {  	_ =	shalt  }
0x46: {  	_ =	shalt  }
0x47: {  	_ =	shalt  }
0x48: {  	_ =	shalt  }
0x49: {  	_ =	shalt  }
0x4a: {  	_ =	shalt  }
0x4b: {  	_ =	shalt  }
0x4c: {  	_ =	shalt  }
0x4d: {  	_ =	shalt  }
0x4e: {  	_ =	shalt  }
0x4f: {  	_ =	shalt  }
0x50: {  	_ =	shalt  }
0x51: {  	_ =	shalt  }
0x52: {  	_ =	shalt  }
0x53: {  	_ =	shalt  }
0x54: {  	_ =	shalt  }
0x55: {  	_ =	shalt  }
0x56: {  	_ =	shalt  }
0x57: {  	_ =	shalt  }
0x58: {  	_ =	shalt  }
0x59: {  	_ =	shalt  }
0x5a: {  	_ =	shalt  }
0x5b: {  	_ =	shalt  }
0x5c: {  	_ =	shalt  }
0x5d: {  	_ =	shalt  }
0x5e: {  	_ =	shalt  }
0x5f: {  	_ =	shalt  }
0x60: {  	_ =	shalt  }
0x61: {  	_ =	shalt  }
0x62: {  	_ =	shalt  }
0x63: {  	_ =	shalt  }
0x64: {  	_ =	shalt  }
0x65: {  	_ =	shalt  }
0x66: {  	_ =	shalt  }
0x67: {  	_ =	shalt  }
0x68: {  	_ =	shalt  }
0x69: {  	_ =	shalt  }
0x6a: {  	_ =	shalt  }
0x6b: {  	_ =	shalt  }
0x6c: {  	_ =	shalt  }
0x6d: {  	_ =	shalt  }
0x6e: {  	_ =	shalt  }
0x6f: {  	_ =	shalt  }
0x70: {  	_ =	shalt  }
0x71: {  	_ =	shalt  }
0x72: {  	_ =	shalt  }
0x73: {  	_ =	shalt  }
0x74: {  	_ =	shalt  }
0x75: {  	_ =	shalt  }
0x76: {  	_ =	shalt  }
0x77: {  	_ =	shalt  }
0x78: {  	_ =	shalt  }
0x79: {  	_ =	shalt  }
0x7a: {  	_ =	shalt  }
0x7b: {  	_ =	shalt  }
0x7c: {  	_ =	shalt  }
0x7d: {  	_ =	shalt  }
0x7e: {  	_ =	shalt  }
0x7f: {  	_ =	shalt  }
0x80: {  	_ =	shalt  }
0x81: {  	_ =	shalt  }
0x82: {  	_ =	shalt  }
0x83: {  	_ =	shalt  }
0x84: {  	_ =	shalt  }
0x85: {  	_ =	shalt  }
0x86: {  	_ =	shalt  }
0x87: {  	_ =	shalt  }
.Lfunc_end0:
.L_simem_size_0:
called_computation_lowered:
.L_overlay_start_0:
0x88: {  	s0 =	sld [smem:$0x3FD9]  }
0x89: {  	s1 =	sld [smem:$0x3FFE];
	_ =	sdelay $0x3  }
0x8a: {  	s0 =	sadd.s32 s1, s0  }
0x8b: {  	[smem:$0x3FB9] =	sst s0  }
0x8c: {  	_ = 	snop  }
0x8d: {  	s0 =	sld [smem:$0x3FD0];
	_ =	sdelay $0x2  }
0x8e: {  	s13 =	simm.s32 $0xA;
	s2 =	simm.s32 $0x10  }
0x8f: {  	[smem:s2], [sflag:s13] =	dma.local [hbm:s0], $0x1  }
0x90: {  	_ =	swait.eq [sflag:s13], $0x1  }
0x91: {  	[sflag:s13] =	ssyncset.done $0x0  }
0x92: {  	s14 =	sld [smem:$0x10];
	[sflag:s13] =	ssyncadd.s32 $0xFFFFFFFF  }
0x93: {  	s15 =	sld [smem:$0x11];
	(tm) =	ssettm $0x1  }
0x94: {  	s16 =	sld [smem:$0x3FFB];
	_ =	sdelay $0x3  }
0x95: {  	_ =	strace s16  }
0x96: {  	s2 =	sld [smem:$0x3FFC];
	_ =	sdelay $0x3  }
0x97: {  	_ =	strace s2  }
0x98: {  	s2 =	sld [smem:$0x3FFD];
	_ =	sdelay $0x3  }
0x99: {  	_ =	strace s2  }
0x9a: {  	_ =	strace $0x8FFFFFFF  }
0x9b: {  	s17 =	sld [smem:$0x3FDB];
	_ =	sdelay $0x1  }
0x9c: {  	s3 =	simm.s32 $_scs_section_size  }
0x9d: {  	s4 =	simm.s32 $_size__tile_overlayer_lowered;
	s5 =	simm.s32 $_tile_overlayer_lowered  }
0x9e: {  	s20 =	simm.s32 $0x1BFF;
	s19 =	sshll.u32 s5, $0x1;
	s2 =	sadd.s32 s3, s17  }
0x9f: {  	s6 =	simm.s32 $0x0;
	s18 =	sshll.u32 s4, $0x1;
	s4 =	sadd.s32 s19, s2  }
0xa0: {  	[timem:s6], [sflag:s20] =	dma.local [hbm:s4], s18  }
0xa1: {  	_ =	swait.ge [sflag:s20], s18  }
0xa2: {  	s3 =	ssub.s32 $0x0, s18;
	[sflag:s20] =	ssyncset.done $0x0  }
0xa3: {  	[sflag:s20] =	ssyncadd.s32 s3;
	_ =	sdelay $0x1  }
0xa4: {  	s21 =	simm.s32 $0x1B8B  }
0xa5: {  	_ =	swait.ge [sflag:s21], $0x1  }
0xa6: {  	[sflag:s21] =	ssyncset.done $0x0  }
0xa7: {  	s23 =	simm.s32 $0x1B8E;
	s22 =	sld [smem:$0x3FFE];
	[sflag:s21] =	ssyncadd.s32 $0xFFFFFFFF  }
0xa8: {  	s24 =	simm.s32 $execute0_lowered;
	[smem:$0x3FD2] =	sst s23  }
0xa9: {  	s4 =	sshll.u32 s24, $0x1;
	_ =	strace $0x80000046;
	[dreg:$0x1] =	wrdreg $0xFFFFFFFF  }
0xaa: {  	s25 =	simm.s32 $_size_execute0_lowered;
	s2 =	sadd.s32 s2, s4;
	[dreg:$0x0] =	wrdreg $0x0  }
0xab: {  	s4 =	sshll.u32 s25, $0x1;
	[dreg:$0x2] =	wrdreg s2  }
0xac: {  	[dreg:$0x3] =	wrdreg s4  }
0xad: {  	[dreg:$0x4] =	wrdreg $0xC0  }
0xae: {  	_ =	task [dreg:s6], $0x5FFFF  }
0xaf: {  	[dreg:$0x1] =	wrdreg $0xFFFFFFFF  }
0xb0: {  	[dreg:$0x0] =	wrdreg $0x60  }
0xb1: {  	[dreg:$0x2] =	wrdreg s22  }
0xb2: {  	[dreg:$0x3] =	wrdreg s15  }
0xb3: {  	[dreg:$0x4] =	wrdreg s14  }
0xb4: {  	[dreg:$0x5] =	wrdreg $0x8800  }
0xb5: {  	[dreg:$0x6] =	wrdreg $0x9  }
0xb6: {  	_ =	task.clear_ibuf [dreg:s6], $0x7FFFF;
	_ =	strace $0x90000046  }
0xb7: {  	s26 =	simm.s32 $0x9;
	_ =	strace $0x80000048  }
0xb8: {  	_ =	swait.ge [sflag:s26], $0x1  }
0xb9: {  	[sflag:s26] =	ssyncadd.s32 $0xFFFFFFFF  }
0xba: {  	_ =	strace $0x90000048  }
0xbb: {  	_ =	sfence  }
0xbc: {  	s28 =	sld [smem:$0x0];
	_ =	sdelay $0x1  }
0xbd: {  	s29 =	srdreg.scid  }
0xbe: {  	s30 =	sshll.u32 s29, $0xD;
	s31 =	sshrl.u32 s29, $0x2  }
0xbf: {  	s1 =	sand.u32 $0x1, s29;
	s2 =	sand.u32 $0x4000, s30;
	s0 =	sadd.s32 s31, s28  }
0xc0: {  	s1 =	sor.u32 s2, s1;
	s0 =	sshll.u32 s0, $0x11  }
0xc1: {  	s0 =	sor.u32 s0, s1  }
0xc2: {  	s0 =	sadd.s32 $0x8F2B, s0  }
0xc3: {  	[sflag:s0] =	ssyncadd.remote.s32 $0x1  }
0xc4: {  	_ =	sfence.sel $0xFFFF  }
0xc5: {  	[dreg:$0x0] =	wrdreg $0xFFFFFFFF;
	(pc) =	sbr.abs _section_cstart, $3  }
0xc6: {  	[dreg:$0x1] =	wrdreg $0xFFFFFFFF  }
0xc7: {  	_ =	task.clear_ibuf [dreg:s6], $0x2FFFF;
	_ =	strace $0x9FFFFFFF  }
0xc8: {  	(tm) =	ssettm $0x7FFFFFFF  }
0xc9: {  	_ =	shalt  }
tec
execute0_lowered:
.L_overlay_start_1:
0x0: {  	(tag) =	ssettag $0x1  }
0x1: {  	s11 =	rddreg [dreg:$0x0]  }
0x2: {  	s8 =	rddreg [dreg:$0x1]  }
0x3: {  	s5 =	rddreg [dreg:$0x2]  }
0x4: {  	s2 =	rddreg [dreg:$0x3];
	s1 =	stileid.u32  }
0x5: {  	s0 =	rddreg [dreg:$0x4];
	s3 =	simm.s32 $0x0;
	s4 =	smul.u32 $0x2780, s1  }
0x6: {  	[smem:$0x7FF] =	sst s3  }
0x7: {  	s7 =	sshll.u32 s1, $0x6;
	s6 =	sadd.s32 s4, s2;
	s4 =	sshrl.u32 s4, $0x3  }
0x8: {  	s30 =	smul.u32 $0x500, s1;
	_ =	strace $0x80000047;
	s9 =	sadd.s32 s5, s4  }
0x9: {  	s5 =	sor.u32 $0x1C02, s7;
	s6 =	sshrl.u32 s6, $0x3;
	s7 =	simm.s32 $0x2  }
0xa: {  	[spmem:s6], [sflag:s5] =	dma.local [hbm:s9], $0x4F0  }
0xb: {  	_ =	swait.ge [sflag:s7], $0x4F0  }
0xc: {  	s9 =	sadd.s32 s30, s11;
	[sflag:s7] =	ssyncset.done $0x0  }
0xd: {  	s9 =	sadd.s32 $0x27D600, s9;
	[sflag:s7] =	ssyncadd.s32 $0xFFFFFB10  }
0xe: {  	s10 =	smul.u32 $0x5000, s1;
	s12 =	sadd.s32 $0x0, s9;
	[bflag:$0x0] =	sbarrier.arrive $0xFFFF  }
0xf: {  	[tilespmem:s3], [sflag:$0x2] =	stream.linear.gather [hbm4b:s12+s3], $0x80, $0x38;
	[tilespmem:$0x3000] =	vst v63  }
0x10: {  	_ =	swait.ge [sflag:s7], $0x80  }
0x11: {  	s31 =	sadd.s32 s10, s8;
	[sflag:s7] =	ssyncset.done $0x0  }
0x12: {  	s8 =	simm.s32 $0x80;
	s10 =	simm.s32 $0x1;
	[sflag:s7] =	ssyncadd.s32 $0xFFFFFF80  }
0x13: {  	[tilespmem:s8], [sflag:$0x1] =	stream.linear.gather [hbm4b:s31+s3], $0x800, $0x38;
	[tilespmem:$0x3000] =	vst v63  }
0x14: {  	_ =	swait.ge [sflag:s10], $0x800  }
0x15: {  	[sflag:s10] =	ssyncset.done $0x0  }
0x16: {  	[sflag:s10] =	ssyncadd.s32 $0xFFFFF800  }
0x17: {  	[spmem:s2] =	stream.indirect.scatter.add.f32 [tilespmem:s8], [sflag:$0x2], $0x10, s3, s8, $0xb8;
	[tilespmem:$0x3000] =	vst v63  }
0x18: {  	s13 =	simm.s32 $0x10;
	s14 =	simm.s32 $0x20;
	_ =	swait.ge [sflag:s7], $0x800  }
0x19: {  	s11 =	sadd.s32 $0x282600, s11;
	s12 =	sadd.s32 $0x100, s31;
	[sflag:s7] =	ssyncset.done $0x0  }
.LBB2_1:
0x1a: {  	s15 =	sadd.s32 s13, s9  }
0x1b: {  	[sflag:s7] =	ssyncadd.s32 $0xFFFFF800;
	s13 =	smov.u32 s14;
	s16 =	sadd.s32 $0x10, s14  }
0x1c: {  	[tilespmem:s3], [sflag:$0x2] =	stream.linear.gather [hbm4b:s15+s3], $0x80, $0x38;
	[tilespmem:$0x3000] =	vst v63  }
0x1d: {  	p0 =	sne.s32 s14, $0x4F0;
	_ =	swait.ge [sflag:s7], $0x80  }
0x1e: {  	[sflag:s7] =	ssyncset.done $0x0  }
0x1f: {  	[sflag:s7] =	ssyncadd.s32 $0xFFFFFF80  }
0x20: {  	[tilespmem:s8], [sflag:$0x1] =	stream.linear.gather [hbm4b:s12+s3], $0x800, $0x38;
	[tilespmem:$0x3000] =	vst v63  }
0x21: {  	_ =	swait.ge [sflag:s10], $0x800  }
.Ltmp0:
0x22: {  	[sflag:s10] =	ssyncset.done $0x0;
	(pc) =	sbr.rel @p0 .LBB2_1-.Ltmp0, $4  }
0x23: {  	[sflag:s10] =	ssyncadd.s32 $0xFFFFF800  }
0x24: {  	[spmem:s2] =	stream.indirect.scatter.add.f32 [tilespmem:s8], [sflag:$0x2], $0x10, s3, s8, $0xb8;
	[tilespmem:$0x3000] =	vst v63  }
0x25: {  	_ =	swait.ge [sflag:s7], $0x800  }
0x26: {  	s14 =	smov.u32 s16;
	s12 =	sadd.s32 $0x100, s12;
	[sflag:s7] =	ssyncset.done $0x0  }
0x27: {  	s9 =	sadd.s32 s13, s9;
	[sflag:s7] =	ssyncadd.s32 $0xFFFFF800  }
0x28: {  	[tilespmem:s3], [sflag:$0x2] =	stream.linear.gather [hbm4b:s9+s3], $0x80, $0x38;
	[tilespmem:$0x3000] =	vst v63  }
0x29: {  	_ =	swait.ge [sflag:s7], $0x80  }
0x2a: {  	[sflag:s7] =	ssyncset.done $0x0  }
0x2b: {  	[sflag:s7] =	ssyncadd.s32 $0xFFFFFF80  }
0x2c: {  	[tilespmem:s8], [sflag:$0x1] =	stream.linear.gather [hbm4b:s12+s3], $0x800, $0x38;
	[tilespmem:$0x3000] =	vst v63  }
0x2d: {  	_ =	swait.ge [sflag:s10], $0x800  }
0x2e: {  	[sflag:s10] =	ssyncset.done $0x0  }
0x2f: {  	[sflag:s10] =	ssyncadd.s32 $0xFFFFF800  }
0x30: {  	[spmem:s2] =	stream.indirect.scatter.add.f32 [tilespmem:s8], [sflag:$0x2], $0x10, s3, s8, $0xb8;
	[tilespmem:$0x3000] =	vst v63  }
0x31: {  	_ =	swait.ge [sflag:s7], $0x800  }
0x32: {  	[sflag:s7] =	ssyncset.done $0x0  }
0x33: {  	[sflag:s7] =	ssyncadd.s32 $0xFFFFF800  }
0x34: {  	s30 =	sadd.s32 s11, s4;
	s31 =	simm.s32 $0x2;
	[bflag:$0x0] =	sbarrier.arrive $0xFFFF  }
0x35: {  	[hbm:s30], [sflag:s5] =	dma.local [spmem:s6], $0x4F0  }
0x36: {  	_ =	swait.ge [sflag:s31], $0x4F0  }
0x37: {  	[sflag:s31] =	ssyncset.done $0x0  }
0x38: {  	[sflag:s31] =	ssyncadd.s32 $0xFFFFFB10  }
0x39: {  	_ =	sfence.sel $0x180000  }
0x3a: {  	[bflag:$0x0] =	sbarrier.arrive $0xFFFF  }
0x3b: {  	p0 =	sne.s32 s1, $0x0;
	_ =	strace $0x90000047  }
0x3c: {  	s0 =	sadd.s32 @!p0 $0x100000, s0;
	[bflag:$0x2] =	sbarrier.arrive $0xFFFF  }
0x3d: {  	[sflag:s0] =	ssyncadd.tile.s32 @!p0 $0x1;
	_ =	shalt  }
.Lfunc_end2:
_tile_overlayer_lowered:
.L_overlay_start_2:
0x3e: {  	(tag) =	ssettag $0x2  }
0x3f: {  	s0 =	rddreg [dreg:$0x0];
	s2 =	stileid.u32  }
0x40: {  	s1 =	rddreg [dreg:$0x1];
	p0 =	sne.s32 s2, $0x0  }
0x41: {  	s3 =	rddreg [dreg:$0x2];
	[bflag:$0x3] =	sbarrier.arrive $0xFFFF;
	s2 =	simm.s32 @!p0 $0x1C02  }
0x42: {  	[timem:s3], [sflag:s2] =	dma.local @!p0 [hbm:s0], s1  }
0x43: {  	s0 =	simm.s32 @!p0 $0x2  }
0x44: {  	_ =	swait.ge @!p0 [sflag:s0], s1  }
0x45: {  	s1 =	ssub.s32 @!p0 $0x0, s1;
	[sflag:s0] =	ssyncset.done @!p0 $0x0  }
0x46: {  	[sflag:s0] =	ssyncadd.s32 @!p0 s1  }
0x47: {  	[bflag:$0x3] =	sbarrier.arrive $0xFFFF  }
0x48: {  	_ =	shalt  }

</sc_bundles>
